<compile_context>
chip_gen: v7x
topology: tpu7x:2x2x1
jax: 0.10.2.dev20260603
libtpu: 0.0.44.dev20260713+nightly
codegen_flags: <defaults>
</compile_context>

<pallas_src>
import functools

import jax
import jax.numpy as jnp
from jax import lax
from jax.experimental import pallas as pl
from jax.experimental.pallas import tpu as pltpu
from jax.experimental.pallas import tpu_sc as plsc

_W = 7
_TOPK = 8
_DH = 32
_EPS = 1e-06


def _feature_map(x):
    return jnp.where(x > 0, x + 1.0, jnp.exp(x))


def _to_windows(x, d, n, w):
    x = jnp.transpose(x.reshape(d, w * n * w), (1, 0))
    x = x.reshape(w, n, w, d)
    x = jnp.transpose(x, (1, 0, 2, 3))
    return x.reshape(n, w * w, d)


def _from_windows(y, d, n, w):
    y = y.reshape(n, w, w, d)
    y = jnp.transpose(y, (1, 0, 2, 3))
    y = y.reshape(w * n * w, d)
    return jnp.transpose(y, (1, 0)).reshape(d, w, n * w)




def _stage1_body(qref, kref, vref, tab_ref, qm_ref, km_ref, vm_ref):
    d = qref.shape[1]
    n = km_ref.shape[1]
    w = _W
    ws = w * w
    heads = d // _DH

    kw = _to_windows(kref[0, :, 0], d, n, w)
    vw = _to_windows(vref[0, :, 0], d, n, w)
    kq = _feature_map(kw)

    g = lax.dot_general(kq, vw, (((1,), (1,)), ((0,), (0,))),
                        preferred_element_type=jnp.float32)
    blocks = [g[:, h * _DH:(h + 1) * _DH, h * _DH:(h + 1) * _DH]
              for h in range(heads)]
    ks = jnp.sum(kq, axis=1)
    tab_ref[...] = jnp.concatenate(
        [jnp.concatenate(blocks, axis=1).reshape(n, d * _DH),
         ks, jnp.zeros((n, 128 - d), jnp.float32)], axis=1)
    km_ref[0] = jnp.mean(kw, axis=1)
    vm_ref[0] = jnp.mean(vw, axis=1)
    qw = _to_windows(qref[0, :, 0], d, n, w)
    qm_ref[0] = jnp.mean(qw, axis=1)




def _stage2_body(nw, qm_ref, km_ref, idx_ref):
    bi = pl.program_id(0)
    rows = qm_ref.shape[1]
    sim = lax.dot_general(qm_ref[0], km_ref[0], (((1,), (1,)), ((), ())),
                          preferred_element_type=jnp.float32)
    iota = lax.broadcasted_iota(jnp.int32, (rows, nw), 1)
    cols = []
    for _ in range(_TOPK):
        mx = jnp.max(sim, axis=1, keepdims=True)
        idx = jnp.min(jnp.where(sim >= mx, iota, jnp.int32(2 ** 30)),
                      axis=1)
        cols.append(idx)
        sim = jnp.where(iota == idx[:, None], jnp.float32(-3.0e38), sim)
    idx_ref[0] = jnp.concatenate(
        [c[:, None] for c in cols], axis=1) + bi * nw




def _stage3_body(km_ref, vm_ref, out_ref):
    d = km_ref.shape[2]
    heads = d // _DH
    kq = _feature_map(km_ref[0])
    g = lax.dot_general(kq, vm_ref[0], (((0,), (0,)), ((), ())),
                        preferred_element_type=jnp.float32)
    blocks = [g[h * _DH:(h + 1) * _DH, h * _DH:(h + 1) * _DH]
              for h in range(heads)]
    kv = jnp.concatenate(blocks, axis=0)
    ks = jnp.sum(kq, axis=0)
    out_ref[0] = jnp.concatenate([kv, ks[:, None]], axis=1)



_NC = 2
_NS = 16


def _sc_gather_sum_body(wpt, tab_hbm, idx_hbm, out_hbm,
                        idx_v, r0_v, r1_v, out_v, sem0, sem1, osem):
    wid = lax.axis_index("s") * _NC + lax.axis_index("c")
    base = wid * wpt
    pltpu.sync_copy(idx_hbm.at[pl.ds(base * _TOPK, wpt * _TOPK)], idx_v)
    chunks = tab_hbm.shape[1] // 16
    bufs = (r0_v, r1_v)
    sems = (sem0, sem1)
    ngroups = wpt // 8

    pltpu.async_copy(tab_hbm.at[idx_v.at[pl.ds(0, _TOPK)]], r0_v, sem0)

    def group(gg, _):
        for j in range(8):
            noff = lax.rem(gg * 8 + j + 1, wpt) * _TOPK
            pltpu.async_copy(tab_hbm.at[idx_v.at[pl.ds(noff, _TOPK)]],
                             bufs[(j + 1) % 2], sems[(j + 1) % 2])
            cur = bufs[j % 2]
            pltpu.make_async_copy(tab_hbm.at[idx_v.at[pl.ds(0, _TOPK)]],
                                  cur, sems[j % 2]).wait()

            def chunk(ci, _c):
                sl = pl.ds(ci * 16, 16)
                s0 = cur[0, sl] + cur[1, sl]
                s1 = cur[2, sl] + cur[3, sl]
                s2 = cur[4, sl] + cur[5, sl]
                s3 = cur[6, sl] + cur[7, sl]
                out_v[j, sl] = (s0 + s1) + (s2 + s3)
                return _c

            lax.fori_loop(0, chunks, chunk, 0, unroll=4)
        o = pltpu.async_copy(out_v, out_hbm.at[pl.ds(base + gg * 8, 8)], osem)
        o.wait()
        return _

    lax.fori_loop(0, ngroups, group, 0)
    pltpu.make_async_copy(tab_hbm.at[idx_v.at[pl.ds(0, _TOPK)]],
                          r0_v, sem0).wait()


def _sc_gather_sum(table, idx_flat):
    nrows, words = table.shape
    nw_total = idx_flat.shape[0] // _TOPK
    wpt = nw_total // (_NC * _NS)
    mesh = plsc.VectorSubcoreMesh(core_axis_name="c", subcore_axis_name="s")
    return pl.kernel(
        functools.partial(_sc_gather_sum_body, wpt),
        out_type=jax.ShapeDtypeStruct((nw_total, words), jnp.float32),
        mesh=mesh,
        scratch_types=[
            pltpu.VMEM((wpt * _TOPK,), jnp.int32),
            pltpu.VMEM((_TOPK, words), jnp.float32),
            pltpu.VMEM((_TOPK, words), jnp.float32),
            pltpu.VMEM((8, words), jnp.float32),
            pltpu.SemaphoreType.DMA,
            pltpu.SemaphoreType.DMA,
            pltpu.SemaphoreType.DMA,
        ],
    )(table, idx_flat)




def _stage5_body(qref, gt_ref, mean_ref, out_ref):
    d = qref.shape[1]
    n = gt_ref.shape[1]
    w = _W
    heads = d // _DH

    qw = _feature_map(_to_windows(qref[0, :, 0], d, n, w))
    mean = mean_ref[0]
    kv = (gt_ref[0][:, :d * _DH].reshape(n, d, _DH)
          + mean[None, :, :_DH])
    ks = gt_ref[0][:, d * _DH:d * _DH + d] + mean[None, :, _DH]

    hi = lax.broadcasted_iota(jnp.int32, (d, d), 0) // _DH
    hj = lax.broadcasted_iota(jnp.int32, (d, d), 1) // _DH
    mask = (hi == hj).astype(jnp.float32)

    bd = jnp.tile(kv, (1, 1, heads)) * mask[None]
    ksbd = ks[:, :, None] * mask[None]
    both = jnp.concatenate([bd, ksbd], axis=2)
    res = lax.dot_general(qw, both, (((2,), (1,)), ((0,), (0,))),
                          preferred_element_type=jnp.float32)
    msg = res[:, :, :d] / (res[:, :, d:] + _EPS)
    out_ref[0, :, 0] = _from_windows(msg, d, n, w)




def kernel(q, k, v):
    b, d, H, Wd = q.shape
    w = _W
    m, n = H // w, Wd // w
    nw = m * n

    tw = d * _DH + 128
    tab, qmean, kmean, vmean = pl.pallas_call(
        _stage1_body,
        grid=(b, m),
        in_specs=[
            pl.BlockSpec((1, d, 1, w, Wd), lambda bi, mi: (bi, 0, mi, 0, 0)),
            pl.BlockSpec((1, d, 1, w, Wd), lambda bi, mi: (bi, 0, mi, 0, 0)),
            pl.BlockSpec((1, d, 1, w, Wd), lambda bi, mi: (bi, 0, mi, 0, 0)),
        ],
        out_specs=[
            pl.BlockSpec((n, tw), lambda bi, mi: (bi * m + mi, 0)),
            pl.BlockSpec((1, n, d), lambda bi, mi: (bi, mi, 0)),
            pl.BlockSpec((1, n, d), lambda bi, mi: (bi, mi, 0)),
            pl.BlockSpec((1, n, d), lambda bi, mi: (bi, mi, 0)),
        ],
        out_shape=[
            jax.ShapeDtypeStruct((b * nw, tw), jnp.float32),
            jax.ShapeDtypeStruct((b, nw, d), jnp.float32),
            jax.ShapeDtypeStruct((b, nw, d), jnp.float32),
            jax.ShapeDtypeStruct((b, nw, d), jnp.float32),
        ],
    )(q.reshape(b, d, m, w, Wd), k.reshape(b, d, m, w, Wd),
      v.reshape(b, d, m, w, Wd))

    rows_blk = 128
    idx = pl.pallas_call(
        functools.partial(_stage2_body, nw),
        grid=(b, nw // rows_blk),
        in_specs=[
            pl.BlockSpec((1, rows_blk, d), lambda bi, ri: (bi, ri, 0)),
            pl.BlockSpec((1, nw, d), lambda bi, ri: (bi, 0, 0)),
        ],
        out_specs=pl.BlockSpec((1, rows_blk, _TOPK),
                               lambda bi, ri: (bi, ri, 0)),
        out_shape=jax.ShapeDtypeStruct((b, nw, _TOPK), jnp.int32),
    )(qmean, kmean)

    mean_ext = pl.pallas_call(
        _stage3_body,
        grid=(b,),
        in_specs=[
            pl.BlockSpec((1, nw, d), lambda bi: (bi, 0, 0)),
            pl.BlockSpec((1, nw, d), lambda bi: (bi, 0, 0)),
        ],
        out_specs=pl.BlockSpec((1, d, _DH + 1), lambda bi: (bi, 0, 0)),
        out_shape=jax.ShapeDtypeStruct((b, d, _DH + 1), jnp.float32),
    )(kmean, vmean)

    idx_flat = idx.reshape(b * nw * _TOPK)
    gt = _sc_gather_sum(tab, idx_flat)

    out = pl.pallas_call(
        _stage5_body,
        grid=(b, m),
        in_specs=[
            pl.BlockSpec((1, d, 1, w, Wd), lambda bi, mi: (bi, 0, mi, 0, 0)),
            pl.BlockSpec((1, n, tw), lambda bi, mi: (bi, mi, 0)),
            pl.BlockSpec((1, d, _DH + 1), lambda bi, mi: (bi, 0, 0)),
        ],
        out_specs=pl.BlockSpec((1, d, 1, w, Wd),
                               lambda bi, mi: (bi, 0, mi, 0, 0)),
        out_shape=jax.ShapeDtypeStruct((b, d, m, w, Wd), jnp.float32),
    )(q.reshape(b, d, m, w, Wd), gt.reshape(b, nw, tw), mean_ext)

    return out.reshape(b, d, H, Wd)

# --- scband reference (transcript-rebuilt; emitter-appended) ---
"""Pipeline reference for scband-top-kwindow-attention-87600152969562 (READ-ONLY COPY).

The authoritative reference and input builder live on the scoring server;
editing this copy changes nothing except your own understanding.
"""

import jax, jax.numpy as jnp
import numpy as np

W_WIN = 7
TOPK = 8
D_HEAD = 32
EPS = 1e-06


def setup_inputs(seed: int = 0) -> dict:
    key = jax.random.key(seed)
    k1, k2, k3 = jax.random.split(key, 3)
    q = jax.random.normal(k1, (2, 96, 224, 224), dtype=jnp.float32)
    k = jax.random.normal(k2, (2, 96, 224, 224), dtype=jnp.float32)
    v = jax.random.normal(k3, (2, 96, 224, 224), dtype=jnp.float32)
    return {"q": q, "k": k, "v": v}


def _window(x, w):
    b, d, H, Wd = x.shape
    m, n = H // w, Wd // w
    x = x.reshape(b, d, m, w, n, w)
    x = jnp.transpose(x, (0, 2, 4, 3, 5, 1))
    return x.reshape(b, m * n, w * w, d), m, n


def _elu_feature_map(x):
    return jax.nn.elu(x) + 1.0


def _linear_attention(Q, K, V, eps=EPS):
    Q = _elu_feature_map(Q)
    K = _elu_feature_map(K)
    v_length = V.shape[1]
    Vn = V / v_length
    KV = jnp.einsum('nshd,nshv->nhdv', K, Vn)
    Z = 1.0 / (jnp.einsum('nlhd,nhd->nlh', Q, K.sum(axis=1)) + eps)
    out = jnp.einsum('nlhd,nhdv,nlh->nlhv', Q, KV, Z) * v_length
    return out


def reference(q, k, v):
    b, d, H, Wd = q.shape
    w = W_WIN
    qw, m, n = _window(q, w)
    kw, _, _ = _window(k, w)
    vw, _, _ = _window(v, w)
    qw_mean = qw.mean(axis=2)
    kw_mean = kw.mean(axis=2)
    vw_mean = vw.mean(axis=2)
    window_similarity = jnp.einsum('bmd,bnd->bmn', qw_mean, kw_mean)
    _, topk_indices = jax.lax.top_k(window_similarity, TOPK)
    bidx = jnp.arange(b)[:, None, None]
    fine_keys = kw[bidx, topk_indices]
    fine_values = vw[bidx, topk_indices]
    nw = m * n
    fine_keys = fine_keys.reshape(b, nw, -1, d)
    fine_values = fine_values.reshape(b, nw, -1, d)
    keys = jnp.concatenate([fine_keys, jnp.tile(kw_mean[:, None], (1, nw, 1, 1))], axis=2)
    values = jnp.concatenate([fine_values, jnp.tile(vw_mean[:, None], (1, nw, 1, 1))], axis=2)
    heads = d // D_HEAD
    ws = w * w
    S = keys.shape[2]
    Q = qw.reshape(b * nw, ws, heads, D_HEAD)
    Kt = keys.reshape(b * nw, S, heads, D_HEAD)
    Vt = values.reshape(b * nw, S, heads, D_HEAD)
    message = _linear_attention(Q, Kt, Vt)
    message = message.reshape(b, m, n, w, w, heads, D_HEAD)
    message = jnp.transpose(message, (0, 5, 6, 1, 3, 2, 4)).reshape(b, heads * D_HEAD, m * w, n * w)
    return message

if __name__ == "__main__":
    import jax
    _d = setup_inputs()
    print(jax.jit(kernel)(*tuple(_d.values())))

</pallas_src>

<mosaic_0001>
#map = affine_map<(d0, d1) -> (0, 0)>
#map1 = affine_map<(d0, d1) -> (0)>
module attributes {stable_mosaic.version = 14 : i64} {
  func.func @_sc_gather_sum_body(%arg0: i32, %arg1: i32, %arg2: memref<2048x3200xf32, #tpu.memory_space<hbm>>, %arg3: memref<16384xi32, #tpu.memory_space<hbm>>, %arg4: memref<2048x3200xf32, #tpu.memory_space<hbm>>, %arg5: memref<512xi32, #tpu.memory_space<vmem>>, %arg6: memref<8x3200xf32, #tpu.memory_space<vmem>>, %arg7: memref<8x3200xf32, #tpu.memory_space<vmem>>, %arg8: memref<8x3200xf32, #tpu.memory_space<vmem>>, %arg9: memref<!tpu.dma_semaphore, #tpu.memory_space<semaphore_mem>>, %arg10: memref<!tpu.dma_semaphore, #tpu.memory_space<semaphore_mem>>, %arg11: memref<!tpu.dma_semaphore, #tpu.memory_space<semaphore_mem>>) attributes {dimension_semantics = [#tpu.dimension_semantics<core_parallel>, #tpu.dimension_semantics<subcore_parallel>], iteration_bounds = array<i64: 2, 16>, scalar_prefetch = 0 : i64, scratch_operands = 7 : i64, tpu.core_type = #tpu.core_type<sc_vector_subcore>, window_params = [{transform_indices = #map}, {transform_indices = #map1}, {transform_indices = #map}]} {
    %mul3A = arith.constant 2 : i32
    %mul3A_0 = arith.muli %arg1, %mul3A : i32
    %add3A = arith.addi %mul3A_0, %arg0 : i32
    %mul3A_1 = arith.constant 64 : i32
    %mul3A_2 = arith.muli %add3A, %mul3A_1 : i32
    %mul3A_3 = arith.constant 8 : i32
    %mul3A_4 = arith.muli %mul3A_2, %mul3A_3 : i32
    "tpu.region"() ({
      %run_scoped3A = tpu.sem_alloc : memref<!tpu.dma_semaphore, #tpu.memory_space<semaphore_mem>>
      %dma_start3A_18 = tpu.memref_slice %arg3[%mul3A_4] : memref<16384xi32, #tpu.memory_space<hbm>> -> memref<512xi32, #tpu.memory_space<hbm>>
      %dma_start3A_19 = tpu.memref_slice %arg3[%mul3A_4] : memref<16384xi32, #tpu.memory_space<hbm>> -> memref<512xi32, #tpu.memory_space<hbm>>
      tpu.enqueue_dma source(%dma_start3A_19 : memref<512xi32, #tpu.memory_space<hbm>>) target(%arg5 : memref<512xi32, #tpu.memory_space<vmem>>) target_semaphore(%run_scoped3A : memref<!tpu.dma_semaphore, #tpu.memory_space<semaphore_mem>>)
      %dma_wait3A_20 = tpu.memref_slice %arg3[%mul3A_4] : memref<16384xi32, #tpu.memory_space<hbm>> -> memref<512xi32, #tpu.memory_space<hbm>>
      %dma_wait3A_21 = tpu.memref_slice %arg3[%mul3A_4] : memref<16384xi32, #tpu.memory_space<hbm>> -> memref<512xi32, #tpu.memory_space<hbm>>
      tpu.wait_dma2 semaphore(%run_scoped3A : memref<!tpu.dma_semaphore, #tpu.memory_space<semaphore_mem>>) src(%dma_wait3A_21 : memref<512xi32, #tpu.memory_space<hbm>>) dst(%arg5 : memref<512xi32, #tpu.memory_space<vmem>>)
      tpu.yield
    }) : () -> ()
    %dma_start3A = arith.constant 0 : i32
    %dma_start3A_5 = tpu.memref_slice %arg5[%dma_start3A] : memref<512xi32, #tpu.memory_space<vmem>> -> memref<8xi32, #tpu.memory_space<vmem>>
    %dma_start3A_6 = arith.constant 0 : i32
    %dma_start3A_7 = arith.constant 0 : i32
    %dma_start3A_8 = tpu.memref_slice %arg2[%dma_start3A_6, %dma_start3A_7] : memref<2048x3200xf32, #tpu.memory_space<hbm>> -> memref<2048x3200xf32, #tpu.memory_space<hbm>>
    tpu.enqueue_indirect_dma source(%dma_start3A_8 : memref<2048x3200xf32, #tpu.memory_space<hbm>>) target(%arg6 : memref<8x3200xf32, #tpu.memory_space<vmem>>) offsets(%dma_start3A_5 : memref<8xi32, #tpu.memory_space<vmem>>) semaphore(%arg9 : memref<!tpu.dma_semaphore, #tpu.memory_space<semaphore_mem>>)
    %scan3A = arith.constant 0 : i32
    %scan3A_9 = arith.constant 0 : i32
    %scan3A_10 = arith.constant 8 : i32
    %scan3A_11 = arith.addi %scan3A_9, %scan3A_10 : i32
    %scan3A_12 = arith.constant 1 : i32
    scf.for %scan3A_18 = %scan3A_9 to %scan3A_11 step %scan3A_12  : i32 {
      %mul3A_19 = arith.constant 8 : i32
      %mul3A_20 = arith.muli %scan3A_18, %mul3A_19 : i32
      %add3A_21 = arith.constant 0 : i32
      %add3A_22 = arith.addi %mul3A_20, %add3A_21 : i32
      %add3A_23 = arith.constant 1 : i32
      %add3A_24 = arith.addi %add3A_22, %add3A_23 : i32
      %rem3A = arith.constant 64 : i32
      %rem3A_25 = arith.remsi %add3A_24, %rem3A : i32
      %mul3A_26 = arith.constant 8 : i32
      %mul3A_27 = arith.muli %rem3A_25, %mul3A_26 : i32
      %dma_start3A_28 = tpu.memref_slice %arg5[%mul3A_27] : memref<512xi32, #tpu.memory_space<vmem>> -> memref<8xi32, #tpu.memory_space<vmem>>
      %dma_start3A_29 = arith.constant 0 : i32
      %dma_start3A_30 = arith.constant 0 : i32
      %dma_start3A_31 = tpu.memref_slice %arg2[%dma_start3A_29, %dma_start3A_30] : memref<2048x3200xf32, #tpu.memory_space<hbm>> -> memref<2048x3200xf32, #tpu.memory_space<hbm>>
      tpu.enqueue_indirect_dma source(%dma_start3A_31 : memref<2048x3200xf32, #tpu.memory_space<hbm>>) target(%arg7 : memref<8x3200xf32, #tpu.memory_space<vmem>>) offsets(%dma_start3A_28 : memref<8xi32, #tpu.memory_space<vmem>>) semaphore(%arg10 : memref<!tpu.dma_semaphore, #tpu.memory_space<semaphore_mem>>)
      %dma_wait3A_32 = arith.constant 0 : i32
      %dma_wait3A_33 = tpu.memref_slice %arg5[%dma_wait3A_32] : memref<512xi32, #tpu.memory_space<vmem>> -> memref<8xi32, #tpu.memory_space<vmem>>
      %dma_wait3A_34 = arith.constant 0 : i32
      %dma_wait3A_35 = arith.constant 0 : i32
      %dma_wait3A_36 = tpu.memref_slice %arg2[%dma_wait3A_34, %dma_wait3A_35] : memref<2048x3200xf32, #tpu.memory_space<hbm>> -> memref<2048x3200xf32, #tpu.memory_space<hbm>>
      tpu.wait_indirect_dma semaphore(%arg9 : memref<!tpu.dma_semaphore, #tpu.memory_space<semaphore_mem>>) src(%dma_wait3A_36 : memref<2048x3200xf32, #tpu.memory_space<hbm>>) dst(%arg6 : memref<8x3200xf32, #tpu.memory_space<vmem>>)
      %scan3A_37 = arith.constant 0 : i32
      %scan3A_38 = arith.constant 0 : i32
      %scan3A_39 = arith.constant 200 : i32
      %scan3A_40 = arith.addi %scan3A_38, %scan3A_39 : i32
      %scan3A_41 = arith.constant 4 : i32
      scf.for %scan3A_229 = %scan3A_38 to %scan3A_40 step %scan3A_41  : i32 {
        %mul3A_230 = arith.constant 16 : i32
        %mul3A_231 = arith.muli %scan3A_229, %mul3A_230 : i32
        %get3A = arith.constant 0 : i32
        %get3A_232 = arith.index_cast %get3A : i32 to index
        %get3A_233 = arith.index_cast %mul3A_231 : i32 to index
        %get3A_234 = tpu.vector_load %arg6[%get3A_232, %get3A_233] {strides = array<i32>} : memref<8x3200xf32, #tpu.memory_space<vmem>>, vector<1x16xf32>,
        %get3A_235 = vector.shape_cast %get3A_234 : vector<1x16xf32> to vector<16xf32>
        %get3A_236 = arith.constant 1 : i32
        %get3A_237 = arith.index_cast %get3A_236 : i32 to index
        %get3A_238 = arith.index_cast %mul3A_231 : i32 to index
        %get3A_239 = tpu.vector_load %arg6[%get3A_237, %get3A_238] {strides = array<i32>} : memref<8x3200xf32, #tpu.memory_space<vmem>>, vector<1x16xf32>,
        %get3A_240 = vector.shape_cast %get3A_239 : vector<1x16xf32> to vector<16xf32>
        %add3A_241 = arith.addf %get3A_235, %get3A_240 : vector<16xf32>
        %get3A_242 = arith.constant 2 : i32
        %get3A_243 = arith.index_cast %get3A_242 : i32 to index
        %get3A_244 = arith.index_cast %mul3A_231 : i32 to index
        %get3A_245 = tpu.vector_load %arg6[%get3A_243, %get3A_244] {strides = array<i32>} : memref<8x3200xf32, #tpu.memory_space<vmem>>, vector<1x16xf32>,
        %get3A_246 = vector.shape_cast %get3A_245 : vector<1x16xf32> to vector<16xf32>
        %get3A_247 = arith.constant 3 : i32
        %get3A_248 = arith.index_cast %get3A_247 : i32 to index
        %get3A_249 = arith.index_cast %mul3A_231 : i32 to index
        %get3A_250 = tpu.vector_load %arg6[%get3A_248, %get3A_249] {strides = array<i32>} : memref<8x3200xf32, #tpu.memory_space<vmem>>, vector<1x16xf32>,
        %get3A_251 = vector.shape_cast %get3A_250 : vector<1x16xf32> to vector<16xf32>
        %add3A_252 = arith.addf %get3A_246, %get3A_251 : vector<16xf32>
        %get3A_253 = arith.constant 4 : i32
        %get3A_254 = arith.index_cast %get3A_253 : i32 to index
        %get3A_255 = arith.index_cast %mul3A_231 : i32 to index
        %get3A_256 = tpu.vector_load %arg6[%get3A_254, %get3A_255] {strides = array<i32>} : memref<8x3200xf32, #tpu.memory_space<vmem>>, vector<1x16xf32>,
        %get3A_257 = vector.shape_cast %get3A_256 : vector<1x16xf32> to vector<16xf32>
        %get3A_258 = arith.constant 5 : i32
        %get3A_259 = arith.index_cast %get3A_258 : i32 to index
        %get3A_260 = arith.index_cast %mul3A_231 : i32 to index
        %get3A_261 = tpu.vector_load %arg6[%get3A_259, %get3A_260] {strides = array<i32>} : memref<8x3200xf32, #tpu.memory_space<vmem>>, vector<1x16xf32>,
        %get3A_262 = vector.shape_cast %get3A_261 : vector<1x16xf32> to vector<16xf32>
        %add3A_263 = arith.addf %get3A_257, %get3A_262 : vector<16xf32>
        %get3A_264 = arith.constant 6 : i32
        %get3A_265 = arith.index_cast %get3A_264 : i32 to index
        %get3A_266 = arith.index_cast %mul3A_231 : i32 to index
        %get3A_267 = tpu.vector_load %arg6[%get3A_265, %get3A_266] {strides = array<i32>} : memref<8x3200xf32, #tpu.memory_space<vmem>>, vector<1x16xf32>,
        %get3A_268 = vector.shape_cast %get3A_267 : vector<1x16xf32> to vector<16xf32>
        %get3A_269 = arith.constant 7 : i32
        %get3A_270 = arith.index_cast %get3A_269 : i32 to index
        %get3A_271 = arith.index_cast %mul3A_231 : i32 to index
        %get3A_272 = tpu.vector_load %arg6[%get3A_270, %get3A_271] {strides = array<i32>} : memref<8x3200xf32, #tpu.memory_space<vmem>>, vector<1x16xf32>,
        %get3A_273 = vector.shape_cast %get3A_272 : vector<1x16xf32> to vector<16xf32>
        %add3A_274 = arith.addf %get3A_268, %get3A_273 : vector<16xf32>
        %add3A_275 = arith.addf %add3A_241, %add3A_252 : vector<16xf32>
        %add3A_276 = arith.addf %add3A_263, %add3A_274 : vector<16xf32>
        %add3A_277 = arith.addf %add3A_275, %add3A_276 : vector<16xf32>
        %swap3A = arith.constant 0 : i32
        %swap3A_278 = arith.index_cast %swap3A : i32 to index
        %swap3A_279 = arith.index_cast %mul3A_231 : i32 to index
        %swap3A_280 = tpu.vector_load %arg8[%swap3A_278, %swap3A_279] {strides = array<i32>} : memref<8x3200xf32, #tpu.memory_space<vmem>>, vector<1x16xf32>,
        %swap3A_281 = vector.shape_cast %swap3A_280 : vector<1x16xf32> to vector<16xf32>
        %swap3A_282 = vector.shape_cast %add3A_277 : vector<16xf32> to vector<1x16xf32>
        tpu.vector_store %arg8[%swap3A_278, %swap3A_279], %swap3A_282 {strides = array<i32>} : memref<8x3200xf32, #tpu.memory_space<vmem>>, vector<1x16xf32>,
        %scan3A_283 = arith.constant 1 : i32
        %scan3A_284 = arith.addi %scan3A_229, %scan3A_283 : i32
        %mul3A_285 = arith.constant 16 : i32
        %mul3A_286 = arith.muli %scan3A_284, %mul3A_285 : i32
        %get3A_287 = arith.constant 0 : i32
        %get3A_288 = arith.index_cast %get3A_287 : i32 to index
        %get3A_289 = arith.index_cast %mul3A_286 : i32 to index
        %get3A_290 = tpu.vector_load %arg6[%get3A_288, %get3A_289] {strides = array<i32>} : memref<8x3200xf32, #tpu.memory_space<vmem>>, vector<1x16xf32>,
        %get3A_291 = vector.shape_cast %get3A_290 : vector<1x16xf32> to vector<16xf32>
        %get3A_292 = arith.constant 1 : i32
        %get3A_293 = arith.index_cast %get3A_292 : i32 to index
        %get3A_294 = arith.index_cast %mul3A_286 : i32 to index
        %get3A_295 = tpu.vector_load %arg6[%get3A_293, %get3A_294] {strides = array<i32>} : memref<8x3200xf32, #tpu.memory_space<vmem>>, vector<1x16xf32>,
        %get3A_296 = vector.shape_cast %get3A_295 : vector<1x16xf32> to vector<16xf32>
        %add3A_297 = arith.addf %get3A_291, %get3A_296 : vector<16xf32>
        %get3A_298 = arith.constant 2 : i32
        %get3A_299 = arith.index_cast %get3A_298 : i32 to index
        %get3A_300 = arith.index_cast %mul3A_286 : i32 to index
        %get3A_301 = tpu.vector_load %arg6[%get3A_299, %get3A_300] {strides = array<i32>} : memref<8x3200xf32, #tpu.memory_space<vmem>>, vector<1x16xf32>,
        %get3A_302 = vector.shape_cast %get3A_301 : vector<1x16xf32> to vector<16xf32>
        %get3A_303 = arith.constant 3 : i32
        %get3A_304 = arith.index_cast %get3A_303 : i32 to index
        %get3A_305 = arith.index_cast %mul3A_286 : i32 to index
        %get3A_306 = tpu.vector_load %arg6[%get3A_304, %get3A_305] {strides = array<i32>} : memref<8x3200xf32, #tpu.memory_space<vmem>>, vector<1x16xf32>,
        %get3A_307 = vector.shape_cast %get3A_306 : vector<1x16xf32> to vector<16xf32>
        %add3A_308 = arith.addf %get3A_302, %get3A_307 : vector<16xf32>
        %get3A_309 = arith.constant 4 : i32
        %get3A_310 = arith.index_cast %get3A_309 : i32 to index
        %get3A_311 = arith.index_cast %mul3A_286 : i32 to index
        %get3A_312 = tpu.vector_load %arg6[%get3A_310, %get3A_311] {strides = array<i32>} : memref<8x3200xf32, #tpu.memory_space<vmem>>, vector<1x16xf32>,
        %get3A_313 = vector.shape_cast %get3A_312 : vector<1x16xf32> to vector<16xf32>
        %get3A_314 = arith.constant 5 : i32
        %get3A_315 = arith.index_cast %get3A_314 : i32 to index
        %get3A_316 = arith.index_cast %mul3A_286 : i32 to index
        %get3A_317 = tpu.vector_load %arg6[%get3A_315, %get3A_316] {strides = array<i32>} : memref<8x3200xf32, #tpu.memory_space<vmem>>, vector<1x16xf32>,
        %get3A_318 = vector.shape_cast %get3A_317 : vector<1x16xf32> to vector<16xf32>
        %add3A_319 = arith.addf %get3A_313, %get3A_318 : vector<16xf32>
        %get3A_320 = arith.constant 6 : i32
        %get3A_321 = arith.index_cast %get3A_320 : i32 to index
        %get3A_322 = arith.index_cast %mul3A_286 : i32 to index
        %get3A_323 = tpu.vector_load %arg6[%get3A_321, %get3A_322] {strides = array<i32>} : memref<8x3200xf32, #tpu.memory_space<vmem>>, vector<1x16xf32>,
        %get3A_324 = vector.shape_cast %get3A_323 : vector<1x16xf32> to vector<16xf32>
        %get3A_325 = arith.constant 7 : i32
        %get3A_326 = arith.index_cast %get3A_325 : i32 to index
        %get3A_327 = arith.index_cast %mul3A_286 : i32 to index
        %get3A_328 = tpu.vector_load %arg6[%get3A_326, %get3A_327] {strides = array<i32>} : memref<8x3200xf32, #tpu.memory_space<vmem>>, vector<1x16xf32>,
        %get3A_329 = vector.shape_cast %get3A_328 : vector<1x16xf32> to vector<16xf32>
        %add3A_330 = arith.addf %get3A_324, %get3A_329 : vector<16xf32>
        %add3A_331 = arith.addf %add3A_297, %add3A_308 : vector<16xf32>
        %add3A_332 = arith.addf %add3A_319, %add3A_330 : vector<16xf32>
        %add3A_333 = arith.addf %add3A_331, %add3A_332 : vector<16xf32>
        %swap3A_334 = arith.constant 0 : i32
        %swap3A_335 = arith.index_cast %swap3A_334 : i32 to index
        %swap3A_336 = arith.index_cast %mul3A_286 : i32 to index
        %swap3A_337 = tpu.vector_load %arg8[%swap3A_335, %swap3A_336] {strides = array<i32>} : memref<8x3200xf32, #tpu.memory_space<vmem>>, vector<1x16xf32>,
        %swap3A_338 = vector.shape_cast %swap3A_337 : vector<1x16xf32> to vector<16xf32>
        %swap3A_339 = vector.shape_cast %add3A_333 : vector<16xf32> to vector<1x16xf32>
        tpu.vector_store %arg8[%swap3A_335, %swap3A_336], %swap3A_339 {strides = array<i32>} : memref<8x3200xf32, #tpu.memory_space<vmem>>, vector<1x16xf32>,
        %scan3A_340 = arith.constant 2 : i32
        %scan3A_341 = arith.addi %scan3A_229, %scan3A_340 : i32
        %mul3A_342 = arith.constant 16 : i32
        %mul3A_343 = arith.muli %scan3A_341, %mul3A_342 : i32
        %get3A_344 = arith.constant 0 : i32
        %get3A_345 = arith.index_cast %get3A_344 : i32 to index
        %get3A_346 = arith.index_cast %mul3A_343 : i32 to index
        %get3A_347 = tpu.vector_load %arg6[%get3A_345, %get3A_346] {strides = array<i32>} : memref<8x3200xf32, #tpu.memory_space<vmem>>, vector<1x16xf32>,
        %get3A_348 = vector.shape_cast %get3A_347 : vector<1x16xf32> to vector<16xf32>
        %get3A_349 = arith.constant 1 : i32
        %get3A_350 = arith.index_cast %get3A_349 : i32 to index
        %get3A_351 = arith.index_cast %mul3A_343 : i32 to index
        %get3A_352 = tpu.vector_load %arg6[%get3A_350, %get3A_351] {strides = array<i32>} : memref<8x3200xf32, #tpu.memory_space<vmem>>, vector<1x16xf32>,
        %get3A_353 = vector.shape_cast %get3A_352 : vector<1x16xf32> to vector<16xf32>
        %add3A_354 = arith.addf %get3A_348, %get3A_353 : vector<16xf32>
        %get3A_355 = arith.constant 2 : i32
        %get3A_356 = arith.index_cast %get3A_355 : i32 to index
        %get3A_357 = arith.index_cast %mul3A_343 : i32 to index
        %get3A_358 = tpu.vector_load %arg6[%get3A_356, %get3A_357] {strides = array<i32>} : memref<8x3200xf32, #tpu.memory_space<vmem>>, vector<1x16xf32>,
        %get3A_359 = vector.shape_cast %get3A_358 : vector<1x16xf32> to vector<16xf32>
        %get3A_360 = arith.constant 3 : i32
        %get3A_361 = arith.index_cast %get3A_360 : i32 to index
        %get3A_362 = arith.index_cast %mul3A_343 : i32 to index
        %get3A_363 = tpu.vector_load %arg6[%get3A_361, %get3A_362] {strides = array<i32>} : memref<8x3200xf32, #tpu.memory_space<vmem>>, vector<1x16xf32>,
        %get3A_364 = vector.shape_cast %get3A_363 : vector<1x16xf32> to vector<16xf32>
        %add3A_365 = arith.addf %get3A_359, %get3A_364 : vector<16xf32>
        %get3A_366 = arith.constant 4 : i32
        %get3A_367 = arith.index_cast %get3A_366 : i32 to index
        %get3A_368 = arith.index_cast %mul3A_343 : i32 to index
        %get3A_369 = tpu.vector_load %arg6[%get3A_367, %get3A_368] {strides = array<i32>} : memref<8x3200xf32, #tpu.memory_space<vmem>>, vector<1x16xf32>,
        %get3A_370 = vector.shape_cast %get3A_369 : vector<1x16xf32> to vector<16xf32>
        %get3A_371 = arith.constant 5 : i32
        %get3A_372 = arith.index_cast %get3A_371 : i32 to index
        %get3A_373 = arith.index_cast %mul3A_343 : i32 to index
        %get3A_374 = tpu.vector_load %arg6[%get3A_372, %get3A_373] {strides = array<i32>} : memref<8x3200xf32, #tpu.memory_space<vmem>>, vector<1x16xf32>,
        %get3A_375 = vector.shape_cast %get3A_374 : vector<1x16xf32> to vector<16xf32>
        %add3A_376 = arith.addf %get3A_370, %get3A_375 : vector<16xf32>
        %get3A_377 = arith.constant 6 : i32
        %get3A_378 = arith.index_cast %get3A_377 : i32 to index
        %get3A_379 = arith.index_cast %mul3A_343 : i32 to index
        %get3A_380 = tpu.vector_load %arg6[%get3A_378, %get3A_379] {strides = array<i32>} : memref<8x3200xf32, #tpu.memory_space<vmem>>, vector<1x16xf32>,
        %get3A_381 = vector.shape_cast %get3A_380 : vector<1x16xf32> to vector<16xf32>
        %get3A_382 = arith.constant 7 : i32
        %get3A_383 = arith.index_cast %get3A_382 : i32 to index
        %get3A_384 = arith.index_cast %mul3A_343 : i32 to index
        %get3A_385 = tpu.vector_load %arg6[%get3A_383, %get3A_384] {strides = array<i32>} : memref<8x3200xf32, #tpu.memory_space<vmem>>, vector<1x16xf32>,
        %get3A_386 = vector.shape_cast %get3A_385 : vector<1x16xf32> to vector<16xf32>
        %add3A_387 = arith.addf %get3A_381, %get3A_386 : vector<16xf32>
        %add3A_388 = arith.addf %add3A_354, %add3A_365 : vector<16xf32>
        %add3A_389 = arith.addf %add3A_376, %add3A_387 : vector<16xf32>
        %add3A_390 = arith.addf %add3A_388, %add3A_389 : vector<16xf32>
        %swap3A_391 = arith.constant 0 : i32
        %swap3A_392 = arith.index_cast %swap3A_391 : i32 to index
        %swap3A_393 = arith.index_cast %mul3A_343 : i32 to index
        %swap3A_394 = tpu.vector_load %arg8[%swap3A_392, %swap3A_393] {strides = array<i32>} : memref<8x3200xf32, #tpu.memory_space<vmem>>, vector<1x16xf32>,
        %swap3A_395 = vector.shape_cast %swap3A_394 : vector<1x16xf32> to vector<16xf32>
        %swap3A_396 = vector.shape_cast %add3A_390 : vector<16xf32> to vector<1x16xf32>
        tpu.vector_store %arg8[%swap3A_392, %swap3A_393], %swap3A_396 {strides = array<i32>} : memref<8x3200xf32, #tpu.memory_space<vmem>>, vector<1x16xf32>,
        %scan3A_397 = arith.constant 3 : i32
        %scan3A_398 = arith.addi %scan3A_229, %scan3A_397 : i32
        %mul3A_399 = arith.constant 16 : i32
        %mul3A_400 = arith.muli %scan3A_398, %mul3A_399 : i32
        %get3A_401 = arith.constant 0 : i32
        %get3A_402 = arith.index_cast %get3A_401 : i32 to index
        %get3A_403 = arith.index_cast %mul3A_400 : i32 to index
        %get3A_404 = tpu.vector_load %arg6[%get3A_402, %get3A_403] {strides = array<i32>} : memref<8x3200xf32, #tpu.memory_space<vmem>>, vector<1x16xf32>,
        %get3A_405 = vector.shape_cast %get3A_404 : vector<1x16xf32> to vector<16xf32>
        %get3A_406 = arith.constant 1 : i32
        %get3A_407 = arith.index_cast %get3A_406 : i32 to index
        %get3A_408 = arith.index_cast %mul3A_400 : i32 to index
        %get3A_409 = tpu.vector_load %arg6[%get3A_407, %get3A_408] {strides = array<i32>} : memref<8x3200xf32, #tpu.memory_space<vmem>>, vector<1x16xf32>,
        %get3A_410 = vector.shape_cast %get3A_409 : vector<1x16xf32> to vector<16xf32>
        %add3A_411 = arith.addf %get3A_405, %get3A_410 : vector<16xf32>
        %get3A_412 = arith.constant 2 : i32
        %get3A_413 = arith.index_cast %get3A_412 : i32 to index
        %get3A_414 = arith.index_cast %mul3A_400 : i32 to index
        %get3A_415 = tpu.vector_load %arg6[%get3A_413, %get3A_414] {strides = array<i32>} : memref<8x3200xf32, #tpu.memory_space<vmem>>, vector<1x16xf32>,
        %get3A_416 = vector.shape_cast %get3A_415 : vector<1x16xf32> to vector<16xf32>
        %get3A_417 = arith.constant 3 : i32
        %get3A_418 = arith.index_cast %get3A_417 : i32 to index
        %get3A_419 = arith.index_cast %mul3A_400 : i32 to index
        %get3A_420 = tpu.vector_load %arg6[%get3A_418, %get3A_419] {strides = array<i32>} : memref<8x3200xf32, #tpu.memory_space<vmem>>, vector<1x16xf32>,
        %get3A_421 = vector.shape_cast %get3A_420 : vector<1x16xf32> to vector<16xf32>
        %add3A_422 = arith.addf %get3A_416, %get3A_421 : vector<16xf32>
        %get3A_423 = arith.constant 4 : i32
        %get3A_424 = arith.index_cast %get3A_423 : i32 to index
        %get3A_425 = arith.index_cast %mul3A_400 : i32 to index
        %get3A_426 = tpu.vector_load %arg6[%get3A_424, %get3A_425] {strides = array<i32>} : memref<8x3200xf32, #tpu.memory_space<vmem>>, vector<1x16xf32>,
        %get3A_427 = vector.shape_cast %get3A_426 : vector<1x16xf32> to vector<16xf32>
        %get3A_428 = arith.constant 5 : i32
        %get3A_429 = arith.index_cast %get3A_428 : i32 to index
        %get3A_430 = arith.index_cast %mul3A_400 : i32 to index
        %get3A_431 = tpu.vector_load %arg6[%get3A_429, %get3A_430] {strides = array<i32>} : memref<8x3200xf32, #tpu.memory_space<vmem>>, vector<1x16xf32>,
        %get3A_432 = vector.shape_cast %get3A_431 : vector<1x16xf32> to vector<16xf32>
        %add3A_433 = arith.addf %get3A_427, %get3A_432 : vector<16xf32>
        %get3A_434 = arith.constant 6 : i32
        %get3A_435 = arith.index_cast %get3A_434 : i32 to index
        %get3A_436 = arith.index_cast %mul3A_400 : i32 to index
        %get3A_437 = tpu.vector_load %arg6[%get3A_435, %get3A_436] {strides = array<i32>} : memref<8x3200xf32, #tpu.memory_space<vmem>>, vector<1x16xf32>,
        %get3A_438 = vector.shape_cast %get3A_437 : vector<1x16xf32> to vector<16xf32>
        %get3A_439 = arith.constant 7 : i32
        %get3A_440 = arith.index_cast %get3A_439 : i32 to index
        %get3A_441 = arith.index_cast %mul3A_400 : i32 to index
        %get3A_442 = tpu.vector_load %arg6[%get3A_440, %get3A_441] {strides = array<i32>} : memref<8x3200xf32, #tpu.memory_space<vmem>>, vector<1x16xf32>,
        %get3A_443 = vector.shape_cast %get3A_442 : vector<1x16xf32> to vector<16xf32>
        %add3A_444 = arith.addf %get3A_438, %get3A_443 : vector<16xf32>
        %add3A_445 = arith.addf %add3A_411, %add3A_422 : vector<16xf32>
        %add3A_446 = arith.addf %add3A_433, %add3A_444 : vector<16xf32>
        %add3A_447 = arith.addf %add3A_445, %add3A_446 : vector<16xf32>
        %swap3A_448 = arith.constant 0 : i32
        %swap3A_449 = arith.index_cast %swap3A_448 : i32 to index
        %swap3A_450 = arith.index_cast %mul3A_400 : i32 to index
        %swap3A_451 = tpu.vector_load %arg8[%swap3A_449, %swap3A_450] {strides = array<i32>} : memref<8x3200xf32, #tpu.memory_space<vmem>>, vector<1x16xf32>,
        %swap3A_452 = vector.shape_cast %swap3A_451 : vector<1x16xf32> to vector<16xf32>
        %swap3A_453 = vector.shape_cast %add3A_447 : vector<16xf32> to vector<1x16xf32>
        tpu.vector_store %arg8[%swap3A_449, %swap3A_450], %swap3A_453 {strides = array<i32>} : memref<8x3200xf32, #tpu.memory_space<vmem>>, vector<1x16xf32>,
      }
      %scan3A_42 = arith.constant 200 : i32
      %mul3A_43 = arith.constant 8 : i32
      %mul3A_44 = arith.muli %scan3A_18, %mul3A_43 : i32
      %add3A_45 = arith.constant 1 : i32
      %add3A_46 = arith.addi %mul3A_44, %add3A_45 : i32
      %add3A_47 = arith.constant 1 : i32
      %add3A_48 = arith.addi %add3A_46, %add3A_47 : i32
      %rem3A_49 = arith.constant 64 : i32
      %rem3A_50 = arith.remsi %add3A_48, %rem3A_49 : i32
      %mul3A_51 = arith.constant 8 : i32
      %mul3A_52 = arith.muli %rem3A_50, %mul3A_51 : i32
      %dma_start3A_53 = tpu.memref_slice %arg5[%mul3A_52] : memref<512xi32, #tpu.memory_space<vmem>> -> memref<8xi32, #tpu.memory_space<vmem>>
      %dma_start3A_54 = arith.constant 0 : i32
      %dma_start3A_55 = arith.constant 0 : i32
      %dma_start3A_56 = tpu.memref_slice %arg2[%dma_start3A_54, %dma_start3A_55] : memref<2048x3200xf32, #tpu.memory_space<hbm>> -> memref<2048x3200xf32, #tpu.memory_space<hbm>>
      tpu.enqueue_indirect_dma source(%dma_start3A_56 : memref<2048x3200xf32, #tpu.memory_space<hbm>>) target(%arg6 : memref<8x3200xf32, #tpu.memory_space<vmem>>) offsets(%dma_start3A_53 : memref<8xi32, #tpu.memory_space<vmem>>) semaphore(%arg9 : memref<!tpu.dma_semaphore, #tpu.memory_space<semaphore_mem>>)
      %dma_wait3A_57 = arith.constant 0 : i32
      %dma_wait3A_58 = tpu.memref_slice %arg5[%dma_wait3A_57] : memref<512xi32, #tpu.memory_space<vmem>> -> memref<8xi32, #tpu.memory_space<vmem>>
      %dma_wait3A_59 = arith.constant 0 : i32
      %dma_wait3A_60 = arith.constant 0 : i32
      %dma_wait3A_61 = tpu.memref_slice %arg2[%dma_wait3A_59, %dma_wait3A_60] : memref<2048x3200xf32, #tpu.memory_space<hbm>> -> memref<2048x3200xf32, #tpu.memory_space<hbm>>
      tpu.wait_indirect_dma semaphore(%arg10 : memref<!tpu.dma_semaphore, #tpu.memory_space<semaphore_mem>>) src(%dma_wait3A_61 : memref<2048x3200xf32, #tpu.memory_space<hbm>>) dst(%arg7 : memref<8x3200xf32, #tpu.memory_space<vmem>>)
      %scan3A_62 = arith.constant 0 : i32
      %scan3A_63 = arith.constant 0 : i32
      %scan3A_64 = arith.constant 200 : i32
      %scan3A_65 = arith.addi %scan3A_63, %scan3A_64 : i32
      %scan3A_66 = arith.constant 4 : i32
      scf.for %scan3A_229 = %scan3A_63 to %scan3A_65 step %scan3A_66  : i32 {
        %mul3A_230 = arith.constant 16 : i32
        %mul3A_231 = arith.muli %scan3A_229, %mul3A_230 : i32
        %get3A = arith.constant 0 : i32
        %get3A_232 = arith.index_cast %get3A : i32 to index
        %get3A_233 = arith.index_cast %mul3A_231 : i32 to index
        %get3A_234 = tpu.vector_load %arg7[%get3A_232, %get3A_233] {strides = array<i32>} : memref<8x3200xf32, #tpu.memory_space<vmem>>, vector<1x16xf32>,
        %get3A_235 = vector.shape_cast %get3A_234 : vector<1x16xf32> to vector<16xf32>
        %get3A_236 = arith.constant 1 : i32
        %get3A_237 = arith.index_cast %get3A_236 : i32 to index
        %get3A_238 = arith.index_cast %mul3A_231 : i32 to index
        %get3A_239 = tpu.vector_load %arg7[%get3A_237, %get3A_238] {strides = array<i32>} : memref<8x3200xf32, #tpu.memory_space<vmem>>, vector<1x16xf32>,
        %get3A_240 = vector.shape_cast %get3A_239 : vector<1x16xf32> to vector<16xf32>
        %add3A_241 = arith.addf %get3A_235, %get3A_240 : vector<16xf32>
        %get3A_242 = arith.constant 2 : i32
        %get3A_243 = arith.index_cast %get3A_242 : i32 to index
        %get3A_244 = arith.index_cast %mul3A_231 : i32 to index
        %get3A_245 = tpu.vector_load %arg7[%get3A_243, %get3A_244] {strides = array<i32>} : memref<8x3200xf32, #tpu.memory_space<vmem>>, vector<1x16xf32>,
        %get3A_246 = vector.shape_cast %get3A_245 : vector<1x16xf32> to vector<16xf32>
        %get3A_247 = arith.constant 3 : i32
        %get3A_248 = arith.index_cast %get3A_247 : i32 to index
        %get3A_249 = arith.index_cast %mul3A_231 : i32 to index
        %get3A_250 = tpu.vector_load %arg7[%get3A_248, %get3A_249] {strides = array<i32>} : memref<8x3200xf32, #tpu.memory_space<vmem>>, vector<1x16xf32>,
        %get3A_251 = vector.shape_cast %get3A_250 : vector<1x16xf32> to vector<16xf32>
        %add3A_252 = arith.addf %get3A_246, %get3A_251 : vector<16xf32>
        %get3A_253 = arith.constant 4 : i32
        %get3A_254 = arith.index_cast %get3A_253 : i32 to index
        %get3A_255 = arith.index_cast %mul3A_231 : i32 to index
        %get3A_256 = tpu.vector_load %arg7[%get3A_254, %get3A_255] {strides = array<i32>} : memref<8x3200xf32, #tpu.memory_space<vmem>>, vector<1x16xf32>,
        %get3A_257 = vector.shape_cast %get3A_256 : vector<1x16xf32> to vector<16xf32>
        %get3A_258 = arith.constant 5 : i32
        %get3A_259 = arith.index_cast %get3A_258 : i32 to index
        %get3A_260 = arith.index_cast %mul3A_231 : i32 to index
        %get3A_261 = tpu.vector_load %arg7[%get3A_259, %get3A_260] {strides = array<i32>} : memref<8x3200xf32, #tpu.memory_space<vmem>>, vector<1x16xf32>,
        %get3A_262 = vector.shape_cast %get3A_261 : vector<1x16xf32> to vector<16xf32>
        %add3A_263 = arith.addf %get3A_257, %get3A_262 : vector<16xf32>
        %get3A_264 = arith.constant 6 : i32
        %get3A_265 = arith.index_cast %get3A_264 : i32 to index
        %get3A_266 = arith.index_cast %mul3A_231 : i32 to index
        %get3A_267 = tpu.vector_load %arg7[%get3A_265, %get3A_266] {strides = array<i32>} : memref<8x3200xf32, #tpu.memory_space<vmem>>, vector<1x16xf32>,
        %get3A_268 = vector.shape_cast %get3A_267 : vector<1x16xf32> to vector<16xf32>
        %get3A_269 = arith.constant 7 : i32
        %get3A_270 = arith.index_cast %get3A_269 : i32 to index
        %get3A_271 = arith.index_cast %mul3A_231 : i32 to index
        %get3A_272 = tpu.vector_load %arg7[%get3A_270, %get3A_271] {strides = array<i32>} : memref<8x3200xf32, #tpu.memory_space<vmem>>, vector<1x16xf32>,
        %get3A_273 = vector.shape_cast %get3A_272 : vector<1x16xf32> to vector<16xf32>
        %add3A_274 = arith.addf %get3A_268, %get3A_273 : vector<16xf32>
        %add3A_275 = arith.addf %add3A_241, %add3A_252 : vector<16xf32>
        %add3A_276 = arith.addf %add3A_263, %add3A_274 : vector<16xf32>
        %add3A_277 = arith.addf %add3A_275, %add3A_276 : vector<16xf32>
        %swap3A = arith.constant 1 : i32
        %swap3A_278 = arith.index_cast %swap3A : i32 to index
        %swap3A_279 = arith.index_cast %mul3A_231 : i32 to index
        %swap3A_280 = tpu.vector_load %arg8[%swap3A_278, %swap3A_279] {strides = array<i32>} : memref<8x3200xf32, #tpu.memory_space<vmem>>, vector<1x16xf32>,
        %swap3A_281 = vector.shape_cast %swap3A_280 : vector<1x16xf32> to vector<16xf32>
        %swap3A_282 = vector.shape_cast %add3A_277 : vector<16xf32> to vector<1x16xf32>
        tpu.vector_store %arg8[%swap3A_278, %swap3A_279], %swap3A_282 {strides = array<i32>} : memref<8x3200xf32, #tpu.memory_space<vmem>>, vector<1x16xf32>,
        %scan3A_283 = arith.constant 1 : i32
        %scan3A_284 = arith.addi %scan3A_229, %scan3A_283 : i32
        %mul3A_285 = arith.constant 16 : i32
        %mul3A_286 = arith.muli %scan3A_284, %mul3A_285 : i32
        %get3A_287 = arith.constant 0 : i32
        %get3A_288 = arith.index_cast %get3A_287 : i32 to index
        %get3A_289 = arith.index_cast %mul3A_286 : i32 to index
        %get3A_290 = tpu.vector_load %arg7[%get3A_288, %get3A_289] {strides = array<i32>} : memref<8x3200xf32, #tpu.memory_space<vmem>>, vector<1x16xf32>,
        %get3A_291 = vector.shape_cast %get3A_290 : vector<1x16xf32> to vector<16xf32>
        %get3A_292 = arith.constant 1 : i32
        %get3A_293 = arith.index_cast %get3A_292 : i32 to index
        %get3A_294 = arith.index_cast %mul3A_286 : i32 to index
        %get3A_295 = tpu.vector_load %arg7[%get3A_293, %get3A_294] {strides = array<i32>} : memref<8x3200xf32, #tpu.memory_space<vmem>>, vector<1x16xf32>,
        %get3A_296 = vector.shape_cast %get3A_295 : vector<1x16xf32> to vector<16xf32>
        %add3A_297 = arith.addf %get3A_291, %get3A_296 : vector<16xf32>
        %get3A_298 = arith.constant 2 : i32
        %get3A_299 = arith.index_cast %get3A_298 : i32 to index
        %get3A_300 = arith.index_cast %mul3A_286 : i32 to index
        %get3A_301 = tpu.vector_load %arg7[%get3A_299, %get3A_300] {strides = array<i32>} : memref<8x3200xf32, #tpu.memory_space<vmem>>, vector<1x16xf32>,
        %get3A_302 = vector.shape_cast %get3A_301 : vector<1x16xf32> to vector<16xf32>
        %get3A_303 = arith.constant 3 : i32
        %get3A_304 = arith.index_cast %get3A_303 : i32 to index
        %get3A_305 = arith.index_cast %mul3A_286 : i32 to index
        %get3A_306 = tpu.vector_load %arg7[%get3A_304, %get3A_305] {strides = array<i32>} : memref<8x3200xf32, #tpu.memory_space<vmem>>, vector<1x16xf32>,
        %get3A_307 = vector.shape_cast %get3A_306 : vector<1x16xf32> to vector<16xf32>
        %add3A_308 = arith.addf %get3A_302, %get3A_307 : vector<16xf32>
        %get3A_309 = arith.constant 4 : i32
        %get3A_310 = arith.index_cast %get3A_309 : i32 to index
        %get3A_311 = arith.index_cast %mul3A_286 : i32 to index
        %get3A_312 = tpu.vector_load %arg7[%get3A_310, %get3A_311] {strides = array<i32>} : memref<8x3200xf32, #tpu.memory_space<vmem>>, vector<1x16xf32>,
        %get3A_313 = vector.shape_cast %get3A_312 : vector<1x16xf32> to vector<16xf32>
        %get3A_314 = arith.constant 5 : i32
        %get3A_315 = arith.index_cast %get3A_314 : i32 to index
        %get3A_316 = arith.index_cast %mul3A_286 : i32 to index
        %get3A_317 = tpu.vector_load %arg7[%get3A_315, %get3A_316] {strides = array<i32>} : memref<8x3200xf32, #tpu.memory_space<vmem>>, vector<1x16xf32>,
        %get3A_318 = vector.shape_cast %get3A_317 : vector<1x16xf32> to vector<16xf32>
        %add3A_319 = arith.addf %get3A_313, %get3A_318 : vector<16xf32>
        %get3A_320 = arith.constant 6 : i32
        %get3A_321 = arith.index_cast %get3A_320 : i32 to index
        %get3A_322 = arith.index_cast %mul3A_286 : i32 to index
        %get3A_323 = tpu.vector_load %arg7[%get3A_321, %get3A_322] {strides = array<i32>} : memref<8x3200xf32, #tpu.memory_space<vmem>>, vector<1x16xf32>,
        %get3A_324 = vector.shape_cast %get3A_323 : vector<1x16xf32> to vector<16xf32>
        %get3A_325 = arith.constant 7 : i32
        %get3A_326 = arith.index_cast %get3A_325 : i32 to index
        %get3A_327 = arith.index_cast %mul3A_286 : i32 to index
        %get3A_328 = tpu.vector_load %arg7[%get3A_326, %get3A_327] {strides = array<i32>} : memref<8x3200xf32, #tpu.memory_space<vmem>>, vector<1x16xf32>,
        %get3A_329 = vector.shape_cast %get3A_328 : vector<1x16xf32> to vector<16xf32>
        %add3A_330 = arith.addf %get3A_324, %get3A_329 : vector<16xf32>
        %add3A_331 = arith.addf %add3A_297, %add3A_308 : vector<16xf32>
        %add3A_332 = arith.addf %add3A_319, %add3A_330 : vector<16xf32>
        %add3A_333 = arith.addf %add3A_331, %add3A_332 : vector<16xf32>
        %swap3A_334 = arith.constant 1 : i32
        %swap3A_335 = arith.index_cast %swap3A_334 : i32 to index
        %swap3A_336 = arith.index_cast %mul3A_286 : i32 to index
        %swap3A_337 = tpu.vector_load %arg8[%swap3A_335, %swap3A_336] {strides = array<i32>} : memref<8x3200xf32, #tpu.memory_space<vmem>>, vector<1x16xf32>,
        %swap3A_338 = vector.shape_cast %swap3A_337 : vector<1x16xf32> to vector<16xf32>
        %swap3A_339 = vector.shape_cast %add3A_333 : vector<16xf32> to vector<1x16xf32>
        tpu.vector_store %arg8[%swap3A_335, %swap3A_336], %swap3A_339 {strides = array<i32>} : memref<8x3200xf32, #tpu.memory_space<vmem>>, vector<1x16xf32>,
        %scan3A_340 = arith.constant 2 : i32
        %scan3A_341 = arith.addi %scan3A_229, %scan3A_340 : i32
        %mul3A_342 = arith.constant 16 : i32
        %mul3A_343 = arith.muli %scan3A_341, %mul3A_342 : i32
        %get3A_344 = arith.constant 0 : i32
        %get3A_345 = arith.index_cast %get3A_344 : i32 to index
        %get3A_346 = arith.index_cast %mul3A_343 : i32 to index
        %get3A_347 = tpu.vector_load %arg7[%get3A_345, %get3A_346] {strides = array<i32>} : memref<8x3200xf32, #tpu.memory_space<vmem>>, vector<1x16xf32>,
        %get3A_348 = vector.shape_cast %get3A_347 : vector<1x16xf32> to vector<16xf32>
        %get3A_349 = arith.constant 1 : i32
        %get3A_350 = arith.index_cast %get3A_349 : i32 to index
        %get3A_351 = arith.index_cast %mul3A_343 : i32 to index
        %get3A_352 = tpu.vector_load %arg7[%get3A_350, %get3A_351] {strides = array<i32>} : memref<8x3200xf32, #tpu.memory_space<vmem>>, vector<1x16xf32>,
        %get3A_353 = vector.shape_cast %get3A_352 : vector<1x16xf32> to vector<16xf32>
        %add3A_354 = arith.addf %get3A_348, %get3A_353 : vector<16xf32>
        %get3A_355 = arith.constant 2 : i32
        %get3A_356 = arith.index_cast %get3A_355 : i32 to index
        %get3A_357 = arith.index_cast %mul3A_343 : i32 to index
        %get3A_358 = tpu.vector_load %arg7[%get3A_356, %get3A_357] {strides = array<i32>} : memref<8x3200xf32, #tpu.memory_space<vmem>>, vector<1x16xf32>,
        %get3A_359 = vector.shape_cast %get3A_358 : vector<1x16xf32> to vector<16xf32>
        %get3A_360 = arith.constant 3 : i32
        %get3A_361 = arith.index_cast %get3A_360 : i32 to index
        %get3A_362 = arith.index_cast %mul3A_343 : i32 to index
        %get3A_363 = tpu.vector_load %arg7[%get3A_361, %get3A_362] {strides = array<i32>} : memref<8x3200xf32, #tpu.memory_space<vmem>>, vector<1x16xf32>,
        %get3A_364 = vector.shape_cast %get3A_363 : vector<1x16xf32> to vector<16xf32>
        %add3A_365 = arith.addf %get3A_359, %get3A_364 : vector<16xf32>
        %get3A_366 = arith.constant 4 : i32
        %get3A_367 = arith.index_cast %get3A_366 : i32 to index
        %get3A_368 = arith.index_cast %mul3A_343 : i32 to index
        %get3A_369 = tpu.vector_load %arg7[%get3A_367, %get3A_368] {strides = array<i32>} : memref<8x3200xf32, #tpu.memory_space<vmem>>, vector<1x16xf32>,
        %get3A_370 = vector.shape_cast %get3A_369 : vector<1x16xf32> to vector<16xf32>
        %get3A_371 = arith.constant 5 : i32
        %get3A_372 = arith.index_cast %get3A_371 : i32 to index
        %get3A_373 = arith.index_cast %mul3A_343 : i32 to index
        %get3A_374 = tpu.vector_load %arg7[%get3A_372, %get3A_373] {strides = array<i32>} : memref<8x3200xf32, #tpu.memory_space<vmem>>, vector<1x16xf32>,
        %get3A_375 = vector.shape_cast %get3A_374 : vector<1x16xf32> to vector<16xf32>
        %add3A_376 = arith.addf %get3A_370, %get3A_375 : vector<16xf32>
        %get3A_377 = arith.constant 6 : i32
        %get3A_378 = arith.index_cast %get3A_377 : i32 to index
        %get3A_379 = arith.index_cast %mul3A_343 : i32 to index
        %get3A_380 = tpu.vector_load %arg7[%get3A_378, %get3A_379] {strides = array<i32>} : memref<8x3200xf32, #tpu.memory_space<vmem>>, vector<1x16xf32>,
        %get3A_381 = vector.shape_cast %get3A_380 : vector<1x16xf32> to vector<16xf32>
        %get3A_382 = arith.constant 7 : i32
        %get3A_383 = arith.index_cast %get3A_382 : i32 to index
        %get3A_384 = arith.index_cast %mul3A_343 : i32 to index
        %get3A_385 = tpu.vector_load %arg7[%get3A_383, %get3A_384] {strides = array<i32>} : memref<8x3200xf32, #tpu.memory_space<vmem>>, vector<1x16xf32>,
        %get3A_386 = vector.shape_cast %get3A_385 : vector<1x16xf32> to vector<16xf32>
        %add3A_387 = arith.addf %get3A_381, %get3A_386 : vector<16xf32>
        %add3A_388 = arith.addf %add3A_354, %add3A_365 : vector<16xf32>
        %add3A_389 = arith.addf %add3A_376, %add3A_387 : vector<16xf32>
        %add3A_390 = arith.addf %add3A_388, %add3A_389 : vector<16xf32>
        %swap3A_391 = arith.constant 1 : i32
        %swap3A_392 = arith.index_cast %swap3A_391 : i32 to index
        %swap3A_393 = arith.index_cast %mul3A_343 : i32 to index
        %swap3A_394 = tpu.vector_load %arg8[%swap3A_392, %swap3A_393] {strides = array<i32>} : memref<8x3200xf32, #tpu.memory_space<vmem>>, vector<1x16xf32>,
        %swap3A_395 = vector.shape_cast %swap3A_394 : vector<1x16xf32> to vector<16xf32>
        %swap3A_396 = vector.shape_cast %add3A_390 : vector<16xf32> to vector<1x16xf32>
        tpu.vector_store %arg8[%swap3A_392, %swap3A_393], %swap3A_396 {strides = array<i32>} : memref<8x3200xf32, #tpu.memory_space<vmem>>, vector<1x16xf32>,
        %scan3A_397 = arith.constant 3 : i32
        %scan3A_398 = arith.addi %scan3A_229, %scan3A_397 : i32
        %mul3A_399 = arith.constant 16 : i32
        %mul3A_400 = arith.muli %scan3A_398, %mul3A_399 : i32
        %get3A_401 = arith.constant 0 : i32
        %get3A_402 = arith.index_cast %get3A_401 : i32 to index
        %get3A_403 = arith.index_cast %mul3A_400 : i32 to index
        %get3A_404 = tpu.vector_load %arg7[%get3A_402, %get3A_403] {strides = array<i32>} : memref<8x3200xf32, #tpu.memory_space<vmem>>, vector<1x16xf32>,
        %get3A_405 = vector.shape_cast %get3A_404 : vector<1x16xf32> to vector<16xf32>
        %get3A_406 = arith.constant 1 : i32
        %get3A_407 = arith.index_cast %get3A_406 : i32 to index
        %get3A_408 = arith.index_cast %mul3A_400 : i32 to index
        %get3A_409 = tpu.vector_load %arg7[%get3A_407, %get3A_408] {strides = array<i32>} : memref<8x3200xf32, #tpu.memory_space<vmem>>, vector<1x16xf32>,
        %get3A_410 = vector.shape_cast %get3A_409 : vector<1x16xf32> to vector<16xf32>
        %add3A_411 = arith.addf %get3A_405, %get3A_410 : vector<16xf32>
        %get3A_412 = arith.constant 2 : i32
        %get3A_413 = arith.index_cast %get3A_412 : i32 to index
        %get3A_414 = arith.index_cast %mul3A_400 : i32 to index
        %get3A_415 = tpu.vector_load %arg7[%get3A_413, %get3A_414] {strides = array<i32>} : memref<8x3200xf32, #tpu.memory_space<vmem>>, vector<1x16xf32>,
        %get3A_416 = vector.shape_cast %get3A_415 : vector<1x16xf32> to vector<16xf32>
        %get3A_417 = arith.constant 3 : i32
        %get3A_418 = arith.index_cast %get3A_417 : i32 to index
        %get3A_419 = arith.index_cast %mul3A_400 : i32 to index
        %get3A_420 = tpu.vector_load %arg7[%get3A_418, %get3A_419] {strides = array<i32>} : memref<8x3200xf32, #tpu.memory_space<vmem>>, vector<1x16xf32>,
        %get3A_421 = vector.shape_cast %get3A_420 : vector<1x16xf32> to vector<16xf32>
        %add3A_422 = arith.addf %get3A_416, %get3A_421 : vector<16xf32>
        %get3A_423 = arith.constant 4 : i32
        %get3A_424 = arith.index_cast %get3A_423 : i32 to index
        %get3A_425 = arith.index_cast %mul3A_400 : i32 to index
        %get3A_426 = tpu.vector_load %arg7[%get3A_424, %get3A_425] {strides = array<i32>} : memref<8x3200xf32, #tpu.memory_space<vmem>>, vector<1x16xf32>,
        %get3A_427 = vector.shape_cast %get3A_426 : vector<1x16xf32> to vector<16xf32>
        %get3A_428 = arith.constant 5 : i32
        %get3A_429 = arith.index_cast %get3A_428 : i32 to index
        %get3A_430 = arith.index_cast %mul3A_400 : i32 to index
        %get3A_431 = tpu.vector_load %arg7[%get3A_429, %get3A_430] {strides = array<i32>} : memref<8x3200xf32, #tpu.memory_space<vmem>>, vector<1x16xf32>,
        %get3A_432 = vector.shape_cast %get3A_431 : vector<1x16xf32> to vector<16xf32>
        %add3A_433 = arith.addf %get3A_427, %get3A_432 : vector<16xf32>
        %get3A_434 = arith.constant 6 : i32
        %get3A_435 = arith.index_cast %get3A_434 : i32 to index
        %get3A_436 = arith.index_cast %mul3A_400 : i32 to index
        %get3A_437 = tpu.vector_load %arg7[%get3A_435, %get3A_436] {strides = array<i32>} : memref<8x3200xf32, #tpu.memory_space<vmem>>, vector<1x16xf32>,
        %get3A_438 = vector.shape_cast %get3A_437 : vector<1x16xf32> to vector<16xf32>
        %get3A_439 = arith.constant 7 : i32
        %get3A_440 = arith.index_cast %get3A_439 : i32 to index
        %get3A_441 = arith.index_cast %mul3A_400 : i32 to index
        %get3A_442 = tpu.vector_load %arg7[%get3A_440, %get3A_441] {strides = array<i32>} : memref<8x3200xf32, #tpu.memory_space<vmem>>, vector<1x16xf32>,
        %get3A_443 = vector.shape_cast %get3A_442 : vector<1x16xf32> to vector<16xf32>
        %add3A_444 = arith.addf %get3A_438, %get3A_443 : vector<16xf32>
        %add3A_445 = arith.addf %add3A_411, %add3A_422 : vector<16xf32>
        %add3A_446 = arith.addf %add3A_433, %add3A_444 : vector<16xf32>
        %add3A_447 = arith.addf %add3A_445, %add3A_446 : vector<16xf32>
        %swap3A_448 = arith.constant 1 : i32
        %swap3A_449 = arith.index_cast %swap3A_448 : i32 to index
        %swap3A_450 = arith.index_cast %mul3A_400 : i32 to index
        %swap3A_451 = tpu.vector_load %arg8[%swap3A_449, %swap3A_450] {strides = array<i32>} : memref<8x3200xf32, #tpu.memory_space<vmem>>, vector<1x16xf32>,
        %swap3A_452 = vector.shape_cast %swap3A_451 : vector<1x16xf32> to vector<16xf32>
        %swap3A_453 = vector.shape_cast %add3A_447 : vector<16xf32> to vector<1x16xf32>
        tpu.vector_store %arg8[%swap3A_449, %swap3A_450], %swap3A_453 {strides = array<i32>} : memref<8x3200xf32, #tpu.memory_space<vmem>>, vector<1x16xf32>,
      }
      %scan3A_67 = arith.constant 200 : i32
      %mul3A_68 = arith.constant 8 : i32
      %mul3A_69 = arith.muli %scan3A_18, %mul3A_68 : i32
      %add3A_70 = arith.constant 2 : i32
      %add3A_71 = arith.addi %mul3A_69, %add3A_70 : i32
      %add3A_72 = arith.constant 1 : i32
      %add3A_73 = arith.addi %add3A_71, %add3A_72 : i32
      %rem3A_74 = arith.constant 64 : i32
      %rem3A_75 = arith.remsi %add3A_73, %rem3A_74 : i32
      %mul3A_76 = arith.constant 8 : i32
      %mul3A_77 = arith.muli %rem3A_75, %mul3A_76 : i32
      %dma_start3A_78 = tpu.memref_slice %arg5[%mul3A_77] : memref<512xi32, #tpu.memory_space<vmem>> -> memref<8xi32, #tpu.memory_space<vmem>>
      %dma_start3A_79 = arith.constant 0 : i32
      %dma_start3A_80 = arith.constant 0 : i32
      %dma_start3A_81 = tpu.memref_slice %arg2[%dma_start3A_79, %dma_start3A_80] : memref<2048x3200xf32, #tpu.memory_space<hbm>> -> memref<2048x3200xf32, #tpu.memory_space<hbm>>
      tpu.enqueue_indirect_dma source(%dma_start3A_81 : memref<2048x3200xf32, #tpu.memory_space<hbm>>) target(%arg7 : memref<8x3200xf32, #tpu.memory_space<vmem>>) offsets(%dma_start3A_78 : memref<8xi32, #tpu.memory_space<vmem>>) semaphore(%arg10 : memref<!tpu.dma_semaphore, #tpu.memory_space<semaphore_mem>>)
      %dma_wait3A_82 = arith.constant 0 : i32
      %dma_wait3A_83 = tpu.memref_slice %arg5[%dma_wait3A_82] : memref<512xi32, #tpu.memory_space<vmem>> -> memref<8xi32, #tpu.memory_space<vmem>>
      %dma_wait3A_84 = arith.constant 0 : i32
      %dma_wait3A_85 = arith.constant 0 : i32
      %dma_wait3A_86 = tpu.memref_slice %arg2[%dma_wait3A_84, %dma_wait3A_85] : memref<2048x3200xf32, #tpu.memory_space<hbm>> -> memref<2048x3200xf32, #tpu.memory_space<hbm>>
      tpu.wait_indirect_dma semaphore(%arg9 : memref<!tpu.dma_semaphore, #tpu.memory_space<semaphore_mem>>) src(%dma_wait3A_86 : memref<2048x3200xf32, #tpu.memory_space<hbm>>) dst(%arg6 : memref<8x3200xf32, #tpu.memory_space<vmem>>)
      %scan3A_87 = arith.constant 0 : i32
      %scan3A_88 = arith.constant 0 : i32
      %scan3A_89 = arith.constant 200 : i32
      %scan3A_90 = arith.addi %scan3A_88, %scan3A_89 : i32
      %scan3A_91 = arith.constant 4 : i32
      scf.for %scan3A_229 = %scan3A_88 to %scan3A_90 step %scan3A_91  : i32 {
        %mul3A_230 = arith.constant 16 : i32
        %mul3A_231 = arith.muli %scan3A_229, %mul3A_230 : i32
        %get3A = arith.constant 0 : i32
        %get3A_232 = arith.index_cast %get3A : i32 to index
        %get3A_233 = arith.index_cast %mul3A_231 : i32 to index
        %get3A_234 = tpu.vector_load %arg6[%get3A_232, %get3A_233] {strides = array<i32>} : memref<8x3200xf32, #tpu.memory_space<vmem>>, vector<1x16xf32>,
        %get3A_235 = vector.shape_cast %get3A_234 : vector<1x16xf32> to vector<16xf32>
        %get3A_236 = arith.constant 1 : i32
        %get3A_237 = arith.index_cast %get3A_236 : i32 to index
        %get3A_238 = arith.index_cast %mul3A_231 : i32 to index
        %get3A_239 = tpu.vector_load %arg6[%get3A_237, %get3A_238] {strides = array<i32>} : memref<8x3200xf32, #tpu.memory_space<vmem>>, vector<1x16xf32>,
        %get3A_240 = vector.shape_cast %get3A_239 : vector<1x16xf32> to vector<16xf32>
        %add3A_241 = arith.addf %get3A_235, %get3A_240 : vector<16xf32>
        %get3A_242 = arith.constant 2 : i32
        %get3A_243 = arith.index_cast %get3A_242 : i32 to index
        %get3A_244 = arith.index_cast %mul3A_231 : i32 to index
        %get3A_245 = tpu.vector_load %arg6[%get3A_243, %get3A_244] {strides = array<i32>} : memref<8x3200xf32, #tpu.memory_space<vmem>>, vector<1x16xf32>,
        %get3A_246 = vector.shape_cast %get3A_245 : vector<1x16xf32> to vector<16xf32>
        %get3A_247 = arith.constant 3 : i32
        %get3A_248 = arith.index_cast %get3A_247 : i32 to index
        %get3A_249 = arith.index_cast %mul3A_231 : i32 to index
        %get3A_250 = tpu.vector_load %arg6[%get3A_248, %get3A_249] {strides = array<i32>} : memref<8x3200xf32, #tpu.memory_space<vmem>>, vector<1x16xf32>,
        %get3A_251 = vector.shape_cast %get3A_250 : vector<1x16xf32> to vector<16xf32>
        %add3A_252 = arith.addf %get3A_246, %get3A_251 : vector<16xf32>
        %get3A_253 = arith.constant 4 : i32
        %get3A_254 = arith.index_cast %get3A_253 : i32 to index
        %get3A_255 = arith.index_cast %mul3A_231 : i32 to index
        %get3A_256 = tpu.vector_load %arg6[%get3A_254, %get3A_255] {strides = array<i32>} : memref<8x3200xf32, #tpu.memory_space<vmem>>, vector<1x16xf32>,
        %get3A_257 = vector.shape_cast %get3A_256 : vector<1x16xf32> to vector<16xf32>
        %get3A_258 = arith.constant 5 : i32
        %get3A_259 = arith.index_cast %get3A_258 : i32 to index
        %get3A_260 = arith.index_cast %mul3A_231 : i32 to index
        %get3A_261 = tpu.vector_load %arg6[%get3A_259, %get3A_260] {strides = array<i32>} : memref<8x3200xf32, #tpu.memory_space<vmem>>, vector<1x16xf32>,
        %get3A_262 = vector.shape_cast %get3A_261 : vector<1x16xf32> to vector<16xf32>
        %add3A_263 = arith.addf %get3A_257, %get3A_262 : vector<16xf32>
        %get3A_264 = arith.constant 6 : i32
        %get3A_265 = arith.index_cast %get3A_264 : i32 to index
        %get3A_266 = arith.index_cast %mul3A_231 : i32 to index
        %get3A_267 = tpu.vector_load %arg6[%get3A_265, %get3A_266] {strides = array<i32>} : memref<8x3200xf32, #tpu.memory_space<vmem>>, vector<1x16xf32>,
        %get3A_268 = vector.shape_cast %get3A_267 : vector<1x16xf32> to vector<16xf32>
        %get3A_269 = arith.constant 7 : i32
        %get3A_270 = arith.index_cast %get3A_269 : i32 to index
        %get3A_271 = arith.index_cast %mul3A_231 : i32 to index
        %get3A_272 = tpu.vector_load %arg6[%get3A_270, %get3A_271] {strides = array<i32>} : memref<8x3200xf32, #tpu.memory_space<vmem>>, vector<1x16xf32>,
        %get3A_273 = vector.shape_cast %get3A_272 : vector<1x16xf32> to vector<16xf32>
        %add3A_274 = arith.addf %get3A_268, %get3A_273 : vector<16xf32>
        %add3A_275 = arith.addf %add3A_241, %add3A_252 : vector<16xf32>
        %add3A_276 = arith.addf %add3A_263, %add3A_274 : vector<16xf32>
        %add3A_277 = arith.addf %add3A_275, %add3A_276 : vector<16xf32>
        %swap3A = arith.constant 2 : i32
        %swap3A_278 = arith.index_cast %swap3A : i32 to index
        %swap3A_279 = arith.index_cast %mul3A_231 : i32 to index
        %swap3A_280 = tpu.vector_load %arg8[%swap3A_278, %swap3A_279] {strides = array<i32>} : memref<8x3200xf32, #tpu.memory_space<vmem>>, vector<1x16xf32>,
        %swap3A_281 = vector.shape_cast %swap3A_280 : vector<1x16xf32> to vector<16xf32>
        %swap3A_282 = vector.shape_cast %add3A_277 : vector<16xf32> to vector<1x16xf32>
        tpu.vector_store %arg8[%swap3A_278, %swap3A_279], %swap3A_282 {strides = array<i32>} : memref<8x3200xf32, #tpu.memory_space<vmem>>, vector<1x16xf32>,
        %scan3A_283 = arith.constant 1 : i32
        %scan3A_284 = arith.addi %scan3A_229, %scan3A_283 : i32
        %mul3A_285 = arith.constant 16 : i32
        %mul3A_286 = arith.muli %scan3A_284, %mul3A_285 : i32
        %get3A_287 = arith.constant 0 : i32
        %get3A_288 = arith.index_cast %get3A_287 : i32 to index
        %get3A_289 = arith.index_cast %mul3A_286 : i32 to index
        %get3A_290 = tpu.vector_load %arg6[%get3A_288, %get3A_289] {strides = array<i32>} : memref<8x3200xf32, #tpu.memory_space<vmem>>, vector<1x16xf32>,
        %get3A_291 = vector.shape_cast %get3A_290 : vector<1x16xf32> to vector<16xf32>
        %get3A_292 = arith.constant 1 : i32
        %get3A_293 = arith.index_cast %get3A_292 : i32 to index
        %get3A_294 = arith.index_cast %mul3A_286 : i32 to index
        %get3A_295 = tpu.vector_load %arg6[%get3A_293, %get3A_294] {strides = array<i32>} : memref<8x3200xf32, #tpu.memory_space<vmem>>, vector<1x16xf32>,
        %get3A_296 = vector.shape_cast %get3A_295 : vector<1x16xf32> to vector<16xf32>
        %add3A_297 = arith.addf %get3A_291, %get3A_296 : vector<16xf32>
        %get3A_298 = arith.constant 2 : i32
        %get3A_299 = arith.index_cast %get3A_298 : i32 to index
        %get3A_300 = arith.index_cast %mul3A_286 : i32 to index
        %get3A_301 = tpu.vector_load %arg6[%get3A_299, %get3A_300] {strides = array<i32>} : memref<8x3200xf32, #tpu.memory_space<vmem>>, vector<1x16xf32>,
        %get3A_302 = vector.shape_cast %get3A_301 : vector<1x16xf32> to vector<16xf32>
        %get3A_303 = arith.constant 3 : i32
        %get3A_304 = arith.index_cast %get3A_303 : i32 to index
        %get3A_305 = arith.index_cast %mul3A_286 : i32 to index
        %get3A_306 = tpu.vector_load %arg6[%get3A_304, %get3A_305] {strides = array<i32>} : memref<8x3200xf32, #tpu.memory_space<vmem>>, vector<1x16xf32>,
        %get3A_307 = vector.shape_cast %get3A_306 : vector<1x16xf32> to vector<16xf32>
        %add3A_308 = arith.addf %get3A_302, %get3A_307 : vector<16xf32>
        %get3A_309 = arith.constant 4 : i32
        %get3A_310 = arith.index_cast %get3A_309 : i32 to index
        %get3A_311 = arith.index_cast %mul3A_286 : i32 to index
        %get3A_312 = tpu.vector_load %arg6[%get3A_310, %get3A_311] {strides = array<i32>} : memref<8x3200xf32, #tpu.memory_space<vmem>>, vector<1x16xf32>,
        %get3A_313 = vector.shape_cast %get3A_312 : vector<1x16xf32> to vector<16xf32>
        %get3A_314 = arith.constant 5 : i32
        %get3A_315 = arith.index_cast %get3A_314 : i32 to index
        %get3A_316 = arith.index_cast %mul3A_286 : i32 to index
        %get3A_317 = tpu.vector_load %arg6[%get3A_315, %get3A_316] {strides = array<i32>} : memref<8x3200xf32, #tpu.memory_space<vmem>>, vector<1x16xf32>,
        %get3A_318 = vector.shape_cast %get3A_317 : vector<1x16xf32> to vector<16xf32>
        %add3A_319 = arith.addf %get3A_313, %get3A_318 : vector<16xf32>
        %get3A_320 = arith.constant 6 : i32
        %get3A_321 = arith.index_cast %get3A_320 : i32 to index
        %get3A_322 = arith.index_cast %mul3A_286 : i32 to index
        %get3A_323 = tpu.vector_load %arg6[%get3A_321, %get3A_322] {strides = array<i32>} : memref<8x3200xf32, #tpu.memory_space<vmem>>, vector<1x16xf32>,
        %get3A_324 = vector.shape_cast %get3A_323 : vector<1x16xf32> to vector<16xf32>
        %get3A_325 = arith.constant 7 : i32
        %get3A_326 = arith.index_cast %get3A_325 : i32 to index
        %get3A_327 = arith.index_cast %mul3A_286 : i32 to index
        %get3A_328 = tpu.vector_load %arg6[%get3A_326, %get3A_327] {strides = array<i32>} : memref<8x3200xf32, #tpu.memory_space<vmem>>, vector<1x16xf32>,
        %get3A_329 = vector.shape_cast %get3A_328 : vector<1x16xf32> to vector<16xf32>
        %add3A_330 = arith.addf %get3A_324, %get3A_329 : vector<16xf32>
        %add3A_331 = arith.addf %add3A_297, %add3A_308 : vector<16xf32>
        %add3A_332 = arith.addf %add3A_319, %add3A_330 : vector<16xf32>
        %add3A_333 = arith.addf %add3A_331, %add3A_332 : vector<16xf32>
        %swap3A_334 = arith.constant 2 : i32
        %swap3A_335 = arith.index_cast %swap3A_334 : i32 to index
        %swap3A_336 = arith.index_cast %mul3A_286 : i32 to index
        %swap3A_337 = tpu.vector_load %arg8[%swap3A_335, %swap3A_336] {strides = array<i32>} : memref<8x3200xf32, #tpu.memory_space<vmem>>, vector<1x16xf32>,
        %swap3A_338 = vector.shape_cast %swap3A_337 : vector<1x16xf32> to vector<16xf32>
        %swap3A_339 = vector.shape_cast %add3A_333 : vector<16xf32> to vector<1x16xf32>
        tpu.vector_store %arg8[%swap3A_335, %swap3A_336], %swap3A_339 {strides = array<i32>} : memref<8x3200xf32, #tpu.memory_space<vmem>>, vector<1x16xf32>,
        %scan3A_340 = arith.constant 2 : i32
        %scan3A_341 = arith.addi %scan3A_229, %scan3A_340 : i32
        %mul3A_342 = arith.constant 16 : i32
        %mul3A_343 = arith.muli %scan3A_341, %mul3A_342 : i32
        %get3A_344 = arith.constant 0 : i32
        %get3A_345 = arith.index_cast %get3A_344 : i32 to index
        %get3A_346 = arith.index_cast %mul3A_343 : i32 to index
        %get3A_347 = tpu.vector_load %arg6[%get3A_345, %get3A_346] {strides = array<i32>} : memref<8x3200xf32, #tpu.memory_space<vmem>>, vector<1x16xf32>,
        %get3A_348 = vector.shape_cast %get3A_347 : vector<1x16xf32> to vector<16xf32>
        %get3A_349 = arith.constant 1 : i32
        %get3A_350 = arith.index_cast %get3A_349 : i32 to index
        %get3A_351 = arith.index_cast %mul3A_343 : i32 to index
        %get3A_352 = tpu.vector_load %arg6[%get3A_350, %get3A_351] {strides = array<i32>} : memref<8x3200xf32, #tpu.memory_space<vmem>>, vector<1x16xf32>,
        %get3A_353 = vector.shape_cast %get3A_352 : vector<1x16xf32> to vector<16xf32>
        %add3A_354 = arith.addf %get3A_348, %get3A_353 : vector<16xf32>
        %get3A_355 = arith.constant 2 : i32
        %get3A_356 = arith.index_cast %get3A_355 : i32 to index
        %get3A_357 = arith.index_cast %mul3A_343 : i32 to index
        %get3A_358 = tpu.vector_load %arg6[%get3A_356, %get3A_357] {strides = array<i32>} : memref<8x3200xf32, #tpu.memory_space<vmem>>, vector<1x16xf32>,
        %get3A_359 = vector.shape_cast %get3A_358 : vector<1x16xf32> to vector<16xf32>
        %get3A_360 = arith.constant 3 : i32
        %get3A_361 = arith.index_cast %get3A_360 : i32 to index
        %get3A_362 = arith.index_cast %mul3A_343 : i32 to index
        %get3A_363 = tpu.vector_load %arg6[%get3A_361, %get3A_362] {strides = array<i32>} : memref<8x3200xf32, #tpu.memory_space<vmem>>, vector<1x16xf32>,
        %get3A_364 = vector.shape_cast %get3A_363 : vector<1x16xf32> to vector<16xf32>
        %add3A_365 = arith.addf %get3A_359, %get3A_364 : vector<16xf32>
        %get3A_366 = arith.constant 4 : i32
        %get3A_367 = arith.index_cast %get3A_366 : i32 to index
        %get3A_368 = arith.index_cast %mul3A_343 : i32 to index
        %get3A_369 = tpu.vector_load %arg6[%get3A_367, %get3A_368] {strides = array<i32>} : memref<8x3200xf32, #tpu.memory_space<vmem>>, vector<1x16xf32>,
        %get3A_370 = vector.shape_cast %get3A_369 : vector<1x16xf32> to vector<16xf32>
        %get3A_371 = arith.constant 5 : i32
        %get3A_372 = arith.index_cast %get3A_371 : i32 to index
        %get3A_373 = arith.index_cast %mul3A_343 : i32 to index
        %get3A_374 = tpu.vector_load %arg6[%get3A_372, %get3A_373] {strides = array<i32>} : memref<8x3200xf32, #tpu.memory_space<vmem>>, vector<1x16xf32>,
        %get3A_375 = vector.shape_cast %get3A_374 : vector<1x16xf32> to vector<16xf32>
        %add3A_376 = arith.addf %get3A_370, %get3A_375 : vector<16xf32>
        %get3A_377 = arith.constant 6 : i32
        %get3A_378 = arith.index_cast %get3A_377 : i32 to index
        %get3A_379 = arith.index_cast %mul3A_343 : i32 to index
        %get3A_380 = tpu.vector_load %arg6[%get3A_378, %get3A_379] {strides = array<i32>} : memref<8x3200xf32, #tpu.memory_space<vmem>>, vector<1x16xf32>,
        %get3A_381 = vector.shape_cast %get3A_380 : vector<1x16xf32> to vector<16xf32>
        %get3A_382 = arith.constant 7 : i32
        %get3A_383 = arith.index_cast %get3A_382 : i32 to index
        %get3A_384 = arith.index_cast %mul3A_343 : i32 to index
        %get3A_385 = tpu.vector_load %arg6[%get3A_383, %get3A_384] {strides = array<i32>} : memref<8x3200xf32, #tpu.memory_space<vmem>>, vector<1x16xf32>,
        %get3A_386 = vector.shape_cast %get3A_385 : vector<1x16xf32> to vector<16xf32>
        %add3A_387 = arith.addf %get3A_381, %get3A_386 : vector<16xf32>
        %add3A_388 = arith.addf %add3A_354, %add3A_365 : vector<16xf32>
        %add3A_389 = arith.addf %add3A_376, %add3A_387 : vector<16xf32>
        %add3A_390 = arith.addf %add3A_388, %add3A_389 : vector<16xf32>
        %swap3A_391 = arith.constant 2 : i32
        %swap3A_392 = arith.index_cast %swap3A_391 : i32 to index
        %swap3A_393 = arith.index_cast %mul3A_343 : i32 to index
        %swap3A_394 = tpu.vector_load %arg8[%swap3A_392, %swap3A_393] {strides = array<i32>} : memref<8x3200xf32, #tpu.memory_space<vmem>>, vector<1x16xf32>,
        %swap3A_395 = vector.shape_cast %swap3A_394 : vector<1x16xf32> to vector<16xf32>
        %swap3A_396 = vector.shape_cast %add3A_390 : vector<16xf32> to vector<1x16xf32>
        tpu.vector_store %arg8[%swap3A_392, %swap3A_393], %swap3A_396 {strides = array<i32>} : memref<8x3200xf32, #tpu.memory_space<vmem>>, vector<1x16xf32>,
        %scan3A_397 = arith.constant 3 : i32
        %scan3A_398 = arith.addi %scan3A_229, %scan3A_397 : i32
        %mul3A_399 = arith.constant 16 : i32
        %mul3A_400 = arith.muli %scan3A_398, %mul3A_399 : i32
        %get3A_401 = arith.constant 0 : i32
        %get3A_402 = arith.index_cast %get3A_401 : i32 to index
        %get3A_403 = arith.index_cast %mul3A_400 : i32 to index
        %get3A_404 = tpu.vector_load %arg6[%get3A_402, %get3A_403] {strides = array<i32>} : memref<8x3200xf32, #tpu.memory_space<vmem>>, vector<1x16xf32>,
        %get3A_405 = vector.shape_cast %get3A_404 : vector<1x16xf32> to vector<16xf32>
        %get3A_406 = arith.constant 1 : i32
        %get3A_407 = arith.index_cast %get3A_406 : i32 to index
        %get3A_408 = arith.index_cast %mul3A_400 : i32 to index
        %get3A_409 = tpu.vector_load %arg6[%get3A_407, %get3A_408] {strides = array<i32>} : memref<8x3200xf32, #tpu.memory_space<vmem>>, vector<1x16xf32>,
        %get3A_410 = vector.shape_cast %get3A_409 : vector<1x16xf32> to vector<16xf32>
        %add3A_411 = arith.addf %get3A_405, %get3A_410 : vector<16xf32>
        %get3A_412 = arith.constant 2 : i32
        %get3A_413 = arith.index_cast %get3A_412 : i32 to index
        %get3A_414 = arith.index_cast %mul3A_400 : i32 to index
        %get3A_415 = tpu.vector_load %arg6[%get3A_413, %get3A_414] {strides = array<i32>} : memref<8x3200xf32, #tpu.memory_space<vmem>>, vector<1x16xf32>,
        %get3A_416 = vector.shape_cast %get3A_415 : vector<1x16xf32> to vector<16xf32>
        %get3A_417 = arith.constant 3 : i32
        %get3A_418 = arith.index_cast %get3A_417 : i32 to index
        %get3A_419 = arith.index_cast %mul3A_400 : i32 to index
        %get3A_420 = tpu.vector_load %arg6[%get3A_418, %get3A_419] {strides = array<i32>} : memref<8x3200xf32, #tpu.memory_space<vmem>>, vector<1x16xf32>,
        %get3A_421 = vector.shape_cast %get3A_420 : vector<1x16xf32> to vector<16xf32>
        %add3A_422 = arith.addf %get3A_416, %get3A_421 : vector<16xf32>
        %get3A_423 = arith.constant 4 : i32
        %get3A_424 = arith.index_cast %get3A_423 : i32 to index
        %get3A_425 = arith.index_cast %mul3A_400 : i32 to index
        %get3A_426 = tpu.vector_load %arg6[%get3A_424, %get3A_425] {strides = array<i32>} : memref<8x3200xf32, #tpu.memory_space<vmem>>, vector<1x16xf32>,
        %get3A_427 = vector.shape_cast %get3A_426 : vector<1x16xf32> to vector<16xf32>
        %get3A_428 = arith.constant 5 : i32
        %get3A_429 = arith.index_cast %get3A_428 : i32 to index
        %get3A_430 = arith.index_cast %mul3A_400 : i32 to index
        %get3A_431 = tpu.vector_load %arg6[%get3A_429, %get3A_430] {strides = array<i32>} : memref<8x3200xf32, #tpu.memory_space<vmem>>, vector<1x16xf32>,
        %get3A_432 = vector.shape_cast %get3A_431 : vector<1x16xf32> to vector<16xf32>
        %add3A_433 = arith.addf %get3A_427, %get3A_432 : vector<16xf32>
        %get3A_434 = arith.constant 6 : i32
        %get3A_435 = arith.index_cast %get3A_434 : i32 to index
        %get3A_436 = arith.index_cast %mul3A_400 : i32 to index
        %get3A_437 = tpu.vector_load %arg6[%get3A_435, %get3A_436] {strides = array<i32>} : memref<8x3200xf32, #tpu.memory_space<vmem>>, vector<1x16xf32>,
        %get3A_438 = vector.shape_cast %get3A_437 : vector<1x16xf32> to vector<16xf32>
        %get3A_439 = arith.constant 7 : i32
        %get3A_440 = arith.index_cast %get3A_439 : i32 to index
        %get3A_441 = arith.index_cast %mul3A_400 : i32 to index
        %get3A_442 = tpu.vector_load %arg6[%get3A_440, %get3A_441] {strides = array<i32>} : memref<8x3200xf32, #tpu.memory_space<vmem>>, vector<1x16xf32>,
        %get3A_443 = vector.shape_cast %get3A_442 : vector<1x16xf32> to vector<16xf32>
        %add3A_444 = arith.addf %get3A_438, %get3A_443 : vector<16xf32>
        %add3A_445 = arith.addf %add3A_411, %add3A_422 : vector<16xf32>
        %add3A_446 = arith.addf %add3A_433, %add3A_444 : vector<16xf32>
        %add3A_447 = arith.addf %add3A_445, %add3A_446 : vector<16xf32>
        %swap3A_448 = arith.constant 2 : i32
        %swap3A_449 = arith.index_cast %swap3A_448 : i32 to index
        %swap3A_450 = arith.index_cast %mul3A_400 : i32 to index
        %swap3A_451 = tpu.vector_load %arg8[%swap3A_449, %swap3A_450] {strides = array<i32>} : memref<8x3200xf32, #tpu.memory_space<vmem>>, vector<1x16xf32>,
        %swap3A_452 = vector.shape_cast %swap3A_451 : vector<1x16xf32> to vector<16xf32>
        %swap3A_453 = vector.shape_cast %add3A_447 : vector<16xf32> to vector<1x16xf32>
        tpu.vector_store %arg8[%swap3A_449, %swap3A_450], %swap3A_453 {strides = array<i32>} : memref<8x3200xf32, #tpu.memory_space<vmem>>, vector<1x16xf32>,
      }
      %scan3A_92 = arith.constant 200 : i32
      %mul3A_93 = arith.constant 8 : i32
      %mul3A_94 = arith.muli %scan3A_18, %mul3A_93 : i32
      %add3A_95 = arith.constant 3 : i32
      %add3A_96 = arith.addi %mul3A_94, %add3A_95 : i32
      %add3A_97 = arith.constant 1 : i32
      %add3A_98 = arith.addi %add3A_96, %add3A_97 : i32
      %rem3A_99 = arith.constant 64 : i32
      %rem3A_100 = arith.remsi %add3A_98, %rem3A_99 : i32
      %mul3A_101 = arith.constant 8 : i32
      %mul3A_102 = arith.muli %rem3A_100, %mul3A_101 : i32
      %dma_start3A_103 = tpu.memref_slice %arg5[%mul3A_102] : memref<512xi32, #tpu.memory_space<vmem>> -> memref<8xi32, #tpu.memory_space<vmem>>
      %dma_start3A_104 = arith.constant 0 : i32
      %dma_start3A_105 = arith.constant 0 : i32
      %dma_start3A_106 = tpu.memref_slice %arg2[%dma_start3A_104, %dma_start3A_105] : memref<2048x3200xf32, #tpu.memory_space<hbm>> -> memref<2048x3200xf32, #tpu.memory_space<hbm>>
      tpu.enqueue_indirect_dma source(%dma_start3A_106 : memref<2048x3200xf32, #tpu.memory_space<hbm>>) target(%arg6 : memref<8x3200xf32, #tpu.memory_space<vmem>>) offsets(%dma_start3A_103 : memref<8xi32, #tpu.memory_space<vmem>>) semaphore(%arg9 : memref<!tpu.dma_semaphore, #tpu.memory_space<semaphore_mem>>)
      %dma_wait3A_107 = arith.constant 0 : i32
      %dma_wait3A_108 = tpu.memref_slice %arg5[%dma_wait3A_107] : memref<512xi32, #tpu.memory_space<vmem>> -> memref<8xi32, #tpu.memory_space<vmem>>
      %dma_wait3A_109 = arith.constant 0 : i32
      %dma_wait3A_110 = arith.constant 0 : i32
      %dma_wait3A_111 = tpu.memref_slice %arg2[%dma_wait3A_109, %dma_wait3A_110] : memref<2048x3200xf32, #tpu.memory_space<hbm>> -> memref<2048x3200xf32, #tpu.memory_space<hbm>>
      tpu.wait_indirect_dma semaphore(%arg10 : memref<!tpu.dma_semaphore, #tpu.memory_space<semaphore_mem>>) src(%dma_wait3A_111 : memref<2048x3200xf32, #tpu.memory_space<hbm>>) dst(%arg7 : memref<8x3200xf32, #tpu.memory_space<vmem>>)
      %scan3A_112 = arith.constant 0 : i32
      %scan3A_113 = arith.constant 0 : i32
      %scan3A_114 = arith.constant 200 : i32
      %scan3A_115 = arith.addi %scan3A_113, %scan3A_114 : i32
      %scan3A_116 = arith.constant 4 : i32
      scf.for %scan3A_229 = %scan3A_113 to %scan3A_115 step %scan3A_116  : i32 {
        %mul3A_230 = arith.constant 16 : i32
        %mul3A_231 = arith.muli %scan3A_229, %mul3A_230 : i32
        %get3A = arith.constant 0 : i32
        %get3A_232 = arith.index_cast %get3A : i32 to index
        %get3A_233 = arith.index_cast %mul3A_231 : i32 to index
        %get3A_234 = tpu.vector_load %arg7[%get3A_232, %get3A_233] {strides = array<i32>} : memref<8x3200xf32, #tpu.memory_space<vmem>>, vector<1x16xf32>,
        %get3A_235 = vector.shape_cast %get3A_234 : vector<1x16xf32> to vector<16xf32>
        %get3A_236 = arith.constant 1 : i32
        %get3A_237 = arith.index_cast %get3A_236 : i32 to index
        %get3A_238 = arith.index_cast %mul3A_231 : i32 to index
        %get3A_239 = tpu.vector_load %arg7[%get3A_237, %get3A_238] {strides = array<i32>} : memref<8x3200xf32, #tpu.memory_space<vmem>>, vector<1x16xf32>,
        %get3A_240 = vector.shape_cast %get3A_239 : vector<1x16xf32> to vector<16xf32>
        %add3A_241 = arith.addf %get3A_235, %get3A_240 : vector<16xf32>
        %get3A_242 = arith.constant 2 : i32
        %get3A_243 = arith.index_cast %get3A_242 : i32 to index
        %get3A_244 = arith.index_cast %mul3A_231 : i32 to index
        %get3A_245 = tpu.vector_load %arg7[%get3A_243, %get3A_244] {strides = array<i32>} : memref<8x3200xf32, #tpu.memory_space<vmem>>, vector<1x16xf32>,
        %get3A_246 = vector.shape_cast %get3A_245 : vector<1x16xf32> to vector<16xf32>
        %get3A_247 = arith.constant 3 : i32
        %get3A_248 = arith.index_cast %get3A_247 : i32 to index
        %get3A_249 = arith.index_cast %mul3A_231 : i32 to index
        %get3A_250 = tpu.vector_load %arg7[%get3A_248, %get3A_249] {strides = array<i32>} : memref<8x3200xf32, #tpu.memory_space<vmem>>, vector<1x16xf32>,
        %get3A_251 = vector.shape_cast %get3A_250 : vector<1x16xf32> to vector<16xf32>
        %add3A_252 = arith.addf %get3A_246, %get3A_251 : vector<16xf32>
        %get3A_253 = arith.constant 4 : i32
        %get3A_254 = arith.index_cast %get3A_253 : i32 to index
        %get3A_255 = arith.index_cast %mul3A_231 : i32 to index
        %get3A_256 = tpu.vector_load %arg7[%get3A_254, %get3A_255] {strides = array<i32>} : memref<8x3200xf32, #tpu.memory_space<vmem>>, vector<1x16xf32>,
        %get3A_257 = vector.shape_cast %get3A_256 : vector<1x16xf32> to vector<16xf32>
        %get3A_258 = arith.constant 5 : i32
        %get3A_259 = arith.index_cast %get3A_258 : i32 to index
        %get3A_260 = arith.index_cast %mul3A_231 : i32 to index
        %get3A_261 = tpu.vector_load %arg7[%get3A_259, %get3A_260] {strides = array<i32>} : memref<8x3200xf32, #tpu.memory_space<vmem>>, vector<1x16xf32>,
        %get3A_262 = vector.shape_cast %get3A_261 : vector<1x16xf32> to vector<16xf32>
        %add3A_263 = arith.addf %get3A_257, %get3A_262 : vector<16xf32>
        %get3A_264 = arith.constant 6 : i32
        %get3A_265 = arith.index_cast %get3A_264 : i32 to index
        %get3A_266 = arith.index_cast %mul3A_231 : i32 to index
        %get3A_267 = tpu.vector_load %arg7[%get3A_265, %get3A_266] {strides = array<i32>} : memref<8x3200xf32, #tpu.memory_space<vmem>>, vector<1x16xf32>,
        %get3A_268 = vector.shape_cast %get3A_267 : vector<1x16xf32> to vector<16xf32>
        %get3A_269 = arith.constant 7 : i32
        %get3A_270 = arith.index_cast %get3A_269 : i32 to index
        %get3A_271 = arith.index_cast %mul3A_231 : i32 to index
        %get3A_272 = tpu.vector_load %arg7[%get3A_270, %get3A_271] {strides = array<i32>} : memref<8x3200xf32, #tpu.memory_space<vmem>>, vector<1x16xf32>,
        %get3A_273 = vector.shape_cast %get3A_272 : vector<1x16xf32> to vector<16xf32>
        %add3A_274 = arith.addf %get3A_268, %get3A_273 : vector<16xf32>
        %add3A_275 = arith.addf %add3A_241, %add3A_252 : vector<16xf32>
        %add3A_276 = arith.addf %add3A_263, %add3A_274 : vector<16xf32>
        %add3A_277 = arith.addf %add3A_275, %add3A_276 : vector<16xf32>
        %swap3A = arith.constant 3 : i32
        %swap3A_278 = arith.index_cast %swap3A : i32 to index
        %swap3A_279 = arith.index_cast %mul3A_231 : i32 to index
        %swap3A_280 = tpu.vector_load %arg8[%swap3A_278, %swap3A_279] {strides = array<i32>} : memref<8x3200xf32, #tpu.memory_space<vmem>>, vector<1x16xf32>,
        %swap3A_281 = vector.shape_cast %swap3A_280 : vector<1x16xf32> to vector<16xf32>
        %swap3A_282 = vector.shape_cast %add3A_277 : vector<16xf32> to vector<1x16xf32>
        tpu.vector_store %arg8[%swap3A_278, %swap3A_279], %swap3A_282 {strides = array<i32>} : memref<8x3200xf32, #tpu.memory_space<vmem>>, vector<1x16xf32>,
        %scan3A_283 = arith.constant 1 : i32
        %scan3A_284 = arith.addi %scan3A_229, %scan3A_283 : i32
        %mul3A_285 = arith.constant 16 : i32
        %mul3A_286 = arith.muli %scan3A_284, %mul3A_285 : i32
        %get3A_287 = arith.constant 0 : i32
        %get3A_288 = arith.index_cast %get3A_287 : i32 to index
        %get3A_289 = arith.index_cast %mul3A_286 : i32 to index
        %get3A_290 = tpu.vector_load %arg7[%get3A_288, %get3A_289] {strides = array<i32>} : memref<8x3200xf32, #tpu.memory_space<vmem>>, vector<1x16xf32>,
        %get3A_291 = vector.shape_cast %get3A_290 : vector<1x16xf32> to vector<16xf32>
        %get3A_292 = arith.constant 1 : i32
        %get3A_293 = arith.index_cast %get3A_292 : i32 to index
        %get3A_294 = arith.index_cast %mul3A_286 : i32 to index
        %get3A_295 = tpu.vector_load %arg7[%get3A_293, %get3A_294] {strides = array<i32>} : memref<8x3200xf32, #tpu.memory_space<vmem>>, vector<1x16xf32>,
        %get3A_296 = vector.shape_cast %get3A_295 : vector<1x16xf32> to vector<16xf32>
        %add3A_297 = arith.addf %get3A_291, %get3A_296 : vector<16xf32>
        %get3A_298 = arith.constant 2 : i32
        %get3A_299 = arith.index_cast %get3A_298 : i32 to index
        %get3A_300 = arith.index_cast %mul3A_286 : i32 to index
        %get3A_301 = tpu.vector_load %arg7[%get3A_299, %get3A_300] {strides = array<i32>} : memref<8x3200xf32, #tpu.memory_space<vmem>>, vector<1x16xf32>,
        %get3A_302 = vector.shape_cast %get3A_301 : vector<1x16xf32> to vector<16xf32>
        %get3A_303 = arith.constant 3 : i32
        %get3A_304 = arith.index_cast %get3A_303 : i32 to index
        %get3A_305 = arith.index_cast %mul3A_286 : i32 to index
        %get3A_306 = tpu.vector_load %arg7[%get3A_304, %get3A_305] {strides = array<i32>} : memref<8x3200xf32, #tpu.memory_space<vmem>>, vector<1x16xf32>,
        %get3A_307 = vector.shape_cast %get3A_306 : vector<1x16xf32> to vector<16xf32>
        %add3A_308 = arith.addf %get3A_302, %get3A_307 : vector<16xf32>
        %get3A_309 = arith.constant 4 : i32
        %get3A_310 = arith.index_cast %get3A_309 : i32 to index
        %get3A_311 = arith.index_cast %mul3A_286 : i32 to index
        %get3A_312 = tpu.vector_load %arg7[%get3A_310, %get3A_311] {strides = array<i32>} : memref<8x3200xf32, #tpu.memory_space<vmem>>, vector<1x16xf32>,
        %get3A_313 = vector.shape_cast %get3A_312 : vector<1x16xf32> to vector<16xf32>
        %get3A_314 = arith.constant 5 : i32
        %get3A_315 = arith.index_cast %get3A_314 : i32 to index
        %get3A_316 = arith.index_cast %mul3A_286 : i32 to index
        %get3A_317 = tpu.vector_load %arg7[%get3A_315, %get3A_316] {strides = array<i32>} : memref<8x3200xf32, #tpu.memory_space<vmem>>, vector<1x16xf32>,
        %get3A_318 = vector.shape_cast %get3A_317 : vector<1x16xf32> to vector<16xf32>
        %add3A_319 = arith.addf %get3A_313, %get3A_318 : vector<16xf32>
        %get3A_320 = arith.constant 6 : i32
        %get3A_321 = arith.index_cast %get3A_320 : i32 to index
        %get3A_322 = arith.index_cast %mul3A_286 : i32 to index
        %get3A_323 = tpu.vector_load %arg7[%get3A_321, %get3A_322] {strides = array<i32>} : memref<8x3200xf32, #tpu.memory_space<vmem>>, vector<1x16xf32>,
        %get3A_324 = vector.shape_cast %get3A_323 : vector<1x16xf32> to vector<16xf32>
        %get3A_325 = arith.constant 7 : i32
        %get3A_326 = arith.index_cast %get3A_325 : i32 to index
        %get3A_327 = arith.index_cast %mul3A_286 : i32 to index
        %get3A_328 = tpu.vector_load %arg7[%get3A_326, %get3A_327] {strides = array<i32>} : memref<8x3200xf32, #tpu.memory_space<vmem>>, vector<1x16xf32>,
        %get3A_329 = vector.shape_cast %get3A_328 : vector<1x16xf32> to vector<16xf32>
        %add3A_330 = arith.addf %get3A_324, %get3A_329 : vector<16xf32>
        %add3A_331 = arith.addf %add3A_297, %add3A_308 : vector<16xf32>
        %add3A_332 = arith.addf %add3A_319, %add3A_330 : vector<16xf32>
        %add3A_333 = arith.addf %add3A_331, %add3A_332 : vector<16xf32>
        %swap3A_334 = arith.constant 3 : i32
        %swap3A_335 = arith.index_cast %swap3A_334 : i32 to index
        %swap3A_336 = arith.index_cast %mul3A_286 : i32 to index
        %swap3A_337 = tpu.vector_load %arg8[%swap3A_335, %swap3A_336] {strides = array<i32>} : memref<8x3200xf32, #tpu.memory_space<vmem>>, vector<1x16xf32>,
        %swap3A_338 = vector.shape_cast %swap3A_337 : vector<1x16xf32> to vector<16xf32>
        %swap3A_339 = vector.shape_cast %add3A_333 : vector<16xf32> to vector<1x16xf32>
        tpu.vector_store %arg8[%swap3A_335, %swap3A_336], %swap3A_339 {strides = array<i32>} : memref<8x3200xf32, #tpu.memory_space<vmem>>, vector<1x16xf32>,
        %scan3A_340 = arith.constant 2 : i32
        %scan3A_341 = arith.addi %scan3A_229, %scan3A_340 : i32
        %mul3A_342 = arith.constant 16 : i32
        %mul3A_343 = arith.muli %scan3A_341, %mul3A_342 : i32
        %get3A_344 = arith.constant 0 : i32
        %get3A_345 = arith.index_cast %get3A_344 : i32 to index
        %get3A_346 = arith.index_cast %mul3A_343 : i32 to index
        %get3A_347 = tpu.vector_load %arg7[%get3A_345, %get3A_346] {strides = array<i32>} : memref<8x3200xf32, #tpu.memory_space<vmem>>, vector<1x16xf32>,
        %get3A_348 = vector.shape_cast %get3A_347 : vector<1x16xf32> to vector<16xf32>
        %get3A_349 = arith.constant 1 : i32
        %get3A_350 = arith.index_cast %get3A_349 : i32 to index
        %get3A_351 = arith.index_cast %mul3A_343 : i32 to index
        %get3A_352 = tpu.vector_load %arg7[%get3A_350, %get3A_351] {strides = array<i32>} : memref<8x3200xf32, #tpu.memory_space<vmem>>, vector<1x16xf32>,
        %get3A_353 = vector.shape_cast %get3A_352 : vector<1x16xf32> to vector<16xf32>
        %add3A_354 = arith.addf %get3A_348, %get3A_353 : vector<16xf32>
        %get3A_355 = arith.constant 2 : i32
        %get3A_356 = arith.index_cast %get3A_355 : i32 to index
        %get3A_357 = arith.index_cast %mul3A_343 : i32 to index
        %get3A_358 = tpu.vector_load %arg7[%get3A_356, %get3A_357] {strides = array<i32>} : memref<8x3200xf32, #tpu.memory_space<vmem>>, vector<1x16xf32>,
        %get3A_359 = vector.shape_cast %get3A_358 : vector<1x16xf32> to vector<16xf32>
        %get3A_360 = arith.constant 3 : i32
        %get3A_361 = arith.index_cast %get3A_360 : i32 to index
        %get3A_362 = arith.index_cast %mul3A_343 : i32 to index
        %get3A_363 = tpu.vector_load %arg7[%get3A_361, %get3A_362] {strides = array<i32>} : memref<8x3200xf32, #tpu.memory_space<vmem>>, vector<1x16xf32>,
        %get3A_364 = vector.shape_cast %get3A_363 : vector<1x16xf32> to vector<16xf32>
        %add3A_365 = arith.addf %get3A_359, %get3A_364 : vector<16xf32>
        %get3A_366 = arith.constant 4 : i32
        %get3A_367 = arith.index_cast %get3A_366 : i32 to index
        %get3A_368 = arith.index_cast %mul3A_343 : i32 to index
        %get3A_369 = tpu.vector_load %arg7[%get3A_367, %get3A_368] {strides = array<i32>} : memref<8x3200xf32, #tpu.memory_space<vmem>>, vector<1x16xf32>,
        %get3A_370 = vector.shape_cast %get3A_369 : vector<1x16xf32> to vector<16xf32>
        %get3A_371 = arith.constant 5 : i32
        %get3A_372 = arith.index_cast %get3A_371 : i32 to index
        %get3A_373 = arith.index_cast %mul3A_343 : i32 to index
        %get3A_374 = tpu.vector_load %arg7[%get3A_372, %get3A_373] {strides = array<i32>} : memref<8x3200xf32, #tpu.memory_space<vmem>>, vector<1x16xf32>,
        %get3A_375 = vector.shape_cast %get3A_374 : vector<1x16xf32> to vector<16xf32>
        %add3A_376 = arith.addf %get3A_370, %get3A_375 : vector<16xf32>
        %get3A_377 = arith.constant 6 : i32
        %get3A_378 = arith.index_cast %get3A_377 : i32 to index
        %get3A_379 = arith.index_cast %mul3A_343 : i32 to index
        %get3A_380 = tpu.vector_load %arg7[%get3A_378, %get3A_379] {strides = array<i32>} : memref<8x3200xf32, #tpu.memory_space<vmem>>, vector<1x16xf32>,
        %get3A_381 = vector.shape_cast %get3A_380 : vector<1x16xf32> to vector<16xf32>
        %get3A_382 = arith.constant 7 : i32
        %get3A_383 = arith.index_cast %get3A_382 : i32 to index
        %get3A_384 = arith.index_cast %mul3A_343 : i32 to index
        %get3A_385 = tpu.vector_load %arg7[%get3A_383, %get3A_384] {strides = array<i32>} : memref<8x3200xf32, #tpu.memory_space<vmem>>, vector<1x16xf32>,
        %get3A_386 = vector.shape_cast %get3A_385 : vector<1x16xf32> to vector<16xf32>
        %add3A_387 = arith.addf %get3A_381, %get3A_386 : vector<16xf32>
        %add3A_388 = arith.addf %add3A_354, %add3A_365 : vector<16xf32>
        %add3A_389 = arith.addf %add3A_376, %add3A_387 : vector<16xf32>
        %add3A_390 = arith.addf %add3A_388, %add3A_389 : vector<16xf32>
        %swap3A_391 = arith.constant 3 : i32
        %swap3A_392 = arith.index_cast %swap3A_391 : i32 to index
        %swap3A_393 = arith.index_cast %mul3A_343 : i32 to index
        %swap3A_394 = tpu.vector_load %arg8[%swap3A_392, %swap3A_393] {strides = array<i32>} : memref<8x3200xf32, #tpu.memory_space<vmem>>, vector<1x16xf32>,
        %swap3A_395 = vector.shape_cast %swap3A_394 : vector<1x16xf32> to vector<16xf32>
        %swap3A_396 = vector.shape_cast %add3A_390 : vector<16xf32> to vector<1x16xf32>
        tpu.vector_store %arg8[%swap3A_392, %swap3A_393], %swap3A_396 {strides = array<i32>} : memref<8x3200xf32, #tpu.memory_space<vmem>>, vector<1x16xf32>,
        %scan3A_397 = arith.constant 3 : i32
        %scan3A_398 = arith.addi %scan3A_229, %scan3A_397 : i32
        %mul3A_399 = arith.constant 16 : i32
        %mul3A_400 = arith.muli %scan3A_398, %mul3A_399 : i32
        %get3A_401 = arith.constant 0 : i32
        %get3A_402 = arith.index_cast %get3A_401 : i32 to index
        %get3A_403 = arith.index_cast %mul3A_400 : i32 to index
        %get3A_404 = tpu.vector_load %arg7[%get3A_402, %get3A_403] {strides = array<i32>} : memref<8x3200xf32, #tpu.memory_space<vmem>>, vector<1x16xf32>,
        %get3A_405 = vector.shape_cast %get3A_404 : vector<1x16xf32> to vector<16xf32>
        %get3A_406 = arith.constant 1 : i32
        %get3A_407 = arith.index_cast %get3A_406 : i32 to index
        %get3A_408 = arith.index_cast %mul3A_400 : i32 to index
        %get3A_409 = tpu.vector_load %arg7[%get3A_407, %get3A_408] {strides = array<i32>} : memref<8x3200xf32, #tpu.memory_space<vmem>>, vector<1x16xf32>,
        %get3A_410 = vector.shape_cast %get3A_409 : vector<1x16xf32> to vector<16xf32>
        %add3A_411 = arith.addf %get3A_405, %get3A_410 : vector<16xf32>
        %get3A_412 = arith.constant 2 : i32
        %get3A_413 = arith.index_cast %get3A_412 : i32 to index
        %get3A_414 = arith.index_cast %mul3A_400 : i32 to index
        %get3A_415 = tpu.vector_load %arg7[%get3A_413, %get3A_414] {strides = array<i32>} : memref<8x3200xf32, #tpu.memory_space<vmem>>, vector<1x16xf32>,
        %get3A_416 = vector.shape_cast %get3A_415 : vector<1x16xf32> to vector<16xf32>
        %get3A_417 = arith.constant 3 : i32
        %get3A_418 = arith.index_cast %get3A_417 : i32 to index
        %get3A_419 = arith.index_cast %mul3A_400 : i32 to index
        %get3A_420 = tpu.vector_load %arg7[%get3A_418, %get3A_419] {strides = array<i32>} : memref<8x3200xf32, #tpu.memory_space<vmem>>, vector<1x16xf32>,
        %get3A_421 = vector.shape_cast %get3A_420 : vector<1x16xf32> to vector<16xf32>
        %add3A_422 = arith.addf %get3A_416, %get3A_421 : vector<16xf32>
        %get3A_423 = arith.constant 4 : i32
        %get3A_424 = arith.index_cast %get3A_423 : i32 to index
        %get3A_425 = arith.index_cast %mul3A_400 : i32 to index
        %get3A_426 = tpu.vector_load %arg7[%get3A_424, %get3A_425] {strides = array<i32>} : memref<8x3200xf32, #tpu.memory_space<vmem>>, vector<1x16xf32>,
        %get3A_427 = vector.shape_cast %get3A_426 : vector<1x16xf32> to vector<16xf32>
        %get3A_428 = arith.constant 5 : i32
        %get3A_429 = arith.index_cast %get3A_428 : i32 to index
        %get3A_430 = arith.index_cast %mul3A_400 : i32 to index
        %get3A_431 = tpu.vector_load %arg7[%get3A_429, %get3A_430] {strides = array<i32>} : memref<8x3200xf32, #tpu.memory_space<vmem>>, vector<1x16xf32>,
        %get3A_432 = vector.shape_cast %get3A_431 : vector<1x16xf32> to vector<16xf32>
        %add3A_433 = arith.addf %get3A_427, %get3A_432 : vector<16xf32>
        %get3A_434 = arith.constant 6 : i32
        %get3A_435 = arith.index_cast %get3A_434 : i32 to index
        %get3A_436 = arith.index_cast %mul3A_400 : i32 to index
        %get3A_437 = tpu.vector_load %arg7[%get3A_435, %get3A_436] {strides = array<i32>} : memref<8x3200xf32, #tpu.memory_space<vmem>>, vector<1x16xf32>,
        %get3A_438 = vector.shape_cast %get3A_437 : vector<1x16xf32> to vector<16xf32>
        %get3A_439 = arith.constant 7 : i32
        %get3A_440 = arith.index_cast %get3A_439 : i32 to index
        %get3A_441 = arith.index_cast %mul3A_400 : i32 to index
        %get3A_442 = tpu.vector_load %arg7[%get3A_440, %get3A_441] {strides = array<i32>} : memref<8x3200xf32, #tpu.memory_space<vmem>>, vector<1x16xf32>,
        %get3A_443 = vector.shape_cast %get3A_442 : vector<1x16xf32> to vector<16xf32>
        %add3A_444 = arith.addf %get3A_438, %get3A_443 : vector<16xf32>
        %add3A_445 = arith.addf %add3A_411, %add3A_422 : vector<16xf32>
        %add3A_446 = arith.addf %add3A_433, %add3A_444 : vector<16xf32>
        %add3A_447 = arith.addf %add3A_445, %add3A_446 : vector<16xf32>
        %swap3A_448 = arith.constant 3 : i32
        %swap3A_449 = arith.index_cast %swap3A_448 : i32 to index
        %swap3A_450 = arith.index_cast %mul3A_400 : i32 to index
        %swap3A_451 = tpu.vector_load %arg8[%swap3A_449, %swap3A_450] {strides = array<i32>} : memref<8x3200xf32, #tpu.memory_space<vmem>>, vector<1x16xf32>,
        %swap3A_452 = vector.shape_cast %swap3A_451 : vector<1x16xf32> to vector<16xf32>
        %swap3A_453 = vector.shape_cast %add3A_447 : vector<16xf32> to vector<1x16xf32>
        tpu.vector_store %arg8[%swap3A_449, %swap3A_450], %swap3A_453 {strides = array<i32>} : memref<8x3200xf32, #tpu.memory_space<vmem>>, vector<1x16xf32>,
      }
      %scan3A_117 = arith.constant 200 : i32
      %mul3A_118 = arith.constant 8 : i32
      %mul3A_119 = arith.muli %scan3A_18, %mul3A_118 : i32
      %add3A_120 = arith.constant 4 : i32
      %add3A_121 = arith.addi %mul3A_119, %add3A_120 : i32
      %add3A_122 = arith.constant 1 : i32
      %add3A_123 = arith.addi %add3A_121, %add3A_122 : i32
      %rem3A_124 = arith.constant 64 : i32
      %rem3A_125 = arith.remsi %add3A_123, %rem3A_124 : i32
      %mul3A_126 = arith.constant 8 : i32
      %mul3A_127 = arith.muli %rem3A_125, %mul3A_126 : i32
      %dma_start3A_128 = tpu.memref_slice %arg5[%mul3A_127] : memref<512xi32, #tpu.memory_space<vmem>> -> memref<8xi32, #tpu.memory_space<vmem>>
      %dma_start3A_129 = arith.constant 0 : i32
      %dma_start3A_130 = arith.constant 0 : i32
      %dma_start3A_131 = tpu.memref_slice %arg2[%dma_start3A_129, %dma_start3A_130] : memref<2048x3200xf32, #tpu.memory_space<hbm>> -> memref<2048x3200xf32, #tpu.memory_space<hbm>>
      tpu.enqueue_indirect_dma source(%dma_start3A_131 : memref<2048x3200xf32, #tpu.memory_space<hbm>>) target(%arg7 : memref<8x3200xf32, #tpu.memory_space<vmem>>) offsets(%dma_start3A_128 : memref<8xi32, #tpu.memory_space<vmem>>) semaphore(%arg10 : memref<!tpu.dma_semaphore, #tpu.memory_space<semaphore_mem>>)
      %dma_wait3A_132 = arith.constant 0 : i32
      %dma_wait3A_133 = tpu.memref_slice %arg5[%dma_wait3A_132] : memref<512xi32, #tpu.memory_space<vmem>> -> memref<8xi32, #tpu.memory_space<vmem>>
      %dma_wait3A_134 = arith.constant 0 : i32
      %dma_wait3A_135 = arith.constant 0 : i32
      %dma_wait3A_136 = tpu.memref_slice %arg2[%dma_wait3A_134, %dma_wait3A_135] : memref<2048x3200xf32, #tpu.memory_space<hbm>> -> memref<2048x3200xf32, #tpu.memory_space<hbm>>
      tpu.wait_indirect_dma semaphore(%arg9 : memref<!tpu.dma_semaphore, #tpu.memory_space<semaphore_mem>>) src(%dma_wait3A_136 : memref<2048x3200xf32, #tpu.memory_space<hbm>>) dst(%arg6 : memref<8x3200xf32, #tpu.memory_space<vmem>>)
      %scan3A_137 = arith.constant 0 : i32
      %scan3A_138 = arith.constant 0 : i32
      %scan3A_139 = arith.constant 200 : i32
      %scan3A_140 = arith.addi %scan3A_138, %scan3A_139 : i32
      %scan3A_141 = arith.constant 4 : i32
      scf.for %scan3A_229 = %scan3A_138 to %scan3A_140 step %scan3A_141  : i32 {
        %mul3A_230 = arith.constant 16 : i32
        %mul3A_231 = arith.muli %scan3A_229, %mul3A_230 : i32
        %get3A = arith.constant 0 : i32
        %get3A_232 = arith.index_cast %get3A : i32 to index
        %get3A_233 = arith.index_cast %mul3A_231 : i32 to index
        %get3A_234 = tpu.vector_load %arg6[%get3A_232, %get3A_233] {strides = array<i32>} : memref<8x3200xf32, #tpu.memory_space<vmem>>, vector<1x16xf32>,
        %get3A_235 = vector.shape_cast %get3A_234 : vector<1x16xf32> to vector<16xf32>
        %get3A_236 = arith.constant 1 : i32
        %get3A_237 = arith.index_cast %get3A_236 : i32 to index
        %get3A_238 = arith.index_cast %mul3A_231 : i32 to index
        %get3A_239 = tpu.vector_load %arg6[%get3A_237, %get3A_238] {strides = array<i32>} : memref<8x3200xf32, #tpu.memory_space<vmem>>, vector<1x16xf32>,
        %get3A_240 = vector.shape_cast %get3A_239 : vector<1x16xf32> to vector<16xf32>
        %add3A_241 = arith.addf %get3A_235, %get3A_240 : vector<16xf32>
        %get3A_242 = arith.constant 2 : i32
        %get3A_243 = arith.index_cast %get3A_242 : i32 to index
        %get3A_244 = arith.index_cast %mul3A_231 : i32 to index
        %get3A_245 = tpu.vector_load %arg6[%get3A_243, %get3A_244] {strides = array<i32>} : memref<8x3200xf32, #tpu.memory_space<vmem>>, vector<1x16xf32>,
        %get3A_246 = vector.shape_cast %get3A_245 : vector<1x16xf32> to vector<16xf32>
        %get3A_247 = arith.constant 3 : i32
        %get3A_248 = arith.index_cast %get3A_247 : i32 to index
        %get3A_249 = arith.index_cast %mul3A_231 : i32 to index
        %get3A_250 = tpu.vector_load %arg6[%get3A_248, %get3A_249] {strides = array<i32>} : memref<8x3200xf32, #tpu.memory_space<vmem>>, vector<1x16xf32>,
        %get3A_251 = vector.shape_cast %get3A_250 : vector<1x16xf32> to vector<16xf32>
        %add3A_252 = arith.addf %get3A_246, %get3A_251 : vector<16xf32>
        %get3A_253 = arith.constant 4 : i32
        %get3A_254 = arith.index_cast %get3A_253 : i32 to index
        %get3A_255 = arith.index_cast %mul3A_231 : i32 to index
        %get3A_256 = tpu.vector_load %arg6[%get3A_254, %get3A_255] {strides = array<i32>} : memref<8x3200xf32, #tpu.memory_space<vmem>>, vector<1x16xf32>,
        %get3A_257 = vector.shape_cast %get3A_256 : vector<1x16xf32> to vector<16xf32>
        %get3A_258 = arith.constant 5 : i32
        %get3A_259 = arith.index_cast %get3A_258 : i32 to index
        %get3A_260 = arith.index_cast %mul3A_231 : i32 to index
        %get3A_261 = tpu.vector_load %arg6[%get3A_259, %get3A_260] {strides = array<i32>} : memref<8x3200xf32, #tpu.memory_space<vmem>>, vector<1x16xf32>,
        %get3A_262 = vector.shape_cast %get3A_261 : vector<1x16xf32> to vector<16xf32>
        %add3A_263 = arith.addf %get3A_257, %get3A_262 : vector<16xf32>
        %get3A_264 = arith.constant 6 : i32
        %get3A_265 = arith.index_cast %get3A_264 : i32 to index
        %get3A_266 = arith.index_cast %mul3A_231 : i32 to index
        %get3A_267 = tpu.vector_load %arg6[%get3A_265, %get3A_266] {strides = array<i32>} : memref<8x3200xf32, #tpu.memory_space<vmem>>, vector<1x16xf32>,
        %get3A_268 = vector.shape_cast %get3A_267 : vector<1x16xf32> to vector<16xf32>
        %get3A_269 = arith.constant 7 : i32
        %get3A_270 = arith.index_cast %get3A_269 : i32 to index
        %get3A_271 = arith.index_cast %mul3A_231 : i32 to index
        %get3A_272 = tpu.vector_load %arg6[%get3A_270, %get3A_271] {strides = array<i32>} : memref<8x3200xf32, #tpu.memory_space<vmem>>, vector<1x16xf32>,
        %get3A_273 = vector.shape_cast %get3A_272 : vector<1x16xf32> to vector<16xf32>
        %add3A_274 = arith.addf %get3A_268, %get3A_273 : vector<16xf32>
        %add3A_275 = arith.addf %add3A_241, %add3A_252 : vector<16xf32>
        %add3A_276 = arith.addf %add3A_263, %add3A_274 : vector<16xf32>
        %add3A_277 = arith.addf %add3A_275, %add3A_276 : vector<16xf32>
        %swap3A = arith.constant 4 : i32
        %swap3A_278 = arith.index_cast %swap3A : i32 to index
        %swap3A_279 = arith.index_cast %mul3A_231 : i32 to index
        %swap3A_280 = tpu.vector_load %arg8[%swap3A_278, %swap3A_279] {strides = array<i32>} : memref<8x3200xf32, #tpu.memory_space<vmem>>, vector<1x16xf32>,
        %swap3A_281 = vector.shape_cast %swap3A_280 : vector<1x16xf32> to vector<16xf32>
        %swap3A_282 = vector.shape_cast %add3A_277 : vector<16xf32> to vector<1x16xf32>
        tpu.vector_store %arg8[%swap3A_278, %swap3A_279], %swap3A_282 {strides = array<i32>} : memref<8x3200xf32, #tpu.memory_space<vmem>>, vector<1x16xf32>,
        %scan3A_283 = arith.constant 1 : i32
        %scan3A_284 = arith.addi %scan3A_229, %scan3A_283 : i32
        %mul3A_285 = arith.constant 16 : i32
        %mul3A_286 = arith.muli %scan3A_284, %mul3A_285 : i32
        %get3A_287 = arith.constant 0 : i32
        %get3A_288 = arith.index_cast %get3A_287 : i32 to index
        %get3A_289 = arith.index_cast %mul3A_286 : i32 to index
        %get3A_290 = tpu.vector_load %arg6[%get3A_288, %get3A_289] {strides = array<i32>} : memref<8x3200xf32, #tpu.memory_space<vmem>>, vector<1x16xf32>,
        %get3A_291 = vector.shape_cast %get3A_290 : vector<1x16xf32> to vector<16xf32>
        %get3A_292 = arith.constant 1 : i32
        %get3A_293 = arith.index_cast %get3A_292 : i32 to index
        %get3A_294 = arith.index_cast %mul3A_286 : i32 to index
        %get3A_295 = tpu.vector_load %arg6[%get3A_293, %get3A_294] {strides = array<i32>} : memref<8x3200xf32, #tpu.memory_space<vmem>>, vector<1x16xf32>,
        %get3A_296 = vector.shape_cast %get3A_295 : vector<1x16xf32> to vector<16xf32>
        %add3A_297 = arith.addf %get3A_291, %get3A_296 : vector<16xf32>
        %get3A_298 = arith.constant 2 : i32
        %get3A_299 = arith.index_cast %get3A_298 : i32 to index
        %get3A_300 = arith.index_cast %mul3A_286 : i32 to index
        %get3A_301 = tpu.vector_load %arg6[%get3A_299, %get3A_300] {strides = array<i32>} : memref<8x3200xf32, #tpu.memory_space<vmem>>, vector<1x16xf32>,
        %get3A_302 = vector.shape_cast %get3A_301 : vector<1x16xf32> to vector<16xf32>
        %get3A_303 = arith.constant 3 : i32
        %get3A_304 = arith.index_cast %get3A_303 : i32 to index
        %get3A_305 = arith.index_cast %mul3A_286 : i32 to index
        %get3A_306 = tpu.vector_load %arg6[%get3A_304, %get3A_305] {strides = array<i32>} : memref<8x3200xf32, #tpu.memory_space<vmem>>, vector<1x16xf32>,
        %get3A_307 = vector.shape_cast %get3A_306 : vector<1x16xf32> to vector<16xf32>
        %add3A_308 = arith.addf %get3A_302, %get3A_307 : vector<16xf32>
        %get3A_309 = arith.constant 4 : i32
        %get3A_310 = arith.index_cast %get3A_309 : i32 to index
        %get3A_311 = arith.index_cast %mul3A_286 : i32 to index
        %get3A_312 = tpu.vector_load %arg6[%get3A_310, %get3A_311] {strides = array<i32>} : memref<8x3200xf32, #tpu.memory_space<vmem>>, vector<1x16xf32>,
        %get3A_313 = vector.shape_cast %get3A_312 : vector<1x16xf32> to vector<16xf32>
        %get3A_314 = arith.constant 5 : i32
        %get3A_315 = arith.index_cast %get3A_314 : i32 to index
        %get3A_316 = arith.index_cast %mul3A_286 : i32 to index
        %get3A_317 = tpu.vector_load %arg6[%get3A_315, %get3A_316] {strides = array<i32>} : memref<8x3200xf32, #tpu.memory_space<vmem>>, vector<1x16xf32>,
        %get3A_318 = vector.shape_cast %get3A_317 : vector<1x16xf32> to vector<16xf32>
        %add3A_319 = arith.addf %get3A_313, %get3A_318 : vector<16xf32>
        %get3A_320 = arith.constant 6 : i32
        %get3A_321 = arith.index_cast %get3A_320 : i32 to index
        %get3A_322 = arith.index_cast %mul3A_286 : i32 to index
        %get3A_323 = tpu.vector_load %arg6[%get3A_321, %get3A_322] {strides = array<i32>} : memref<8x3200xf32, #tpu.memory_space<vmem>>, vector<1x16xf32>,
        %get3A_324 = vector.shape_cast %get3A_323 : vector<1x16xf32> to vector<16xf32>
        %get3A_325 = arith.constant 7 : i32
        %get3A_326 = arith.index_cast %get3A_325 : i32 to index
        %get3A_327 = arith.index_cast %mul3A_286 : i32 to index
        %get3A_328 = tpu.vector_load %arg6[%get3A_326, %get3A_327] {strides = array<i32>} : memref<8x3200xf32, #tpu.memory_space<vmem>>, vector<1x16xf32>,
        %get3A_329 = vector.shape_cast %get3A_328 : vector<1x16xf32> to vector<16xf32>
        %add3A_330 = arith.addf %get3A_324, %get3A_329 : vector<16xf32>
        %add3A_331 = arith.addf %add3A_297, %add3A_308 : vector<16xf32>
        %add3A_332 = arith.addf %add3A_319, %add3A_330 : vector<16xf32>
        %add3A_333 = arith.addf %add3A_331, %add3A_332 : vector<16xf32>
        %swap3A_334 = arith.constant 4 : i32
        %swap3A_335 = arith.index_cast %swap3A_334 : i32 to index
        %swap3A_336 = arith.index_cast %mul3A_286 : i32 to index
        %swap3A_337 = tpu.vector_load %arg8[%swap3A_335, %swap3A_336] {strides = array<i32>} : memref<8x3200xf32, #tpu.memory_space<vmem>>, vector<1x16xf32>,
        %swap3A_338 = vector.shape_cast %swap3A_337 : vector<1x16xf32> to vector<16xf32>
        %swap3A_339 = vector.shape_cast %add3A_333 : vector<16xf32> to vector<1x16xf32>
        tpu.vector_store %arg8[%swap3A_335, %swap3A_336], %swap3A_339 {strides = array<i32>} : memref<8x3200xf32, #tpu.memory_space<vmem>>, vector<1x16xf32>,
        %scan3A_340 = arith.constant 2 : i32
        %scan3A_341 = arith.addi %scan3A_229, %scan3A_340 : i32
        %mul3A_342 = arith.constant 16 : i32
        %mul3A_343 = arith.muli %scan3A_341, %mul3A_342 : i32
        %get3A_344 = arith.constant 0 : i32
        %get3A_345 = arith.index_cast %get3A_344 : i32 to index
        %get3A_346 = arith.index_cast %mul3A_343 : i32 to index
        %get3A_347 = tpu.vector_load %arg6[%get3A_345, %get3A_346] {strides = array<i32>} : memref<8x3200xf32, #tpu.memory_space<vmem>>, vector<1x16xf32>,
        %get3A_348 = vector.shape_cast %get3A_347 : vector<1x16xf32> to vector<16xf32>
        %get3A_349 = arith.constant 1 : i32
        %get3A_350 = arith.index_cast %get3A_349 : i32 to index
        %get3A_351 = arith.index_cast %mul3A_343 : i32 to index
        %get3A_352 = tpu.vector_load %arg6[%get3A_350, %get3A_351] {strides = array<i32>} : memref<8x3200xf32, #tpu.memory_space<vmem>>, vector<1x16xf32>,
        %get3A_353 = vector.shape_cast %get3A_352 : vector<1x16xf32> to vector<16xf32>
        %add3A_354 = arith.addf %get3A_348, %get3A_353 : vector<16xf32>
        %get3A_355 = arith.constant 2 : i32
        %get3A_356 = arith.index_cast %get3A_355 : i32 to index
        %get3A_357 = arith.index_cast %mul3A_343 : i32 to index
        %get3A_358 = tpu.vector_load %arg6[%get3A_356, %get3A_357] {strides = array<i32>} : memref<8x3200xf32, #tpu.memory_space<vmem>>, vector<1x16xf32>,
        %get3A_359 = vector.shape_cast %get3A_358 : vector<1x16xf32> to vector<16xf32>
        %get3A_360 = arith.constant 3 : i32
        %get3A_361 = arith.index_cast %get3A_360 : i32 to index
        %get3A_362 = arith.index_cast %mul3A_343 : i32 to index
        %get3A_363 = tpu.vector_load %arg6[%get3A_361, %get3A_362] {strides = array<i32>} : memref<8x3200xf32, #tpu.memory_space<vmem>>, vector<1x16xf32>,
        %get3A_364 = vector.shape_cast %get3A_363 : vector<1x16xf32> to vector<16xf32>
        %add3A_365 = arith.addf %get3A_359, %get3A_364 : vector<16xf32>
        %get3A_366 = arith.constant 4 : i32
        %get3A_367 = arith.index_cast %get3A_366 : i32 to index
        %get3A_368 = arith.index_cast %mul3A_343 : i32 to index
        %get3A_369 = tpu.vector_load %arg6[%get3A_367, %get3A_368] {strides = array<i32>} : memref<8x3200xf32, #tpu.memory_space<vmem>>, vector<1x16xf32>,
        %get3A_370 = vector.shape_cast %get3A_369 : vector<1x16xf32> to vector<16xf32>
        %get3A_371 = arith.constant 5 : i32
        %get3A_372 = arith.index_cast %get3A_371 : i32 to index
        %get3A_373 = arith.index_cast %mul3A_343 : i32 to index
        %get3A_374 = tpu.vector_load %arg6[%get3A_372, %get3A_373] {strides = array<i32>} : memref<8x3200xf32, #tpu.memory_space<vmem>>, vector<1x16xf32>,
        %get3A_375 = vector.shape_cast %get3A_374 : vector<1x16xf32> to vector<16xf32>
        %add3A_376 = arith.addf %get3A_370, %get3A_375 : vector<16xf32>
        %get3A_377 = arith.constant 6 : i32
        %get3A_378 = arith.index_cast %get3A_377 : i32 to index
        %get3A_379 = arith.index_cast %mul3A_343 : i32 to index
        %get3A_380 = tpu.vector_load %arg6[%get3A_378, %get3A_379] {strides = array<i32>} : memref<8x3200xf32, #tpu.memory_space<vmem>>, vector<1x16xf32>,
        %get3A_381 = vector.shape_cast %get3A_380 : vector<1x16xf32> to vector<16xf32>
        %get3A_382 = arith.constant 7 : i32
        %get3A_383 = arith.index_cast %get3A_382 : i32 to index
        %get3A_384 = arith.index_cast %mul3A_343 : i32 to index
        %get3A_385 = tpu.vector_load %arg6[%get3A_383, %get3A_384] {strides = array<i32>} : memref<8x3200xf32, #tpu.memory_space<vmem>>, vector<1x16xf32>,
        %get3A_386 = vector.shape_cast %get3A_385 : vector<1x16xf32> to vector<16xf32>
        %add3A_387 = arith.addf %get3A_381, %get3A_386 : vector<16xf32>
        %add3A_388 = arith.addf %add3A_354, %add3A_365 : vector<16xf32>
        %add3A_389 = arith.addf %add3A_376, %add3A_387 : vector<16xf32>
        %add3A_390 = arith.addf %add3A_388, %add3A_389 : vector<16xf32>
        %swap3A_391 = arith.constant 4 : i32
        %swap3A_392 = arith.index_cast %swap3A_391 : i32 to index
        %swap3A_393 = arith.index_cast %mul3A_343 : i32 to index
        %swap3A_394 = tpu.vector_load %arg8[%swap3A_392, %swap3A_393] {strides = array<i32>} : memref<8x3200xf32, #tpu.memory_space<vmem>>, vector<1x16xf32>,
        %swap3A_395 = vector.shape_cast %swap3A_394 : vector<1x16xf32> to vector<16xf32>
        %swap3A_396 = vector.shape_cast %add3A_390 : vector<16xf32> to vector<1x16xf32>
        tpu.vector_store %arg8[%swap3A_392, %swap3A_393], %swap3A_396 {strides = array<i32>} : memref<8x3200xf32, #tpu.memory_space<vmem>>, vector<1x16xf32>,
        %scan3A_397 = arith.constant 3 : i32
        %scan3A_398 = arith.addi %scan3A_229, %scan3A_397 : i32
        %mul3A_399 = arith.constant 16 : i32
        %mul3A_400 = arith.muli %scan3A_398, %mul3A_399 : i32
        %get3A_401 = arith.constant 0 : i32
        %get3A_402 = arith.index_cast %get3A_401 : i32 to index
        %get3A_403 = arith.index_cast %mul3A_400 : i32 to index
        %get3A_404 = tpu.vector_load %arg6[%get3A_402, %get3A_403] {strides = array<i32>} : memref<8x3200xf32, #tpu.memory_space<vmem>>, vector<1x16xf32>,
        %get3A_405 = vector.shape_cast %get3A_404 : vector<1x16xf32> to vector<16xf32>
        %get3A_406 = arith.constant 1 : i32
        %get3A_407 = arith.index_cast %get3A_406 : i32 to index
        %get3A_408 = arith.index_cast %mul3A_400 : i32 to index
        %get3A_409 = tpu.vector_load %arg6[%get3A_407, %get3A_408] {strides = array<i32>} : memref<8x3200xf32, #tpu.memory_space<vmem>>, vector<1x16xf32>,
        %get3A_410 = vector.shape_cast %get3A_409 : vector<1x16xf32> to vector<16xf32>
        %add3A_411 = arith.addf %get3A_405, %get3A_410 : vector<16xf32>
        %get3A_412 = arith.constant 2 : i32
        %get3A_413 = arith.index_cast %get3A_412 : i32 to index
        %get3A_414 = arith.index_cast %mul3A_400 : i32 to index
        %get3A_415 = tpu.vector_load %arg6[%get3A_413, %get3A_414] {strides = array<i32>} : memref<8x3200xf32, #tpu.memory_space<vmem>>, vector<1x16xf32>,
        %get3A_416 = vector.shape_cast %get3A_415 : vector<1x16xf32> to vector<16xf32>
        %get3A_417 = arith.constant 3 : i32
        %get3A_418 = arith.index_cast %get3A_417 : i32 to index
        %get3A_419 = arith.index_cast %mul3A_400 : i32 to index
        %get3A_420 = tpu.vector_load %arg6[%get3A_418, %get3A_419] {strides = array<i32>} : memref<8x3200xf32, #tpu.memory_space<vmem>>, vector<1x16xf32>,
        %get3A_421 = vector.shape_cast %get3A_420 : vector<1x16xf32> to vector<16xf32>
        %add3A_422 = arith.addf %get3A_416, %get3A_421 : vector<16xf32>
        %get3A_423 = arith.constant 4 : i32
        %get3A_424 = arith.index_cast %get3A_423 : i32 to index
        %get3A_425 = arith.index_cast %mul3A_400 : i32 to index
        %get3A_426 = tpu.vector_load %arg6[%get3A_424, %get3A_425] {strides = array<i32>} : memref<8x3200xf32, #tpu.memory_space<vmem>>, vector<1x16xf32>,
        %get3A_427 = vector.shape_cast %get3A_426 : vector<1x16xf32> to vector<16xf32>
        %get3A_428 = arith.constant 5 : i32
        %get3A_429 = arith.index_cast %get3A_428 : i32 to index
        %get3A_430 = arith.index_cast %mul3A_400 : i32 to index
        %get3A_431 = tpu.vector_load %arg6[%get3A_429, %get3A_430] {strides = array<i32>} : memref<8x3200xf32, #tpu.memory_space<vmem>>, vector<1x16xf32>,
        %get3A_432 = vector.shape_cast %get3A_431 : vector<1x16xf32> to vector<16xf32>
        %add3A_433 = arith.addf %get3A_427, %get3A_432 : vector<16xf32>
        %get3A_434 = arith.constant 6 : i32
        %get3A_435 = arith.index_cast %get3A_434 : i32 to index
        %get3A_436 = arith.index_cast %mul3A_400 : i32 to index
        %get3A_437 = tpu.vector_load %arg6[%get3A_435, %get3A_436] {strides = array<i32>} : memref<8x3200xf32, #tpu.memory_space<vmem>>, vector<1x16xf32>,
        %get3A_438 = vector.shape_cast %get3A_437 : vector<1x16xf32> to vector<16xf32>
        %get3A_439 = arith.constant 7 : i32
        %get3A_440 = arith.index_cast %get3A_439 : i32 to index
        %get3A_441 = arith.index_cast %mul3A_400 : i32 to index
        %get3A_442 = tpu.vector_load %arg6[%get3A_440, %get3A_441] {strides = array<i32>} : memref<8x3200xf32, #tpu.memory_space<vmem>>, vector<1x16xf32>,
        %get3A_443 = vector.shape_cast %get3A_442 : vector<1x16xf32> to vector<16xf32>
        %add3A_444 = arith.addf %get3A_438, %get3A_443 : vector<16xf32>
        %add3A_445 = arith.addf %add3A_411, %add3A_422 : vector<16xf32>
        %add3A_446 = arith.addf %add3A_433, %add3A_444 : vector<16xf32>
        %add3A_447 = arith.addf %add3A_445, %add3A_446 : vector<16xf32>
        %swap3A_448 = arith.constant 4 : i32
        %swap3A_449 = arith.index_cast %swap3A_448 : i32 to index
        %swap3A_450 = arith.index_cast %mul3A_400 : i32 to index
        %swap3A_451 = tpu.vector_load %arg8[%swap3A_449, %swap3A_450] {strides = array<i32>} : memref<8x3200xf32, #tpu.memory_space<vmem>>, vector<1x16xf32>,
        %swap3A_452 = vector.shape_cast %swap3A_451 : vector<1x16xf32> to vector<16xf32>
        %swap3A_453 = vector.shape_cast %add3A_447 : vector<16xf32> to vector<1x16xf32>
        tpu.vector_store %arg8[%swap3A_449, %swap3A_450], %swap3A_453 {strides = array<i32>} : memref<8x3200xf32, #tpu.memory_space<vmem>>, vector<1x16xf32>,
      }
      %scan3A_142 = arith.constant 200 : i32
      %mul3A_143 = arith.constant 8 : i32
      %mul3A_144 = arith.muli %scan3A_18, %mul3A_143 : i32
      %add3A_145 = arith.constant 5 : i32
      %add3A_146 = arith.addi %mul3A_144, %add3A_145 : i32
      %add3A_147 = arith.constant 1 : i32
      %add3A_148 = arith.addi %add3A_146, %add3A_147 : i32
      %rem3A_149 = arith.constant 64 : i32
      %rem3A_150 = arith.remsi %add3A_148, %rem3A_149 : i32
      %mul3A_151 = arith.constant 8 : i32
      %mul3A_152 = arith.muli %rem3A_150, %mul3A_151 : i32
      %dma_start3A_153 = tpu.memref_slice %arg5[%mul3A_152] : memref<512xi32, #tpu.memory_space<vmem>> -> memref<8xi32, #tpu.memory_space<vmem>>
      %dma_start3A_154 = arith.constant 0 : i32
      %dma_start3A_155 = arith.constant 0 : i32
      %dma_start3A_156 = tpu.memref_slice %arg2[%dma_start3A_154, %dma_start3A_155] : memref<2048x3200xf32, #tpu.memory_space<hbm>> -> memref<2048x3200xf32, #tpu.memory_space<hbm>>
      tpu.enqueue_indirect_dma source(%dma_start3A_156 : memref<2048x3200xf32, #tpu.memory_space<hbm>>) target(%arg6 : memref<8x3200xf32, #tpu.memory_space<vmem>>) offsets(%dma_start3A_153 : memref<8xi32, #tpu.memory_space<vmem>>) semaphore(%arg9 : memref<!tpu.dma_semaphore, #tpu.memory_space<semaphore_mem>>)
      %dma_wait3A_157 = arith.constant 0 : i32
      %dma_wait3A_158 = tpu.memref_slice %arg5[%dma_wait3A_157] : memref<512xi32, #tpu.memory_space<vmem>> -> memref<8xi32, #tpu.memory_space<vmem>>
      %dma_wait3A_159 = arith.constant 0 : i32
      %dma_wait3A_160 = arith.constant 0 : i32
      %dma_wait3A_161 = tpu.memref_slice %arg2[%dma_wait3A_159, %dma_wait3A_160] : memref<2048x3200xf32, #tpu.memory_space<hbm>> -> memref<2048x3200xf32, #tpu.memory_space<hbm>>
      tpu.wait_indirect_dma semaphore(%arg10 : memref<!tpu.dma_semaphore, #tpu.memory_space<semaphore_mem>>) src(%dma_wait3A_161 : memref<2048x3200xf32, #tpu.memory_space<hbm>>) dst(%arg7 : memref<8x3200xf32, #tpu.memory_space<vmem>>)
      %scan3A_162 = arith.constant 0 : i32
      %scan3A_163 = arith.constant 0 : i32
      %scan3A_164 = arith.constant 200 : i32
      %scan3A_165 = arith.addi %scan3A_163, %scan3A_164 : i32
      %scan3A_166 = arith.constant 4 : i32
      scf.for %scan3A_229 = %scan3A_163 to %scan3A_165 step %scan3A_166  : i32 {
        %mul3A_230 = arith.constant 16 : i32
        %mul3A_231 = arith.muli %scan3A_229, %mul3A_230 : i32
        %get3A = arith.constant 0 : i32
        %get3A_232 = arith.index_cast %get3A : i32 to index
        %get3A_233 = arith.index_cast %mul3A_231 : i32 to index
        %get3A_234 = tpu.vector_load %arg7[%get3A_232, %get3A_233] {strides = array<i32>} : memref<8x3200xf32, #tpu.memory_space<vmem>>, vector<1x16xf32>,
        %get3A_235 = vector.shape_cast %get3A_234 : vector<1x16xf32> to vector<16xf32>
        %get3A_236 = arith.constant 1 : i32
        %get3A_237 = arith.index_cast %get3A_236 : i32 to index
        %get3A_238 = arith.index_cast %mul3A_231 : i32 to index
        %get3A_239 = tpu.vector_load %arg7[%get3A_237, %get3A_238] {strides = array<i32>} : memref<8x3200xf32, #tpu.memory_space<vmem>>, vector<1x16xf32>,
        %get3A_240 = vector.shape_cast %get3A_239 : vector<1x16xf32> to vector<16xf32>
        %add3A_241 = arith.addf %get3A_235, %get3A_240 : vector<16xf32>
        %get3A_242 = arith.constant 2 : i32
        %get3A_243 = arith.index_cast %get3A_242 : i32 to index
        %get3A_244 = arith.index_cast %mul3A_231 : i32 to index
        %get3A_245 = tpu.vector_load %arg7[%get3A_243, %get3A_244] {strides = array<i32>} : memref<8x3200xf32, #tpu.memory_space<vmem>>, vector<1x16xf32>,
        %get3A_246 = vector.shape_cast %get3A_245 : vector<1x16xf32> to vector<16xf32>
        %get3A_247 = arith.constant 3 : i32
        %get3A_248 = arith.index_cast %get3A_247 : i32 to index
        %get3A_249 = arith.index_cast %mul3A_231 : i32 to index
        %get3A_250 = tpu.vector_load %arg7[%get3A_248, %get3A_249] {strides = array<i32>} : memref<8x3200xf32, #tpu.memory_space<vmem>>, vector<1x16xf32>,
        %get3A_251 = vector.shape_cast %get3A_250 : vector<1x16xf32> to vector<16xf32>
        %add3A_252 = arith.addf %get3A_246, %get3A_251 : vector<16xf32>
        %get3A_253 = arith.constant 4 : i32
        %get3A_254 = arith.index_cast %get3A_253 : i32 to index
        %get3A_255 = arith.index_cast %mul3A_231 : i32 to index
        %get3A_256 = tpu.vector_load %arg7[%get3A_254, %get3A_255] {strides = array<i32>} : memref<8x3200xf32, #tpu.memory_space<vmem>>, vector<1x16xf32>,
        %get3A_257 = vector.shape_cast %get3A_256 : vector<1x16xf32> to vector<16xf32>
        %get3A_258 = arith.constant 5 : i32
        %get3A_259 = arith.index_cast %get3A_258 : i32 to index
        %get3A_260 = arith.index_cast %mul3A_231 : i32 to index
        %get3A_261 = tpu.vector_load %arg7[%get3A_259, %get3A_260] {strides = array<i32>} : memref<8x3200xf32, #tpu.memory_space<vmem>>, vector<1x16xf32>,
        %get3A_262 = vector.shape_cast %get3A_261 : vector<1x16xf32> to vector<16xf32>
        %add3A_263 = arith.addf %get3A_257, %get3A_262 : vector<16xf32>
        %get3A_264 = arith.constant 6 : i32
        %get3A_265 = arith.index_cast %get3A_264 : i32 to index
        %get3A_266 = arith.index_cast %mul3A_231 : i32 to index
        %get3A_267 = tpu.vector_load %arg7[%get3A_265, %get3A_266] {strides = array<i32>} : memref<8x3200xf32, #tpu.memory_space<vmem>>, vector<1x16xf32>,
        %get3A_268 = vector.shape_cast %get3A_267 : vector<1x16xf32> to vector<16xf32>
        %get3A_269 = arith.constant 7 : i32
        %get3A_270 = arith.index_cast %get3A_269 : i32 to index
        %get3A_271 = arith.index_cast %mul3A_231 : i32 to index
        %get3A_272 = tpu.vector_load %arg7[%get3A_270, %get3A_271] {strides = array<i32>} : memref<8x3200xf32, #tpu.memory_space<vmem>>, vector<1x16xf32>,
        %get3A_273 = vector.shape_cast %get3A_272 : vector<1x16xf32> to vector<16xf32>
        %add3A_274 = arith.addf %get3A_268, %get3A_273 : vector<16xf32>
        %add3A_275 = arith.addf %add3A_241, %add3A_252 : vector<16xf32>
        %add3A_276 = arith.addf %add3A_263, %add3A_274 : vector<16xf32>
        %add3A_277 = arith.addf %add3A_275, %add3A_276 : vector<16xf32>
        %swap3A = arith.constant 5 : i32
        %swap3A_278 = arith.index_cast %swap3A : i32 to index
        %swap3A_279 = arith.index_cast %mul3A_231 : i32 to index
        %swap3A_280 = tpu.vector_load %arg8[%swap3A_278, %swap3A_279] {strides = array<i32>} : memref<8x3200xf32, #tpu.memory_space<vmem>>, vector<1x16xf32>,
        %swap3A_281 = vector.shape_cast %swap3A_280 : vector<1x16xf32> to vector<16xf32>
        %swap3A_282 = vector.shape_cast %add3A_277 : vector<16xf32> to vector<1x16xf32>
        tpu.vector_store %arg8[%swap3A_278, %swap3A_279], %swap3A_282 {strides = array<i32>} : memref<8x3200xf32, #tpu.memory_space<vmem>>, vector<1x16xf32>,
        %scan3A_283 = arith.constant 1 : i32
        %scan3A_284 = arith.addi %scan3A_229, %scan3A_283 : i32
        %mul3A_285 = arith.constant 16 : i32
        %mul3A_286 = arith.muli %scan3A_284, %mul3A_285 : i32
        %get3A_287 = arith.constant 0 : i32
        %get3A_288 = arith.index_cast %get3A_287 : i32 to index
        %get3A_289 = arith.index_cast %mul3A_286 : i32 to index
        %get3A_290 = tpu.vector_load %arg7[%get3A_288, %get3A_289] {strides = array<i32>} : memref<8x3200xf32, #tpu.memory_space<vmem>>, vector<1x16xf32>,
        %get3A_291 = vector.shape_cast %get3A_290 : vector<1x16xf32> to vector<16xf32>
        %get3A_292 = arith.constant 1 : i32
        %get3A_293 = arith.index_cast %get3A_292 : i32 to index
        %get3A_294 = arith.index_cast %mul3A_286 : i32 to index
        %get3A_295 = tpu.vector_load %arg7[%get3A_293, %get3A_294] {strides = array<i32>} : memref<8x3200xf32, #tpu.memory_space<vmem>>, vector<1x16xf32>,
        %get3A_296 = vector.shape_cast %get3A_295 : vector<1x16xf32> to vector<16xf32>
        %add3A_297 = arith.addf %get3A_291, %get3A_296 : vector<16xf32>
        %get3A_298 = arith.constant 2 : i32
        %get3A_299 = arith.index_cast %get3A_298 : i32 to index
        %get3A_300 = arith.index_cast %mul3A_286 : i32 to index
        %get3A_301 = tpu.vector_load %arg7[%get3A_299, %get3A_300] {strides = array<i32>} : memref<8x3200xf32, #tpu.memory_space<vmem>>, vector<1x16xf32>,
        %get3A_302 = vector.shape_cast %get3A_301 : vector<1x16xf32> to vector<16xf32>
        %get3A_303 = arith.constant 3 : i32
        %get3A_304 = arith.index_cast %get3A_303 : i32 to index
        %get3A_305 = arith.index_cast %mul3A_286 : i32 to index
        %get3A_306 = tpu.vector_load %arg7[%get3A_304, %get3A_305] {strides = array<i32>} : memref<8x3200xf32, #tpu.memory_space<vmem>>, vector<1x16xf32>,
        %get3A_307 = vector.shape_cast %get3A_306 : vector<1x16xf32> to vector<16xf32>
        %add3A_308 = arith.addf %get3A_302, %get3A_307 : vector<16xf32>
        %get3A_309 = arith.constant 4 : i32
        %get3A_310 = arith.index_cast %get3A_309 : i32 to index
        %get3A_311 = arith.index_cast %mul3A_286 : i32 to index
        %get3A_312 = tpu.vector_load %arg7[%get3A_310, %get3A_311] {strides = array<i32>} : memref<8x3200xf32, #tpu.memory_space<vmem>>, vector<1x16xf32>,
        %get3A_313 = vector.shape_cast %get3A_312 : vector<1x16xf32> to vector<16xf32>
        %get3A_314 = arith.constant 5 : i32
        %get3A_315 = arith.index_cast %get3A_314 : i32 to index
        %get3A_316 = arith.index_cast %mul3A_286 : i32 to index
        %get3A_317 = tpu.vector_load %arg7[%get3A_315, %get3A_316] {strides = array<i32>} : memref<8x3200xf32, #tpu.memory_space<vmem>>, vector<1x16xf32>,
        %get3A_318 = vector.shape_cast %get3A_317 : vector<1x16xf32> to vector<16xf32>
        %add3A_319 = arith.addf %get3A_313, %get3A_318 : vector<16xf32>
        %get3A_320 = arith.constant 6 : i32
        %get3A_321 = arith.index_cast %get3A_320 : i32 to index
        %get3A_322 = arith.index_cast %mul3A_286 : i32 to index
        %get3A_323 = tpu.vector_load %arg7[%get3A_321, %get3A_322] {strides = array<i32>} : memref<8x3200xf32, #tpu.memory_space<vmem>>, vector<1x16xf32>,
        %get3A_324 = vector.shape_cast %get3A_323 : vector<1x16xf32> to vector<16xf32>
        %get3A_325 = arith.constant 7 : i32
        %get3A_326 = arith.index_cast %get3A_325 : i32 to index
        %get3A_327 = arith.index_cast %mul3A_286 : i32 to index
        %get3A_328 = tpu.vector_load %arg7[%get3A_326, %get3A_327] {strides = array<i32>} : memref<8x3200xf32, #tpu.memory_space<vmem>>, vector<1x16xf32>,
        %get3A_329 = vector.shape_cast %get3A_328 : vector<1x16xf32> to vector<16xf32>
        %add3A_330 = arith.addf %get3A_324, %get3A_329 : vector<16xf32>
        %add3A_331 = arith.addf %add3A_297, %add3A_308 : vector<16xf32>
        %add3A_332 = arith.addf %add3A_319, %add3A_330 : vector<16xf32>
        %add3A_333 = arith.addf %add3A_331, %add3A_332 : vector<16xf32>
        %swap3A_334 = arith.constant 5 : i32
        %swap3A_335 = arith.index_cast %swap3A_334 : i32 to index
        %swap3A_336 = arith.index_cast %mul3A_286 : i32 to index
        %swap3A_337 = tpu.vector_load %arg8[%swap3A_335, %swap3A_336] {strides = array<i32>} : memref<8x3200xf32, #tpu.memory_space<vmem>>, vector<1x16xf32>,
        %swap3A_338 = vector.shape_cast %swap3A_337 : vector<1x16xf32> to vector<16xf32>
        %swap3A_339 = vector.shape_cast %add3A_333 : vector<16xf32> to vector<1x16xf32>
        tpu.vector_store %arg8[%swap3A_335, %swap3A_336], %swap3A_339 {strides = array<i32>} : memref<8x3200xf32, #tpu.memory_space<vmem>>, vector<1x16xf32>,
        %scan3A_340 = arith.constant 2 : i32
        %scan3A_341 = arith.addi %scan3A_229, %scan3A_340 : i32
        %mul3A_342 = arith.constant 16 : i32
        %mul3A_343 = arith.muli %scan3A_341, %mul3A_342 : i32
        %get3A_344 = arith.constant 0 : i32
        %get3A_345 = arith.index_cast %get3A_344 : i32 to index
        %get3A_346 = arith.index_cast %mul3A_343 : i32 to index
        %get3A_347 = tpu.vector_load %arg7[%get3A_345, %get3A_346] {strides = array<i32>} : memref<8x3200xf32, #tpu.memory_space<vmem>>, vector<1x16xf32>,
        %get3A_348 = vector.shape_cast %get3A_347 : vector<1x16xf32> to vector<16xf32>
        %get3A_349 = arith.constant 1 : i32
        %get3A_350 = arith.index_cast %get3A_349 : i32 to index
        %get3A_351 = arith.index_cast %mul3A_343 : i32 to index
        %get3A_352 = tpu.vector_load %arg7[%get3A_350, %get3A_351] {strides = array<i32>} : memref<8x3200xf32, #tpu.memory_space<vmem>>, vector<1x16xf32>,
        %get3A_353 = vector.shape_cast %get3A_352 : vector<1x16xf32> to vector<16xf32>
        %add3A_354 = arith.addf %get3A_348, %get3A_353 : vector<16xf32>
        %get3A_355 = arith.constant 2 : i32
        %get3A_356 = arith.index_cast %get3A_355 : i32 to index
        %get3A_357 = arith.index_cast %mul3A_343 : i32 to index
        %get3A_358 = tpu.vector_load %arg7[%get3A_356, %get3A_357] {strides = array<i32>} : memref<8x3200xf32, #tpu.memory_space<vmem>>, vector<1x16xf32>,
        %get3A_359 = vector.shape_cast %get3A_358 : vector<1x16xf32> to vector<16xf32>
        %get3A_360 = arith.constant 3 : i32
        %get3A_361 = arith.index_cast %get3A_360 : i32 to index
        %get3A_362 = arith.index_cast %mul3A_343 : i32 to index
        %get3A_363 = tpu.vector_load %arg7[%get3A_361, %get3A_362] {strides = array<i32>} : memref<8x3200xf32, #tpu.memory_space<vmem>>, vector<1x16xf32>,
        %get3A_364 = vector.shape_cast %get3A_363 : vector<1x16xf32> to vector<16xf32>
        %add3A_365 = arith.addf %get3A_359, %get3A_364 : vector<16xf32>
        %get3A_366 = arith.constant 4 : i32
        %get3A_367 = arith.index_cast %get3A_366 : i32 to index
        %get3A_368 = arith.index_cast %mul3A_343 : i32 to index
        %get3A_369 = tpu.vector_load %arg7[%get3A_367, %get3A_368] {strides = array<i32>} : memref<8x3200xf32, #tpu.memory_space<vmem>>, vector<1x16xf32>,
        %get3A_370 = vector.shape_cast %get3A_369 : vector<1x16xf32> to vector<16xf32>
        %get3A_371 = arith.constant 5 : i32
        %get3A_372 = arith.index_cast %get3A_371 : i32 to index
        %get3A_373 = arith.index_cast %mul3A_343 : i32 to index
        %get3A_374 = tpu.vector_load %arg7[%get3A_372, %get3A_373] {strides = array<i32>} : memref<8x3200xf32, #tpu.memory_space<vmem>>, vector<1x16xf32>,
        %get3A_375 = vector.shape_cast %get3A_374 : vector<1x16xf32> to vector<16xf32>
        %add3A_376 = arith.addf %get3A_370, %get3A_375 : vector<16xf32>
        %get3A_377 = arith.constant 6 : i32
        %get3A_378 = arith.index_cast %get3A_377 : i32 to index
        %get3A_379 = arith.index_cast %mul3A_343 : i32 to index
        %get3A_380 = tpu.vector_load %arg7[%get3A_378, %get3A_379] {strides = array<i32>} : memref<8x3200xf32, #tpu.memory_space<vmem>>, vector<1x16xf32>,
        %get3A_381 = vector.shape_cast %get3A_380 : vector<1x16xf32> to vector<16xf32>
        %get3A_382 = arith.constant 7 : i32
        %get3A_383 = arith.index_cast %get3A_382 : i32 to index
        %get3A_384 = arith.index_cast %mul3A_343 : i32 to index
        %get3A_385 = tpu.vector_load %arg7[%get3A_383, %get3A_384] {strides = array<i32>} : memref<8x3200xf32, #tpu.memory_space<vmem>>, vector<1x16xf32>,
        %get3A_386 = vector.shape_cast %get3A_385 : vector<1x16xf32> to vector<16xf32>
        %add3A_387 = arith.addf %get3A_381, %get3A_386 : vector<16xf32>
        %add3A_388 = arith.addf %add3A_354, %add3A_365 : vector<16xf32>
        %add3A_389 = arith.addf %add3A_376, %add3A_387 : vector<16xf32>
        %add3A_390 = arith.addf %add3A_388, %add3A_389 : vector<16xf32>
        %swap3A_391 = arith.constant 5 : i32
        %swap3A_392 = arith.index_cast %swap3A_391 : i32 to index
        %swap3A_393 = arith.index_cast %mul3A_343 : i32 to index
        %swap3A_394 = tpu.vector_load %arg8[%swap3A_392, %swap3A_393] {strides = array<i32>} : memref<8x3200xf32, #tpu.memory_space<vmem>>, vector<1x16xf32>,
        %swap3A_395 = vector.shape_cast %swap3A_394 : vector<1x16xf32> to vector<16xf32>
        %swap3A_396 = vector.shape_cast %add3A_390 : vector<16xf32> to vector<1x16xf32>
        tpu.vector_store %arg8[%swap3A_392, %swap3A_393], %swap3A_396 {strides = array<i32>} : memref<8x3200xf32, #tpu.memory_space<vmem>>, vector<1x16xf32>,
        %scan3A_397 = arith.constant 3 : i32
        %scan3A_398 = arith.addi %scan3A_229, %scan3A_397 : i32
        %mul3A_399 = arith.constant 16 : i32
        %mul3A_400 = arith.muli %scan3A_398, %mul3A_399 : i32
        %get3A_401 = arith.constant 0 : i32
        %get3A_402 = arith.index_cast %get3A_401 : i32 to index
        %get3A_403 = arith.index_cast %mul3A_400 : i32 to index
        %get3A_404 = tpu.vector_load %arg7[%get3A_402, %get3A_403] {strides = array<i32>} : memref<8x3200xf32, #tpu.memory_space<vmem>>, vector<1x16xf32>,
        %get3A_405 = vector.shape_cast %get3A_404 : vector<1x16xf32> to vector<16xf32>
        %get3A_406 = arith.constant 1 : i32
        %get3A_407 = arith.index_cast %get3A_406 : i32 to index
        %get3A_408 = arith.index_cast %mul3A_400 : i32 to index
        %get3A_409 = tpu.vector_load %arg7[%get3A_407, %get3A_408] {strides = array<i32>} : memref<8x3200xf32, #tpu.memory_space<vmem>>, vector<1x16xf32>,
        %get3A_410 = vector.shape_cast %get3A_409 : vector<1x16xf32> to vector<16xf32>
        %add3A_411 = arith.addf %get3A_405, %get3A_410 : vector<16xf32>
        %get3A_412 = arith.constant 2 : i32
        %get3A_413 = arith.index_cast %get3A_412 : i32 to index
        %get3A_414 = arith.index_cast %mul3A_400 : i32 to index
        %get3A_415 = tpu.vector_load %arg7[%get3A_413, %get3A_414] {strides = array<i32>} : memref<8x3200xf32, #tpu.memory_space<vmem>>, vector<1x16xf32>,
        %get3A_416 = vector.shape_cast %get3A_415 : vector<1x16xf32> to vector<16xf32>
        %get3A_417 = arith.constant 3 : i32
        %get3A_418 = arith.index_cast %get3A_417 : i32 to index
        %get3A_419 = arith.index_cast %mul3A_400 : i32 to index
        %get3A_420 = tpu.vector_load %arg7[%get3A_418, %get3A_419] {strides = array<i32>} : memref<8x3200xf32, #tpu.memory_space<vmem>>, vector<1x16xf32>,
        %get3A_421 = vector.shape_cast %get3A_420 : vector<1x16xf32> to vector<16xf32>
        %add3A_422 = arith.addf %get3A_416, %get3A_421 : vector<16xf32>
        %get3A_423 = arith.constant 4 : i32
        %get3A_424 = arith.index_cast %get3A_423 : i32 to index
        %get3A_425 = arith.index_cast %mul3A_400 : i32 to index
        %get3A_426 = tpu.vector_load %arg7[%get3A_424, %get3A_425] {strides = array<i32>} : memref<8x3200xf32, #tpu.memory_space<vmem>>, vector<1x16xf32>,
        %get3A_427 = vector.shape_cast %get3A_426 : vector<1x16xf32> to vector<16xf32>
        %get3A_428 = arith.constant 5 : i32
        %get3A_429 = arith.index_cast %get3A_428 : i32 to index
        %get3A_430 = arith.index_cast %mul3A_400 : i32 to index
        %get3A_431 = tpu.vector_load %arg7[%get3A_429, %get3A_430] {strides = array<i32>} : memref<8x3200xf32, #tpu.memory_space<vmem>>, vector<1x16xf32>,
        %get3A_432 = vector.shape_cast %get3A_431 : vector<1x16xf32> to vector<16xf32>
        %add3A_433 = arith.addf %get3A_427, %get3A_432 : vector<16xf32>
        %get3A_434 = arith.constant 6 : i32
        %get3A_435 = arith.index_cast %get3A_434 : i32 to index
        %get3A_436 = arith.index_cast %mul3A_400 : i32 to index
        %get3A_437 = tpu.vector_load %arg7[%get3A_435, %get3A_436] {strides = array<i32>} : memref<8x3200xf32, #tpu.memory_space<vmem>>, vector<1x16xf32>,
        %get3A_438 = vector.shape_cast %get3A_437 : vector<1x16xf32> to vector<16xf32>
        %get3A_439 = arith.constant 7 : i32
        %get3A_440 = arith.index_cast %get3A_439 : i32 to index
        %get3A_441 = arith.index_cast %mul3A_400 : i32 to index
        %get3A_442 = tpu.vector_load %arg7[%get3A_440, %get3A_441] {strides = array<i32>} : memref<8x3200xf32, #tpu.memory_space<vmem>>, vector<1x16xf32>,
        %get3A_443 = vector.shape_cast %get3A_442 : vector<1x16xf32> to vector<16xf32>
        %add3A_444 = arith.addf %get3A_438, %get3A_443 : vector<16xf32>
        %add3A_445 = arith.addf %add3A_411, %add3A_422 : vector<16xf32>
        %add3A_446 = arith.addf %add3A_433, %add3A_444 : vector<16xf32>
        %add3A_447 = arith.addf %add3A_445, %add3A_446 : vector<16xf32>
        %swap3A_448 = arith.constant 5 : i32
        %swap3A_449 = arith.index_cast %swap3A_448 : i32 to index
        %swap3A_450 = arith.index_cast %mul3A_400 : i32 to index
        %swap3A_451 = tpu.vector_load %arg8[%swap3A_449, %swap3A_450] {strides = array<i32>} : memref<8x3200xf32, #tpu.memory_space<vmem>>, vector<1x16xf32>,
        %swap3A_452 = vector.shape_cast %swap3A_451 : vector<1x16xf32> to vector<16xf32>
        %swap3A_453 = vector.shape_cast %add3A_447 : vector<16xf32> to vector<1x16xf32>
        tpu.vector_store %arg8[%swap3A_449, %swap3A_450], %swap3A_453 {strides = array<i32>} : memref<8x3200xf32, #tpu.memory_space<vmem>>, vector<1x16xf32>,
      }
      %scan3A_167 = arith.constant 200 : i32
      %mul3A_168 = arith.constant 8 : i32
      %mul3A_169 = arith.muli %scan3A_18, %mul3A_168 : i32
      %add3A_170 = arith.constant 6 : i32
      %add3A_171 = arith.addi %mul3A_169, %add3A_170 : i32
      %add3A_172 = arith.constant 1 : i32
      %add3A_173 = arith.addi %add3A_171, %add3A_172 : i32
      %rem3A_174 = arith.constant 64 : i32
      %rem3A_175 = arith.remsi %add3A_173, %rem3A_174 : i32
      %mul3A_176 = arith.constant 8 : i32
      %mul3A_177 = arith.muli %rem3A_175, %mul3A_176 : i32
      %dma_start3A_178 = tpu.memref_slice %arg5[%mul3A_177] : memref<512xi32, #tpu.memory_space<vmem>> -> memref<8xi32, #tpu.memory_space<vmem>>
      %dma_start3A_179 = arith.constant 0 : i32
      %dma_start3A_180 = arith.constant 0 : i32
      %dma_start3A_181 = tpu.memref_slice %arg2[%dma_start3A_179, %dma_start3A_180] : memref<2048x3200xf32, #tpu.memory_space<hbm>> -> memref<2048x3200xf32, #tpu.memory_space<hbm>>
      tpu.enqueue_indirect_dma source(%dma_start3A_181 : memref<2048x3200xf32, #tpu.memory_space<hbm>>) target(%arg7 : memref<8x3200xf32, #tpu.memory_space<vmem>>) offsets(%dma_start3A_178 : memref<8xi32, #tpu.memory_space<vmem>>) semaphore(%arg10 : memref<!tpu.dma_semaphore, #tpu.memory_space<semaphore_mem>>)
      %dma_wait3A_182 = arith.constant 0 : i32
      %dma_wait3A_183 = tpu.memref_slice %arg5[%dma_wait3A_182] : memref<512xi32, #tpu.memory_space<vmem>> -> memref<8xi32, #tpu.memory_space<vmem>>
      %dma_wait3A_184 = arith.constant 0 : i32
      %dma_wait3A_185 = arith.constant 0 : i32
      %dma_wait3A_186 = tpu.memref_slice %arg2[%dma_wait3A_184, %dma_wait3A_185] : memref<2048x3200xf32, #tpu.memory_space<hbm>> -> memref<2048x3200xf32, #tpu.memory_space<hbm>>
      tpu.wait_indirect_dma semaphore(%arg9 : memref<!tpu.dma_semaphore, #tpu.memory_space<semaphore_mem>>) src(%dma_wait3A_186 : memref<2048x3200xf32, #tpu.memory_space<hbm>>) dst(%arg6 : memref<8x3200xf32, #tpu.memory_space<vmem>>)
      %scan3A_187 = arith.constant 0 : i32
      %scan3A_188 = arith.constant 0 : i32
      %scan3A_189 = arith.constant 200 : i32
      %scan3A_190 = arith.addi %scan3A_188, %scan3A_189 : i32
      %scan3A_191 = arith.constant 4 : i32
      scf.for %scan3A_229 = %scan3A_188 to %scan3A_190 step %scan3A_191  : i32 {
        %mul3A_230 = arith.constant 16 : i32
        %mul3A_231 = arith.muli %scan3A_229, %mul3A_230 : i32
        %get3A = arith.constant 0 : i32
        %get3A_232 = arith.index_cast %get3A : i32 to index
        %get3A_233 = arith.index_cast %mul3A_231 : i32 to index
        %get3A_234 = tpu.vector_load %arg6[%get3A_232, %get3A_233] {strides = array<i32>} : memref<8x3200xf32, #tpu.memory_space<vmem>>, vector<1x16xf32>,
        %get3A_235 = vector.shape_cast %get3A_234 : vector<1x16xf32> to vector<16xf32>
        %get3A_236 = arith.constant 1 : i32
        %get3A_237 = arith.index_cast %get3A_236 : i32 to index
        %get3A_238 = arith.index_cast %mul3A_231 : i32 to index
        %get3A_239 = tpu.vector_load %arg6[%get3A_237, %get3A_238] {strides = array<i32>} : memref<8x3200xf32, #tpu.memory_space<vmem>>, vector<1x16xf32>,
        %get3A_240 = vector.shape_cast %get3A_239 : vector<1x16xf32> to vector<16xf32>
        %add3A_241 = arith.addf %get3A_235, %get3A_240 : vector<16xf32>
        %get3A_242 = arith.constant 2 : i32
        %get3A_243 = arith.index_cast %get3A_242 : i32 to index
        %get3A_244 = arith.index_cast %mul3A_231 : i32 to index
        %get3A_245 = tpu.vector_load %arg6[%get3A_243, %get3A_244] {strides = array<i32>} : memref<8x3200xf32, #tpu.memory_space<vmem>>, vector<1x16xf32>,
        %get3A_246 = vector.shape_cast %get3A_245 : vector<1x16xf32> to vector<16xf32>
        %get3A_247 = arith.constant 3 : i32
        %get3A_248 = arith.index_cast %get3A_247 : i32 to index
        %get3A_249 = arith.index_cast %mul3A_231 : i32 to index
        %get3A_250 = tpu.vector_load %arg6[%get3A_248, %get3A_249] {strides = array<i32>} : memref<8x3200xf32, #tpu.memory_space<vmem>>, vector<1x16xf32>,
        %get3A_251 = vector.shape_cast %get3A_250 : vector<1x16xf32> to vector<16xf32>
        %add3A_252 = arith.addf %get3A_246, %get3A_251 : vector<16xf32>
        %get3A_253 = arith.constant 4 : i32
        %get3A_254 = arith.index_cast %get3A_253 : i32 to index
        %get3A_255 = arith.index_cast %mul3A_231 : i32 to index
        %get3A_256 = tpu.vector_load %arg6[%get3A_254, %get3A_255] {strides = array<i32>} : memref<8x3200xf32, #tpu.memory_space<vmem>>, vector<1x16xf32>,
        %get3A_257 = vector.shape_cast %get3A_256 : vector<1x16xf32> to vector<16xf32>
        %get3A_258 = arith.constant 5 : i32
        %get3A_259 = arith.index_cast %get3A_258 : i32 to index
        %get3A_260 = arith.index_cast %mul3A_231 : i32 to index
        %get3A_261 = tpu.vector_load %arg6[%get3A_259, %get3A_260] {strides = array<i32>} : memref<8x3200xf32, #tpu.memory_space<vmem>>, vector<1x16xf32>,
        %get3A_262 = vector.shape_cast %get3A_261 : vector<1x16xf32> to vector<16xf32>
        %add3A_263 = arith.addf %get3A_257, %get3A_262 : vector<16xf32>
        %get3A_264 = arith.constant 6 : i32
        %get3A_265 = arith.index_cast %get3A_264 : i32 to index
        %get3A_266 = arith.index_cast %mul3A_231 : i32 to index
        %get3A_267 = tpu.vector_load %arg6[%get3A_265, %get3A_266] {strides = array<i32>} : memref<8x3200xf32, #tpu.memory_space<vmem>>, vector<1x16xf32>,
        %get3A_268 = vector.shape_cast %get3A_267 : vector<1x16xf32> to vector<16xf32>
        %get3A_269 = arith.constant 7 : i32
        %get3A_270 = arith.index_cast %get3A_269 : i32 to index
        %get3A_271 = arith.index_cast %mul3A_231 : i32 to index
        %get3A_272 = tpu.vector_load %arg6[%get3A_270, %get3A_271] {strides = array<i32>} : memref<8x3200xf32, #tpu.memory_space<vmem>>, vector<1x16xf32>,
        %get3A_273 = vector.shape_cast %get3A_272 : vector<1x16xf32> to vector<16xf32>
        %add3A_274 = arith.addf %get3A_268, %get3A_273 : vector<16xf32>
        %add3A_275 = arith.addf %add3A_241, %add3A_252 : vector<16xf32>
        %add3A_276 = arith.addf %add3A_263, %add3A_274 : vector<16xf32>
        %add3A_277 = arith.addf %add3A_275, %add3A_276 : vector<16xf32>
        %swap3A = arith.constant 6 : i32
        %swap3A_278 = arith.index_cast %swap3A : i32 to index
        %swap3A_279 = arith.index_cast %mul3A_231 : i32 to index
        %swap3A_280 = tpu.vector_load %arg8[%swap3A_278, %swap3A_279] {strides = array<i32>} : memref<8x3200xf32, #tpu.memory_space<vmem>>, vector<1x16xf32>,
        %swap3A_281 = vector.shape_cast %swap3A_280 : vector<1x16xf32> to vector<16xf32>
        %swap3A_282 = vector.shape_cast %add3A_277 : vector<16xf32> to vector<1x16xf32>
        tpu.vector_store %arg8[%swap3A_278, %swap3A_279], %swap3A_282 {strides = array<i32>} : memref<8x3200xf32, #tpu.memory_space<vmem>>, vector<1x16xf32>,
        %scan3A_283 = arith.constant 1 : i32
        %scan3A_284 = arith.addi %scan3A_229, %scan3A_283 : i32
        %mul3A_285 = arith.constant 16 : i32
        %mul3A_286 = arith.muli %scan3A_284, %mul3A_285 : i32
        %get3A_287 = arith.constant 0 : i32
        %get3A_288 = arith.index_cast %get3A_287 : i32 to index
        %get3A_289 = arith.index_cast %mul3A_286 : i32 to index
        %get3A_290 = tpu.vector_load %arg6[%get3A_288, %get3A_289] {strides = array<i32>} : memref<8x3200xf32, #tpu.memory_space<vmem>>, vector<1x16xf32>,
        %get3A_291 = vector.shape_cast %get3A_290 : vector<1x16xf32> to vector<16xf32>
        %get3A_292 = arith.constant 1 : i32
        %get3A_293 = arith.index_cast %get3A_292 : i32 to index
        %get3A_294 = arith.index_cast %mul3A_286 : i32 to index
        %get3A_295 = tpu.vector_load %arg6[%get3A_293, %get3A_294] {strides = array<i32>} : memref<8x3200xf32, #tpu.memory_space<vmem>>, vector<1x16xf32>,
        %get3A_296 = vector.shape_cast %get3A_295 : vector<1x16xf32> to vector<16xf32>
        %add3A_297 = arith.addf %get3A_291, %get3A_296 : vector<16xf32>
        %get3A_298 = arith.constant 2 : i32
        %get3A_299 = arith.index_cast %get3A_298 : i32 to index
        %get3A_300 = arith.index_cast %mul3A_286 : i32 to index
        %get3A_301 = tpu.vector_load %arg6[%get3A_299, %get3A_300] {strides = array<i32>} : memref<8x3200xf32, #tpu.memory_space<vmem>>, vector<1x16xf32>,
        %get3A_302 = vector.shape_cast %get3A_301 : vector<1x16xf32> to vector<16xf32>
        %get3A_303 = arith.constant 3 : i32
        %get3A_304 = arith.index_cast %get3A_303 : i32 to index
        %get3A_305 = arith.index_cast %mul3A_286 : i32 to index
        %get3A_306 = tpu.vector_load %arg6[%get3A_304, %get3A_305] {strides = array<i32>} : memref<8x3200xf32, #tpu.memory_space<vmem>>, vector<1x16xf32>,
        %get3A_307 = vector.shape_cast %get3A_306 : vector<1x16xf32> to vector<16xf32>
        %add3A_308 = arith.addf %get3A_302, %get3A_307 : vector<16xf32>
        %get3A_309 = arith.constant 4 : i32
        %get3A_310 = arith.index_cast %get3A_309 : i32 to index
        %get3A_311 = arith.index_cast %mul3A_286 : i32 to index
        %get3A_312 = tpu.vector_load %arg6[%get3A_310, %get3A_311] {strides = array<i32>} : memref<8x3200xf32, #tpu.memory_space<vmem>>, vector<1x16xf32>,
        %get3A_313 = vector.shape_cast %get3A_312 : vector<1x16xf32> to vector<16xf32>
        %get3A_314 = arith.constant 5 : i32
        %get3A_315 = arith.index_cast %get3A_314 : i32 to index
        %get3A_316 = arith.index_cast %mul3A_286 : i32 to index
        %get3A_317 = tpu.vector_load %arg6[%get3A_315, %get3A_316] {strides = array<i32>} : memref<8x3200xf32, #tpu.memory_space<vmem>>, vector<1x16xf32>,
        %get3A_318 = vector.shape_cast %get3A_317 : vector<1x16xf32> to vector<16xf32>
        %add3A_319 = arith.addf %get3A_313, %get3A_318 : vector<16xf32>
        %get3A_320 = arith.constant 6 : i32
        %get3A_321 = arith.index_cast %get3A_320 : i32 to index
        %get3A_322 = arith.index_cast %mul3A_286 : i32 to index
        %get3A_323 = tpu.vector_load %arg6[%get3A_321, %get3A_322] {strides = array<i32>} : memref<8x3200xf32, #tpu.memory_space<vmem>>, vector<1x16xf32>,
        %get3A_324 = vector.shape_cast %get3A_323 : vector<1x16xf32> to vector<16xf32>
        %get3A_325 = arith.constant 7 : i32
        %get3A_326 = arith.index_cast %get3A_325 : i32 to index
        %get3A_327 = arith.index_cast %mul3A_286 : i32 to index
        %get3A_328 = tpu.vector_load %arg6[%get3A_326, %get3A_327] {strides = array<i32>} : memref<8x3200xf32, #tpu.memory_space<vmem>>, vector<1x16xf32>,
        %get3A_329 = vector.shape_cast %get3A_328 : vector<1x16xf32> to vector<16xf32>
        %add3A_330 = arith.addf %get3A_324, %get3A_329 : vector<16xf32>
        %add3A_331 = arith.addf %add3A_297, %add3A_308 : vector<16xf32>
        %add3A_332 = arith.addf %add3A_319, %add3A_330 : vector<16xf32>
        %add3A_333 = arith.addf %add3A_331, %add3A_332 : vector<16xf32>
        %swap3A_334 = arith.constant 6 : i32
        %swap3A_335 = arith.index_cast %swap3A_334 : i32 to index
        %swap3A_336 = arith.index_cast %mul3A_286 : i32 to index
        %swap3A_337 = tpu.vector_load %arg8[%swap3A_335, %swap3A_336] {strides = array<i32>} : memref<8x3200xf32, #tpu.memory_space<vmem>>, vector<1x16xf32>,
        %swap3A_338 = vector.shape_cast %swap3A_337 : vector<1x16xf32> to vector<16xf32>
        %swap3A_339 = vector.shape_cast %add3A_333 : vector<16xf32> to vector<1x16xf32>
        tpu.vector_store %arg8[%swap3A_335, %swap3A_336], %swap3A_339 {strides = array<i32>} : memref<8x3200xf32, #tpu.memory_space<vmem>>, vector<1x16xf32>,
        %scan3A_340 = arith.constant 2 : i32
        %scan3A_341 = arith.addi %scan3A_229, %scan3A_340 : i32
        %mul3A_342 = arith.constant 16 : i32
        %mul3A_343 = arith.muli %scan3A_341, %mul3A_342 : i32
        %get3A_344 = arith.constant 0 : i32
        %get3A_345 = arith.index_cast %get3A_344 : i32 to index
        %get3A_346 = arith.index_cast %mul3A_343 : i32 to index
        %get3A_347 = tpu.vector_load %arg6[%get3A_345, %get3A_346] {strides = array<i32>} : memref<8x3200xf32, #tpu.memory_space<vmem>>, vector<1x16xf32>,
        %get3A_348 = vector.shape_cast %get3A_347 : vector<1x16xf32> to vector<16xf32>
        %get3A_349 = arith.constant 1 : i32
        %get3A_350 = arith.index_cast %get3A_349 : i32 to index
        %get3A_351 = arith.index_cast %mul3A_343 : i32 to index
        %get3A_352 = tpu.vector_load %arg6[%get3A_350, %get3A_351] {strides = array<i32>} : memref<8x3200xf32, #tpu.memory_space<vmem>>, vector<1x16xf32>,
        %get3A_353 = vector.shape_cast %get3A_352 : vector<1x16xf32> to vector<16xf32>
        %add3A_354 = arith.addf %get3A_348, %get3A_353 : vector<16xf32>
        %get3A_355 = arith.constant 2 : i32
        %get3A_356 = arith.index_cast %get3A_355 : i32 to index
        %get3A_357 = arith.index_cast %mul3A_343 : i32 to index
        %get3A_358 = tpu.vector_load %arg6[%get3A_356, %get3A_357] {strides = array<i32>} : memref<8x3200xf32, #tpu.memory_space<vmem>>, vector<1x16xf32>,
        %get3A_359 = vector.shape_cast %get3A_358 : vector<1x16xf32> to vector<16xf32>
        %get3A_360 = arith.constant 3 : i32
        %get3A_361 = arith.index_cast %get3A_360 : i32 to index
        %get3A_362 = arith.index_cast %mul3A_343 : i32 to index
        %get3A_363 = tpu.vector_load %arg6[%get3A_361, %get3A_362] {strides = array<i32>} : memref<8x3200xf32, #tpu.memory_space<vmem>>, vector<1x16xf32>,
        %get3A_364 = vector.shape_cast %get3A_363 : vector<1x16xf32> to vector<16xf32>
        %add3A_365 = arith.addf %get3A_359, %get3A_364 : vector<16xf32>
        %get3A_366 = arith.constant 4 : i32
        %get3A_367 = arith.index_cast %get3A_366 : i32 to index
        %get3A_368 = arith.index_cast %mul3A_343 : i32 to index
        %get3A_369 = tpu.vector_load %arg6[%get3A_367, %get3A_368] {strides = array<i32>} : memref<8x3200xf32, #tpu.memory_space<vmem>>, vector<1x16xf32>,
        %get3A_370 = vector.shape_cast %get3A_369 : vector<1x16xf32> to vector<16xf32>
        %get3A_371 = arith.constant 5 : i32
        %get3A_372 = arith.index_cast %get3A_371 : i32 to index
        %get3A_373 = arith.index_cast %mul3A_343 : i32 to index
        %get3A_374 = tpu.vector_load %arg6[%get3A_372, %get3A_373] {strides = array<i32>} : memref<8x3200xf32, #tpu.memory_space<vmem>>, vector<1x16xf32>,
        %get3A_375 = vector.shape_cast %get3A_374 : vector<1x16xf32> to vector<16xf32>
        %add3A_376 = arith.addf %get3A_370, %get3A_375 : vector<16xf32>
        %get3A_377 = arith.constant 6 : i32
        %get3A_378 = arith.index_cast %get3A_377 : i32 to index
        %get3A_379 = arith.index_cast %mul3A_343 : i32 to index
        %get3A_380 = tpu.vector_load %arg6[%get3A_378, %get3A_379] {strides = array<i32>} : memref<8x3200xf32, #tpu.memory_space<vmem>>, vector<1x16xf32>,
        %get3A_381 = vector.shape_cast %get3A_380 : vector<1x16xf32> to vector<16xf32>
        %get3A_382 = arith.constant 7 : i32
        %get3A_383 = arith.index_cast %get3A_382 : i32 to index
        %get3A_384 = arith.index_cast %mul3A_343 : i32 to index
        %get3A_385 = tpu.vector_load %arg6[%get3A_383, %get3A_384] {strides = array<i32>} : memref<8x3200xf32, #tpu.memory_space<vmem>>, vector<1x16xf32>,
        %get3A_386 = vector.shape_cast %get3A_385 : vector<1x16xf32> to vector<16xf32>
        %add3A_387 = arith.addf %get3A_381, %get3A_386 : vector<16xf32>
        %add3A_388 = arith.addf %add3A_354, %add3A_365 : vector<16xf32>
        %add3A_389 = arith.addf %add3A_376, %add3A_387 : vector<16xf32>
        %add3A_390 = arith.addf %add3A_388, %add3A_389 : vector<16xf32>
        %swap3A_391 = arith.constant 6 : i32
        %swap3A_392 = arith.index_cast %swap3A_391 : i32 to index
        %swap3A_393 = arith.index_cast %mul3A_343 : i32 to index
        %swap3A_394 = tpu.vector_load %arg8[%swap3A_392, %swap3A_393] {strides = array<i32>} : memref<8x3200xf32, #tpu.memory_space<vmem>>, vector<1x16xf32>,
        %swap3A_395 = vector.shape_cast %swap3A_394 : vector<1x16xf32> to vector<16xf32>
        %swap3A_396 = vector.shape_cast %add3A_390 : vector<16xf32> to vector<1x16xf32>
        tpu.vector_store %arg8[%swap3A_392, %swap3A_393], %swap3A_396 {strides = array<i32>} : memref<8x3200xf32, #tpu.memory_space<vmem>>, vector<1x16xf32>,
        %scan3A_397 = arith.constant 3 : i32
        %scan3A_398 = arith.addi %scan3A_229, %scan3A_397 : i32
        %mul3A_399 = arith.constant 16 : i32
        %mul3A_400 = arith.muli %scan3A_398, %mul3A_399 : i32
        %get3A_401 = arith.constant 0 : i32
        %get3A_402 = arith.index_cast %get3A_401 : i32 to index
        %get3A_403 = arith.index_cast %mul3A_400 : i32 to index
        %get3A_404 = tpu.vector_load %arg6[%get3A_402, %get3A_403] {strides = array<i32>} : memref<8x3200xf32, #tpu.memory_space<vmem>>, vector<1x16xf32>,
        %get3A_405 = vector.shape_cast %get3A_404 : vector<1x16xf32> to vector<16xf32>
        %get3A_406 = arith.constant 1 : i32
        %get3A_407 = arith.index_cast %get3A_406 : i32 to index
        %get3A_408 = arith.index_cast %mul3A_400 : i32 to index
        %get3A_409 = tpu.vector_load %arg6[%get3A_407, %get3A_408] {strides = array<i32>} : memref<8x3200xf32, #tpu.memory_space<vmem>>, vector<1x16xf32>,
        %get3A_410 = vector.shape_cast %get3A_409 : vector<1x16xf32> to vector<16xf32>
        %add3A_411 = arith.addf %get3A_405, %get3A_410 : vector<16xf32>
        %get3A_412 = arith.constant 2 : i32
        %get3A_413 = arith.index_cast %get3A_412 : i32 to index
        %get3A_414 = arith.index_cast %mul3A_400 : i32 to index
        %get3A_415 = tpu.vector_load %arg6[%get3A_413, %get3A_414] {strides = array<i32>} : memref<8x3200xf32, #tpu.memory_space<vmem>>, vector<1x16xf32>,
        %get3A_416 = vector.shape_cast %get3A_415 : vector<1x16xf32> to vector<16xf32>
        %get3A_417 = arith.constant 3 : i32
        %get3A_418 = arith.index_cast %get3A_417 : i32 to index
        %get3A_419 = arith.index_cast %mul3A_400 : i32 to index
        %get3A_420 = tpu.vector_load %arg6[%get3A_418, %get3A_419] {strides = array<i32>} : memref<8x3200xf32, #tpu.memory_space<vmem>>, vector<1x16xf32>,
        %get3A_421 = vector.shape_cast %get3A_420 : vector<1x16xf32> to vector<16xf32>
        %add3A_422 = arith.addf %get3A_416, %get3A_421 : vector<16xf32>
        %get3A_423 = arith.constant 4 : i32
        %get3A_424 = arith.index_cast %get3A_423 : i32 to index
        %get3A_425 = arith.index_cast %mul3A_400 : i32 to index
        %get3A_426 = tpu.vector_load %arg6[%get3A_424, %get3A_425] {strides = array<i32>} : memref<8x3200xf32, #tpu.memory_space<vmem>>, vector<1x16xf32>,
        %get3A_427 = vector.shape_cast %get3A_426 : vector<1x16xf32> to vector<16xf32>
        %get3A_428 = arith.constant 5 : i32
        %get3A_429 = arith.index_cast %get3A_428 : i32 to index
        %get3A_430 = arith.index_cast %mul3A_400 : i32 to index
        %get3A_431 = tpu.vector_load %arg6[%get3A_429, %get3A_430] {strides = array<i32>} : memref<8x3200xf32, #tpu.memory_space<vmem>>, vector<1x16xf32>,
        %get3A_432 = vector.shape_cast %get3A_431 : vector<1x16xf32> to vector<16xf32>
        %add3A_433 = arith.addf %get3A_427, %get3A_432 : vector<16xf32>
        %get3A_434 = arith.constant 6 : i32
        %get3A_435 = arith.index_cast %get3A_434 : i32 to index
        %get3A_436 = arith.index_cast %mul3A_400 : i32 to index
        %get3A_437 = tpu.vector_load %arg6[%get3A_435, %get3A_436] {strides = array<i32>} : memref<8x3200xf32, #tpu.memory_space<vmem>>, vector<1x16xf32>,
        %get3A_438 = vector.shape_cast %get3A_437 : vector<1x16xf32> to vector<16xf32>
        %get3A_439 = arith.constant 7 : i32
        %get3A_440 = arith.index_cast %get3A_439 : i32 to index
        %get3A_441 = arith.index_cast %mul3A_400 : i32 to index
        %get3A_442 = tpu.vector_load %arg6[%get3A_440, %get3A_441] {strides = array<i32>} : memref<8x3200xf32, #tpu.memory_space<vmem>>, vector<1x16xf32>,
        %get3A_443 = vector.shape_cast %get3A_442 : vector<1x16xf32> to vector<16xf32>
        %add3A_444 = arith.addf %get3A_438, %get3A_443 : vector<16xf32>
        %add3A_445 = arith.addf %add3A_411, %add3A_422 : vector<16xf32>
        %add3A_446 = arith.addf %add3A_433, %add3A_444 : vector<16xf32>
        %add3A_447 = arith.addf %add3A_445, %add3A_446 : vector<16xf32>
        %swap3A_448 = arith.constant 6 : i32
        %swap3A_449 = arith.index_cast %swap3A_448 : i32 to index
        %swap3A_450 = arith.index_cast %mul3A_400 : i32 to index
        %swap3A_451 = tpu.vector_load %arg8[%swap3A_449, %swap3A_450] {strides = array<i32>} : memref<8x3200xf32, #tpu.memory_space<vmem>>, vector<1x16xf32>,
        %swap3A_452 = vector.shape_cast %swap3A_451 : vector<1x16xf32> to vector<16xf32>
        %swap3A_453 = vector.shape_cast %add3A_447 : vector<16xf32> to vector<1x16xf32>
        tpu.vector_store %arg8[%swap3A_449, %swap3A_450], %swap3A_453 {strides = array<i32>} : memref<8x3200xf32, #tpu.memory_space<vmem>>, vector<1x16xf32>,
      }
      %scan3A_192 = arith.constant 200 : i32
      %mul3A_193 = arith.constant 8 : i32
      %mul3A_194 = arith.muli %scan3A_18, %mul3A_193 : i32
      %add3A_195 = arith.constant 7 : i32
      %add3A_196 = arith.addi %mul3A_194, %add3A_195 : i32
      %add3A_197 = arith.constant 1 : i32
      %add3A_198 = arith.addi %add3A_196, %add3A_197 : i32
      %rem3A_199 = arith.constant 64 : i32
      %rem3A_200 = arith.remsi %add3A_198, %rem3A_199 : i32
      %mul3A_201 = arith.constant 8 : i32
      %mul3A_202 = arith.muli %rem3A_200, %mul3A_201 : i32
      %dma_start3A_203 = tpu.memref_slice %arg5[%mul3A_202] : memref<512xi32, #tpu.memory_space<vmem>> -> memref<8xi32, #tpu.memory_space<vmem>>
      %dma_start3A_204 = arith.constant 0 : i32
      %dma_start3A_205 = arith.constant 0 : i32
      %dma_start3A_206 = tpu.memref_slice %arg2[%dma_start3A_204, %dma_start3A_205] : memref<2048x3200xf32, #tpu.memory_space<hbm>> -> memref<2048x3200xf32, #tpu.memory_space<hbm>>
      tpu.enqueue_indirect_dma source(%dma_start3A_206 : memref<2048x3200xf32, #tpu.memory_space<hbm>>) target(%arg6 : memref<8x3200xf32, #tpu.memory_space<vmem>>) offsets(%dma_start3A_203 : memref<8xi32, #tpu.memory_space<vmem>>) semaphore(%arg9 : memref<!tpu.dma_semaphore, #tpu.memory_space<semaphore_mem>>)
      %dma_wait3A_207 = arith.constant 0 : i32
      %dma_wait3A_208 = tpu.memref_slice %arg5[%dma_wait3A_207] : memref<512xi32, #tpu.memory_space<vmem>> -> memref<8xi32, #tpu.memory_space<vmem>>
      %dma_wait3A_209 = arith.constant 0 : i32
      %dma_wait3A_210 = arith.constant 0 : i32
      %dma_wait3A_211 = tpu.memref_slice %arg2[%dma_wait3A_209, %dma_wait3A_210] : memref<2048x3200xf32, #tpu.memory_space<hbm>> -> memref<2048x3200xf32, #tpu.memory_space<hbm>>
      tpu.wait_indirect_dma semaphore(%arg10 : memref<!tpu.dma_semaphore, #tpu.memory_space<semaphore_mem>>) src(%dma_wait3A_211 : memref<2048x3200xf32, #tpu.memory_space<hbm>>) dst(%arg7 : memref<8x3200xf32, #tpu.memory_space<vmem>>)
      %scan3A_212 = arith.constant 0 : i32
      %scan3A_213 = arith.constant 0 : i32
      %scan3A_214 = arith.constant 200 : i32
      %scan3A_215 = arith.addi %scan3A_213, %scan3A_214 : i32
      %scan3A_216 = arith.constant 4 : i32
      scf.for %scan3A_229 = %scan3A_213 to %scan3A_215 step %scan3A_216  : i32 {
        %mul3A_230 = arith.constant 16 : i32
        %mul3A_231 = arith.muli %scan3A_229, %mul3A_230 : i32
        %get3A = arith.constant 0 : i32
        %get3A_232 = arith.index_cast %get3A : i32 to index
        %get3A_233 = arith.index_cast %mul3A_231 : i32 to index
        %get3A_234 = tpu.vector_load %arg7[%get3A_232, %get3A_233] {strides = array<i32>} : memref<8x3200xf32, #tpu.memory_space<vmem>>, vector<1x16xf32>,
        %get3A_235 = vector.shape_cast %get3A_234 : vector<1x16xf32> to vector<16xf32>
        %get3A_236 = arith.constant 1 : i32
        %get3A_237 = arith.index_cast %get3A_236 : i32 to index
        %get3A_238 = arith.index_cast %mul3A_231 : i32 to index
        %get3A_239 = tpu.vector_load %arg7[%get3A_237, %get3A_238] {strides = array<i32>} : memref<8x3200xf32, #tpu.memory_space<vmem>>, vector<1x16xf32>,
        %get3A_240 = vector.shape_cast %get3A_239 : vector<1x16xf32> to vector<16xf32>
        %add3A_241 = arith.addf %get3A_235, %get3A_240 : vector<16xf32>
        %get3A_242 = arith.constant 2 : i32
        %get3A_243 = arith.index_cast %get3A_242 : i32 to index
        %get3A_244 = arith.index_cast %mul3A_231 : i32 to index
        %get3A_245 = tpu.vector_load %arg7[%get3A_243, %get3A_244] {strides = array<i32>} : memref<8x3200xf32, #tpu.memory_space<vmem>>, vector<1x16xf32>,
        %get3A_246 = vector.shape_cast %get3A_245 : vector<1x16xf32> to vector<16xf32>
        %get3A_247 = arith.constant 3 : i32
        %get3A_248 = arith.index_cast %get3A_247 : i32 to index
        %get3A_249 = arith.index_cast %mul3A_231 : i32 to index
        %get3A_250 = tpu.vector_load %arg7[%get3A_248, %get3A_249] {strides = array<i32>} : memref<8x3200xf32, #tpu.memory_space<vmem>>, vector<1x16xf32>,
        %get3A_251 = vector.shape_cast %get3A_250 : vector<1x16xf32> to vector<16xf32>
        %add3A_252 = arith.addf %get3A_246, %get3A_251 : vector<16xf32>
        %get3A_253 = arith.constant 4 : i32
        %get3A_254 = arith.index_cast %get3A_253 : i32 to index
        %get3A_255 = arith.index_cast %mul3A_231 : i32 to index
        %get3A_256 = tpu.vector_load %arg7[%get3A_254, %get3A_255] {strides = array<i32>} : memref<8x3200xf32, #tpu.memory_space<vmem>>, vector<1x16xf32>,
        %get3A_257 = vector.shape_cast %get3A_256 : vector<1x16xf32> to vector<16xf32>
        %get3A_258 = arith.constant 5 : i32
        %get3A_259 = arith.index_cast %get3A_258 : i32 to index
        %get3A_260 = arith.index_cast %mul3A_231 : i32 to index
        %get3A_261 = tpu.vector_load %arg7[%get3A_259, %get3A_260] {strides = array<i32>} : memref<8x3200xf32, #tpu.memory_space<vmem>>, vector<1x16xf32>,
        %get3A_262 = vector.shape_cast %get3A_261 : vector<1x16xf32> to vector<16xf32>
        %add3A_263 = arith.addf %get3A_257, %get3A_262 : vector<16xf32>
        %get3A_264 = arith.constant 6 : i32
        %get3A_265 = arith.index_cast %get3A_264 : i32 to index
        %get3A_266 = arith.index_cast %mul3A_231 : i32 to index
        %get3A_267 = tpu.vector_load %arg7[%get3A_265, %get3A_266] {strides = array<i32>} : memref<8x3200xf32, #tpu.memory_space<vmem>>, vector<1x16xf32>,
        %get3A_268 = vector.shape_cast %get3A_267 : vector<1x16xf32> to vector<16xf32>
        %get3A_269 = arith.constant 7 : i32
        %get3A_270 = arith.index_cast %get3A_269 : i32 to index
        %get3A_271 = arith.index_cast %mul3A_231 : i32 to index
        %get3A_272 = tpu.vector_load %arg7[%get3A_270, %get3A_271] {strides = array<i32>} : memref<8x3200xf32, #tpu.memory_space<vmem>>, vector<1x16xf32>,
        %get3A_273 = vector.shape_cast %get3A_272 : vector<1x16xf32> to vector<16xf32>
        %add3A_274 = arith.addf %get3A_268, %get3A_273 : vector<16xf32>
        %add3A_275 = arith.addf %add3A_241, %add3A_252 : vector<16xf32>
        %add3A_276 = arith.addf %add3A_263, %add3A_274 : vector<16xf32>
        %add3A_277 = arith.addf %add3A_275, %add3A_276 : vector<16xf32>
        %swap3A = arith.constant 7 : i32
        %swap3A_278 = arith.index_cast %swap3A : i32 to index
        %swap3A_279 = arith.index_cast %mul3A_231 : i32 to index
        %swap3A_280 = tpu.vector_load %arg8[%swap3A_278, %swap3A_279] {strides = array<i32>} : memref<8x3200xf32, #tpu.memory_space<vmem>>, vector<1x16xf32>,
        %swap3A_281 = vector.shape_cast %swap3A_280 : vector<1x16xf32> to vector<16xf32>
        %swap3A_282 = vector.shape_cast %add3A_277 : vector<16xf32> to vector<1x16xf32>
        tpu.vector_store %arg8[%swap3A_278, %swap3A_279], %swap3A_282 {strides = array<i32>} : memref<8x3200xf32, #tpu.memory_space<vmem>>, vector<1x16xf32>,
        %scan3A_283 = arith.constant 1 : i32
        %scan3A_284 = arith.addi %scan3A_229, %scan3A_283 : i32
        %mul3A_285 = arith.constant 16 : i32
        %mul3A_286 = arith.muli %scan3A_284, %mul3A_285 : i32
        %get3A_287 = arith.constant 0 : i32
        %get3A_288 = arith.index_cast %get3A_287 : i32 to index
        %get3A_289 = arith.index_cast %mul3A_286 : i32 to index
        %get3A_290 = tpu.vector_load %arg7[%get3A_288, %get3A_289] {strides = array<i32>} : memref<8x3200xf32, #tpu.memory_space<vmem>>, vector<1x16xf32>,
        %get3A_291 = vector.shape_cast %get3A_290 : vector<1x16xf32> to vector<16xf32>
        %get3A_292 = arith.constant 1 : i32
        %get3A_293 = arith.index_cast %get3A_292 : i32 to index
        %get3A_294 = arith.index_cast %mul3A_286 : i32 to index
        %get3A_295 = tpu.vector_load %arg7[%get3A_293, %get3A_294] {strides = array<i32>} : memref<8x3200xf32, #tpu.memory_space<vmem>>, vector<1x16xf32>,
        %get3A_296 = vector.shape_cast %get3A_295 : vector<1x16xf32> to vector<16xf32>
        %add3A_297 = arith.addf %get3A_291, %get3A_296 : vector<16xf32>
        %get3A_298 = arith.constant 2 : i32
        %get3A_299 = arith.index_cast %get3A_298 : i32 to index
        %get3A_300 = arith.index_cast %mul3A_286 : i32 to index
        %get3A_301 = tpu.vector_load %arg7[%get3A_299, %get3A_300] {strides = array<i32>} : memref<8x3200xf32, #tpu.memory_space<vmem>>, vector<1x16xf32>,
        %get3A_302 = vector.shape_cast %get3A_301 : vector<1x16xf32> to vector<16xf32>
        %get3A_303 = arith.constant 3 : i32
        %get3A_304 = arith.index_cast %get3A_303 : i32 to index
        %get3A_305 = arith.index_cast %mul3A_286 : i32 to index
        %get3A_306 = tpu.vector_load %arg7[%get3A_304, %get3A_305] {strides = array<i32>} : memref<8x3200xf32, #tpu.memory_space<vmem>>, vector<1x16xf32>,
        %get3A_307 = vector.shape_cast %get3A_306 : vector<1x16xf32> to vector<16xf32>
        %add3A_308 = arith.addf %get3A_302, %get3A_307 : vector<16xf32>
        %get3A_309 = arith.constant 4 : i32
        %get3A_310 = arith.index_cast %get3A_309 : i32 to index
        %get3A_311 = arith.index_cast %mul3A_286 : i32 to index
        %get3A_312 = tpu.vector_load %arg7[%get3A_310, %get3A_311] {strides = array<i32>} : memref<8x3200xf32, #tpu.memory_space<vmem>>, vector<1x16xf32>,
        %get3A_313 = vector.shape_cast %get3A_312 : vector<1x16xf32> to vector<16xf32>
        %get3A_314 = arith.constant 5 : i32
        %get3A_315 = arith.index_cast %get3A_314 : i32 to index
        %get3A_316 = arith.index_cast %mul3A_286 : i32 to index
        %get3A_317 = tpu.vector_load %arg7[%get3A_315, %get3A_316] {strides = array<i32>} : memref<8x3200xf32, #tpu.memory_space<vmem>>, vector<1x16xf32>,
        %get3A_318 = vector.shape_cast %get3A_317 : vector<1x16xf32> to vector<16xf32>
        %add3A_319 = arith.addf %get3A_313, %get3A_318 : vector<16xf32>
        %get3A_320 = arith.constant 6 : i32
        %get3A_321 = arith.index_cast %get3A_320 : i32 to index
        %get3A_322 = arith.index_cast %mul3A_286 : i32 to index
        %get3A_323 = tpu.vector_load %arg7[%get3A_321, %get3A_322] {strides = array<i32>} : memref<8x3200xf32, #tpu.memory_space<vmem>>, vector<1x16xf32>,
        %get3A_324 = vector.shape_cast %get3A_323 : vector<1x16xf32> to vector<16xf32>
        %get3A_325 = arith.constant 7 : i32
        %get3A_326 = arith.index_cast %get3A_325 : i32 to index
        %get3A_327 = arith.index_cast %mul3A_286 : i32 to index
        %get3A_328 = tpu.vector_load %arg7[%get3A_326, %get3A_327] {strides = array<i32>} : memref<8x3200xf32, #tpu.memory_space<vmem>>, vector<1x16xf32>,
        %get3A_329 = vector.shape_cast %get3A_328 : vector<1x16xf32> to vector<16xf32>
        %add3A_330 = arith.addf %get3A_324, %get3A_329 : vector<16xf32>
        %add3A_331 = arith.addf %add3A_297, %add3A_308 : vector<16xf32>
        %add3A_332 = arith.addf %add3A_319, %add3A_330 : vector<16xf32>
        %add3A_333 = arith.addf %add3A_331, %add3A_332 : vector<16xf32>
        %swap3A_334 = arith.constant 7 : i32
        %swap3A_335 = arith.index_cast %swap3A_334 : i32 to index
        %swap3A_336 = arith.index_cast %mul3A_286 : i32 to index
        %swap3A_337 = tpu.vector_load %arg8[%swap3A_335, %swap3A_336] {strides = array<i32>} : memref<8x3200xf32, #tpu.memory_space<vmem>>, vector<1x16xf32>,
        %swap3A_338 = vector.shape_cast %swap3A_337 : vector<1x16xf32> to vector<16xf32>
        %swap3A_339 = vector.shape_cast %add3A_333 : vector<16xf32> to vector<1x16xf32>
        tpu.vector_store %arg8[%swap3A_335, %swap3A_336], %swap3A_339 {strides = array<i32>} : memref<8x3200xf32, #tpu.memory_space<vmem>>, vector<1x16xf32>,
        %scan3A_340 = arith.constant 2 : i32
        %scan3A_341 = arith.addi %scan3A_229, %scan3A_340 : i32
        %mul3A_342 = arith.constant 16 : i32
        %mul3A_343 = arith.muli %scan3A_341, %mul3A_342 : i32
        %get3A_344 = arith.constant 0 : i32
        %get3A_345 = arith.index_cast %get3A_344 : i32 to index
        %get3A_346 = arith.index_cast %mul3A_343 : i32 to index
        %get3A_347 = tpu.vector_load %arg7[%get3A_345, %get3A_346] {strides = array<i32>} : memref<8x3200xf32, #tpu.memory_space<vmem>>, vector<1x16xf32>,
        %get3A_348 = vector.shape_cast %get3A_347 : vector<1x16xf32> to vector<16xf32>
        %get3A_349 = arith.constant 1 : i32
        %get3A_350 = arith.index_cast %get3A_349 : i32 to index
        %get3A_351 = arith.index_cast %mul3A_343 : i32 to index
        %get3A_352 = tpu.vector_load %arg7[%get3A_350, %get3A_351] {strides = array<i32>} : memref<8x3200xf32, #tpu.memory_space<vmem>>, vector<1x16xf32>,
        %get3A_353 = vector.shape_cast %get3A_352 : vector<1x16xf32> to vector<16xf32>
        %add3A_354 = arith.addf %get3A_348, %get3A_353 : vector<16xf32>
        %get3A_355 = arith.constant 2 : i32
        %get3A_356 = arith.index_cast %get3A_355 : i32 to index
        %get3A_357 = arith.index_cast %mul3A_343 : i32 to index
        %get3A_358 = tpu.vector_load %arg7[%get3A_356, %get3A_357] {strides = array<i32>} : memref<8x3200xf32, #tpu.memory_space<vmem>>, vector<1x16xf32>,
        %get3A_359 = vector.shape_cast %get3A_358 : vector<1x16xf32> to vector<16xf32>
        %get3A_360 = arith.constant 3 : i32
        %get3A_361 = arith.index_cast %get3A_360 : i32 to index
        %get3A_362 = arith.index_cast %mul3A_343 : i32 to index
        %get3A_363 = tpu.vector_load %arg7[%get3A_361, %get3A_362] {strides = array<i32>} : memref<8x3200xf32, #tpu.memory_space<vmem>>, vector<1x16xf32>,
        %get3A_364 = vector.shape_cast %get3A_363 : vector<1x16xf32> to vector<16xf32>
        %add3A_365 = arith.addf %get3A_359, %get3A_364 : vector<16xf32>
        %get3A_366 = arith.constant 4 : i32
        %get3A_367 = arith.index_cast %get3A_366 : i32 to index
        %get3A_368 = arith.index_cast %mul3A_343 : i32 to index
        %get3A_369 = tpu.vector_load %arg7[%get3A_367, %get3A_368] {strides = array<i32>} : memref<8x3200xf32, #tpu.memory_space<vmem>>, vector<1x16xf32>,
        %get3A_370 = vector.shape_cast %get3A_369 : vector<1x16xf32> to vector<16xf32>
        %get3A_371 = arith.constant 5 : i32
        %get3A_372 = arith.index_cast %get3A_371 : i32 to index
        %get3A_373 = arith.index_cast %mul3A_343 : i32 to index
        %get3A_374 = tpu.vector_load %arg7[%get3A_372, %get3A_373] {strides = array<i32>} : memref<8x3200xf32, #tpu.memory_space<vmem>>, vector<1x16xf32>,
        %get3A_375 = vector.shape_cast %get3A_374 : vector<1x16xf32> to vector<16xf32>
        %add3A_376 = arith.addf %get3A_370, %get3A_375 : vector<16xf32>
        %get3A_377 = arith.constant 6 : i32
        %get3A_378 = arith.index_cast %get3A_377 : i32 to index
        %get3A_379 = arith.index_cast %mul3A_343 : i32 to index
        %get3A_380 = tpu.vector_load %arg7[%get3A_378, %get3A_379] {strides = array<i32>} : memref<8x3200xf32, #tpu.memory_space<vmem>>, vector<1x16xf32>,
        %get3A_381 = vector.shape_cast %get3A_380 : vector<1x16xf32> to vector<16xf32>
        %get3A_382 = arith.constant 7 : i32
        %get3A_383 = arith.index_cast %get3A_382 : i32 to index
        %get3A_384 = arith.index_cast %mul3A_343 : i32 to index
        %get3A_385 = tpu.vector_load %arg7[%get3A_383, %get3A_384] {strides = array<i32>} : memref<8x3200xf32, #tpu.memory_space<vmem>>, vector<1x16xf32>,
        %get3A_386 = vector.shape_cast %get3A_385 : vector<1x16xf32> to vector<16xf32>
        %add3A_387 = arith.addf %get3A_381, %get3A_386 : vector<16xf32>
        %add3A_388 = arith.addf %add3A_354, %add3A_365 : vector<16xf32>
        %add3A_389 = arith.addf %add3A_376, %add3A_387 : vector<16xf32>
        %add3A_390 = arith.addf %add3A_388, %add3A_389 : vector<16xf32>
        %swap3A_391 = arith.constant 7 : i32
        %swap3A_392 = arith.index_cast %swap3A_391 : i32 to index
        %swap3A_393 = arith.index_cast %mul3A_343 : i32 to index
        %swap3A_394 = tpu.vector_load %arg8[%swap3A_392, %swap3A_393] {strides = array<i32>} : memref<8x3200xf32, #tpu.memory_space<vmem>>, vector<1x16xf32>,
        %swap3A_395 = vector.shape_cast %swap3A_394 : vector<1x16xf32> to vector<16xf32>
        %swap3A_396 = vector.shape_cast %add3A_390 : vector<16xf32> to vector<1x16xf32>
        tpu.vector_store %arg8[%swap3A_392, %swap3A_393], %swap3A_396 {strides = array<i32>} : memref<8x3200xf32, #tpu.memory_space<vmem>>, vector<1x16xf32>,
        %scan3A_397 = arith.constant 3 : i32
        %scan3A_398 = arith.addi %scan3A_229, %scan3A_397 : i32
        %mul3A_399 = arith.constant 16 : i32
        %mul3A_400 = arith.muli %scan3A_398, %mul3A_399 : i32
        %get3A_401 = arith.constant 0 : i32
        %get3A_402 = arith.index_cast %get3A_401 : i32 to index
        %get3A_403 = arith.index_cast %mul3A_400 : i32 to index
        %get3A_404 = tpu.vector_load %arg7[%get3A_402, %get3A_403] {strides = array<i32>} : memref<8x3200xf32, #tpu.memory_space<vmem>>, vector<1x16xf32>,
        %get3A_405 = vector.shape_cast %get3A_404 : vector<1x16xf32> to vector<16xf32>
        %get3A_406 = arith.constant 1 : i32
        %get3A_407 = arith.index_cast %get3A_406 : i32 to index
        %get3A_408 = arith.index_cast %mul3A_400 : i32 to index
        %get3A_409 = tpu.vector_load %arg7[%get3A_407, %get3A_408] {strides = array<i32>} : memref<8x3200xf32, #tpu.memory_space<vmem>>, vector<1x16xf32>,
        %get3A_410 = vector.shape_cast %get3A_409 : vector<1x16xf32> to vector<16xf32>
        %add3A_411 = arith.addf %get3A_405, %get3A_410 : vector<16xf32>
        %get3A_412 = arith.constant 2 : i32
        %get3A_413 = arith.index_cast %get3A_412 : i32 to index
        %get3A_414 = arith.index_cast %mul3A_400 : i32 to index
        %get3A_415 = tpu.vector_load %arg7[%get3A_413, %get3A_414] {strides = array<i32>} : memref<8x3200xf32, #tpu.memory_space<vmem>>, vector<1x16xf32>,
        %get3A_416 = vector.shape_cast %get3A_415 : vector<1x16xf32> to vector<16xf32>
        %get3A_417 = arith.constant 3 : i32
        %get3A_418 = arith.index_cast %get3A_417 : i32 to index
        %get3A_419 = arith.index_cast %mul3A_400 : i32 to index
        %get3A_420 = tpu.vector_load %arg7[%get3A_418, %get3A_419] {strides = array<i32>} : memref<8x3200xf32, #tpu.memory_space<vmem>>, vector<1x16xf32>,
        %get3A_421 = vector.shape_cast %get3A_420 : vector<1x16xf32> to vector<16xf32>
        %add3A_422 = arith.addf %get3A_416, %get3A_421 : vector<16xf32>
        %get3A_423 = arith.constant 4 : i32
        %get3A_424 = arith.index_cast %get3A_423 : i32 to index
        %get3A_425 = arith.index_cast %mul3A_400 : i32 to index
        %get3A_426 = tpu.vector_load %arg7[%get3A_424, %get3A_425] {strides = array<i32>} : memref<8x3200xf32, #tpu.memory_space<vmem>>, vector<1x16xf32>,
        %get3A_427 = vector.shape_cast %get3A_426 : vector<1x16xf32> to vector<16xf32>
        %get3A_428 = arith.constant 5 : i32
        %get3A_429 = arith.index_cast %get3A_428 : i32 to index
        %get3A_430 = arith.index_cast %mul3A_400 : i32 to index
        %get3A_431 = tpu.vector_load %arg7[%get3A_429, %get3A_430] {strides = array<i32>} : memref<8x3200xf32, #tpu.memory_space<vmem>>, vector<1x16xf32>,
        %get3A_432 = vector.shape_cast %get3A_431 : vector<1x16xf32> to vector<16xf32>
        %add3A_433 = arith.addf %get3A_427, %get3A_432 : vector<16xf32>
        %get3A_434 = arith.constant 6 : i32
        %get3A_435 = arith.index_cast %get3A_434 : i32 to index
        %get3A_436 = arith.index_cast %mul3A_400 : i32 to index
        %get3A_437 = tpu.vector_load %arg7[%get3A_435, %get3A_436] {strides = array<i32>} : memref<8x3200xf32, #tpu.memory_space<vmem>>, vector<1x16xf32>,
        %get3A_438 = vector.shape_cast %get3A_437 : vector<1x16xf32> to vector<16xf32>
        %get3A_439 = arith.constant 7 : i32
        %get3A_440 = arith.index_cast %get3A_439 : i32 to index
        %get3A_441 = arith.index_cast %mul3A_400 : i32 to index
        %get3A_442 = tpu.vector_load %arg7[%get3A_440, %get3A_441] {strides = array<i32>} : memref<8x3200xf32, #tpu.memory_space<vmem>>, vector<1x16xf32>,
        %get3A_443 = vector.shape_cast %get3A_442 : vector<1x16xf32> to vector<16xf32>
        %add3A_444 = arith.addf %get3A_438, %get3A_443 : vector<16xf32>
        %add3A_445 = arith.addf %add3A_411, %add3A_422 : vector<16xf32>
        %add3A_446 = arith.addf %add3A_433, %add3A_444 : vector<16xf32>
        %add3A_447 = arith.addf %add3A_445, %add3A_446 : vector<16xf32>
        %swap3A_448 = arith.constant 7 : i32
        %swap3A_449 = arith.index_cast %swap3A_448 : i32 to index
        %swap3A_450 = arith.index_cast %mul3A_400 : i32 to index
        %swap3A_451 = tpu.vector_load %arg8[%swap3A_449, %swap3A_450] {strides = array<i32>} : memref<8x3200xf32, #tpu.memory_space<vmem>>, vector<1x16xf32>,
        %swap3A_452 = vector.shape_cast %swap3A_451 : vector<1x16xf32> to vector<16xf32>
        %swap3A_453 = vector.shape_cast %add3A_447 : vector<16xf32> to vector<1x16xf32>
        tpu.vector_store %arg8[%swap3A_449, %swap3A_450], %swap3A_453 {strides = array<i32>} : memref<8x3200xf32, #tpu.memory_space<vmem>>, vector<1x16xf32>,
      }
      %scan3A_217 = arith.constant 200 : i32
      %mul3A_218 = arith.constant 8 : i32
      %mul3A_219 = arith.muli %scan3A_18, %mul3A_218 : i32
      %add3A_220 = arith.addi %mul3A_2, %mul3A_219 : i32
      %dma_start3A_221 = arith.constant 0 : i32
      %dma_start3A_222 = tpu.memref_slice %arg4[%add3A_220, %dma_start3A_221] : memref<2048x3200xf32, #tpu.memory_space<hbm>> -> memref<8x3200xf32, #tpu.memory_space<hbm>>
      %dma_start3A_223 = arith.constant 0 : i32
      %dma_start3A_224 = tpu.memref_slice %arg4[%add3A_220, %dma_start3A_223] : memref<2048x3200xf32, #tpu.memory_space<hbm>> -> memref<8x3200xf32, #tpu.memory_space<hbm>>
      tpu.enqueue_dma source(%arg8 : memref<8x3200xf32, #tpu.memory_space<vmem>>) target(%dma_start3A_224 : memref<8x3200xf32, #tpu.memory_space<hbm>>) target_semaphore(%arg11 : memref<!tpu.dma_semaphore, #tpu.memory_space<semaphore_mem>>)
      %dma_wait3A_225 = arith.constant 0 : i32
      %dma_wait3A_226 = tpu.memref_slice %arg4[%add3A_220, %dma_wait3A_225] : memref<2048x3200xf32, #tpu.memory_space<hbm>> -> memref<8x3200xf32, #tpu.memory_space<hbm>>
      %dma_wait3A_227 = arith.constant 0 : i32
      %dma_wait3A_228 = tpu.memref_slice %arg4[%add3A_220, %dma_wait3A_227] : memref<2048x3200xf32, #tpu.memory_space<hbm>> -> memref<8x3200xf32, #tpu.memory_space<hbm>>
      tpu.wait_dma2 semaphore(%arg11 : memref<!tpu.dma_semaphore, #tpu.memory_space<semaphore_mem>>) src(%arg8 : memref<8x3200xf32, #tpu.memory_space<vmem>>) dst(%dma_wait3A_228 : memref<8x3200xf32, #tpu.memory_space<hbm>>)
    }
    %scan3A_13 = arith.constant 8 : i32
    %dma_wait3A = arith.constant 0 : i32
    %dma_wait3A_14 = tpu.memref_slice %arg5[%dma_wait3A] : memref<512xi32, #tpu.memory_space<vmem>> -> memref<8xi32, #tpu.memory_space<vmem>>
    %dma_wait3A_15 = arith.constant 0 : i32
    %dma_wait3A_16 = arith.constant 0 : i32
    %dma_wait3A_17 = tpu.memref_slice %arg2[%dma_wait3A_15, %dma_wait3A_16] : memref<2048x3200xf32, #tpu.memory_space<hbm>> -> memref<2048x3200xf32, #tpu.memory_space<hbm>>
    tpu.wait_indirect_dma semaphore(%arg9 : memref<!tpu.dma_semaphore, #tpu.memory_space<semaphore_mem>>) src(%dma_wait3A_17 : memref<2048x3200xf32, #tpu.memory_space<hbm>>) dst(%arg6 : memref<8x3200xf32, #tpu.memory_space<vmem>>)
    return
  }
}

module attributes {stable_mosaic.version = 14 : i64} {
  func.func @_stage1_body(%arg0: i32, %arg1: i32, %arg2: memref<1x96x1x7x224xf32, #tpu.memory_space<vmem>>, %arg3: memref<1x96x1x7x224xf32, #tpu.memory_space<vmem>>, %arg4: memref<1x96x1x7x224xf32, #tpu.memory_space<vmem>>, %arg5: memref<32x3200xf32, #tpu.memory_space<vmem>>, %arg6: memref<1x32x96xf32, #tpu.memory_space<vmem>>, %arg7: memref<1x32x96xf32, #tpu.memory_space<vmem>>, %arg8: memref<1x32x96xf32, #tpu.memory_space<vmem>>) attributes {dimension_semantics = [#tpu.dimension_semantics<arbitrary>, #tpu.dimension_semantics<arbitrary>], iteration_bounds = array<i64: 2, 32>, scalar_prefetch = 0 : i64, scratch_operands = 0 : i64, tpu.core_type = #tpu.core_type<tc>, window_params = [{transform_indices = @transform_0, window_bounds = array<i64: 1, 96, 1, 7, 224>}, {transform_indices = @transform_1, window_bounds = array<i64: 1, 96, 1, 7, 224>}, {transform_indices = @transform_2, window_bounds = array<i64: 1, 96, 1, 7, 224>}, {transform_indices = @transform_3, window_bounds = array<i64: 32, 3200>}, {transform_indices = @transform_4, window_bounds = array<i64: 1, 32, 96>}, {transform_indices = @transform_5, window_bounds = array<i64: 1, 32, 96>}, {transform_indices = @transform_6, window_bounds = array<i64: 1, 32, 96>}]} {
    %get3A = arith.constant 0 : index
    %get3A_0 = arith.constant 0 : index
    %get3A_1 = arith.constant 0 : index
    %get3A_2 = arith.constant 0 : index
    %get3A_3 = arith.constant 0 : index
    %get3A_4 = vector.load %arg3[%get3A, %get3A_0, %get3A_1, %get3A_2, %get3A_3] : memref<1x96x1x7x224xf32, #tpu.memory_space<vmem>>, vector<1x96x1x7x224xf32>
    %get3A_5 = vector.shape_cast %get3A_4 : vector<1x96x1x7x224xf32> to vector<96x7x224xf32>
    %reshape3A = vector.shape_cast %get3A_5 : vector<96x7x224xf32> to vector<96x1568xf32>
    %transpose3A = tpu.transpose %reshape3A, [1, 0] : vector<96x1568xf32> -> vector<1568x96xf32>
    %reshape3A_6 = vector.shape_cast %transpose3A : vector<1568x96xf32> to vector<7x32x7x96xf32>
    %transpose3A_7 = tpu.transpose %reshape3A_6, [1, 0, 2, 3] : vector<7x32x7x96xf32> -> vector<32x7x7x96xf32>
    %reshape3A_8 = vector.shape_cast %transpose3A_7 : vector<32x7x7x96xf32> to vector<32x49x96xf32>
    %get3A_9 = arith.constant 0 : index
    %get3A_10 = arith.constant 0 : index
    %get3A_11 = arith.constant 0 : index
    %get3A_12 = arith.constant 0 : index
    %get3A_13 = arith.constant 0 : index
    %get3A_14 = vector.load %arg4[%get3A_9, %get3A_10, %get3A_11, %get3A_12, %get3A_13] : memref<1x96x1x7x224xf32, #tpu.memory_space<vmem>>, vector<1x96x1x7x224xf32>
    %get3A_15 = vector.shape_cast %get3A_14 : vector<1x96x1x7x224xf32> to vector<96x7x224xf32>
    %reshape3A_16 = vector.shape_cast %get3A_15 : vector<96x7x224xf32> to vector<96x1568xf32>
    %transpose3A_17 = tpu.transpose %reshape3A_16, [1, 0] : vector<96x1568xf32> -> vector<1568x96xf32>
    %reshape3A_18 = vector.shape_cast %transpose3A_17 : vector<1568x96xf32> to vector<7x32x7x96xf32>
    %transpose3A_19 = tpu.transpose %reshape3A_18, [1, 0, 2, 3] : vector<7x32x7x96xf32> -> vector<32x7x7x96xf32>
    %reshape3A_20 = vector.shape_cast %transpose3A_19 : vector<32x7x7x96xf32> to vector<32x49x96xf32>
    %gt3A = arith.constant 0.000000e+00 : f32
    %gt3A_21 = vector.broadcast %gt3A : f32 to vector<32x49x96xf32>
    %gt3A_22 = arith.cmpf ogt, %reshape3A_8, %gt3A_21 : vector<32x49x96xf32>
    %add3A = arith.constant 1.000000e+00 : f32
    %add3A_23 = vector.broadcast %add3A : f32 to vector<32x49x96xf32>
    %add3A_24 = arith.addf %reshape3A_8, %add3A_23 : vector<32x49x96xf32>
    %exp3A = math.exp %reshape3A_8 : vector<32x49x96xf32>
    %select_n3A = arith.select %gt3A_22, %add3A_24, %exp3A : vector<32x49x96xi1>, vector<32x49x96xf32>
    %dot_general3A = arith.constant dense<0.000000e+00> : vector<32x96x96xf32>
    %dot_general3A_25 = tpu.matmul %select_n3A, %reshape3A_20, %dot_general3A {dimension_numbers = #tpu.dot_dimension_numbers<[1], [1], [2], [2], [0, 0, 0, 2, 1, 2], [0], [0]>, transpose_lhs_hint = false} : vector<32x49x96xf32>, vector<32x49x96xf32>, vector<32x96x96xf32> -> vector<32x96x96xf32>
    %slice3A = vector.extract_strided_slice %dot_general3A_25 {offsets = [0, 0, 0], sizes = [32, 32, 32], strides = [1, 1, 1]} : vector<32x96x96xf32> to vector<32x32x32xf32>
    %slice3A_26 = vector.extract_strided_slice %dot_general3A_25 {offsets = [0, 32, 32], sizes = [32, 32, 32], strides = [1, 1, 1]} : vector<32x96x96xf32> to vector<32x32x32xf32>
    %slice3A_27 = vector.extract_strided_slice %dot_general3A_25 {offsets = [0, 64, 64], sizes = [32, 32, 32], strides = [1, 1, 1]} : vector<32x96x96xf32> to vector<32x32x32xf32>
    %reduce_sum3A = arith.constant dense<0.000000e+00> : vector<32x96xf32>
    %reduce_sum3A_28 = vector.multi_reduction <add>, %select_n3A, %reduce_sum3A [1] : vector<32x49x96xf32> to vector<32x96xf32>
    %concatenate3A = tpu.concatenate %slice3A, %slice3A_26, %slice3A_27 in 1 : vector<32x32x32xf32>, vector<32x32x32xf32>, vector<32x32x32xf32> -> vector<32x96x32xf32>
    %reshape3A_29 = vector.shape_cast %concatenate3A : vector<32x96x32xf32> to vector<32x3072xf32>
    %broadcast_in_dim3A = arith.constant 0.000000e+00 : f32
    %broadcast_in_dim3A_30 = vector.broadcast %broadcast_in_dim3A : f32 to vector<32x32xf32>
    %concatenate3A_31 = tpu.concatenate %reshape3A_29, %reduce_sum3A_28, %broadcast_in_dim3A_30 in 1 : vector<32x3072xf32>, vector<32x96xf32>, vector<32x32xf32> -> vector<32x3200xf32>
    %swap3A = arith.constant 0 : index
    %swap3A_32 = arith.constant 0 : index
    %swap3A_33 = vector.load %arg5[%swap3A, %swap3A_32] : memref<32x3200xf32, #tpu.memory_space<vmem>>, vector<32x3200xf32>
    tpu.vector_store %arg5[%swap3A, %swap3A_32], %concatenate3A_31 {strides = array<i32>} : memref<32x3200xf32, #tpu.memory_space<vmem>>, vector<32x3200xf32>,
    %reduce_sum3A_34 = arith.constant dense<0.000000e+00> : vector<32x96xf32>
    %reduce_sum3A_35 = vector.multi_reduction <add>, %reshape3A_8, %reduce_sum3A_34 [1] : vector<32x49x96xf32> to vector<32x96xf32>
    %div3A = arith.constant 4.900000e+01 : f32
    %div3A_36 = vector.broadcast %div3A : f32 to vector<32x96xf32>
    %div3A_37 = arith.divf %reduce_sum3A_35, %div3A_36 : vector<32x96xf32>
    %swap3A_38 = arith.constant 0 : index
    %swap3A_39 = arith.constant 0 : index
    %swap3A_40 = arith.constant 0 : index
    %swap3A_41 = vector.load %arg7[%swap3A_38, %swap3A_39, %swap3A_40] : memref<1x32x96xf32, #tpu.memory_space<vmem>>, vector<1x32x96xf32>
    %swap3A_42 = vector.shape_cast %swap3A_41 : vector<1x32x96xf32> to vector<32x96xf32>
    %swap3A_43 = vector.shape_cast %div3A_37 : vector<32x96xf32> to vector<1x32x96xf32>
    tpu.vector_store %arg7[%swap3A_38, %swap3A_39, %swap3A_40], %swap3A_43 {strides = array<i32>} : memref<1x32x96xf32, #tpu.memory_space<vmem>>, vector<1x32x96xf32>,
    %reduce_sum3A_44 = arith.constant dense<0.000000e+00> : vector<32x96xf32>
    %reduce_sum3A_45 = vector.multi_reduction <add>, %reshape3A_20, %reduce_sum3A_44 [1] : vector<32x49x96xf32> to vector<32x96xf32>
    %div3A_46 = arith.constant 4.900000e+01 : f32
    %div3A_47 = vector.broadcast %div3A_46 : f32 to vector<32x96xf32>
    %div3A_48 = arith.divf %reduce_sum3A_45, %div3A_47 : vector<32x96xf32>
    %swap3A_49 = arith.constant 0 : index
    %swap3A_50 = arith.constant 0 : index
    %swap3A_51 = arith.constant 0 : index
    %swap3A_52 = vector.load %arg8[%swap3A_49, %swap3A_50, %swap3A_51] : memref<1x32x96xf32, #tpu.memory_space<vmem>>, vector<1x32x96xf32>
    %swap3A_53 = vector.shape_cast %swap3A_52 : vector<1x32x96xf32> to vector<32x96xf32>
    %swap3A_54 = vector.shape_cast %div3A_48 : vector<32x96xf32> to vector<1x32x96xf32>
    tpu.vector_store %arg8[%swap3A_49, %swap3A_50, %swap3A_51], %swap3A_54 {strides = array<i32>} : memref<1x32x96xf32, #tpu.memory_space<vmem>>, vector<1x32x96xf32>,
    %get3A_55 = arith.constant 0 : index
    %get3A_56 = arith.constant 0 : index
    %get3A_57 = arith.constant 0 : index
    %get3A_58 = arith.constant 0 : index
    %get3A_59 = arith.constant 0 : index
    %get3A_60 = vector.load %arg2[%get3A_55, %get3A_56, %get3A_57, %get3A_58, %get3A_59] : memref<1x96x1x7x224xf32, #tpu.memory_space<vmem>>, vector<1x96x1x7x224xf32>
    %get3A_61 = vector.shape_cast %get3A_60 : vector<1x96x1x7x224xf32> to vector<96x7x224xf32>
    %reshape3A_62 = vector.shape_cast %get3A_61 : vector<96x7x224xf32> to vector<96x1568xf32>
    %transpose3A_63 = tpu.transpose %reshape3A_62, [1, 0] : vector<96x1568xf32> -> vector<1568x96xf32>
    %reshape3A_64 = vector.shape_cast %transpose3A_63 : vector<1568x96xf32> to vector<7x32x7x96xf32>
    %transpose3A_65 = tpu.transpose %reshape3A_64, [1, 0, 2, 3] : vector<7x32x7x96xf32> -> vector<32x7x7x96xf32>
    %reshape3A_66 = vector.shape_cast %transpose3A_65 : vector<32x7x7x96xf32> to vector<32x49x96xf32>
    %reduce_sum3A_67 = arith.constant dense<0.000000e+00> : vector<32x96xf32>
    %reduce_sum3A_68 = vector.multi_reduction <add>, %reshape3A_66, %reduce_sum3A_67 [1] : vector<32x49x96xf32> to vector<32x96xf32>
    %div3A_69 = arith.constant 4.900000e+01 : f32
    %div3A_70 = vector.broadcast %div3A_69 : f32 to vector<32x96xf32>
    %div3A_71 = arith.divf %reduce_sum3A_68, %div3A_70 : vector<32x96xf32>
    %swap3A_72 = arith.constant 0 : index
    %swap3A_73 = arith.constant 0 : index
    %swap3A_74 = arith.constant 0 : index
    %swap3A_75 = vector.load %arg6[%swap3A_72, %swap3A_73, %swap3A_74] : memref<1x32x96xf32, #tpu.memory_space<vmem>>, vector<1x32x96xf32>
    %swap3A_76 = vector.shape_cast %swap3A_75 : vector<1x32x96xf32> to vector<32x96xf32>
    %swap3A_77 = vector.shape_cast %div3A_71 : vector<32x96xf32> to vector<1x32x96xf32>
    tpu.vector_store %arg6[%swap3A_72, %swap3A_73, %swap3A_74], %swap3A_77 {strides = array<i32>} : memref<1x32x96xf32, #tpu.memory_space<vmem>>, vector<1x32x96xf32>,
    return
  }
  func.func @transform_0(%arg0: i32, %arg1: i32) -> (i32, i32, i32, i32, i32) {
    %c0_i32 = arith.constant 0 : i32
    %c0_i32_0 = arith.constant 0 : i32
    %c0_i32_1 = arith.constant 0 : i32
    %c0_i32_2 = arith.constant 0 : i32
    return %arg0, %c0_i32, %arg1, %c0_i32_0, %c0_i32_1 : i32, i32, i32, i32, i32
  }
  func.func @transform_1(%arg0: i32, %arg1: i32) -> (i32, i32, i32, i32, i32) {
    %c0_i32 = arith.constant 0 : i32
    %c0_i32_0 = arith.constant 0 : i32
    %c0_i32_1 = arith.constant 0 : i32
    %c0_i32_2 = arith.constant 0 : i32
    return %arg0, %c0_i32, %arg1, %c0_i32_0, %c0_i32_1 : i32, i32, i32, i32, i32
  }
  func.func @transform_2(%arg0: i32, %arg1: i32) -> (i32, i32, i32, i32, i32) {
    %c0_i32 = arith.constant 0 : i32
    %c0_i32_0 = arith.constant 0 : i32
    %c0_i32_1 = arith.constant 0 : i32
    %c0_i32_2 = arith.constant 0 : i32
    return %arg0, %c0_i32, %arg1, %c0_i32_0, %c0_i32_1 : i32, i32, i32, i32, i32
  }
  func.func @transform_3(%arg0: i32, %arg1: i32) -> (i32, i32) {
    %mul3A = arith.constant 32 : i32
    %mul3A_0 = arith.muli %arg0, %mul3A : i32
    %add3A = arith.addi %mul3A_0, %arg1 : i32
    %c0_i32 = arith.constant 0 : i32
    %c0_i32_1 = arith.constant 0 : i32
    return %add3A, %c0_i32 : i32, i32
  }
  func.func @transform_4(%arg0: i32, %arg1: i32) -> (i32, i32, i32) {
    %c0_i32 = arith.constant 0 : i32
    %c0_i32_0 = arith.constant 0 : i32
    return %arg0, %arg1, %c0_i32 : i32, i32, i32
  }
  func.func @transform_5(%arg0: i32, %arg1: i32) -> (i32, i32, i32) {
    %c0_i32 = arith.constant 0 : i32
    %c0_i32_0 = arith.constant 0 : i32
    return %arg0, %arg1, %c0_i32 : i32, i32, i32
  }
  func.func @transform_6(%arg0: i32, %arg1: i32) -> (i32, i32, i32) {
    %c0_i32 = arith.constant 0 : i32
    %c0_i32_0 = arith.constant 0 : i32
    return %arg0, %arg1, %c0_i32 : i32, i32, i32
  }
}

module attributes {stable_mosaic.version = 14 : i64} {
  func.func @_stage2_body(%arg0: i32, %arg1: i32, %arg2: memref<1x128x96xf32, #tpu.memory_space<vmem>>, %arg3: memref<1x1024x96xf32, #tpu.memory_space<vmem>>, %arg4: memref<1x128x8xi32, #tpu.memory_space<vmem>>) attributes {dimension_semantics = [#tpu.dimension_semantics<arbitrary>, #tpu.dimension_semantics<arbitrary>], iteration_bounds = array<i64: 2, 8>, scalar_prefetch = 0 : i64, scratch_operands = 0 : i64, tpu.core_type = #tpu.core_type<tc>, window_params = [{transform_indices = @transform_0, window_bounds = array<i64: 1, 128, 96>}, {transform_indices = @transform_1, window_bounds = array<i64: 1, 1024, 96>}, {transform_indices = @transform_2, window_bounds = array<i64: 1, 128, 8>}]} {
    %get3A = arith.constant 0 : index
    %get3A_0 = arith.constant 0 : index
    %get3A_1 = arith.constant 0 : index
    %get3A_2 = vector.load %arg2[%get3A, %get3A_0, %get3A_1] : memref<1x128x96xf32, #tpu.memory_space<vmem>>, vector<1x128x96xf32>
    %get3A_3 = vector.shape_cast %get3A_2 : vector<1x128x96xf32> to vector<128x96xf32>
    %get3A_4 = arith.constant 0 : index
    %get3A_5 = arith.constant 0 : index
    %get3A_6 = arith.constant 0 : index
    %get3A_7 = vector.load %arg3[%get3A_4, %get3A_5, %get3A_6] : memref<1x1024x96xf32, #tpu.memory_space<vmem>>, vector<1x1024x96xf32>
    %get3A_8 = vector.shape_cast %get3A_7 : vector<1x1024x96xf32> to vector<1024x96xf32>
    %dot_general3A = arith.constant dense<0.000000e+00> : vector<128x1024xf32>
    %dot_general3A_9 = tpu.matmul %get3A_3, %get3A_8, %dot_general3A {dimension_numbers = #tpu.dot_dimension_numbers<[1], [1], [0], [0], [0, 0, 1, 0], [], []>, transpose_lhs_hint = false} : vector<128x96xf32>, vector<1024x96xf32>, vector<128x1024xf32> -> vector<128x1024xf32>
    %iota3A = tpu.iota {dimensions = array<i32: 1>} : vector<128x1024xi32>
    %reduce_max3A = arith.constant dense<0xFF800000> : vector<128xf32>
    %reduce_max3A_10 = vector.multi_reduction <maximumf>, %dot_general3A_9, %reduce_max3A [1] : vector<128x1024xf32> to vector<128xf32>
    %broadcast_in_dim3A = vector.shape_cast %reduce_max3A_10 : vector<128xf32> to vector<128x1xf32>
    %ge3A = vector.broadcast %broadcast_in_dim3A : vector<128x1xf32> to vector<128x1024xf32>
    %ge3A_11 = arith.cmpf oge, %dot_general3A_9, %ge3A : vector<128x1024xf32>
    %jit3A = arith.constant 1073741824 : i32
    %broadcast_in_dim3A_12 = vector.broadcast %jit3A : i32 to vector<128x1024xi32>
    %select_n3A = arith.select %ge3A_11, %iota3A, %broadcast_in_dim3A_12 : vector<128x1024xi1>, vector<128x1024xi32>
    %reduce_min3A = arith.constant dense<2147483647> : vector<128xi32>
    %reduce_min3A_13 = vector.multi_reduction <minsi>, %select_n3A, %reduce_min3A [1] : vector<128x1024xi32> to vector<128xi32>
    %broadcast_in_dim3A_14 = vector.shape_cast %reduce_min3A_13 : vector<128xi32> to vector<128x1xi32>
    %eq3A = vector.broadcast %broadcast_in_dim3A_14 : vector<128x1xi32> to vector<128x1024xi32>
    %eq3A_15 = arith.cmpi eq, %iota3A, %eq3A : vector<128x1024xi32>
    %jit3A_16 = arith.constant -3.000000e+38 : f32
    %broadcast_in_dim3A_17 = vector.broadcast %jit3A_16 : f32 to vector<128x1024xf32>
    %select_n3A_18 = arith.select %eq3A_15, %broadcast_in_dim3A_17, %dot_general3A_9 : vector<128x1024xi1>, vector<128x1024xf32>
    %reduce_max3A_19 = arith.constant dense<0xFF800000> : vector<128xf32>
    %reduce_max3A_20 = vector.multi_reduction <maximumf>, %select_n3A_18, %reduce_max3A_19 [1] : vector<128x1024xf32> to vector<128xf32>
    %broadcast_in_dim3A_21 = vector.shape_cast %reduce_max3A_20 : vector<128xf32> to vector<128x1xf32>
    %ge3A_22 = vector.broadcast %broadcast_in_dim3A_21 : vector<128x1xf32> to vector<128x1024xf32>
    %ge3A_23 = arith.cmpf oge, %select_n3A_18, %ge3A_22 : vector<128x1024xf32>
    %jit3A_24 = arith.constant 1073741824 : i32
    %broadcast_in_dim3A_25 = vector.broadcast %jit3A_24 : i32 to vector<128x1024xi32>
    %select_n3A_26 = arith.select %ge3A_23, %iota3A, %broadcast_in_dim3A_25 : vector<128x1024xi1>, vector<128x1024xi32>
    %reduce_min3A_27 = arith.constant dense<2147483647> : vector<128xi32>
    %reduce_min3A_28 = vector.multi_reduction <minsi>, %select_n3A_26, %reduce_min3A_27 [1] : vector<128x1024xi32> to vector<128xi32>
    %broadcast_in_dim3A_29 = vector.shape_cast %reduce_min3A_28 : vector<128xi32> to vector<128x1xi32>
    %eq3A_30 = vector.broadcast %broadcast_in_dim3A_29 : vector<128x1xi32> to vector<128x1024xi32>
    %eq3A_31 = arith.cmpi eq, %iota3A, %eq3A_30 : vector<128x1024xi32>
    %jit3A_32 = arith.constant -3.000000e+38 : f32
    %broadcast_in_dim3A_33 = vector.broadcast %jit3A_32 : f32 to vector<128x1024xf32>
    %select_n3A_34 = arith.select %eq3A_31, %broadcast_in_dim3A_33, %select_n3A_18 : vector<128x1024xi1>, vector<128x1024xf32>
    %reduce_max3A_35 = arith.constant dense<0xFF800000> : vector<128xf32>
    %reduce_max3A_36 = vector.multi_reduction <maximumf>, %select_n3A_34, %reduce_max3A_35 [1] : vector<128x1024xf32> to vector<128xf32>
    %broadcast_in_dim3A_37 = vector.shape_cast %reduce_max3A_36 : vector<128xf32> to vector<128x1xf32>
    %ge3A_38 = vector.broadcast %broadcast_in_dim3A_37 : vector<128x1xf32> to vector<128x1024xf32>
    %ge3A_39 = arith.cmpf oge, %select_n3A_34, %ge3A_38 : vector<128x1024xf32>
    %jit3A_40 = arith.constant 1073741824 : i32
    %broadcast_in_dim3A_41 = vector.broadcast %jit3A_40 : i32 to vector<128x1024xi32>
    %select_n3A_42 = arith.select %ge3A_39, %iota3A, %broadcast_in_dim3A_41 : vector<128x1024xi1>, vector<128x1024xi32>
    %reduce_min3A_43 = arith.constant dense<2147483647> : vector<128xi32>
    %reduce_min3A_44 = vector.multi_reduction <minsi>, %select_n3A_42, %reduce_min3A_43 [1] : vector<128x1024xi32> to vector<128xi32>
    %broadcast_in_dim3A_45 = vector.shape_cast %reduce_min3A_44 : vector<128xi32> to vector<128x1xi32>
    %eq3A_46 = vector.broadcast %broadcast_in_dim3A_45 : vector<128x1xi32> to vector<128x1024xi32>
    %eq3A_47 = arith.cmpi eq, %iota3A, %eq3A_46 : vector<128x1024xi32>
    %jit3A_48 = arith.constant -3.000000e+38 : f32
    %broadcast_in_dim3A_49 = vector.broadcast %jit3A_48 : f32 to vector<128x1024xf32>
    %select_n3A_50 = arith.select %eq3A_47, %broadcast_in_dim3A_49, %select_n3A_34 : vector<128x1024xi1>, vector<128x1024xf32>
    %reduce_max3A_51 = arith.constant dense<0xFF800000> : vector<128xf32>
    %reduce_max3A_52 = vector.multi_reduction <maximumf>, %select_n3A_50, %reduce_max3A_51 [1] : vector<128x1024xf32> to vector<128xf32>
    %broadcast_in_dim3A_53 = vector.shape_cast %reduce_max3A_52 : vector<128xf32> to vector<128x1xf32>
    %ge3A_54 = vector.broadcast %broadcast_in_dim3A_53 : vector<128x1xf32> to vector<128x1024xf32>
    %ge3A_55 = arith.cmpf oge, %select_n3A_50, %ge3A_54 : vector<128x1024xf32>
    %jit3A_56 = arith.constant 1073741824 : i32
    %broadcast_in_dim3A_57 = vector.broadcast %jit3A_56 : i32 to vector<128x1024xi32>
    %select_n3A_58 = arith.select %ge3A_55, %iota3A, %broadcast_in_dim3A_57 : vector<128x1024xi1>, vector<128x1024xi32>
    %reduce_min3A_59 = arith.constant dense<2147483647> : vector<128xi32>
    %reduce_min3A_60 = vector.multi_reduction <minsi>, %select_n3A_58, %reduce_min3A_59 [1] : vector<128x1024xi32> to vector<128xi32>
    %broadcast_in_dim3A_61 = vector.shape_cast %reduce_min3A_60 : vector<128xi32> to vector<128x1xi32>
    %eq3A_62 = vector.broadcast %broadcast_in_dim3A_61 : vector<128x1xi32> to vector<128x1024xi32>
    %eq3A_63 = arith.cmpi eq, %iota3A, %eq3A_62 : vector<128x1024xi32>
    %jit3A_64 = arith.constant -3.000000e+38 : f32
    %broadcast_in_dim3A_65 = vector.broadcast %jit3A_64 : f32 to vector<128x1024xf32>
    %select_n3A_66 = arith.select %eq3A_63, %broadcast_in_dim3A_65, %select_n3A_50 : vector<128x1024xi1>, vector<128x1024xf32>
    %reduce_max3A_67 = arith.constant dense<0xFF800000> : vector<128xf32>
    %reduce_max3A_68 = vector.multi_reduction <maximumf>, %select_n3A_66, %reduce_max3A_67 [1] : vector<128x1024xf32> to vector<128xf32>
    %broadcast_in_dim3A_69 = vector.shape_cast %reduce_max3A_68 : vector<128xf32> to vector<128x1xf32>
    %ge3A_70 = vector.broadcast %broadcast_in_dim3A_69 : vector<128x1xf32> to vector<128x1024xf32>
    %ge3A_71 = arith.cmpf oge, %select_n3A_66, %ge3A_70 : vector<128x1024xf32>
    %jit3A_72 = arith.constant 1073741824 : i32
    %broadcast_in_dim3A_73 = vector.broadcast %jit3A_72 : i32 to vector<128x1024xi32>
    %select_n3A_74 = arith.select %ge3A_71, %iota3A, %broadcast_in_dim3A_73 : vector<128x1024xi1>, vector<128x1024xi32>
    %reduce_min3A_75 = arith.constant dense<2147483647> : vector<128xi32>
    %reduce_min3A_76 = vector.multi_reduction <minsi>, %select_n3A_74, %reduce_min3A_75 [1] : vector<128x1024xi32> to vector<128xi32>
    %broadcast_in_dim3A_77 = vector.shape_cast %reduce_min3A_76 : vector<128xi32> to vector<128x1xi32>
    %eq3A_78 = vector.broadcast %broadcast_in_dim3A_77 : vector<128x1xi32> to vector<128x1024xi32>
    %eq3A_79 = arith.cmpi eq, %iota3A, %eq3A_78 : vector<128x1024xi32>
    %jit3A_80 = arith.constant -3.000000e+38 : f32
    %broadcast_in_dim3A_81 = vector.broadcast %jit3A_80 : f32 to vector<128x1024xf32>
    %select_n3A_82 = arith.select %eq3A_79, %broadcast_in_dim3A_81, %select_n3A_66 : vector<128x1024xi1>, vector<128x1024xf32>
    %reduce_max3A_83 = arith.constant dense<0xFF800000> : vector<128xf32>
    %reduce_max3A_84 = vector.multi_reduction <maximumf>, %select_n3A_82, %reduce_max3A_83 [1] : vector<128x1024xf32> to vector<128xf32>
    %broadcast_in_dim3A_85 = vector.shape_cast %reduce_max3A_84 : vector<128xf32> to vector<128x1xf32>
    %ge3A_86 = vector.broadcast %broadcast_in_dim3A_85 : vector<128x1xf32> to vector<128x1024xf32>
    %ge3A_87 = arith.cmpf oge, %select_n3A_82, %ge3A_86 : vector<128x1024xf32>
    %jit3A_88 = arith.constant 1073741824 : i32
    %broadcast_in_dim3A_89 = vector.broadcast %jit3A_88 : i32 to vector<128x1024xi32>
    %select_n3A_90 = arith.select %ge3A_87, %iota3A, %broadcast_in_dim3A_89 : vector<128x1024xi1>, vector<128x1024xi32>
    %reduce_min3A_91 = arith.constant dense<2147483647> : vector<128xi32>
    %reduce_min3A_92 = vector.multi_reduction <minsi>, %select_n3A_90, %reduce_min3A_91 [1] : vector<128x1024xi32> to vector<128xi32>
    %broadcast_in_dim3A_93 = vector.shape_cast %reduce_min3A_92 : vector<128xi32> to vector<128x1xi32>
    %eq3A_94 = vector.broadcast %broadcast_in_dim3A_93 : vector<128x1xi32> to vector<128x1024xi32>
    %eq3A_95 = arith.cmpi eq, %iota3A, %eq3A_94 : vector<128x1024xi32>
    %jit3A_96 = arith.constant -3.000000e+38 : f32
    %broadcast_in_dim3A_97 = vector.broadcast %jit3A_96 : f32 to vector<128x1024xf32>
    %select_n3A_98 = arith.select %eq3A_95, %broadcast_in_dim3A_97, %select_n3A_82 : vector<128x1024xi1>, vector<128x1024xf32>
    %reduce_max3A_99 = arith.constant dense<0xFF800000> : vector<128xf32>
    %reduce_max3A_100 = vector.multi_reduction <maximumf>, %select_n3A_98, %reduce_max3A_99 [1] : vector<128x1024xf32> to vector<128xf32>
    %broadcast_in_dim3A_101 = vector.shape_cast %reduce_max3A_100 : vector<128xf32> to vector<128x1xf32>
    %ge3A_102 = vector.broadcast %broadcast_in_dim3A_101 : vector<128x1xf32> to vector<128x1024xf32>
    %ge3A_103 = arith.cmpf oge, %select_n3A_98, %ge3A_102 : vector<128x1024xf32>
    %jit3A_104 = arith.constant 1073741824 : i32
    %broadcast_in_dim3A_105 = vector.broadcast %jit3A_104 : i32 to vector<128x1024xi32>
    %select_n3A_106 = arith.select %ge3A_103, %iota3A, %broadcast_in_dim3A_105 : vector<128x1024xi1>, vector<128x1024xi32>
    %reduce_min3A_107 = arith.constant dense<2147483647> : vector<128xi32>
    %reduce_min3A_108 = vector.multi_reduction <minsi>, %select_n3A_106, %reduce_min3A_107 [1] : vector<128x1024xi32> to vector<128xi32>
    %broadcast_in_dim3A_109 = vector.shape_cast %reduce_min3A_108 : vector<128xi32> to vector<128x1xi32>
    %eq3A_110 = vector.broadcast %broadcast_in_dim3A_109 : vector<128x1xi32> to vector<128x1024xi32>
    %eq3A_111 = arith.cmpi eq, %iota3A, %eq3A_110 : vector<128x1024xi32>
    %jit3A_112 = arith.constant -3.000000e+38 : f32
    %broadcast_in_dim3A_113 = vector.broadcast %jit3A_112 : f32 to vector<128x1024xf32>
    %select_n3A_114 = arith.select %eq3A_111, %broadcast_in_dim3A_113, %select_n3A_98 : vector<128x1024xi1>, vector<128x1024xf32>
    %reduce_max3A_115 = arith.constant dense<0xFF800000> : vector<128xf32>
    %reduce_max3A_116 = vector.multi_reduction <maximumf>, %select_n3A_114, %reduce_max3A_115 [1] : vector<128x1024xf32> to vector<128xf32>
    %broadcast_in_dim3A_117 = vector.shape_cast %reduce_max3A_116 : vector<128xf32> to vector<128x1xf32>
    %ge3A_118 = vector.broadcast %broadcast_in_dim3A_117 : vector<128x1xf32> to vector<128x1024xf32>
    %ge3A_119 = arith.cmpf oge, %select_n3A_114, %ge3A_118 : vector<128x1024xf32>
    %jit3A_120 = arith.constant 1073741824 : i32
    %broadcast_in_dim3A_121 = vector.broadcast %jit3A_120 : i32 to vector<128x1024xi32>
    %select_n3A_122 = arith.select %ge3A_119, %iota3A, %broadcast_in_dim3A_121 : vector<128x1024xi1>, vector<128x1024xi32>
    %reduce_min3A_123 = arith.constant dense<2147483647> : vector<128xi32>
    %reduce_min3A_124 = vector.multi_reduction <minsi>, %select_n3A_122, %reduce_min3A_123 [1] : vector<128x1024xi32> to vector<128xi32>
    %broadcast_in_dim3A_125 = vector.shape_cast %reduce_min3A_13 : vector<128xi32> to vector<128x1xi32>
    %broadcast_in_dim3A_126 = vector.shape_cast %reduce_min3A_28 : vector<128xi32> to vector<128x1xi32>
    %broadcast_in_dim3A_127 = vector.shape_cast %reduce_min3A_44 : vector<128xi32> to vector<128x1xi32>
    %broadcast_in_dim3A_128 = vector.shape_cast %reduce_min3A_60 : vector<128xi32> to vector<128x1xi32>
    %broadcast_in_dim3A_129 = vector.shape_cast %reduce_min3A_76 : vector<128xi32> to vector<128x1xi32>
    %broadcast_in_dim3A_130 = vector.shape_cast %reduce_min3A_92 : vector<128xi32> to vector<128x1xi32>
    %broadcast_in_dim3A_131 = vector.shape_cast %reduce_min3A_108 : vector<128xi32> to vector<128x1xi32>
    %broadcast_in_dim3A_132 = vector.shape_cast %reduce_min3A_124 : vector<128xi32> to vector<128x1xi32>
    %concatenate3A = tpu.concatenate %broadcast_in_dim3A_125, %broadcast_in_dim3A_126, %broadcast_in_dim3A_127, %broadcast_in_dim3A_128, %broadcast_in_dim3A_129, %broadcast_in_dim3A_130, %broadcast_in_dim3A_131, %broadcast_in_dim3A_132 in 1 : vector<128x1xi32>, vector<128x1xi32>, vector<128x1xi32>, vector<128x1xi32>, vector<128x1xi32>, vector<128x1xi32>, vector<128x1xi32>, vector<128x1xi32> -> vector<128x8xi32>
    %mul3A = arith.constant 1024 : i32
    %mul3A_133 = arith.muli %arg0, %mul3A : i32
    %add3A = vector.broadcast %mul3A_133 : i32 to vector<128x8xi32>
    %add3A_134 = arith.addi %concatenate3A, %add3A : vector<128x8xi32>
    %swap3A = arith.constant 0 : index
    %swap3A_135 = arith.constant 0 : index
    %swap3A_136 = arith.constant 0 : index
    %swap3A_137 = vector.load %arg4[%swap3A, %swap3A_135, %swap3A_136] : memref<1x128x8xi32, #tpu.memory_space<vmem>>, vector<1x128x8xi32>
    %swap3A_138 = vector.shape_cast %swap3A_137 : vector<1x128x8xi32> to vector<128x8xi32>
    %swap3A_139 = vector.shape_cast %add3A_134 : vector<128x8xi32> to vector<1x128x8xi32>
    tpu.vector_store %arg4[%swap3A, %swap3A_135, %swap3A_136], %swap3A_139 {strides = array<i32>} : memref<1x128x8xi32, #tpu.memory_space<vmem>>, vector<1x128x8xi32>,
    return
  }
  func.func @transform_0(%arg0: i32, %arg1: i32) -> (i32, i32, i32) {
    %c0_i32 = arith.constant 0 : i32
    %c0_i32_0 = arith.constant 0 : i32
    return %arg0, %arg1, %c0_i32 : i32, i32, i32
  }
  func.func @transform_1(%arg0: i32, %arg1: i32) -> (i32, i32, i32) {
    %c0_i32 = arith.constant 0 : i32
    %c0_i32_0 = arith.constant 0 : i32
    %c0_i32_1 = arith.constant 0 : i32
    return %arg0, %c0_i32, %c0_i32_0 : i32, i32, i32
  }
  func.func @transform_2(%arg0: i32, %arg1: i32) -> (i32, i32, i32) {
    %c0_i32 = arith.constant 0 : i32
    %c0_i32_0 = arith.constant 0 : i32
    return %arg0, %arg1, %c0_i32 : i32, i32, i32
  }
}

module attributes {stable_mosaic.version = 14 : i64} {
  func.func @_stage3_body(%arg0: i32, %arg1: memref<1x1024x96xf32, #tpu.memory_space<vmem>>, %arg2: memref<1x1024x96xf32, #tpu.memory_space<vmem>>, %arg3: memref<1x96x33xf32, #tpu.memory_space<vmem>>) attributes {dimension_semantics = [#tpu.dimension_semantics<arbitrary>], iteration_bounds = array<i64: 2>, scalar_prefetch = 0 : i64, scratch_operands = 0 : i64, tpu.core_type = #tpu.core_type<tc>, window_params = [{transform_indices = @transform_0, window_bounds = array<i64: 1, 1024, 96>}, {transform_indices = @transform_1, window_bounds = array<i64: 1, 1024, 96>}, {transform_indices = @transform_2, window_bounds = array<i64: 1, 96, 33>}]} {
    %get3A = arith.constant 0 : index
    %get3A_0 = arith.constant 0 : index
    %get3A_1 = arith.constant 0 : index
    %get3A_2 = vector.load %arg1[%get3A, %get3A_0, %get3A_1] : memref<1x1024x96xf32, #tpu.memory_space<vmem>>, vector<1x1024x96xf32>
    %get3A_3 = vector.shape_cast %get3A_2 : vector<1x1024x96xf32> to vector<1024x96xf32>
    %gt3A = arith.constant 0.000000e+00 : f32
    %gt3A_4 = vector.broadcast %gt3A : f32 to vector<1024x96xf32>
    %gt3A_5 = arith.cmpf ogt, %get3A_3, %gt3A_4 : vector<1024x96xf32>
    %add3A = arith.constant 1.000000e+00 : f32
    %add3A_6 = vector.broadcast %add3A : f32 to vector<1024x96xf32>
    %add3A_7 = arith.addf %get3A_3, %add3A_6 : vector<1024x96xf32>
    %exp3A = math.exp %get3A_3 : vector<1024x96xf32>
    %select_n3A = arith.select %gt3A_5, %add3A_7, %exp3A : vector<1024x96xi1>, vector<1024x96xf32>
    %get3A_8 = arith.constant 0 : index
    %get3A_9 = arith.constant 0 : index
    %get3A_10 = arith.constant 0 : index
    %get3A_11 = vector.load %arg2[%get3A_8, %get3A_9, %get3A_10] : memref<1x1024x96xf32, #tpu.memory_space<vmem>>, vector<1x1024x96xf32>
    %get3A_12 = vector.shape_cast %get3A_11 : vector<1x1024x96xf32> to vector<1024x96xf32>
    %dot_general3A = arith.constant dense<0.000000e+00> : vector<96x96xf32>
    %dot_general3A_13 = tpu.matmul %select_n3A, %get3A_12, %dot_general3A {dimension_numbers = #tpu.dot_dimension_numbers<[0], [0], [1], [1], [0, 1, 1, 1], [], []>, transpose_lhs_hint = false} : vector<1024x96xf32>, vector<1024x96xf32>, vector<96x96xf32> -> vector<96x96xf32>
    %slice3A = vector.extract_strided_slice %dot_general3A_13 {offsets = [0, 0], sizes = [32, 32], strides = [1, 1]} : vector<96x96xf32> to vector<32x32xf32>
    %slice3A_14 = vector.extract_strided_slice %dot_general3A_13 {offsets = [32, 32], sizes = [32, 32], strides = [1, 1]} : vector<96x96xf32> to vector<32x32xf32>
    %slice3A_15 = vector.extract_strided_slice %dot_general3A_13 {offsets = [64, 64], sizes = [32, 32], strides = [1, 1]} : vector<96x96xf32> to vector<32x32xf32>
    %concatenate3A = tpu.concatenate %slice3A, %slice3A_14, %slice3A_15 in 0 : vector<32x32xf32>, vector<32x32xf32>, vector<32x32xf32> -> vector<96x32xf32>
    %reduce_sum3A = arith.constant dense<0.000000e+00> : vector<96xf32>
    %reduce_sum3A_16 = vector.multi_reduction <add>, %select_n3A, %reduce_sum3A [0] : vector<1024x96xf32> to vector<96xf32>
    %broadcast_in_dim3A = vector.shape_cast %reduce_sum3A_16 : vector<96xf32> to vector<96x1xf32>
    %concatenate3A_17 = tpu.concatenate %concatenate3A, %broadcast_in_dim3A in 1 : vector<96x32xf32>, vector<96x1xf32> -> vector<96x33xf32>
    %swap3A = arith.constant 0 : index
    %swap3A_18 = arith.constant 0 : index
    %swap3A_19 = arith.constant 0 : index
    %swap3A_20 = vector.load %arg3[%swap3A, %swap3A_18, %swap3A_19] : memref<1x96x33xf32, #tpu.memory_space<vmem>>, vector<1x96x33xf32>
    %swap3A_21 = vector.shape_cast %swap3A_20 : vector<1x96x33xf32> to vector<96x33xf32>
    %swap3A_22 = vector.shape_cast %concatenate3A_17 : vector<96x33xf32> to vector<1x96x33xf32>
    tpu.vector_store %arg3[%swap3A, %swap3A_18, %swap3A_19], %swap3A_22 {strides = array<i32>} : memref<1x96x33xf32, #tpu.memory_space<vmem>>, vector<1x96x33xf32>,
    return
  }
  func.func @transform_0(%arg0: i32) -> (i32, i32, i32) {
    %c0_i32 = arith.constant 0 : i32
    %c0_i32_0 = arith.constant 0 : i32
    %c0_i32_1 = arith.constant 0 : i32
    return %arg0, %c0_i32, %c0_i32_0 : i32, i32, i32
  }
  func.func @transform_1(%arg0: i32) -> (i32, i32, i32) {
    %c0_i32 = arith.constant 0 : i32
    %c0_i32_0 = arith.constant 0 : i32
    %c0_i32_1 = arith.constant 0 : i32
    return %arg0, %c0_i32, %c0_i32_0 : i32, i32, i32
  }
  func.func @transform_2(%arg0: i32) -> (i32, i32, i32) {
    %c0_i32 = arith.constant 0 : i32
    %c0_i32_0 = arith.constant 0 : i32
    %c0_i32_1 = arith.constant 0 : i32
    return %arg0, %c0_i32, %c0_i32_0 : i32, i32, i32
  }
}

module attributes {stable_mosaic.version = 14 : i64} {
  func.func @_stage5_body(%arg0: i32, %arg1: i32, %arg2: memref<1x96x1x7x224xf32, #tpu.memory_space<vmem>>, %arg3: memref<1x32x3200xf32, #tpu.memory_space<vmem>>, %arg4: memref<1x96x33xf32, #tpu.memory_space<vmem>>, %arg5: memref<1x96x1x7x224xf32, #tpu.memory_space<vmem>>) attributes {dimension_semantics = [#tpu.dimension_semantics<arbitrary>, #tpu.dimension_semantics<arbitrary>], iteration_bounds = array<i64: 2, 32>, scalar_prefetch = 0 : i64, scratch_operands = 0 : i64, tpu.core_type = #tpu.core_type<tc>, window_params = [{transform_indices = @transform_0, window_bounds = array<i64: 1, 96, 1, 7, 224>}, {transform_indices = @transform_1, window_bounds = array<i64: 1, 32, 3200>}, {transform_indices = @transform_2, window_bounds = array<i64: 1, 96, 33>}, {transform_indices = @transform_3, window_bounds = array<i64: 1, 96, 1, 7, 224>}]} {
    %get3A = arith.constant 0 : index
    %get3A_0 = arith.constant 0 : index
    %get3A_1 = arith.constant 0 : index
    %get3A_2 = arith.constant 0 : index
    %get3A_3 = arith.constant 0 : index
    %get3A_4 = vector.load %arg2[%get3A, %get3A_0, %get3A_1, %get3A_2, %get3A_3] : memref<1x96x1x7x224xf32, #tpu.memory_space<vmem>>, vector<1x96x1x7x224xf32>
    %get3A_5 = vector.shape_cast %get3A_4 : vector<1x96x1x7x224xf32> to vector<96x7x224xf32>
    %reshape3A = vector.shape_cast %get3A_5 : vector<96x7x224xf32> to vector<96x1568xf32>
    %transpose3A = tpu.transpose %reshape3A, [1, 0] : vector<96x1568xf32> -> vector<1568x96xf32>
    %reshape3A_6 = vector.shape_cast %transpose3A : vector<1568x96xf32> to vector<7x32x7x96xf32>
    %transpose3A_7 = tpu.transpose %reshape3A_6, [1, 0, 2, 3] : vector<7x32x7x96xf32> -> vector<32x7x7x96xf32>
    %reshape3A_8 = vector.shape_cast %transpose3A_7 : vector<32x7x7x96xf32> to vector<32x49x96xf32>
    %gt3A = arith.constant 0.000000e+00 : f32
    %gt3A_9 = vector.broadcast %gt3A : f32 to vector<32x49x96xf32>
    %gt3A_10 = arith.cmpf ogt, %reshape3A_8, %gt3A_9 : vector<32x49x96xf32>
    %add3A = arith.constant 1.000000e+00 : f32
    %add3A_11 = vector.broadcast %add3A : f32 to vector<32x49x96xf32>
    %add3A_12 = arith.addf %reshape3A_8, %add3A_11 : vector<32x49x96xf32>
    %exp3A = math.exp %reshape3A_8 : vector<32x49x96xf32>
    %select_n3A = arith.select %gt3A_10, %add3A_12, %exp3A : vector<32x49x96xi1>, vector<32x49x96xf32>
    %get3A_13 = arith.constant 0 : index
    %get3A_14 = arith.constant 0 : index
    %get3A_15 = arith.constant 0 : index
    %get3A_16 = vector.load %arg4[%get3A_13, %get3A_14, %get3A_15] : memref<1x96x33xf32, #tpu.memory_space<vmem>>, vector<1x96x33xf32>
    %get3A_17 = vector.shape_cast %get3A_16 : vector<1x96x33xf32> to vector<96x33xf32>
    %get3A_18 = arith.constant 0 : index
    %get3A_19 = arith.constant 0 : index
    %get3A_20 = arith.constant 0 : index
    %get3A_21 = vector.load %arg3[%get3A_18, %get3A_19, %get3A_20] : memref<1x32x3200xf32, #tpu.memory_space<vmem>>, vector<1x32x3200xf32>
    %get3A_22 = vector.shape_cast %get3A_21 : vector<1x32x3200xf32> to vector<32x3200xf32>
    %slice3A = vector.extract_strided_slice %get3A_22 {offsets = [0, 0], sizes = [32, 3072], strides = [1, 1]} : vector<32x3200xf32> to vector<32x3072xf32>
    %reshape3A_23 = vector.shape_cast %slice3A : vector<32x3072xf32> to vector<32x96x32xf32>
    %slice3A_24 = vector.extract_strided_slice %get3A_17 {offsets = [0, 0], sizes = [96, 32], strides = [1, 1]} : vector<96x33xf32> to vector<96x32xf32>
    %broadcast_in_dim3A = vector.shape_cast %slice3A_24 : vector<96x32xf32> to vector<1x96x32xf32>
    %add3A_25 = vector.broadcast %broadcast_in_dim3A : vector<1x96x32xf32> to vector<32x96x32xf32>
    %add3A_26 = arith.addf %reshape3A_23, %add3A_25 : vector<32x96x32xf32>
    %get3A_27 = arith.constant 0 : index
    %get3A_28 = arith.constant 0 : index
    %get3A_29 = arith.constant 0 : index
    %get3A_30 = vector.load %arg3[%get3A_27, %get3A_28, %get3A_29] : memref<1x32x3200xf32, #tpu.memory_space<vmem>>, vector<1x32x3200xf32>
    %get3A_31 = vector.shape_cast %get3A_30 : vector<1x32x3200xf32> to vector<32x3200xf32>
    %slice3A_32 = vector.extract_strided_slice %get3A_31 {offsets = [0, 3072], sizes = [32, 96], strides = [1, 1]} : vector<32x3200xf32> to vector<32x96xf32>
    %slice3A_33 = vector.extract_strided_slice %get3A_17 {offsets = [0, 32], sizes = [96, 1], strides = [1, 1]} : vector<96x33xf32> to vector<96x1xf32>
    %squeeze3A = vector.shape_cast %slice3A_33 : vector<96x1xf32> to vector<96xf32>
    %broadcast_in_dim3A_34 = vector.shape_cast %squeeze3A : vector<96xf32> to vector<1x96xf32>
    %add3A_35 = vector.broadcast %broadcast_in_dim3A_34 : vector<1x96xf32> to vector<32x96xf32>
    %add3A_36 = arith.addf %slice3A_32, %add3A_35 : vector<32x96xf32>
    %iota3A = tpu.iota {dimensions = array<i32: 0>} : vector<96x96xi32>
    %jit3A = arith.constant 32 : i32
    %div3A = vector.broadcast %jit3A : i32 to vector<96x96xi32>
    %div3A_37 = arith.divsi %iota3A, %div3A : vector<96x96xi32>
    %sign3A = arith.constant 0 : i32
    %sign3A_38 = vector.broadcast %sign3A : i32 to vector<96x96xi32>
    %sign3A_39 = arith.cmpi sgt, %iota3A, %sign3A_38 : vector<96x96xi32>
    %sign3A_40 = arith.extui %sign3A_39 : vector<96x96xi1> to vector<96x96xi32>
    %sign3A_41 = arith.constant 0 : i32
    %sign3A_42 = vector.broadcast %sign3A_41 : i32 to vector<96x96xi32>
    %sign3A_43 = arith.cmpi slt, %iota3A, %sign3A_42 : vector<96x96xi32>
    %sign3A_44 = arith.extui %sign3A_43 : vector<96x96xi1> to vector<96x96xi32>
    %sign3A_45 = arith.subi %sign3A_40, %sign3A_44 : vector<96x96xi32>
    %sign3A_46 = arith.constant 0 : i32
    %sign3A_47 = arith.cmpi sgt, %jit3A, %sign3A_46 : i32
    %sign3A_48 = arith.extui %sign3A_47 : i1 to i32
    %sign3A_49 = arith.constant 0 : i32
    %sign3A_50 = arith.cmpi slt, %jit3A, %sign3A_49 : i32
    %sign3A_51 = arith.extui %sign3A_50 : i1 to i32
    %sign3A_52 = arith.subi %sign3A_48, %sign3A_51 : i32
    %ne3A = vector.broadcast %sign3A_52 : i32 to vector<96x96xi32>
    %ne3A_53 = arith.cmpi ne, %sign3A_45, %ne3A : vector<96x96xi32>
    %rem3A = vector.broadcast %jit3A : i32 to vector<96x96xi32>
    %rem3A_54 = arith.remsi %iota3A, %rem3A : vector<96x96xi32>
    %ne3A_55 = arith.constant 0 : i32
    %ne3A_56 = vector.broadcast %ne3A_55 : i32 to vector<96x96xi32>
    %ne3A_57 = arith.cmpi ne, %rem3A_54, %ne3A_56 : vector<96x96xi32>
    %and3A = arith.andi %ne3A_53, %ne3A_57 : vector<96x96xi1>
    %sub3A = arith.constant 1 : i32
    %sub3A_58 = vector.broadcast %sub3A : i32 to vector<96x96xi32>
    %sub3A_59 = arith.subi %div3A_37, %sub3A_58 : vector<96x96xi32>
    %select_n3A_60 = arith.select %and3A, %sub3A_59, %div3A_37 : vector<96x96xi1>, vector<96x96xi32>
    %iota3A_61 = tpu.iota {dimensions = array<i32: 1>} : vector<96x96xi32>
    %jit3A_62 = arith.constant 32 : i32
    %div3A_63 = vector.broadcast %jit3A_62 : i32 to vector<96x96xi32>
    %div3A_64 = arith.divsi %iota3A_61, %div3A_63 : vector<96x96xi32>
    %sign3A_65 = arith.constant 0 : i32
    %sign3A_66 = vector.broadcast %sign3A_65 : i32 to vector<96x96xi32>
    %sign3A_67 = arith.cmpi sgt, %iota3A_61, %sign3A_66 : vector<96x96xi32>
    %sign3A_68 = arith.extui %sign3A_67 : vector<96x96xi1> to vector<96x96xi32>
    %sign3A_69 = arith.constant 0 : i32
    %sign3A_70 = vector.broadcast %sign3A_69 : i32 to vector<96x96xi32>
    %sign3A_71 = arith.cmpi slt, %iota3A_61, %sign3A_70 : vector<96x96xi32>
    %sign3A_72 = arith.extui %sign3A_71 : vector<96x96xi1> to vector<96x96xi32>
    %sign3A_73 = arith.subi %sign3A_68, %sign3A_72 : vector<96x96xi32>
    %sign3A_74 = arith.constant 0 : i32
    %sign3A_75 = arith.cmpi sgt, %jit3A_62, %sign3A_74 : i32
    %sign3A_76 = arith.extui %sign3A_75 : i1 to i32
    %sign3A_77 = arith.constant 0 : i32
    %sign3A_78 = arith.cmpi slt, %jit3A_62, %sign3A_77 : i32
    %sign3A_79 = arith.extui %sign3A_78 : i1 to i32
    %sign3A_80 = arith.subi %sign3A_76, %sign3A_79 : i32
    %ne3A_81 = vector.broadcast %sign3A_80 : i32 to vector<96x96xi32>
    %ne3A_82 = arith.cmpi ne, %sign3A_73, %ne3A_81 : vector<96x96xi32>
    %rem3A_83 = vector.broadcast %jit3A_62 : i32 to vector<96x96xi32>
    %rem3A_84 = arith.remsi %iota3A_61, %rem3A_83 : vector<96x96xi32>
    %ne3A_85 = arith.constant 0 : i32
    %ne3A_86 = vector.broadcast %ne3A_85 : i32 to vector<96x96xi32>
    %ne3A_87 = arith.cmpi ne, %rem3A_84, %ne3A_86 : vector<96x96xi32>
    %and3A_88 = arith.andi %ne3A_82, %ne3A_87 : vector<96x96xi1>
    %sub3A_89 = arith.constant 1 : i32
    %sub3A_90 = vector.broadcast %sub3A_89 : i32 to vector<96x96xi32>
    %sub3A_91 = arith.subi %div3A_64, %sub3A_90 : vector<96x96xi32>
    %select_n3A_92 = arith.select %and3A_88, %sub3A_91, %div3A_64 : vector<96x96xi1>, vector<96x96xi32>
    %eq3A = arith.cmpi eq, %select_n3A_60, %select_n3A_92 : vector<96x96xi32>
    %convert_element_type3A = arith.extui %eq3A : vector<96x96xi1> to vector<96x96xi32>
    %convert_element_type3A_93 = arith.sitofp %convert_element_type3A : vector<96x96xi32> to vector<96x96xf32>
    %tile3A = tpu.concatenate %add3A_26, %add3A_26, %add3A_26 in 2 : vector<32x96x32xf32>, vector<32x96x32xf32>, vector<32x96x32xf32> -> vector<32x96x96xf32>
    %broadcast_in_dim3A_94 = vector.shape_cast %convert_element_type3A_93 : vector<96x96xf32> to vector<1x96x96xf32>
    %mul3A = vector.broadcast %broadcast_in_dim3A_94 : vector<1x96x96xf32> to vector<32x96x96xf32>
    %mul3A_95 = arith.mulf %tile3A, %mul3A : vector<32x96x96xf32>
    %broadcast_in_dim3A_96 = vector.shape_cast %add3A_36 : vector<32x96xf32> to vector<32x96x1xf32>
    %broadcast_in_dim3A_97 = vector.shape_cast %convert_element_type3A_93 : vector<96x96xf32> to vector<1x96x96xf32>
    %mul3A_98 = vector.broadcast %broadcast_in_dim3A_96 : vector<32x96x1xf32> to vector<32x96x96xf32>
    %mul3A_99 = vector.broadcast %broadcast_in_dim3A_97 : vector<1x96x96xf32> to vector<32x96x96xf32>
    %mul3A_100 = arith.mulf %mul3A_98, %mul3A_99 : vector<32x96x96xf32>
    %concatenate3A = tpu.concatenate %mul3A_95, %mul3A_100 in 2 : vector<32x96x96xf32>, vector<32x96x96xf32> -> vector<32x96x192xf32>
    %dot_general3A = arith.constant dense<0.000000e+00> : vector<32x49x192xf32>
    %dot_general3A_101 = tpu.matmul %select_n3A, %concatenate3A, %dot_general3A {dimension_numbers = #tpu.dot_dimension_numbers<[2], [1], [1], [2], [0, 0, 0, 1, 1, 2], [0], [0]>, transpose_lhs_hint = false} : vector<32x49x96xf32>, vector<32x96x192xf32>, vector<32x49x192xf32> -> vector<32x49x192xf32>
    %slice3A_102 = vector.extract_strided_slice %dot_general3A_101 {offsets = [0, 0, 0], sizes = [32, 49, 96], strides = [1, 1, 1]} : vector<32x49x192xf32> to vector<32x49x96xf32>
    %slice3A_103 = vector.extract_strided_slice %dot_general3A_101 {offsets = [0, 0, 96], sizes = [32, 49, 96], strides = [1, 1, 1]} : vector<32x49x192xf32> to vector<32x49x96xf32>
    %add3A_104 = arith.constant 9.99999997E-7 : f32
    %add3A_105 = vector.broadcast %add3A_104 : f32 to vector<32x49x96xf32>
    %add3A_106 = arith.addf %slice3A_103, %add3A_105 : vector<32x49x96xf32>
    %div3A_107 = arith.divf %slice3A_102, %add3A_106 : vector<32x49x96xf32>
    %reshape3A_108 = vector.shape_cast %div3A_107 : vector<32x49x96xf32> to vector<32x7x7x96xf32>
    %transpose3A_109 = tpu.transpose %reshape3A_108, [1, 0, 2, 3] : vector<32x7x7x96xf32> -> vector<7x32x7x96xf32>
    %reshape3A_110 = vector.shape_cast %transpose3A_109 : vector<7x32x7x96xf32> to vector<1568x96xf32>
    %transpose3A_111 = tpu.transpose %reshape3A_110, [1, 0] : vector<1568x96xf32> -> vector<96x1568xf32>
    %reshape3A_112 = vector.shape_cast %transpose3A_111 : vector<96x1568xf32> to vector<96x7x224xf32>
    %swap3A = arith.constant 0 : index
    %swap3A_113 = arith.constant 0 : index
    %swap3A_114 = arith.constant 0 : index
    %swap3A_115 = arith.constant 0 : index
    %swap3A_116 = arith.constant 0 : index
    %swap3A_117 = vector.load %arg5[%swap3A, %swap3A_113, %swap3A_114, %swap3A_115, %swap3A_116] : memref<1x96x1x7x224xf32, #tpu.memory_space<vmem>>, vector<1x96x1x7x224xf32>
    %swap3A_118 = vector.shape_cast %swap3A_117 : vector<1x96x1x7x224xf32> to vector<96x7x224xf32>
    %swap3A_119 = vector.shape_cast %reshape3A_112 : vector<96x7x224xf32> to vector<1x96x1x7x224xf32>
    tpu.vector_store %arg5[%swap3A, %swap3A_113, %swap3A_114, %swap3A_115, %swap3A_116], %swap3A_119 {strides = array<i32>} : memref<1x96x1x7x224xf32, #tpu.memory_space<vmem>>, vector<1x96x1x7x224xf32>,
    return
  }
  func.func @transform_0(%arg0: i32, %arg1: i32) -> (i32, i32, i32, i32, i32) {
    %c0_i32 = arith.constant 0 : i32
    %c0_i32_0 = arith.constant 0 : i32
    %c0_i32_1 = arith.constant 0 : i32
    %c0_i32_2 = arith.constant 0 : i32
    return %arg0, %c0_i32, %arg1, %c0_i32_0, %c0_i32_1 : i32, i32, i32, i32, i32
  }
  func.func @transform_1(%arg0: i32, %arg1: i32) -> (i32, i32, i32) {
    %c0_i32 = arith.constant 0 : i32
    %c0_i32_0 = arith.constant 0 : i32
    return %arg0, %arg1, %c0_i32 : i32, i32, i32
  }
  func.func @transform_2(%arg0: i32, %arg1: i32) -> (i32, i32, i32) {
    %c0_i32 = arith.constant 0 : i32
    %c0_i32_0 = arith.constant 0 : i32
    %c0_i32_1 = arith.constant 0 : i32
    return %arg0, %c0_i32, %c0_i32_0 : i32, i32, i32
  }
  func.func @transform_3(%arg0: i32, %arg1: i32) -> (i32, i32, i32, i32, i32) {
    %c0_i32 = arith.constant 0 : i32
    %c0_i32_0 = arith.constant 0 : i32
    %c0_i32_1 = arith.constant 0 : i32
    %c0_i32_2 = arith.constant 0 : i32
    return %arg0, %c0_i32, %arg1, %c0_i32_0, %c0_i32_1 : i32, i32, i32, i32, i32
  }
}

</mosaic_0001>

<sc_bundles>
// kernel: kernel.7.cloned.1.call-start
scs
__scs_entry_jumppad:
0x0: {  	(pc) =	sbr.rel $0x88, $3  }
0x1: {  	(tag) =	ssettag $0x0;
	lr =	simm.s32 $0x1  }
0x2: {  	[smem:$0x3F9E] =	sst lr;
	_ =	strace $0xD0000000  }
0x3: {  	_ = 	snop  }
0x4: {  	_ = 	snop  }
0x5: {  	_ = 	snop  }
0x6: {  	_ = 	snop  }
0x7: {  	_ = 	snop  }
__scs_overlays_trampoline_lowered:
0x8: {  	[smem:$0x3FAD] =	sst s0  }
0x9: {  	[smem:$0x3FAE] =	sst s1  }
0xa: {  	[smem:$0x3FAF] =	sst s2  }
0xb: {  	[smem:$0x3FB0] =	sst s3  }
0xc: {  	[smem:$0x3FB1] =	sst s4  }
0xd: {  	[smem:$0x3FB2] =	sst s5  }
0xe: {  	[smem:$0x3FB3] =	sst s6  }
0xf: {  	[smem:$0x3FB4] =	sst s7  }
0x10: {  	[smem:$0x3FB5] =	sst s8  }
0x11: {  	[smem:$0x3FB6] =	sst s9;
	s0 =	simm.s32 @!p0 $0x0  }
0x12: {  	s1 =	sld [smem:$0x3F9C];
	s0 =	simm.s32 @p0 $0x1  }
0x13: {  	[smem:$0x3FB7] =	sst s0;
	s0 =	simm.s32 @!p1 $0x0  }
0x14: {  	s2 =	sld [smem:$0x3F9B];
	s0 =	simm.s32 @p1 $0x1  }
0x15: {  	[smem:$0x3FB8] =	sst s0;
	s0 =	simm.s32 @!p2 $0x0  }
0x16: {  	s3 =	sld [smem:$0x3FDB];
	s0 =	simm.s32 @p2 $0x1  }
0x17: {  	s4 =	simm.s32 $0x1BF5;
	[smem:$0x3FBA] =	sst s0  }
0x18: {  	s0 =	sld [smem:$0x3F9D];
	_ =	swait.ge [sflag:s4], $0x0  }
0x19: {  	s7 =	sld [smem:$0x3F9E]  }
0x1a: {  	s8 =	sadd.s32 $0xFFFFE003, lr  }
0x1b: {  	s9 =	sadd.s32 $0xFFFFFEF7, lr;
	s5 =	simm.s32 $0xFFFFFFFF;
	p2 =	slt.u32 s8, $0xFFFFF086  }
0x1c: {  	p1 =	slt.u32 s9, $0xF7A;
	s5 =	simm.s32 @!p2 $0x0  }
0x1d: {  	s5 =	simm.s32 @p1 $0x1;
	p0 =	seq.s32 s7, s2  }
0x1e: {  	s7 =	smul.u32 @!p0 $0xF7A, s2;
	p2 =	seq.s32 @!p0 s5, $0x0  }
0x1f: {  	s9 =	smul.u32 $0xF7A, s1;
	s8 =	simm.s32 @!p0 $0x1BF5;
	p2 =	por !p2, p0  }
0x20: {  	[sflag:s8] =	ssyncset.s32 @!p0 $0xFFFFF086;
	s6 =	sadd.s32 @!p0 s3, s7;
	s7 =	simm.s32 @!p0 $0x108  }
0x21: {  	s3 =	sadd.s32 s3, s9;
	s6 =	sadd.s32 @!p0 $0x88, s6;
	s7 =	simm.s32 @p2 $0x1082  }
0x22: {  	[simem:s7], [sflag:s8] =	dma.local @!p0 [hbm:s6], $0xF7A  }
0x23: {  	s9 =	sor.u32 $0xD0000000, s2;
	s6 =	simm.s32 $0x108;
	_ =	swait.ge @!p0 [sflag:s8], $0x0  }
0x24: {  	s3 =	sadd.s32 $0x88, s3;
	s6 =	simm.s32 @!p1 $0x1082;
	[sflag:s4] =	ssyncset.s32 $0xFFFFF086  }
0x25: {  	[simem:s6], [sflag:s4] =	dma.local [hbm:s3], $0xF7A  }
0x26: {  	[smem:$0x3F9E] =	sst s1;
	(tag) =	ssettag s2;
	_ =	strace s9  }
0x27: {  	s1 =	sld [smem:$0x3FAE]  }
0x28: {  	s2 =	sld [smem:$0x3FAF]  }
0x29: {  	s4 =	sld [smem:$0x3FB1]  }
0x2a: {  	p0 =	seq.s32 s5, $0x0;
	s5 =	sld [smem:$0x3FB2]  }
0x2b: {  	s6 =	sld [smem:$0x3FB3]  }
0x2c: {  	s7 =	sld [smem:$0x3FB4]  }
0x2d: {  	s3 =	simm.s32 $0x108;
	s8 =	sld [smem:$0x3FB5]  }
0x2e: {  	s3 =	simm.s32 @!p0 $0x1082;
	s9 =	sld [smem:$0x3FB6]  }
0x2f: {  	lr =	sadd.s32 s0, s3;
	s0 =	sld [smem:$0x3FAD]  }
0x30: {  	s3 =	sld [smem:$0x3FB0]  }
0x31: {  	[smem:$0x3FB9] =	sst s10  }
0x32: {  	s10 =	sld [smem:$0x3FB7];
	_ =	sdelay $0x3  }
0x33: {  	p0 =	seq.s32 s10, $0x1;
	s10 =	sld [smem:$0x3FB9];
	_ =	sdelay $0x3  }
0x34: {  	[smem:$0x3FB9] =	sst s10  }
0x35: {  	s10 =	sld [smem:$0x3FB8];
	_ =	sdelay $0x3  }
0x36: {  	p1 =	seq.s32 s10, $0x1;
	s10 =	sld [smem:$0x3FB9];
	_ =	sdelay $0x3  }
0x37: {  	[smem:$0x3FB9] =	sst s10  }
0x38: {  	s10 =	sld [smem:$0x3FBA]  }
0x39: {  	_ = 	snop;
	(pc) =	sbr.ind lr, $3  }
0x3a: {  	_ = 	snop  }
0x3b: {  	_ = 	snop  }
0x3c: {  	p2 =	seq.s32 s10, $0x1;
	s10 =	sld [smem:$0x3FB9]  }
0x3d: {  	_ =	shalt  }
0x3e: {  	_ =	shalt  }
0x3f: {  	_ =	shalt  }
0x40: {  	_ =	shalt  }
0x41: {  	_ =	shalt  }
0x42: {  	_ =	shalt  }
0x43: {  	_ =	shalt  }
0x44: {  	_ =	shalt  }
0x45: {  	_ =	shalt  }
0x46: {  	_ =	shalt  }
0x47: {  	_ =	shalt  }
0x48: {  	_ =	shalt  }
0x49: {  	_ =	shalt  }
0x4a: {  	_ =	shalt  }
0x4b: {  	_ =	shalt  }
0x4c: {  	_ =	shalt  }
0x4d: {  	_ =	shalt  }
0x4e: {  	_ =	shalt  }
0x4f: {  	_ =	shalt  }
0x50: {  	_ =	shalt  }
0x51: {  	_ =	shalt  }
0x52: {  	_ =	shalt  }
0x53: {  	_ =	shalt  }
0x54: {  	_ =	shalt  }
0x55: {  	_ =	shalt  }
0x56: {  	_ =	shalt  }
0x57: {  	_ =	shalt  }
0x58: {  	_ =	shalt  }
0x59: {  	_ =	shalt  }
0x5a: {  	_ =	shalt  }
0x5b: {  	_ =	shalt  }
0x5c: {  	_ =	shalt  }
0x5d: {  	_ =	shalt  }
0x5e: {  	_ =	shalt  }
0x5f: {  	_ =	shalt  }
0x60: {  	_ =	shalt  }
0x61: {  	_ =	shalt  }
0x62: {  	_ =	shalt  }
0x63: {  	_ =	shalt  }
0x64: {  	_ =	shalt  }
0x65: {  	_ =	shalt  }
0x66: {  	_ =	shalt  }
0x67: {  	_ =	shalt  }
0x68: {  	_ =	shalt  }
0x69: {  	_ =	shalt  }
0x6a: {  	_ =	shalt  }
0x6b: {  	_ =	shalt  }
0x6c: {  	_ =	shalt  }
0x6d: {  	_ =	shalt  }
0x6e: {  	_ =	shalt  }
0x6f: {  	_ =	shalt  }
0x70: {  	_ =	shalt  }
0x71: {  	_ =	shalt  }
0x72: {  	_ =	shalt  }
0x73: {  	_ =	shalt  }
0x74: {  	_ =	shalt  }
0x75: {  	_ =	shalt  }
0x76: {  	_ =	shalt  }
0x77: {  	_ =	shalt  }
0x78: {  	_ =	shalt  }
0x79: {  	_ =	shalt  }
0x7a: {  	_ =	shalt  }
0x7b: {  	_ =	shalt  }
0x7c: {  	_ =	shalt  }
0x7d: {  	_ =	shalt  }
0x7e: {  	_ =	shalt  }
0x7f: {  	_ =	shalt  }
0x80: {  	_ =	shalt  }
0x81: {  	_ =	shalt  }
0x82: {  	_ =	shalt  }
0x83: {  	_ =	shalt  }
0x84: {  	_ =	shalt  }
0x85: {  	_ =	shalt  }
0x86: {  	_ =	shalt  }
0x87: {  	_ =	shalt  }
.Lfunc_end0:
.L_simem_size_0:
called_computation.1_lowered:
.L_overlay_start_0:
0x88: {  	s2 =	sld [smem:$0x3FD9]  }
0x89: {  	s3 =	sld [smem:$0x3FFE];
	_ =	sdelay $0x1  }
0x8a: {  	s1 =	srdreg.scid  }
0x8b: {  	s0 =	sand.u32 $0x1, s1  }
0x8c: {  	s17 =	sshll.u32 s0, $0xA;
	s2 =	sadd.s32 s3, s2  }
0x8d: {  	s2 =	sadd.s32 s2, s17  }
0x8e: {  	[smem:$0x3FC5] =	sst s2  }
0x8f: {  	_ = 	snop  }
0x90: {  	s2 =	sld [smem:$0x3FD0];
	(tm) =	ssettm $0x1  }
0x91: {  	s18 =	sld [smem:$0x3FFB];
	_ =	sdelay $0x3  }
0x92: {  	_ =	strace s18  }
0x93: {  	s3 =	sld [smem:$0x3FFC];
	_ =	sdelay $0x3  }
0x94: {  	_ =	strace s3  }
0x95: {  	s3 =	sld [smem:$0x3FFD];
	_ =	sdelay $0x3  }
0x96: {  	_ =	strace s3  }
0x97: {  	_ =	strace $0x8FFFFFFF  }
0x98: {  	s19 =	sld [smem:$0x3FDB];
	_ =	sdelay $0x1  }
0x99: {  	s4 =	simm.s32 $_scs_section_size  }
0x9a: {  	s5 =	simm.s32 $_size__tile_overlayer_lowered;
	s6 =	simm.s32 $_tile_overlayer_lowered  }
0x9b: {  	s22 =	simm.s32 $0x1BFF;
	s21 =	sshll.u32 s6, $0x1;
	s3 =	sadd.s32 s4, s19  }
0x9c: {  	s7 =	simm.s32 $0x0;
	s20 =	sshll.u32 s5, $0x1;
	s5 =	sadd.s32 s21, s3  }
0x9d: {  	[timem:s7], [sflag:s22] =	dma.local [hbm:s5], s20  }
0x9e: {  	_ =	swait.ge [sflag:s22], s20  }
0x9f: {  	s4 =	ssub.s32 $0x0, s20;
	[sflag:s22] =	ssyncset.done $0x0  }
0xa0: {  	[sflag:s22] =	ssyncadd.s32 s4;
	_ =	sdelay $0x1  }
0xa1: {  	s23 =	simm.s32 $0x1B8B  }
0xa2: {  	_ =	swait.ge [sflag:s23], $0x1  }
0xa3: {  	[sflag:s23] =	ssyncset.done $0x0  }
0xa4: {  	s25 =	simm.s32 $0x1B8E;
	s24 =	sld [smem:$0x3FFE];
	[sflag:s23] =	ssyncadd.s32 $0xFFFFFFFF  }
0xa5: {  	s26 =	simm.s32 $execute0_lowered;
	[smem:$0x3FD2] =	sst s25  }
0xa6: {  	s5 =	sshll.u32 s26, $0x1;
	_ =	strace $0x80000046;
	[dreg:$0x1] =	wrdreg $0xFFFFFFFF  }
0xa7: {  	s28 =	simm.s32 $_size_execute0_lowered;
	s3 =	sadd.s32 s3, s5;
	[dreg:$0x0] =	wrdreg $0x0  }
0xa8: {  	s5 =	sshll.u32 s28, $0x1;
	[dreg:$0x2] =	wrdreg s3  }
0xa9: {  	[dreg:$0x3] =	wrdreg s5  }
0xaa: {  	[dreg:$0x4] =	wrdreg $0xC0  }
0xab: {  	_ =	task [dreg:s7], $0x5FFFF  }
0xac: {  	[dreg:$0x1] =	wrdreg $0xFFFFFFFF  }
0xad: {  	[dreg:$0x0] =	wrdreg $0x60  }
0xae: {  	[dreg:$0x2] =	wrdreg s2  }
0xaf: {  	[dreg:$0x3] =	wrdreg s24  }
0xb0: {  	[dreg:$0x4] =	wrdreg $0x9  }
0xb1: {  	_ =	task.clear_ibuf [dreg:s7], $0x5FFFF;
	_ =	strace $0x90000046  }
0xb2: {  	s29 =	simm.s32 $0x9;
	_ =	strace $0x80000048  }
0xb3: {  	_ =	swait.ge [sflag:s29], $0x1  }
0xb4: {  	[sflag:s29] =	ssyncadd.s32 $0xFFFFFFFF  }
0xb5: {  	_ =	strace $0x90000048  }
0xb6: {  	_ =	sfence  }
0xb7: {  	s30 =	sld [smem:$0x0];
	_ =	sdelay $0x2  }
0xb8: {  	s31 =	sshll.u32 s1, $0xD;
	s1 =	sshrl.u32 s1, $0x2  }
0xb9: {  	s3 =	sand.u32 $0x4000, s31;
	s1 =	sadd.s32 s1, s30  }
0xba: {  	s0 =	sor.u32 s3, s0;
	s1 =	sshll.u32 s1, $0x11  }
0xbb: {  	s0 =	sor.u32 s1, s0  }
0xbc: {  	s0 =	sadd.s32 $0x8F2B, s0  }
0xbd: {  	[sflag:s0] =	ssyncadd.remote.s32 $0x1  }
0xbe: {  	_ =	sfence.sel $0xFFFF  }
0xbf: {  	[dreg:$0x0] =	wrdreg $0xFFFFFFFF;
	(pc) =	sbr.abs _section_cstart, $3  }
0xc0: {  	[dreg:$0x1] =	wrdreg $0xFFFFFFFF  }
0xc1: {  	_ =	task.clear_ibuf [dreg:s7], $0x2FFFF;
	_ =	strace $0x9FFFFFFF  }
0xc2: {  	(tm) =	ssettm $0x7FFFFFFF  }
0xc3: {  	_ =	shalt  }
tec
execute0_lowered:
.L_overlay_start_1:
0x0: {  	(tag) =	ssettag $0x1  }
0x1: {  	s6 =	rddreg [dreg:$0x0]  }
0x2: {  	s0 =	rddreg [dreg:$0x1];
	s1 =	srdreg.scid  }
0x3: {  	s2 =	stileid.u32;
	s4 =	simm.s32 $0x0;
	s29 =	simm.s32 $0x6600  }
0x4: {  	s30 =	simm.s32 $0x6E00;
	s1 =	sand.u32 $0x1, s1;
	s3 =	sshll.u32 s2, $0x1  }
0x5: {  	[smem:$0x7FF] =	sst s4;
	s31 =	sadd.s32 $0x100, s6;
	s2 =	sadd.s32 $0x200, s6  }
0x6: {  	s9 =	sadd.s32 $0x300, s6;
	s10 =	sadd.s32 $0x400, s6;
	s11 =	sadd.s32 $0x500, s6  }
0x7: {  	s12 =	sadd.s32 $0x600, s6;
	s13 =	sadd.s32 $0x700, s6;
	s14 =	sadd.s32 $0x800, s6  }
0x8: {  	s15 =	sadd.s32 $0x900, s6;
	s16 =	sadd.s32 $0xA00, s6;
	s3 =	sor.u32 s1, s3  }
0x9: {  	_ =	strace $0x80000047;
	s1 =	ssub.s32 $0x2, s1;
	[dreg:$0x6] =	wrdreg s2  }
0xa: {  	s24 =	sshll.u32 s3, $0x6;
	s25 =	sshrl.u32 s1, $0x1;
	s26 =	sshll.u32 s3, $0x3  }
0xb: {  	s4 =	sadd.s32 s24, s0;
	s0 =	sadd.s32 $0x181200, s0;
	[dreg:$0x4] =	wrdreg s26  }
0xc: {  	v0 =	vlaneseq.u32;
	[dreg:$0x3] =	wrdreg s0;
	s0 =	ssub.s32 s1, s25;
	s28 =	sadd.s32 $0x180A00, s4  }
0xd: {  	vm0 =	vmmov $0xff;
	s17 =	sadd.s32 $0xB00, s6;
	v1 =	vshrl.u32 v0, $0x3;
	[dreg:$0x5] =	wrdreg s28;
	s0 =	smax.u32 s0, $0x1  }
0xe: {  	vm1 =	vmmov $0xffff;
	s18 =	sadd.s32 $0xC00, s6;
	v0 =	vand.u32 $0x7, v0;
	v1 =	vmul.u32 $0x8, v1;
	s3 =	simm.s32 $0x0;
	[dreg:$0x7] =	wrdreg s0  }
.LBB2_1:
0xf: {  	[dreg:$0x8] =	wrdreg s3  }
0x10: {  	s0 =	simm.s32 $0x0;
	s1 =	rddreg [dreg:$0x5];
	s3 =	simm.s32 $0x4  }
0x11: {  	[tilespmem:s0], [sflag:$0x4] =	stream.linear.gather [hbm4b:s1+s0], $0x200, $0x38;
	[tilespmem:$0x12E00] =	vst v63  }
0x12: {  	_ =	swait.ge [sflag:s3], $0x200  }
0x13: {  	[sflag:s3] =	ssyncset.done $0x0  }
0x14: {  	[sflag:s3] =	ssyncadd.s32 $0xFFFFFE00  }
0x15: {  	v2 =	vld.msk [tilespmem:$0x0], $0xff;
	_ =	sdelay $0x4  }
0x16: {  	v3 =	vshrl.u32 v2, $0x3  }
0x17: {  	v3 =	vmul.u32 $0xC8, v3  }
0x18: {  	v2 =	vand.u32 $0x7, v2  }
0x19: {  	v2 =	vor.u32 v2, v3  }
0x1a: {  	v2 =	vperm.xlane v2, v0;
	_ =	sdelay $0x1  }
0x1b: {  	v2 =	vadd.s32 v1, v2;
	_ =	sdelay $0x3  }
0x1c: {  	s4 =	simm.s32 $0x200  }
0x1d: {  	[tilespmem:s4], [sflag:$0x1] =	stream.indirect_vreg.gather [hbm4b:s6+s0], $0x80, v2, vm1, $0xb8;
	[tilespmem:$0x12E00] =	vst v63  }
0x1e: {  	s5 =	simm.s32 $0xA00  }
0x1f: {  	[tilespmem:s5], [sflag:$0x1] =	stream.indirect_vreg.gather [hbm4b:s31+s0], $0x80, v2, vm1, $0xb8;
	[tilespmem:$0x12E00] =	vst v63  }
0x20: {  	s7 =	simm.s32 $0x1200  }
0x21: {  	[tilespmem:s7], [sflag:$0x1] =	stream.indirect_vreg.gather [hbm4b:s2+s0], $0x80, v2, vm1, $0xb8;
	[tilespmem:$0x12E00] =	vst v63  }
0x22: {  	s8 =	simm.s32 $0x1A00  }
0x23: {  	[tilespmem:s8], [sflag:$0x1] =	stream.indirect_vreg.gather [hbm4b:s9+s0], $0x80, v2, vm1, $0xb8;
	[tilespmem:$0x12E00] =	vst v63  }
0x24: {  	s19 =	simm.s32 $0x2200  }
0x25: {  	[tilespmem:s19], [sflag:$0x1] =	stream.indirect_vreg.gather [hbm4b:s10+s0], $0x80, v2, vm1, $0xb8;
	[tilespmem:$0x12E00] =	vst v63  }
0x26: {  	s20 =	simm.s32 $0x2A00  }
0x27: {  	[tilespmem:s20], [sflag:$0x1] =	stream.indirect_vreg.gather [hbm4b:s11+s0], $0x80, v2, vm1, $0xb8;
	[tilespmem:$0x12E00] =	vst v63  }
0x28: {  	s21 =	simm.s32 $0x3200  }
0x29: {  	[tilespmem:s21], [sflag:$0x1] =	stream.indirect_vreg.gather [hbm4b:s12+s0], $0x80, v2, vm1, $0xb8;
	[tilespmem:$0x12E00] =	vst v63  }
0x2a: {  	s22 =	simm.s32 $0x3A00  }
0x2b: {  	[tilespmem:s22], [sflag:$0x1] =	stream.indirect_vreg.gather [hbm4b:s13+s0], $0x80, v2, vm1, $0xb8;
	[tilespmem:$0x12E00] =	vst v63  }
0x2c: {  	s23 =	simm.s32 $0x4200  }
0x2d: {  	[tilespmem:s23], [sflag:$0x1] =	stream.indirect_vreg.gather [hbm4b:s14+s0], $0x80, v2, vm1, $0xb8;
	[tilespmem:$0x12E00] =	vst v63  }
0x2e: {  	s24 =	simm.s32 $0x4A00  }
0x2f: {  	[tilespmem:s24], [sflag:$0x1] =	stream.indirect_vreg.gather [hbm4b:s15+s0], $0x80, v2, vm1, $0xb8;
	[tilespmem:$0x12E00] =	vst v63  }
0x30: {  	s25 =	simm.s32 $0x5200  }
0x31: {  	[tilespmem:s25], [sflag:$0x1] =	stream.indirect_vreg.gather [hbm4b:s16+s0], $0x80, v2, vm1, $0xb8;
	[tilespmem:$0x12E00] =	vst v63  }
0x32: {  	s26 =	simm.s32 $0x5A00  }
0x33: {  	[tilespmem:s26], [sflag:$0x1] =	stream.indirect_vreg.gather [hbm4b:s17+s0], $0x80, v2, vm1, $0xb8;
	[tilespmem:$0x12E00] =	vst v63  }
0x34: {  	s28 =	simm.s32 $0x6200;
	s4 =	simm.s32 $0x0  }
0x35: {  	[tilespmem:s28], [sflag:$0x1] =	stream.indirect_vreg.gather [hbm4b:s18+s0], $0x80, v2, vm0, $0xb8;
	[tilespmem:$0x12E00] =	vst v63  }
.LBB2_2:
0x36: {  	s0 =	sshll.u32 s4, $0x8  }
0x37: {  	s24 =	sshrl.u32 s0, $0x2  }
0x38: {  	[dreg:$0x9] =	wrdreg s0;
	s0 =	sor.u32 $0x8, s24  }
0x39: {  	v2 =	vld.msk [tilespmem:s0+$0x0], $0xff;
	_ =	sdelay $0x4  }
0x3a: {  	v3 =	vshrl.u32 v2, $0x3  }
0x3b: {  	v3 =	vmul.u32 $0xC8, v3  }
0x3c: {  	v2 =	vand.u32 $0x7, v2  }
0x3d: {  	v2 =	vor.u32 v2, v3  }
0x3e: {  	v2 =	vperm.xlane v2, v0;
	_ =	sdelay $0x1  }
0x3f: {  	v2 =	vadd.s32 v1, v2;
	_ =	sdelay $0x3  }
0x40: {  	s5 =	simm.s32 $0x0  }
0x41: {  	[tilespmem:s29], [sflag:$0x2] =	stream.indirect_vreg.gather [hbm4b:s6+s5], $0x80, v2, vm1, $0xb8;
	[tilespmem:$0x12E00] =	vst v63  }
0x42: {  	_ = 	snop  }
0x43: {  	[tilespmem:s30], [sflag:$0x2] =	stream.indirect_vreg.gather [hbm4b:s31+s5], $0x80, v2, vm1, $0xb8;
	[tilespmem:$0x12E00] =	vst v63  }
0x44: {  	s22 =	rddreg [dreg:$0x6];
	s1 =	simm.s32 $0x7600  }
0x45: {  	[tilespmem:s1], [sflag:$0x2] =	stream.indirect_vreg.gather [hbm4b:s22+s5], $0x80, v2, vm1, $0xb8;
	[tilespmem:$0x12E00] =	vst v63  }
0x46: {  	s23 =	simm.s32 $0x7E00  }
0x47: {  	[tilespmem:s23], [sflag:$0x2] =	stream.indirect_vreg.gather [hbm4b:s9+s5], $0x80, v2, vm1, $0xb8;
	[tilespmem:$0x12E00] =	vst v63  }
0x48: {  	s25 =	simm.s32 $0x8600  }
0x49: {  	[tilespmem:s25], [sflag:$0x2] =	stream.indirect_vreg.gather [hbm4b:s10+s5], $0x80, v2, vm1, $0xb8;
	[tilespmem:$0x12E00] =	vst v63  }
0x4a: {  	s26 =	simm.s32 $0x8E00  }
0x4b: {  	[tilespmem:s26], [sflag:$0x2] =	stream.indirect_vreg.gather [hbm4b:s11+s5], $0x80, v2, vm1, $0xb8;
	[tilespmem:$0x12E00] =	vst v63  }
0x4c: {  	s1 =	simm.s32 $0x9600  }
0x4d: {  	[tilespmem:s1], [sflag:$0x2] =	stream.indirect_vreg.gather [hbm4b:s12+s5], $0x80, v2, vm1, $0xb8;
	[tilespmem:$0x12E00] =	vst v63  }
0x4e: {  	s2 =	simm.s32 $0x9E00  }
0x4f: {  	[tilespmem:s2], [sflag:$0x2] =	stream.indirect_vreg.gather [hbm4b:s13+s5], $0x80, v2, vm1, $0xb8;
	[tilespmem:$0x12E00] =	vst v63  }
0x50: {  	s3 =	simm.s32 $0xA600  }
0x51: {  	[tilespmem:s3], [sflag:$0x2] =	stream.indirect_vreg.gather [hbm4b:s14+s5], $0x80, v2, vm1, $0xb8;
	[tilespmem:$0x12E00] =	vst v63  }
0x52: {  	s6 =	simm.s32 $0xAE00  }
0x53: {  	[tilespmem:s6], [sflag:$0x2] =	stream.indirect_vreg.gather [hbm4b:s15+s5], $0x80, v2, vm1, $0xb8;
	[tilespmem:$0x12E00] =	vst v63  }
0x54: {  	s7 =	simm.s32 $0xB600;
	p0 =	por $0x0, $0x0;
	s0 =	simm.s32 $0x1  }
0x55: {  	[tilespmem:s7], [sflag:$0x2] =	stream.indirect_vreg.gather [hbm4b:s16+s5], $0x80, v2, vm1, $0xb8;
	[tilespmem:$0x12E00] =	vst v63  }
0x56: {  	s19 =	simm.s32 $0xBE00;
	s0 =	simm.s32 @!p0 $0x0  }
0x57: {  	[tilespmem:s19], [sflag:$0x2] =	stream.indirect_vreg.gather [hbm4b:s17+s5], $0x80, v2, vm1, $0xb8;
	[tilespmem:$0x12E00] =	vst v63  }
0x58: {  	s20 =	simm.s32 $0xC600;
	s21 =	simm.s32 $0x1;
	s0 =	sshll.u32 s0, $0x6  }
0x59: {  	[tilespmem:s20], [sflag:$0x2] =	stream.indirect_vreg.gather [hbm4b:s18+s5], $0x80, v2, vm0, $0xb8;
	[tilespmem:$0x12E00] =	vst v63  }
0x5a: {  	s0 =	sadd.s32 $0x0, s0;
	_ =	swait.ge [sflag:s21], $0x6400  }
0x5b: {  	s22 =	sor.u32 $0x300, s0;
	s19 =	sand.u32 $0x7C00, s5;
	[sflag:s21] =	ssyncset.done $0x0  }
0x5c: {  	s25 =	sor.u32 $0x200, s19;
	s20 =	sand.u32 $0x40, s5;
	[sflag:s21] =	ssyncadd.s32 $0xFFFF9C00  }
0x5d: {  	s21 =	sor.u32 s20, s25;
	v2 =	vld [tilespmem:s22+$0x200]  }
0x5e: {  	s23 =	sor.u32 $0x280, s0;
	v3 =	vld [tilespmem:s21+$0x80]  }
0x5f: {  	s26 =	sor.u32 s20, s19;
	v4 =	vld [tilespmem:s23+$0x200]  }
0x60: {  	v5 =	vld [tilespmem:s26+$0x200]  }
0x61: {  	s2 =	sor.u32 $0x200, s0;
	v6 =	vld [tilespmem:s21+$0x180]  }
0x62: {  	s28 =	sor.u32 $0x380, s0;
	v7 =	vld [tilespmem:s2+$0x200]  }
0x63: {  	v8 =	vld [tilespmem:s28+$0x200]  }
0x64: {  	v9 =	vld [tilespmem:s21+$0x100];
	_ =	sdelay $0x3  }
0x65: {  	v3 =	vadd.f32 v3, v5;
	v4 =	vadd.f32 v4, v7  }
0x66: {  	v2 =	vadd.f32 v8, v2;
	v5 =	vadd.f32 v6, v9;
	_ =	sdelay $0x1  }
0x67: {  	v2 =	vadd.f32 v2, v4;
	v3 =	vadd.f32 v5, v3;
	_ =	sdelay $0x1  }
0x68: {  	v2 =	vadd.f32 v2, v3  }
0x69: {  	s3 =	sor.u32 $0x10, s20  }
0x6a: {  	s6 =	sadd.s32 $0x10, s0;
	s7 =	sor.u32 s19, s3;
	[tilespmem:s26+$0xCA00] =	vst v2  }
0x6b: {  	s28 =	sor.u32 $0x380, s6;
	v2 =	vld [tilespmem:s7+$0x200]  }
0x6c: {  	s1 =	sor.u32 s3, s25;
	v3 =	vld [tilespmem:s28+$0x200]  }
0x6d: {  	v4 =	vld [tilespmem:s1+$0x100]  }
0x6e: {  	s21 =	sor.u32 $0x200, s6;
	v6 =	vld [tilespmem:s1+$0x80]  }
0x6f: {  	v8 =	vld [tilespmem:s21+$0x200]  }
0x70: {  	s28 =	sor.u32 $0x300, s6;
	v63 =	vld [tilespmem:s1+$0x180]  }
0x71: {  	v5 =	vld [tilespmem:s28+$0x200];
	s28 =	sor.u32 $0x280, s6  }
0x72: {  	v7 =	vld [tilespmem:s28+$0x200];
	_ =	sdelay $0x3  }
0x73: {  	v2 =	vadd.f32 v6, v2;
	v4 =	vadd.f32 v63, v4  }
0x74: {  	v3 =	vadd.f32 v3, v5;
	v5 =	vadd.f32 v7, v8;
	_ =	sdelay $0x1  }
0x75: {  	v2 =	vadd.f32 v4, v2;
	v3 =	vadd.f32 v3, v5;
	_ =	sdelay $0x1  }
0x76: {  	v2 =	vadd.f32 v3, v2  }
0x77: {  	s22 =	sor.u32 $0x20, s20  }
0x78: {  	s8 =	smov.u32 s31;
	s31 =	sor.u32 s19, s22;
	[tilespmem:s7+$0xCA00] =	vst v2  }
0x79: {  	s1 =	sor.u32 s22, s25;
	v2 =	vld [tilespmem:s31+$0x200]  }
0x7a: {  	v4 =	vld [tilespmem:s1+$0x80]  }
0x7b: {  	s30 =	sadd.s32 $0x20, s0;
	s29 =	sor.u32 $0x30, s20;
	v3 =	vld [tilespmem:s1+$0x100]  }
0x7c: {  	s23 =	sor.u32 $0x380, s30;
	s20 =	simm.s32 $0x40;
	s26 =	simm.s32 $0x0;
	v5 =	vld [tilespmem:s1+$0x180]  }
0x7d: {  	s21 =	sor.u32 $0x280, s30;
	s28 =	sadd.s32 $0x30, s0;
	s0 =	sor.u32 $0x300, s30;
	v6 =	vld [tilespmem:s23+$0x200]  }
.LBB2_3:
0x7e: {  	s26 =	sadd.s32 $0x4, s26;
	v7 =	vld [tilespmem:s0+$0x200];
	s5 =	sadd.s32 $0x200, s5;
	p0 =	por !p0, !p0  }
0x7f: {  	s0 =	sor.u32 $0x200, s30;
	p1 =	slt.u32 s26, $0xC4;
	v2 =	vadd.f32 v4, v2;
	v4 =	vld [tilespmem:s21+$0x200]  }
0x80: {  	v8 =	vld [tilespmem:s0+$0x200]  }
0x81: {  	v3 =	vadd.f32 v5, v3;
	_ =	sdelay $0x1  }
0x82: {  	v5 =	vadd.f32 v6, v7;
	_ =	sdelay $0x1  }
0x83: {  	v4 =	vadd.f32 v4, v8;
	_ =	sdelay $0x1  }
0x84: {  	v2 =	vadd.f32 v3, v2;
	v3 =	vadd.f32 v5, v4;
	_ =	sdelay $0x1  }
0x85: {  	v2 =	vadd.f32 v3, v2;
	_ =	sdelay $0x1  }
0x86: {  	s0 =	sor.u32 s19, s29;
	[tilespmem:s31+$0xCA00] =	vst v2  }
0x87: {  	s1 =	sor.u32 s29, s25;
	v2 =	vld [tilespmem:s0+$0x200]  }
0x88: {  	v3 =	vld [tilespmem:s1+$0x80]  }
0x89: {  	v4 =	vld [tilespmem:s1+$0x100]  }
0x8a: {  	v5 =	vld [tilespmem:s1+$0x180];
	s1 =	sor.u32 $0x200, s28  }
0x8b: {  	v6 =	vld [tilespmem:s1+$0x200];
	s1 =	sor.u32 $0x300, s28  }
0x8c: {  	v7 =	vld [tilespmem:s1+$0x200];
	s1 =	sor.u32 $0x380, s28  }
0x8d: {  	s19 =	sor.u32 $0x280, s28;
	v2 =	vadd.f32 v3, v2;
	v3 =	vld [tilespmem:s1+$0x200]  }
0x8e: {  	v8 =	vld [tilespmem:s19+$0x200]  }
0x8f: {  	v4 =	vadd.f32 v5, v4;
	_ =	sdelay $0x1  }
0x90: {  	v2 =	vadd.f32 v4, v2  }
0x91: {  	s1 =	simm.s32 $0x1  }
0x92: {  	s1 =	simm.s32 @!p0 $0x0;
	v3 =	vadd.f32 v3, v7;
	v4 =	vadd.f32 v8, v6  }
0x93: {  	s1 =	sshll.u32 s1, $0x6  }
0x94: {  	s1 =	sadd.s32 s1, s5;
	v3 =	vadd.f32 v3, v4  }
0x95: {  	s6 =	sor.u32 $0x200, s1;
	s23 =	sor.u32 $0x280, s1;
	s29 =	sor.u32 $0x300, s1  }
0x96: {  	s2 =	sor.u32 $0x380, s1;
	s22 =	sadd.s32 $0x10, s1;
	s30 =	sadd.s32 $0x20, s1;
	v2 =	vadd.f32 v3, v2  }
0x97: {  	s19 =	sand.u32 $0x7C00, s5;
	s3 =	sor.u32 $0x380, s22;
	s21 =	sor.u32 $0x280, s30  }
0x98: {  	s31 =	sand.u32 $0x40, s20;
	s25 =	sor.u32 $0x200, s19;
	s28 =	sadd.s32 $0x30, s1;
	[tilespmem:s0+$0xCA00] =	vst v2  }
0x99: {  	s1 =	sor.u32 $0x10, s31;
	s0 =	sor.u32 s31, s25;
	v2 =	vld [tilespmem:s29+$0x200];
	s29 =	sor.u32 $0x30, s31  }
0x9a: {  	v3 =	vld [tilespmem:s0+$0x80]  }
0x9b: {  	s7 =	sor.u32 s31, s19;
	v4 =	vld [tilespmem:s23+$0x200]  }
0x9c: {  	v5 =	vld [tilespmem:s7+$0x200]  }
0x9d: {  	v6 =	vld [tilespmem:s0+$0x180]  }
0x9e: {  	v7 =	vld [tilespmem:s6+$0x200]  }
0x9f: {  	v8 =	vld [tilespmem:s2+$0x200]  }
0xa0: {  	v9 =	vld [tilespmem:s0+$0x100]  }
0xa1: {  	v3 =	vadd.f32 v3, v5;
	_ =	sdelay $0x2  }
0xa2: {  	v4 =	vadd.f32 v4, v7;
	v2 =	vadd.f32 v8, v2  }
0xa3: {  	v5 =	vadd.f32 v6, v9  }
0xa4: {  	s0 =	sor.u32 $0x300, s22;
	v2 =	vadd.f32 v2, v4  }
0xa5: {  	s2 =	sor.u32 $0x280, s22;
	v3 =	vadd.f32 v5, v3  }
0xa6: {  	s6 =	sor.u32 $0x200, s22  }
0xa7: {  	v2 =	vadd.f32 v2, v3;
	_ =	sdelay $0x1  }
0xa8: {  	[tilespmem:s7+$0xCA00] =	vst v2;
	s7 =	sor.u32 s19, s1  }
0xa9: {  	v2 =	vld [tilespmem:s7+$0x200]  }
0xaa: {  	s1 =	sor.u32 s1, s25;
	v3 =	vld [tilespmem:s3+$0x200]  }
0xab: {  	v4 =	vld [tilespmem:s1+$0x100]  }
0xac: {  	v5 =	vld [tilespmem:s0+$0x200]  }
0xad: {  	v6 =	vld [tilespmem:s1+$0x80]  }
0xae: {  	v7 =	vld [tilespmem:s2+$0x200]  }
0xaf: {  	v8 =	vld [tilespmem:s6+$0x200];
	_ =	sdelay $0x1  }
0xb0: {  	v9 =	vld [tilespmem:s1+$0x180];
	v3 =	vadd.f32 v3, v5  }
0xb1: {  	v2 =	vadd.f32 v6, v2;
	_ =	sdelay $0x1  }
0xb2: {  	v5 =	vadd.f32 v7, v8;
	_ =	sdelay $0x1  }
0xb3: {  	v4 =	vadd.f32 v9, v4;
	v3 =	vadd.f32 v3, v5;
	_ =	sdelay $0x1  }
0xb4: {  	v2 =	vadd.f32 v4, v2;
	_ =	sdelay $0x1  }
0xb5: {  	v2 =	vadd.f32 v3, v2  }
0xb6: {  	s0 =	sor.u32 $0x20, s31  }
0xb7: {  	s31 =	sor.u32 s19, s0;
	[tilespmem:s7+$0xCA00] =	vst v2  }
.Ltmp0:
0xb8: {  	s0 =	sor.u32 s0, s25;
	v2 =	vld [tilespmem:s31+$0x200];
	(pc) =	sbr.rel @p1 .LBB2_3-.Ltmp0, $4  }
0xb9: {  	v4 =	vld [tilespmem:s0+$0x80]  }
0xba: {  	v3 =	vld [tilespmem:s0+$0x100]  }
0xbb: {  	s1 =	sor.u32 $0x380, s30;
	v5 =	vld [tilespmem:s0+$0x180]  }
0xbc: {  	s20 =	sadd.s32 $0x40, s20;
	s0 =	sor.u32 $0x300, s30;
	v6 =	vld [tilespmem:s1+$0x200]  }
0xbd: {  	v7 =	vld [tilespmem:s0+$0x200]  }
0xbe: {  	s23 =	sor.u32 $0x200, s30;
	v8 =	vld [tilespmem:s21+$0x200]  }
0xbf: {  	v9 =	vld [tilespmem:s23+$0x200];
	_ =	sdelay $0x3  }
0xc0: {  	v2 =	vadd.f32 v4, v2;
	v3 =	vadd.f32 v5, v3  }
0xc1: {  	v4 =	vadd.f32 v6, v7;
	v5 =	vadd.f32 v8, v9;
	_ =	sdelay $0x1  }
0xc2: {  	v2 =	vadd.f32 v3, v2;
	v3 =	vadd.f32 v4, v5;
	_ =	sdelay $0x1  }
0xc3: {  	v2 =	vadd.f32 v3, v2;
	_ =	sdelay $0x1  }
0xc4: {  	s26 =	sor.u32 s19, s29;
	[tilespmem:s31+$0xCA00] =	vst v2  }
0xc5: {  	s1 =	sor.u32 s29, s25;
	v2 =	vld [tilespmem:s26+$0x200]  }
0xc6: {  	v3 =	vld [tilespmem:s1+$0x80]  }
0xc7: {  	v4 =	vld [tilespmem:s1+$0x100]  }
0xc8: {  	s3 =	sor.u32 $0x200, s28;
	v5 =	vld [tilespmem:s1+$0x180]  }
0xc9: {  	s5 =	sor.u32 $0x300, s28;
	v6 =	vld [tilespmem:s3+$0x200]  }
0xca: {  	s6 =	sor.u32 $0x380, s28;
	v7 =	vld [tilespmem:s5+$0x200]  }
0xcb: {  	s2 =	sor.u32 $0x280, s28;
	v58 =	vld [tilespmem:s6+$0x200]  }
0xcc: {  	v59 =	vld [tilespmem:s2+$0x200];
	_ =	sdelay $0x3  }
0xcd: {  	v2 =	vadd.f32 v3, v2;
	v3 =	vadd.f32 v5, v4  }
0xce: {  	v4 =	vadd.f32 v59, v6;
	v5 =	vadd.f32 v58, v7;
	_ =	sdelay $0x1  }
0xcf: {  	v2 =	vadd.f32 v3, v2;
	v3 =	vadd.f32 v5, v4;
	_ =	sdelay $0x1  }
0xd0: {  	v2 =	vadd.f32 v3, v2;
	_ =	sdelay $0x1  }
0xd1: {  	[tilespmem:s26+$0xCA00] =	vst v2  }
0xd2: {  	v2 =	vld.msk [tilespmem:s24+$0x10], $0xff;
	_ =	sdelay $0x4  }
0xd3: {  	v3 =	vshrl.u32 v2, $0x3  }
0xd4: {  	v3 =	vmul.u32 $0xC8, v3  }
0xd5: {  	v2 =	vand.u32 $0x7, v2  }
0xd6: {  	v2 =	vor.u32 v2, v3  }
0xd7: {  	v2 =	vperm.xlane v2, v0;
	_ =	sdelay $0x1  }
0xd8: {  	v2 =	vadd.s32 v1, v2;
	_ =	sdelay $0x3  }
0xd9: {  	s7 =	simm.s32 $0x200;
	s23 =	rddreg [dreg:$0x0];
	s5 =	simm.s32 $0x0  }
0xda: {  	[tilespmem:s7], [sflag:$0x1] =	stream.indirect_vreg.gather [hbm4b:s23+s5], $0x80, v2, vm1, $0xb8;
	[tilespmem:$0x12E00] =	vst v63  }
0xdb: {  	s19 =	simm.s32 $0xA00  }
0xdc: {  	[tilespmem:s19], [sflag:$0x1] =	stream.indirect_vreg.gather [hbm4b:s8+s5], $0x80, v2, vm1, $0xb8;
	[tilespmem:$0x12E00] =	vst v63  }
0xdd: {  	s20 =	rddreg [dreg:$0x6];
	s21 =	simm.s32 $0x1200  }
0xde: {  	[tilespmem:s21], [sflag:$0x1] =	stream.indirect_vreg.gather [hbm4b:s20+s5], $0x80, v2, vm1, $0xb8;
	[tilespmem:$0x12E00] =	vst v63  }
0xdf: {  	s22 =	simm.s32 $0x1A00  }
0xe0: {  	[tilespmem:s22], [sflag:$0x1] =	stream.indirect_vreg.gather [hbm4b:s9+s5], $0x80, v2, vm1, $0xb8;
	[tilespmem:$0x12E00] =	vst v63  }
0xe1: {  	s25 =	simm.s32 $0x2200  }
0xe2: {  	[tilespmem:s25], [sflag:$0x1] =	stream.indirect_vreg.gather [hbm4b:s10+s5], $0x80, v2, vm1, $0xb8;
	[tilespmem:$0x12E00] =	vst v63  }
0xe3: {  	s26 =	simm.s32 $0x2A00  }
0xe4: {  	[tilespmem:s26], [sflag:$0x1] =	stream.indirect_vreg.gather [hbm4b:s11+s5], $0x80, v2, vm1, $0xb8;
	[tilespmem:$0x12E00] =	vst v63  }
0xe5: {  	s1 =	simm.s32 $0x3200  }
0xe6: {  	[tilespmem:s1], [sflag:$0x1] =	stream.indirect_vreg.gather [hbm4b:s12+s5], $0x80, v2, vm1, $0xb8;
	[tilespmem:$0x12E00] =	vst v63  }
0xe7: {  	s2 =	simm.s32 $0x3A00  }
0xe8: {  	[tilespmem:s2], [sflag:$0x1] =	stream.indirect_vreg.gather [hbm4b:s13+s5], $0x80, v2, vm1, $0xb8;
	[tilespmem:$0x12E00] =	vst v63  }
0xe9: {  	s3 =	simm.s32 $0x4200  }
0xea: {  	[tilespmem:s3], [sflag:$0x1] =	stream.indirect_vreg.gather [hbm4b:s14+s5], $0x80, v2, vm1, $0xb8;
	[tilespmem:$0x12E00] =	vst v63  }
0xeb: {  	s6 =	simm.s32 $0x4A00  }
0xec: {  	[tilespmem:s6], [sflag:$0x1] =	stream.indirect_vreg.gather [hbm4b:s15+s5], $0x80, v2, vm1, $0xb8;
	[tilespmem:$0x12E00] =	vst v63  }
0xed: {  	s7 =	simm.s32 $0x5200  }
0xee: {  	[tilespmem:s7], [sflag:$0x1] =	stream.indirect_vreg.gather [hbm4b:s16+s5], $0x80, v2, vm1, $0xb8;
	[tilespmem:$0x12E00] =	vst v63  }
0xef: {  	p0 =	por $0x0, $0x0;
	s19 =	simm.s32 $0x5A00  }
0xf0: {  	[tilespmem:s19], [sflag:$0x1] =	stream.indirect_vreg.gather [hbm4b:s17+s5], $0x80, v2, vm1, $0xb8;
	[tilespmem:$0x12E00] =	vst v63  }
0xf1: {  	s0 =	simm.s32 $0x1;
	s20 =	simm.s32 $0x6200;
	s21 =	simm.s32 $0x2  }
0xf2: {  	[tilespmem:s20], [sflag:$0x1] =	stream.indirect_vreg.gather [hbm4b:s18+s5], $0x80, v2, vm0, $0xb8;
	[tilespmem:$0x12E00] =	vst v63  }
0xf3: {  	s0 =	simm.s32 @!p0 $0x0;
	_ =	swait.ge [sflag:s21], $0x6400  }
0xf4: {  	s28 =	sand.u32 $0x40, s5;
	s19 =	sand.u32 $0x7C00, s5;
	[sflag:s21] =	ssyncset.done $0x0  }
0xf5: {  	s25 =	sadd.s32 $0x6600, s19;
	s22 =	sor.u32 s28, s19;
	[sflag:s21] =	ssyncadd.s32 $0xFFFF9C00  }
0xf6: {  	s0 =	sshll.u32 s0, $0x6;
	s26 =	sor.u32 s28, s25;
	v2 =	vld [tilespmem:s22+$0x6680]  }
0xf7: {  	s3 =	sadd.s32 $0x0, s0;
	v3 =	vld [tilespmem:s26+$0x0]  }
0xf8: {  	s0 =	sor.u32 $0x200, s3;
	v4 =	vld [tilespmem:s26+$0x180]  }
0xf9: {  	s6 =	sor.u32 $0x380, s3;
	v5 =	vld [tilespmem:s0+$0x6600]  }
0xfa: {  	s7 =	sor.u32 $0x280, s3;
	v6 =	vld [tilespmem:s6+$0x6600]  }
0xfb: {  	s20 =	sor.u32 $0x300, s3;
	v7 =	vld [tilespmem:s7+$0x6600]  }
0xfc: {  	v60 =	vld [tilespmem:s20+$0x6600]  }
0xfd: {  	v61 =	vld [tilespmem:s26+$0x100];
	_ =	sdelay $0x3  }
0xfe: {  	v5 =	vadd.f32 v7, v5;
	v6 =	vadd.f32 v6, v60  }
0xff: {  	v2 =	vadd.f32 v2, v3;
	v3 =	vadd.f32 v4, v61;
	_ =	sdelay $0x1  }
0x100: {  	v4 =	vadd.f32 v6, v5;
	v2 =	vadd.f32 v3, v2;
	_ =	sdelay $0x1  }
0x101: {  	v2 =	vadd.f32 v4, v2  }
0x102: {  	s21 =	sor.u32 $0x10, s28  }
0x103: {  	[tilespmem:s22+$0xCA80] =	vst v2;
	s22 =	sor.u32 s21, s25  }
0x104: {  	s0 =	sor.u32 s21, s19;
	v2 =	vld [tilespmem:s22+$0x0]  }
0x105: {  	v3 =	vld [tilespmem:s0+$0x6680]  }
0x106: {  	s26 =	sadd.s32 $0x10, s3;
	v4 =	vld [tilespmem:s22+$0x100]  }
0x107: {  	s6 =	sor.u32 $0x380, s26;
	v5 =	vld [tilespmem:s22+$0x180]  }
0x108: {  	s7 =	sor.u32 $0x300, s26;
	v6 =	vld [tilespmem:s6+$0x6600]  }
0x109: {  	s20 =	sor.u32 $0x280, s26;
	v7 =	vld [tilespmem:s7+$0x6600]  }
0x10a: {  	s2 =	sor.u32 $0x200, s26;
	v62 =	vld [tilespmem:s20+$0x6600]  }
0x10b: {  	v63 =	vld [tilespmem:s2+$0x6600];
	_ =	sdelay $0x3  }
0x10c: {  	v2 =	vadd.f32 v3, v2;
	v3 =	vadd.f32 v5, v4  }
0x10d: {  	v4 =	vadd.f32 v6, v7;
	v5 =	vadd.f32 v62, v63;
	_ =	sdelay $0x1  }
0x10e: {  	v2 =	vadd.f32 v3, v2;
	v3 =	vadd.f32 v4, v5;
	_ =	sdelay $0x1  }
0x10f: {  	v2 =	vadd.f32 v3, v2  }
0x110: {  	s21 =	sor.u32 $0x20, s28  }
0x111: {  	s31 =	sor.u32 s21, s25;
	[tilespmem:s0+$0xCA80] =	vst v2  }
0x112: {  	s0 =	sor.u32 s21, s19;
	v2 =	vld [tilespmem:s31+$0x0]  }
0x113: {  	s29 =	sor.u32 $0x30, s28;
	s30 =	sadd.s32 $0x20, s3;
	v5 =	vld [tilespmem:s0+$0x6680]  }
0x114: {  	s1 =	sor.u32 $0x280, s30;
	s26 =	simm.s32 $0x0;
	s22 =	sor.u32 $0x300, s30;
	v3 =	vld [tilespmem:s31+$0x100]  }
0x115: {  	s28 =	simm.s32 $0x40;
	s20 =	sadd.s32 $0x30, s3;
	s21 =	sor.u32 $0x380, s30;
	v4 =	vld [tilespmem:s22+$0x6600]  }
.LBB2_5:
0x116: {  	s26 =	sadd.s32 $0x4, s26;
	v6 =	vld [tilespmem:s1+$0x6600];
	s5 =	sadd.s32 $0x200, s5;
	p0 =	por !p0, !p0  }
0x117: {  	p1 =	slt.u32 s26, $0xC4;
	v7 =	vld [tilespmem:s21+$0x6600]  }
0x118: {  	s1 =	sor.u32 $0x200, s30;
	v2 =	vadd.f32 v5, v2;
	v5 =	vld [tilespmem:s31+$0x180]  }
0x119: {  	v8 =	vld [tilespmem:s1+$0x6600];
	_ =	sdelay $0x3  }
0x11a: {  	v3 =	vadd.f32 v5, v3  }
0x11b: {  	v4 =	vadd.f32 v7, v4;
	v5 =	vadd.f32 v6, v8  }
0x11c: {  	v2 =	vadd.f32 v3, v2  }
0x11d: {  	v3 =	vadd.f32 v4, v5;
	_ =	sdelay $0x1  }
0x11e: {  	v2 =	vadd.f32 v3, v2;
	_ =	sdelay $0x1  }
0x11f: {  	[tilespmem:s0+$0xCA80] =	vst v2;
	s0 =	sor.u32 s29, s25  }
0x120: {  	s1 =	sor.u32 s29, s19;
	v2 =	vld [tilespmem:s0+$0x0]  }
0x121: {  	v3 =	vld [tilespmem:s1+$0x6680]  }
0x122: {  	v4 =	vld [tilespmem:s0+$0x100]  }
0x123: {  	v5 =	vld [tilespmem:s0+$0x180];
	s0 =	sor.u32 $0x200, s20  }
0x124: {  	v6 =	vld [tilespmem:s0+$0x6600];
	s0 =	sor.u32 $0x280, s20  }
0x125: {  	v7 =	vld [tilespmem:s0+$0x6600];
	s0 =	sor.u32 $0x300, s20  }
0x126: {  	v2 =	vadd.f32 v3, v2;
	v3 =	vld [tilespmem:s0+$0x6600];
	s0 =	sor.u32 $0x380, s20  }
0x127: {  	v8 =	vld [tilespmem:s0+$0x6600]  }
0x128: {  	v4 =	vadd.f32 v5, v4  }
0x129: {  	s0 =	simm.s32 $0x1  }
0x12a: {  	s0 =	simm.s32 @!p0 $0x0;
	v5 =	vadd.f32 v7, v6;
	v2 =	vadd.f32 v4, v2  }
0x12b: {  	s0 =	sshll.u32 s0, $0x6  }
0x12c: {  	s2 =	sadd.s32 s0, s5;
	v3 =	vadd.f32 v8, v3  }
0x12d: {  	s3 =	sor.u32 $0x200, s2;
	s6 =	sor.u32 $0x280, s2;
	s7 =	sor.u32 $0x300, s2  }
0x12e: {  	s22 =	sor.u32 $0x380, s2;
	s0 =	sadd.s32 $0x10, s2;
	s30 =	sadd.s32 $0x20, s2;
	v3 =	vadd.f32 v3, v5  }
0x12f: {  	s20 =	sadd.s32 $0x30, s2;
	s21 =	sor.u32 $0x380, s30  }
0x130: {  	v2 =	vadd.f32 v3, v2  }
0x131: {  	s31 =	sand.u32 $0x40, s28;
	s19 =	sand.u32 $0x7C00, s5  }
0x132: {  	s25 =	sadd.s32 $0x6600, s19;
	s29 =	sor.u32 $0x30, s31;
	s2 =	sor.u32 s31, s19;
	[tilespmem:s1+$0xCA80] =	vst v2  }
0x133: {  	s1 =	sor.u32 s31, s25;
	v2 =	vld [tilespmem:s2+$0x6680]  }
0x134: {  	v3 =	vld [tilespmem:s1+$0x0]  }
0x135: {  	v4 =	vld [tilespmem:s1+$0x180]  }
0x136: {  	v5 =	vld [tilespmem:s3+$0x6600]  }
0x137: {  	v6 =	vld [tilespmem:s22+$0x6600]  }
0x138: {  	v7 =	vld [tilespmem:s6+$0x6600]  }
0x139: {  	v8 =	vld [tilespmem:s7+$0x6600]  }
0x13a: {  	v9 =	vld [tilespmem:s1+$0x100];
	_ =	sdelay $0x2  }
0x13b: {  	v5 =	vadd.f32 v7, v5  }
0x13c: {  	v6 =	vadd.f32 v6, v8  }
0x13d: {  	v2 =	vadd.f32 v2, v3;
	s1 =	sor.u32 $0x280, s0;
	v3 =	vadd.f32 v4, v9  }
0x13e: {  	v4 =	vadd.f32 v6, v5  }
0x13f: {  	v2 =	vadd.f32 v3, v2;
	_ =	sdelay $0x1  }
0x140: {  	v2 =	vadd.f32 v4, v2  }
0x141: {  	s3 =	sor.u32 $0x10, s31  }
0x142: {  	[tilespmem:s2+$0xCA80] =	vst v2;
	s2 =	sor.u32 s3, s25  }
0x143: {  	s3 =	sor.u32 s3, s19;
	v2 =	vld [tilespmem:s2+$0x0]  }
0x144: {  	v3 =	vld [tilespmem:s3+$0x6680]  }
0x145: {  	v4 =	vld [tilespmem:s2+$0x100]  }
0x146: {  	v5 =	vld [tilespmem:s2+$0x180];
	s2 =	sor.u32 $0x380, s0  }
0x147: {  	s6 =	sor.u32 $0x300, s0;
	v6 =	vld [tilespmem:s2+$0x6600]  }
0x148: {  	v7 =	vld [tilespmem:s6+$0x6600]  }
0x149: {  	s0 =	sor.u32 $0x200, s0;
	v2 =	vadd.f32 v3, v2;
	v3 =	vld [tilespmem:s1+$0x6600]  }
0x14a: {  	v8 =	vld [tilespmem:s0+$0x6600]  }
0x14b: {  	v4 =	vadd.f32 v5, v4;
	_ =	sdelay $0x1  }
0x14c: {  	v5 =	vadd.f32 v6, v7;
	v2 =	vadd.f32 v4, v2;
	_ =	sdelay $0x1  }
0x14d: {  	v3 =	vadd.f32 v3, v8;
	_ =	sdelay $0x1  }
0x14e: {  	v3 =	vadd.f32 v5, v3;
	_ =	sdelay $0x1  }
0x14f: {  	v2 =	vadd.f32 v3, v2  }
0x150: {  	s0 =	sor.u32 $0x20, s31  }
.Ltmp1:
0x151: {  	s31 =	sor.u32 s0, s25;
	[tilespmem:s3+$0xCA80] =	vst v2;
	(pc) =	sbr.rel @p1 .LBB2_5-.Ltmp1, $4  }
0x152: {  	s0 =	sor.u32 s0, s19;
	v2 =	vld [tilespmem:s31+$0x0]  }
0x153: {  	v5 =	vld [tilespmem:s0+$0x6680]  }
0x154: {  	s2 =	sor.u32 $0x300, s30;
	v3 =	vld [tilespmem:s31+$0x100]  }
0x155: {  	s28 =	sadd.s32 $0x40, s28;
	s1 =	sor.u32 $0x280, s30;
	v4 =	vld [tilespmem:s2+$0x6600]  }
0x156: {  	v6 =	vld [tilespmem:s1+$0x6600]  }
0x157: {  	v7 =	vld [tilespmem:s21+$0x6600]  }
0x158: {  	v8 =	vld [tilespmem:s31+$0x180];
	s22 =	sor.u32 $0x200, s30  }
0x159: {  	v9 =	vld [tilespmem:s22+$0x6600];
	_ =	sdelay $0x3  }
0x15a: {  	v2 =	vadd.f32 v5, v2;
	v3 =	vadd.f32 v8, v3  }
0x15b: {  	v4 =	vadd.f32 v7, v4;
	v5 =	vadd.f32 v6, v9;
	_ =	sdelay $0x1  }
0x15c: {  	v2 =	vadd.f32 v3, v2;
	v3 =	vadd.f32 v4, v5;
	_ =	sdelay $0x1  }
0x15d: {  	v2 =	vadd.f32 v3, v2;
	_ =	sdelay $0x1  }
0x15e: {  	s26 =	sor.u32 s29, s25;
	[tilespmem:s0+$0xCA80] =	vst v2  }
0x15f: {  	s30 =	sor.u32 s29, s19;
	v2 =	vld [tilespmem:s26+$0x0]  }
0x160: {  	v3 =	vld [tilespmem:s30+$0x6680]  }
0x161: {  	v4 =	vld [tilespmem:s26+$0x100]  }
0x162: {  	s2 =	sor.u32 $0x200, s20;
	v5 =	vld [tilespmem:s26+$0x180]  }
0x163: {  	s3 =	sor.u32 $0x280, s20;
	v6 =	vld [tilespmem:s2+$0x6600]  }
0x164: {  	s5 =	sor.u32 $0x300, s20;
	v7 =	vld [tilespmem:s3+$0x6600]  }
0x165: {  	s6 =	sor.u32 $0x380, s20;
	v8 =	vld [tilespmem:s5+$0x6600]  }
0x166: {  	v61 =	vld [tilespmem:s6+$0x6600];
	_ =	sdelay $0x3  }
0x167: {  	v2 =	vadd.f32 v3, v2;
	v3 =	vadd.f32 v5, v4  }
0x168: {  	v4 =	vadd.f32 v7, v6;
	v5 =	vadd.f32 v61, v8;
	_ =	sdelay $0x1  }
0x169: {  	v2 =	vadd.f32 v3, v2;
	v3 =	vadd.f32 v5, v4;
	_ =	sdelay $0x1  }
0x16a: {  	v2 =	vadd.f32 v3, v2;
	_ =	sdelay $0x1  }
0x16b: {  	[tilespmem:s30+$0xCA80] =	vst v2  }
0x16c: {  	v2 =	vld.msk [tilespmem:s24+$0x18], $0xff;
	_ =	sdelay $0x4  }
0x16d: {  	v3 =	vshrl.u32 v2, $0x3  }
0x16e: {  	v3 =	vmul.u32 $0xC8, v3  }
0x16f: {  	v2 =	vand.u32 $0x7, v2  }
0x170: {  	v2 =	vor.u32 v2, v3  }
0x171: {  	v2 =	vperm.xlane v2, v0;
	_ =	sdelay $0x1  }
0x172: {  	v2 =	vadd.s32 v1, v2;
	_ =	sdelay $0x3  }
0x173: {  	s7 =	simm.s32 $0x6600;
	s5 =	simm.s32 $0x0  }
0x174: {  	[tilespmem:s7], [sflag:$0x2] =	stream.indirect_vreg.gather [hbm4b:s23+s5], $0x80, v2, vm1, $0xb8;
	[tilespmem:$0x12E00] =	vst v63  }
0x175: {  	s19 =	simm.s32 $0x6E00  }
0x176: {  	[tilespmem:s19], [sflag:$0x2] =	stream.indirect_vreg.gather [hbm4b:s8+s5], $0x80, v2, vm1, $0xb8;
	[tilespmem:$0x12E00] =	vst v63  }
0x177: {  	s31 =	smov.u32 s8;
	s20 =	simm.s32 $0x7600;
	s8 =	rddreg [dreg:$0x6]  }
0x178: {  	[tilespmem:s20], [sflag:$0x2] =	stream.indirect_vreg.gather [hbm4b:s8+s5], $0x80, v2, vm1, $0xb8;
	[tilespmem:$0x12E00] =	vst v63  }
0x179: {  	s21 =	simm.s32 $0x7E00  }
0x17a: {  	[tilespmem:s21], [sflag:$0x2] =	stream.indirect_vreg.gather [hbm4b:s9+s5], $0x80, v2, vm1, $0xb8;
	[tilespmem:$0x12E00] =	vst v63  }
0x17b: {  	s22 =	simm.s32 $0x8600  }
0x17c: {  	[tilespmem:s22], [sflag:$0x2] =	stream.indirect_vreg.gather [hbm4b:s10+s5], $0x80, v2, vm1, $0xb8;
	[tilespmem:$0x12E00] =	vst v63  }
0x17d: {  	s25 =	simm.s32 $0x8E00  }
0x17e: {  	[tilespmem:s25], [sflag:$0x2] =	stream.indirect_vreg.gather [hbm4b:s11+s5], $0x80, v2, vm1, $0xb8;
	[tilespmem:$0x12E00] =	vst v63  }
0x17f: {  	s26 =	simm.s32 $0x9600  }
0x180: {  	[tilespmem:s26], [sflag:$0x2] =	stream.indirect_vreg.gather [hbm4b:s12+s5], $0x80, v2, vm1, $0xb8;
	[tilespmem:$0x12E00] =	vst v63  }
0x181: {  	s30 =	simm.s32 $0x9E00  }
0x182: {  	[tilespmem:s30], [sflag:$0x2] =	stream.indirect_vreg.gather [hbm4b:s13+s5], $0x80, v2, vm1, $0xb8;
	[tilespmem:$0x12E00] =	vst v63  }
0x183: {  	s1 =	simm.s32 $0xA600  }
0x184: {  	[tilespmem:s1], [sflag:$0x2] =	stream.indirect_vreg.gather [hbm4b:s14+s5], $0x80, v2, vm1, $0xb8;
	[tilespmem:$0x12E00] =	vst v63  }
0x185: {  	s2 =	simm.s32 $0xAE00  }
0x186: {  	[tilespmem:s2], [sflag:$0x2] =	stream.indirect_vreg.gather [hbm4b:s15+s5], $0x80, v2, vm1, $0xb8;
	[tilespmem:$0x12E00] =	vst v63  }
0x187: {  	s3 =	simm.s32 $0xB600  }
0x188: {  	[tilespmem:s3], [sflag:$0x2] =	stream.indirect_vreg.gather [hbm4b:s16+s5], $0x80, v2, vm1, $0xb8;
	[tilespmem:$0x12E00] =	vst v63  }
0x189: {  	p0 =	por $0x0, $0x0;
	s6 =	simm.s32 $0xBE00  }
0x18a: {  	[tilespmem:s6], [sflag:$0x2] =	stream.indirect_vreg.gather [hbm4b:s17+s5], $0x80, v2, vm1, $0xb8;
	[tilespmem:$0x12E00] =	vst v63  }
0x18b: {  	s7 =	simm.s32 $0xC600;
	s19 =	simm.s32 $0x1;
	s2 =	simm.s32 $0x1  }
0x18c: {  	[tilespmem:s7], [sflag:$0x2] =	stream.indirect_vreg.gather [hbm4b:s18+s5], $0x80, v2, vm0, $0xb8;
	[tilespmem:$0x12E00] =	vst v63  }
0x18d: {  	s0 =	sand.u32 $0x40, s5;
	s2 =	simm.s32 @!p0 $0x0;
	_ =	swait.ge [sflag:s19], $0x6400  }
0x18e: {  	s25 =	sand.u32 $0x7C00, s5;
	s2 =	sshll.u32 s2, $0x6;
	[sflag:s19] =	ssyncset.done $0x0  }
0x18f: {  	s3 =	sor.u32 s0, s25;
	s2 =	sadd.s32 $0x0, s2;
	[sflag:s19] =	ssyncadd.s32 $0xFFFF9C00  }
0x190: {  	s21 =	sor.u32 $0x200, s2;
	v3 =	vld [tilespmem:s3+$0x300]  }
0x191: {  	s6 =	sor.u32 $0x300, s2;
	v6 =	vld [tilespmem:s21+$0x200]  }
0x192: {  	s22 =	sor.u32 $0x380, s2;
	s19 =	sor.u32 $0x200, s25;
	v7 =	vld [tilespmem:s6+$0x200]  }
0x193: {  	s20 =	sor.u32 s0, s19;
	v8 =	vld [tilespmem:s22+$0x200]  }
0x194: {  	v2 =	vld [tilespmem:s20+$0x180]  }
0x195: {  	v4 =	vld [tilespmem:s20+$0x80]  }
0x196: {  	s26 =	sor.u32 $0x280, s2;
	v5 =	vld [tilespmem:s20+$0x0]  }
0x197: {  	v62 =	vld [tilespmem:s26+$0x200];
	_ =	sdelay $0x3  }
0x198: {  	v2 =	vadd.f32 v2, v3;
	v3 =	vadd.f32 v4, v5  }
0x199: {  	v4 =	vadd.f32 v8, v7;
	v5 =	vadd.f32 v62, v6;
	_ =	sdelay $0x1  }
0x19a: {  	v2 =	vadd.f32 v2, v3;
	v3 =	vadd.f32 v4, v5;
	_ =	sdelay $0x1  }
0x19b: {  	v2 =	vadd.f32 v3, v2  }
0x19c: {  	s30 =	sadd.s32 $0x10, s2  }
0x19d: {  	s7 =	sor.u32 $0x380, s30;
	[tilespmem:s3+$0xCB00] =	vst v2  }
0x19e: {  	s20 =	sor.u32 $0x300, s30;
	v2 =	vld [tilespmem:s7+$0x200]  }
0x19f: {  	s21 =	sor.u32 $0x280, s30;
	v3 =	vld [tilespmem:s20+$0x200]  }
0x1a0: {  	s1 =	sor.u32 $0x200, s30;
	s22 =	sor.u32 $0x10, s0;
	v4 =	vld [tilespmem:s21+$0x200]  }
0x1a1: {  	s26 =	sor.u32 s22, s25;
	v5 =	vld [tilespmem:s1+$0x200]  }
0x1a2: {  	s30 =	sor.u32 s22, s19;
	v6 =	vld [tilespmem:s26+$0x300]  }
0x1a3: {  	v7 =	vld [tilespmem:s30+$0x80]  }
0x1a4: {  	v8 =	vld [tilespmem:s30+$0x0]  }
0x1a5: {  	v63 =	vld [tilespmem:s30+$0x180];
	_ =	sdelay $0x3  }
0x1a6: {  	v2 =	vadd.f32 v2, v3;
	v3 =	vadd.f32 v4, v5  }
0x1a7: {  	v4 =	vadd.f32 v7, v8;
	v5 =	vadd.f32 v63, v6;
	_ =	sdelay $0x1  }
0x1a8: {  	v2 =	vadd.f32 v2, v3;
	v3 =	vadd.f32 v5, v4;
	_ =	sdelay $0x1  }
0x1a9: {  	v2 =	vadd.f32 v2, v3  }
0x1aa: {  	s6 =	sor.u32 $0x20, s0  }
0x1ab: {  	s7 =	sor.u32 s6, s19;
	[tilespmem:s26+$0xCB00] =	vst v2  }
0x1ac: {  	v3 =	vld [tilespmem:s7+$0x0]  }
0x1ad: {  	v4 =	vld [tilespmem:s7+$0x80]  }
0x1ae: {  	s21 =	sor.u32 s6, s25;
	v5 =	vld [tilespmem:s7+$0x180]  }
0x1af: {  	s20 =	sadd.s32 $0x20, s2;
	v6 =	vld [tilespmem:s21+$0x300]  }
0x1b0: {  	s22 =	sor.u32 $0x380, s20  }
0x1b1: {  	s26 =	sor.u32 $0x300, s20;
	v2 =	vld [tilespmem:s22+$0x200]  }
0x1b2: {  	s30 =	sor.u32 $0x280, s20;
	v7 =	vadd.f32 v4, v3;
	v3 =	vld [tilespmem:s26+$0x200]  }
0x1b3: {  	s1 =	sor.u32 $0x200, s20;
	v4 =	vld [tilespmem:s30+$0x200]  }
0x1b4: {  	v5 =	vadd.f32 v5, v6;
	v6 =	vld [tilespmem:s1+$0x200]  }
0x1b5: {  	s28 =	sor.u32 $0x30, s0  }
0x1b6: {  	s29 =	sadd.s32 $0x30, s2;
	s20 =	simm.s32 $0x40;
	s26 =	simm.s32 $0x0;
	v5 =	vadd.f32 v5, v7  }
.LBB2_7:
0x1b7: {  	s26 =	sadd.s32 $0x4, s26;
	s5 =	sadd.s32 $0x200, s5;
	p0 =	por !p0, !p0  }
0x1b8: {  	p1 =	slt.u32 s26, $0xC4  }
0x1b9: {  	v2 =	vadd.f32 v2, v3;
	v4 =	vadd.f32 v4, v6;
	_ =	sdelay $0x1  }
0x1ba: {  	v2 =	vadd.f32 v2, v4;
	_ =	sdelay $0x1  }
0x1bb: {  	v2 =	vadd.f32 v2, v5;
	_ =	sdelay $0x1  }
0x1bc: {  	s0 =	sor.u32 s28, s19;
	[tilespmem:s21+$0xCB00] =	vst v2  }
0x1bd: {  	v2 =	vld [tilespmem:s0+$0x0]  }
0x1be: {  	s1 =	sor.u32 $0x280, s29;
	v3 =	vld [tilespmem:s0+$0x180]  }
0x1bf: {  	v4 =	vld [tilespmem:s1+$0x200];
	s1 =	sor.u32 $0x380, s29  }
0x1c0: {  	s2 =	sor.u32 $0x300, s29;
	v5 =	vld [tilespmem:s1+$0x200]  }
0x1c1: {  	s1 =	sor.u32 $0x200, s29;
	v6 =	vld [tilespmem:s2+$0x200]  }
0x1c2: {  	s2 =	sor.u32 s28, s25;
	v7 =	vld [tilespmem:s1+$0x200]  }
0x1c3: {  	v8 =	vld [tilespmem:s2+$0x300]  }
0x1c4: {  	v9 =	vld [tilespmem:s0+$0x80];
	_ =	sdelay $0x1  }
0x1c5: {  	v5 =	vadd.f32 v5, v6  }
0x1c6: {  	v4 =	vadd.f32 v4, v7  }
0x1c7: {  	v3 =	vadd.f32 v3, v8  }
0x1c8: {  	v2 =	vadd.f32 v9, v2;
	v4 =	vadd.f32 v5, v4;
	_ =	sdelay $0x1  }
0x1c9: {  	v2 =	vadd.f32 v3, v2  }
0x1ca: {  	s25 =	sand.u32 $0x7C00, s5  }
0x1cb: {  	s19 =	sor.u32 $0x200, s25;
	s0 =	sand.u32 $0x40, s20;
	v2 =	vadd.f32 v4, v2  }
0x1cc: {  	s1 =	sor.u32 s0, s19  }
0x1cd: {  	s21 =	sor.u32 $0x20, s0;
	s28 =	sor.u32 $0x30, s0;
	[tilespmem:s2+$0xCB00] =	vst v2;
	s2 =	simm.s32 $0x1  }
0x1ce: {  	s3 =	sor.u32 s0, s25;
	s2 =	simm.s32 @!p0 $0x0;
	v2 =	vld [tilespmem:s1+$0x180]  }
0x1cf: {  	s2 =	sshll.u32 s2, $0x6;
	v3 =	vld [tilespmem:s3+$0x300]  }
0x1d0: {  	s2 =	sadd.s32 s2, s5;
	v4 =	vld [tilespmem:s1+$0x80]  }
0x1d1: {  	v5 =	vld [tilespmem:s1+$0x0];
	s1 =	sor.u32 $0x200, s2;
	s6 =	sor.u32 $0x280, s2;
	s7 =	sor.u32 $0x300, s2  }
0x1d2: {  	s22 =	sadd.s32 $0x10, s2;
	s30 =	sadd.s32 $0x20, s2;
	v6 =	vld [tilespmem:s1+$0x200];
	s1 =	sor.u32 $0x380, s2  }
0x1d3: {  	s29 =	sadd.s32 $0x30, s2;
	v7 =	vld [tilespmem:s7+$0x200]  }
0x1d4: {  	v2 =	vadd.f32 v2, v3;
	v3 =	vld [tilespmem:s1+$0x200]  }
0x1d5: {  	v8 =	vld [tilespmem:s6+$0x200]  }
0x1d6: {  	v4 =	vadd.f32 v4, v5;
	_ =	sdelay $0x2  }
0x1d7: {  	v3 =	vadd.f32 v3, v7  }
0x1d8: {  	v5 =	vadd.f32 v8, v6;
	_ =	sdelay $0x1  }
0x1d9: {  	v2 =	vadd.f32 v2, v4;
	v3 =	vadd.f32 v3, v5;
	_ =	sdelay $0x1  }
0x1da: {  	v2 =	vadd.f32 v3, v2;
	_ =	sdelay $0x1  }
0x1db: {  	s1 =	sor.u32 $0x380, s22;
	[tilespmem:s3+$0xCB00] =	vst v2  }
0x1dc: {  	s2 =	sor.u32 $0x300, s22;
	v2 =	vld [tilespmem:s1+$0x200]  }
0x1dd: {  	s1 =	sor.u32 $0x280, s22;
	v3 =	vld [tilespmem:s2+$0x200]  }
0x1de: {  	s0 =	sor.u32 $0x10, s0;
	s2 =	sor.u32 $0x200, s22;
	v4 =	vld [tilespmem:s1+$0x200]  }
0x1df: {  	s1 =	sor.u32 s0, s25;
	v5 =	vld [tilespmem:s2+$0x200]  }
0x1e0: {  	s0 =	sor.u32 s0, s19;
	v6 =	vld [tilespmem:s1+$0x300]  }
0x1e1: {  	v7 =	vld [tilespmem:s0+$0x80]  }
0x1e2: {  	v8 =	vld [tilespmem:s0+$0x0];
	v2 =	vadd.f32 v2, v3  }
0x1e3: {  	v3 =	vld [tilespmem:s0+$0x180]  }
0x1e4: {  	v4 =	vadd.f32 v4, v5;
	_ =	sdelay $0x2  }
0x1e5: {  	v5 =	vadd.f32 v7, v8  }
0x1e6: {  	v3 =	vadd.f32 v3, v6  }
0x1e7: {  	v2 =	vadd.f32 v2, v4  }
0x1e8: {  	v3 =	vadd.f32 v3, v5;
	_ =	sdelay $0x1  }
0x1e9: {  	v2 =	vadd.f32 v2, v3;
	_ =	sdelay $0x1  }
0x1ea: {  	s0 =	sor.u32 s21, s19;
	[tilespmem:s1+$0xCB00] =	vst v2  }
0x1eb: {  	v2 =	vld [tilespmem:s0+$0x0]  }
0x1ec: {  	v3 =	vld [tilespmem:s0+$0x80];
	_ =	sdelay $0x1  }
0x1ed: {  	s21 =	sor.u32 s21, s25;
	v4 =	vld [tilespmem:s0+$0x180]  }
0x1ee: {  	v5 =	vld [tilespmem:s21+$0x300];
	_ =	sdelay $0x1  }
0x1ef: {  	s0 =	sor.u32 $0x380, s30;
	v7 =	vadd.f32 v3, v2  }
0x1f0: {  	s1 =	sor.u32 $0x300, s30;
	v2 =	vld [tilespmem:s0+$0x200]  }
.Ltmp2:
0x1f1: {  	s0 =	sor.u32 $0x280, s30;
	v3 =	vld [tilespmem:s1+$0x200];
	(pc) =	sbr.rel @p1 .LBB2_7-.Ltmp2, $4  }
0x1f2: {  	s1 =	sor.u32 $0x200, s30;
	v5 =	vadd.f32 v4, v5;
	v4 =	vld [tilespmem:s0+$0x200]  }
0x1f3: {  	v6 =	vld [tilespmem:s1+$0x200]  }
0x1f4: {  	v5 =	vadd.f32 v5, v7  }
0x1f5: {  	s20 =	sadd.s32 $0x40, s20  }
0x1f6: {  	_ =	sdelay $0x1  }
0x1f7: {  	v2 =	vadd.f32 v2, v3;
	v4 =	vadd.f32 v4, v6;
	_ =	sdelay $0x1  }
0x1f8: {  	v2 =	vadd.f32 v2, v4;
	_ =	sdelay $0x1  }
0x1f9: {  	v2 =	vadd.f32 v2, v5;
	_ =	sdelay $0x1  }
0x1fa: {  	s0 =	sor.u32 s28, s19;
	[tilespmem:s21+$0xCB00] =	vst v2  }
0x1fb: {  	v2 =	vld [tilespmem:s0+$0x0]  }
0x1fc: {  	s1 =	sor.u32 $0x280, s29;
	v3 =	vld [tilespmem:s0+$0x180]  }
0x1fd: {  	s22 =	sor.u32 $0x380, s29;
	v4 =	vld [tilespmem:s1+$0x200]  }
0x1fe: {  	s2 =	sor.u32 $0x300, s29;
	v5 =	vld [tilespmem:s22+$0x200]  }
0x1ff: {  	s26 =	sor.u32 $0x200, s29;
	v6 =	vld [tilespmem:s2+$0x200]  }
0x200: {  	s30 =	sor.u32 s28, s25;
	v7 =	vld [tilespmem:s26+$0x200]  }
0x201: {  	v8 =	vld [tilespmem:s30+$0x300]  }
0x202: {  	v9 =	vld [tilespmem:s0+$0x80];
	_ =	sdelay $0x3  }
0x203: {  	v5 =	vadd.f32 v5, v6;
	v4 =	vadd.f32 v4, v7  }
0x204: {  	v3 =	vadd.f32 v3, v8;
	v2 =	vadd.f32 v9, v2;
	_ =	sdelay $0x1  }
0x205: {  	v4 =	vadd.f32 v5, v4;
	v2 =	vadd.f32 v3, v2;
	_ =	sdelay $0x1  }
0x206: {  	v2 =	vadd.f32 v4, v2;
	_ =	sdelay $0x1  }
0x207: {  	[tilespmem:s30+$0xCB00] =	vst v2  }
0x208: {  	v2 =	vld.msk [tilespmem:s24+$0x20], $0xff;
	_ =	sdelay $0x4  }
0x209: {  	v3 =	vshrl.u32 v2, $0x3  }
0x20a: {  	v3 =	vmul.u32 $0xC8, v3  }
0x20b: {  	v2 =	vand.u32 $0x7, v2  }
0x20c: {  	v2 =	vor.u32 v2, v3  }
0x20d: {  	v2 =	vperm.xlane v2, v0;
	_ =	sdelay $0x1  }
0x20e: {  	v2 =	vadd.s32 v1, v2;
	_ =	sdelay $0x3  }
0x20f: {  	s5 =	simm.s32 $0x0;
	s3 =	simm.s32 $0x200  }
0x210: {  	[tilespmem:s3], [sflag:$0x1] =	stream.indirect_vreg.gather [hbm4b:s23+s5], $0x80, v2, vm1, $0xb8;
	[tilespmem:$0x12E00] =	vst v63  }
0x211: {  	s6 =	simm.s32 $0xA00  }
0x212: {  	[tilespmem:s6], [sflag:$0x1] =	stream.indirect_vreg.gather [hbm4b:s31+s5], $0x80, v2, vm1, $0xb8;
	[tilespmem:$0x12E00] =	vst v63  }
0x213: {  	s7 =	simm.s32 $0x1200  }
0x214: {  	[tilespmem:s7], [sflag:$0x1] =	stream.indirect_vreg.gather [hbm4b:s8+s5], $0x80, v2, vm1, $0xb8;
	[tilespmem:$0x12E00] =	vst v63  }
0x215: {  	s19 =	simm.s32 $0x1A00  }
0x216: {  	[tilespmem:s19], [sflag:$0x1] =	stream.indirect_vreg.gather [hbm4b:s9+s5], $0x80, v2, vm1, $0xb8;
	[tilespmem:$0x12E00] =	vst v63  }
0x217: {  	s20 =	simm.s32 $0x2200  }
0x218: {  	[tilespmem:s20], [sflag:$0x1] =	stream.indirect_vreg.gather [hbm4b:s10+s5], $0x80, v2, vm1, $0xb8;
	[tilespmem:$0x12E00] =	vst v63  }
0x219: {  	s21 =	simm.s32 $0x2A00  }
0x21a: {  	[tilespmem:s21], [sflag:$0x1] =	stream.indirect_vreg.gather [hbm4b:s11+s5], $0x80, v2, vm1, $0xb8;
	[tilespmem:$0x12E00] =	vst v63  }
0x21b: {  	s22 =	simm.s32 $0x3200  }
0x21c: {  	[tilespmem:s22], [sflag:$0x1] =	stream.indirect_vreg.gather [hbm4b:s12+s5], $0x80, v2, vm1, $0xb8;
	[tilespmem:$0x12E00] =	vst v63  }
0x21d: {  	s25 =	simm.s32 $0x3A00  }
0x21e: {  	[tilespmem:s25], [sflag:$0x1] =	stream.indirect_vreg.gather [hbm4b:s13+s5], $0x80, v2, vm1, $0xb8;
	[tilespmem:$0x12E00] =	vst v63  }
0x21f: {  	s26 =	simm.s32 $0x4200  }
0x220: {  	[tilespmem:s26], [sflag:$0x1] =	stream.indirect_vreg.gather [hbm4b:s14+s5], $0x80, v2, vm1, $0xb8;
	[tilespmem:$0x12E00] =	vst v63  }
0x221: {  	s30 =	simm.s32 $0x4A00  }
0x222: {  	[tilespmem:s30], [sflag:$0x1] =	stream.indirect_vreg.gather [hbm4b:s15+s5], $0x80, v2, vm1, $0xb8;
	[tilespmem:$0x12E00] =	vst v63  }
0x223: {  	s1 =	simm.s32 $0x5200  }
0x224: {  	[tilespmem:s1], [sflag:$0x1] =	stream.indirect_vreg.gather [hbm4b:s16+s5], $0x80, v2, vm1, $0xb8;
	[tilespmem:$0x12E00] =	vst v63  }
0x225: {  	s2 =	simm.s32 $0x5A00  }
0x226: {  	[tilespmem:s2], [sflag:$0x1] =	stream.indirect_vreg.gather [hbm4b:s17+s5], $0x80, v2, vm1, $0xb8;
	[tilespmem:$0x12E00] =	vst v63  }
0x227: {  	s3 =	simm.s32 $0x6200;
	s6 =	simm.s32 $0x2  }
0x228: {  	[tilespmem:s3], [sflag:$0x1] =	stream.indirect_vreg.gather [hbm4b:s18+s5], $0x80, v2, vm0, $0xb8;
	[tilespmem:$0x12E00] =	vst v63  }
0x229: {  	p0 =	por $0x0, $0x0;
	s25 =	sand.u32 $0x7C00, s5;
	_ =	swait.ge [sflag:s6], $0x6400  }
0x22a: {  	s0 =	sand.u32 $0x40, s5;
	s19 =	sadd.s32 $0x6600, s25;
	[sflag:s6] =	ssyncset.done $0x0  }
0x22b: {  	s7 =	sor.u32 s0, s19;
	s2 =	simm.s32 $0x1;
	[sflag:s6] =	ssyncadd.s32 $0xFFFF9C00  }
0x22c: {  	s2 =	simm.s32 @!p0 $0x0;
	v2 =	vld [tilespmem:s7+$0x100]  }
0x22d: {  	s2 =	sshll.u32 s2, $0x6;
	v3 =	vld [tilespmem:s7+$0x0]  }
0x22e: {  	s21 =	sor.u32 s0, s25;
	s20 =	sadd.s32 $0x0, s2;
	v4 =	vld [tilespmem:s7+$0x80]  }
0x22f: {  	s2 =	sor.u32 $0x200, s20;
	v5 =	vld [tilespmem:s21+$0x6780]  }
0x230: {  	s3 =	sor.u32 $0x300, s20;
	v6 =	vld [tilespmem:s2+$0x6600]  }
0x231: {  	s22 =	sor.u32 $0x380, s20;
	v7 =	vld [tilespmem:s3+$0x6600]  }
0x232: {  	s26 =	sor.u32 $0x280, s20;
	v58 =	vld [tilespmem:s22+$0x6600]  }
0x233: {  	v59 =	vld [tilespmem:s26+$0x6600];
	_ =	sdelay $0x3  }
0x234: {  	v3 =	vadd.f32 v4, v3;
	v2 =	vadd.f32 v5, v2  }
0x235: {  	v4 =	vadd.f32 v58, v7;
	v5 =	vadd.f32 v59, v6;
	_ =	sdelay $0x1  }
0x236: {  	v2 =	vadd.f32 v2, v3;
	v3 =	vadd.f32 v4, v5;
	_ =	sdelay $0x1  }
0x237: {  	v2 =	vadd.f32 v3, v2  }
0x238: {  	s30 =	sadd.s32 $0x10, s20  }
0x239: {  	s6 =	sor.u32 $0x380, s30;
	[tilespmem:s21+$0xCB80] =	vst v2  }
0x23a: {  	s7 =	sor.u32 $0x300, s30;
	v2 =	vld [tilespmem:s6+$0x6600]  }
0x23b: {  	s22 =	sor.u32 $0x280, s30;
	v3 =	vld [tilespmem:s7+$0x6600]  }
0x23c: {  	s2 =	sor.u32 $0x200, s30;
	s21 =	sor.u32 $0x10, s0;
	v4 =	vld [tilespmem:s22+$0x6600]  }
0x23d: {  	s26 =	sor.u32 s21, s19;
	v6 =	vld [tilespmem:s2+$0x6600]  }
0x23e: {  	s1 =	sor.u32 s21, s25;
	v5 =	vld [tilespmem:s26+$0x0]  }
0x23f: {  	v7 =	vld [tilespmem:s1+$0x6780]  }
0x240: {  	v60 =	vld [tilespmem:s26+$0x100]  }
0x241: {  	v61 =	vld [tilespmem:s26+$0x80];
	_ =	sdelay $0x3  }
0x242: {  	v2 =	vadd.f32 v2, v3;
	v3 =	vadd.f32 v4, v6  }
0x243: {  	v4 =	vadd.f32 v7, v60;
	v5 =	vadd.f32 v61, v5;
	_ =	sdelay $0x1  }
0x244: {  	v2 =	vadd.f32 v2, v3;
	v3 =	vadd.f32 v4, v5;
	_ =	sdelay $0x1  }
0x245: {  	v2 =	vadd.f32 v2, v3  }
0x246: {  	s30 =	sadd.s32 $0x20, s20  }
0x247: {  	s3 =	sor.u32 $0x300, s30;
	[tilespmem:s1+$0xCB80] =	vst v2  }
0x248: {  	s6 =	sor.u32 $0x200, s30;
	v2 =	vld [tilespmem:s3+$0x6600]  }
0x249: {  	s7 =	sor.u32 $0x20, s0;
	s22 =	sor.u32 $0x380, s30;
	v5 =	vld [tilespmem:s6+$0x6600]  }
0x24a: {  	s21 =	sor.u32 s7, s25;
	v3 =	vld [tilespmem:s22+$0x6600]  }
0x24b: {  	s26 =	sor.u32 s7, s19;
	v4 =	vld [tilespmem:s21+$0x6780]  }
0x24c: {  	v6 =	vld [tilespmem:s26+$0x100]  }
0x24d: {  	v7 =	vld [tilespmem:s26+$0x0]  }
0x24e: {  	s30 =	sor.u32 $0x280, s30;
	v62 =	vld [tilespmem:s26+$0x80]  }
0x24f: {  	v63 =	vld [tilespmem:s30+$0x6600];
	_ =	sdelay $0x3  }
0x250: {  	s28 =	sor.u32 $0x30, s0;
	v2 =	vadd.f32 v3, v2;
	v3 =	vadd.f32 v4, v6  }
0x251: {  	s29 =	sadd.s32 $0x30, s20;
	s20 =	simm.s32 $0x40;
	s26 =	simm.s32 $0x0;
	v4 =	vadd.f32 v62, v7;
	v5 =	vadd.f32 v63, v5  }
.LBB2_9:
0x252: {  	s26 =	sadd.s32 $0x4, s26;
	s5 =	sadd.s32 $0x200, s5;
	p0 =	por !p0, !p0  }
0x253: {  	v3 =	vadd.f32 v3, v4;
	p1 =	slt.u32 s26, $0xC4;
	v2 =	vadd.f32 v2, v5;
	_ =	sdelay $0x1  }
0x254: {  	v2 =	vadd.f32 v2, v3;
	_ =	sdelay $0x1  }
0x255: {  	s0 =	sor.u32 s28, s19;
	[tilespmem:s21+$0xCB80] =	vst v2  }
0x256: {  	v2 =	vld [tilespmem:s0+$0x0]  }
0x257: {  	v3 =	vld [tilespmem:s0+$0x80]  }
0x258: {  	v4 =	vld [tilespmem:s0+$0x100];
	s0 =	sor.u32 s28, s25  }
0x259: {  	s1 =	sor.u32 $0x280, s29;
	v5 =	vld [tilespmem:s0+$0x6780]  }
0x25a: {  	v6 =	vld [tilespmem:s1+$0x6600];
	s1 =	sor.u32 $0x300, s29  }
0x25b: {  	v7 =	vld [tilespmem:s1+$0x6600];
	s1 =	sor.u32 $0x380, s29  }
0x25c: {  	v2 =	vadd.f32 v3, v2;
	v3 =	vld [tilespmem:s1+$0x6600];
	_ =	sdelay $0x1  }
0x25d: {  	s1 =	sor.u32 $0x200, s29;
	v4 =	vadd.f32 v5, v4  }
0x25e: {  	v5 =	vld [tilespmem:s1+$0x6600]  }
0x25f: {  	v2 =	vadd.f32 v4, v2;
	_ =	sdelay $0x3  }
0x260: {  	v3 =	vadd.f32 v3, v7;
	v4 =	vadd.f32 v6, v5;
	_ =	sdelay $0x1  }
0x261: {  	v3 =	vadd.f32 v3, v4;
	_ =	sdelay $0x1  }
0x262: {  	v2 =	vadd.f32 v3, v2  }
0x263: {  	s25 =	sand.u32 $0x7C00, s5  }
0x264: {  	s2 =	simm.s32 $0x1;
	s21 =	sand.u32 $0x40, s20;
	s19 =	sadd.s32 $0x6600, s25;
	[tilespmem:s0+$0xCB80] =	vst v2  }
0x265: {  	s28 =	sor.u32 $0x30, s21;
	s1 =	sor.u32 s21, s19;
	s0 =	sor.u32 $0x10, s21  }
0x266: {  	s2 =	simm.s32 @!p0 $0x0;
	v2 =	vld [tilespmem:s1+$0x100]  }
0x267: {  	s2 =	sshll.u32 s2, $0x6;
	v3 =	vld [tilespmem:s1+$0x0]  }
0x268: {  	s2 =	sadd.s32 s2, s5;
	v4 =	vld [tilespmem:s1+$0x80];
	s1 =	sor.u32 s21, s25  }
0x269: {  	s3 =	sor.u32 $0x200, s2;
	s6 =	sor.u32 $0x280, s2;
	s7 =	sor.u32 $0x300, s2;
	v5 =	vld [tilespmem:s1+$0x6780]  }
0x26a: {  	s22 =	sadd.s32 $0x10, s2;
	s30 =	sadd.s32 $0x20, s2;
	v6 =	vld [tilespmem:s3+$0x6600];
	s3 =	sor.u32 $0x380, s2  }
0x26b: {  	s29 =	sadd.s32 $0x30, s2;
	v7 =	vld [tilespmem:s7+$0x6600]  }
0x26c: {  	v8 =	vld [tilespmem:s3+$0x6600]  }
0x26d: {  	v9 =	vld [tilespmem:s6+$0x6600]  }
0x26e: {  	v3 =	vadd.f32 v4, v3;
	v2 =	vadd.f32 v5, v2;
	_ =	sdelay $0x1  }
0x26f: {  	v2 =	vadd.f32 v2, v3  }
0x270: {  	v3 =	vadd.f32 v8, v7  }
0x271: {  	v4 =	vadd.f32 v9, v6;
	_ =	sdelay $0x1  }
0x272: {  	v3 =	vadd.f32 v3, v4;
	_ =	sdelay $0x1  }
0x273: {  	v2 =	vadd.f32 v3, v2;
	_ =	sdelay $0x1  }
0x274: {  	[tilespmem:s1+$0xCB80] =	vst v2;
	s1 =	sor.u32 s0, s19  }
0x275: {  	s2 =	sor.u32 $0x380, s22;
	v2 =	vld [tilespmem:s1+$0x0]  }
0x276: {  	s3 =	sor.u32 $0x300, s22;
	v3 =	vld [tilespmem:s2+$0x6600]  }
0x277: {  	s2 =	sor.u32 $0x280, s22;
	v4 =	vld [tilespmem:s3+$0x6600]  }
0x278: {  	s3 =	sor.u32 $0x200, s22;
	v5 =	vld [tilespmem:s2+$0x6600]  }
0x279: {  	s0 =	sor.u32 s0, s25;
	v6 =	vld [tilespmem:s3+$0x6600]  }
0x27a: {  	v7 =	vld [tilespmem:s0+$0x6780]  }
0x27b: {  	v8 =	vld [tilespmem:s1+$0x100]  }
0x27c: {  	v9 =	vld [tilespmem:s1+$0x80];
	v3 =	vadd.f32 v3, v4;
	_ =	sdelay $0x1  }
0x27d: {  	v4 =	vadd.f32 v5, v6;
	_ =	sdelay $0x1  }
0x27e: {  	v5 =	vadd.f32 v7, v8;
	v3 =	vadd.f32 v3, v4  }
0x27f: {  	v2 =	vadd.f32 v9, v2;
	_ =	sdelay $0x1  }
0x280: {  	v2 =	vadd.f32 v5, v2;
	_ =	sdelay $0x1  }
0x281: {  	v2 =	vadd.f32 v3, v2;
	_ =	sdelay $0x1  }
0x282: {  	s1 =	sor.u32 $0x300, s30;
	[tilespmem:s0+$0xCB80] =	vst v2;
	s0 =	sor.u32 $0x20, s21  }
0x283: {  	s21 =	sor.u32 s0, s25;
	v2 =	vld [tilespmem:s1+$0x6600]  }
0x284: {  	s1 =	sor.u32 $0x200, s30;
	v3 =	vld [tilespmem:s21+$0x6780]  }
0x285: {  	v5 =	vld [tilespmem:s1+$0x6600];
	s1 =	sor.u32 $0x380, s30  }
0x286: {  	s0 =	sor.u32 s0, s19;
	v4 =	vld [tilespmem:s1+$0x6600]  }
0x287: {  	v6 =	vld [tilespmem:s0+$0x100]  }
0x288: {  	v7 =	vld [tilespmem:s0+$0x0]  }
0x289: {  	v8 =	vld [tilespmem:s0+$0x80];
	s0 =	sor.u32 $0x280, s30  }
0x28a: {  	v9 =	vld [tilespmem:s0+$0x6600]  }
.Ltmp3:
0x28b: {  	v2 =	vadd.f32 v4, v2;
	(pc) =	sbr.rel @p1 .LBB2_9-.Ltmp3, $3  }
0x28c: {  	v3 =	vadd.f32 v3, v6;
	_ =	sdelay $0x1  }
0x28d: {  	v4 =	vadd.f32 v8, v7  }
0x28e: {  	s20 =	sadd.s32 $0x40, s20;
	v5 =	vadd.f32 v9, v5  }
0x28f: {  	_ = 	snop  }
0x290: {  	v3 =	vadd.f32 v3, v4;
	v2 =	vadd.f32 v2, v5;
	_ =	sdelay $0x1  }
0x291: {  	v2 =	vadd.f32 v2, v3;
	_ =	sdelay $0x1  }
0x292: {  	s0 =	sor.u32 s28, s19;
	[tilespmem:s21+$0xCB80] =	vst v2  }
0x293: {  	v2 =	vld [tilespmem:s0+$0x0]  }
0x294: {  	v3 =	vld [tilespmem:s0+$0x80]  }
0x295: {  	s3 =	sor.u32 s28, s25;
	v4 =	vld [tilespmem:s0+$0x100]  }
0x296: {  	s1 =	sor.u32 $0x280, s29;
	v5 =	vld [tilespmem:s3+$0x6780]  }
0x297: {  	s5 =	sor.u32 $0x300, s29;
	v6 =	vld [tilespmem:s1+$0x6600]  }
0x298: {  	s6 =	sor.u32 $0x380, s29;
	v7 =	vld [tilespmem:s5+$0x6600]  }
0x299: {  	s7 =	sor.u32 $0x200, s29;
	v8 =	vld [tilespmem:s6+$0x6600]  }
0x29a: {  	v9 =	vld [tilespmem:s7+$0x6600];
	_ =	sdelay $0x3  }
0x29b: {  	v2 =	vadd.f32 v3, v2;
	v3 =	vadd.f32 v5, v4  }
0x29c: {  	v4 =	vadd.f32 v6, v9;
	v5 =	vadd.f32 v8, v7;
	_ =	sdelay $0x1  }
0x29d: {  	v2 =	vadd.f32 v3, v2;
	v3 =	vadd.f32 v5, v4;
	_ =	sdelay $0x1  }
0x29e: {  	v2 =	vadd.f32 v3, v2;
	_ =	sdelay $0x1  }
0x29f: {  	[tilespmem:s3+$0xCB80] =	vst v2  }
0x2a0: {  	v2 =	vld.msk [tilespmem:s24+$0x28], $0xff;
	_ =	sdelay $0x4  }
0x2a1: {  	v3 =	vshrl.u32 v2, $0x3  }
0x2a2: {  	v3 =	vmul.u32 $0xC8, v3  }
0x2a3: {  	v2 =	vand.u32 $0x7, v2  }
0x2a4: {  	v2 =	vor.u32 v2, v3  }
0x2a5: {  	v2 =	vperm.xlane v2, v0;
	_ =	sdelay $0x1  }
0x2a6: {  	v2 =	vadd.s32 v1, v2;
	_ =	sdelay $0x3  }
0x2a7: {  	s29 =	simm.s32 $0x6600;
	s5 =	simm.s32 $0x0  }
0x2a8: {  	[tilespmem:s29], [sflag:$0x2] =	stream.indirect_vreg.gather [hbm4b:s23+s5], $0x80, v2, vm1, $0xb8;
	[tilespmem:$0x12E00] =	vst v63  }
0x2a9: {  	s30 =	simm.s32 $0x6E00  }
0x2aa: {  	[tilespmem:s30], [sflag:$0x2] =	stream.indirect_vreg.gather [hbm4b:s31+s5], $0x80, v2, vm1, $0xb8;
	[tilespmem:$0x12E00] =	vst v63  }
0x2ab: {  	s19 =	simm.s32 $0x7600  }
0x2ac: {  	[tilespmem:s19], [sflag:$0x2] =	stream.indirect_vreg.gather [hbm4b:s8+s5], $0x80, v2, vm1, $0xb8;
	[tilespmem:$0x12E00] =	vst v63  }
0x2ad: {  	s20 =	simm.s32 $0x7E00  }
0x2ae: {  	[tilespmem:s20], [sflag:$0x2] =	stream.indirect_vreg.gather [hbm4b:s9+s5], $0x80, v2, vm1, $0xb8;
	[tilespmem:$0x12E00] =	vst v63  }
0x2af: {  	s21 =	simm.s32 $0x8600  }
0x2b0: {  	[tilespmem:s21], [sflag:$0x2] =	stream.indirect_vreg.gather [hbm4b:s10+s5], $0x80, v2, vm1, $0xb8;
	[tilespmem:$0x12E00] =	vst v63  }
0x2b1: {  	s22 =	simm.s32 $0x8E00  }
0x2b2: {  	[tilespmem:s22], [sflag:$0x2] =	stream.indirect_vreg.gather [hbm4b:s11+s5], $0x80, v2, vm1, $0xb8;
	[tilespmem:$0x12E00] =	vst v63  }
0x2b3: {  	s25 =	simm.s32 $0x9600  }
0x2b4: {  	[tilespmem:s25], [sflag:$0x2] =	stream.indirect_vreg.gather [hbm4b:s12+s5], $0x80, v2, vm1, $0xb8;
	[tilespmem:$0x12E00] =	vst v63  }
0x2b5: {  	s26 =	simm.s32 $0x9E00  }
0x2b6: {  	[tilespmem:s26], [sflag:$0x2] =	stream.indirect_vreg.gather [hbm4b:s13+s5], $0x80, v2, vm1, $0xb8;
	[tilespmem:$0x12E00] =	vst v63  }
0x2b7: {  	s1 =	simm.s32 $0xA600  }
0x2b8: {  	[tilespmem:s1], [sflag:$0x2] =	stream.indirect_vreg.gather [hbm4b:s14+s5], $0x80, v2, vm1, $0xb8;
	[tilespmem:$0x12E00] =	vst v63  }
0x2b9: {  	s2 =	simm.s32 $0xAE00  }
0x2ba: {  	[tilespmem:s2], [sflag:$0x2] =	stream.indirect_vreg.gather [hbm4b:s15+s5], $0x80, v2, vm1, $0xb8;
	[tilespmem:$0x12E00] =	vst v63  }
0x2bb: {  	s3 =	simm.s32 $0xB600  }
0x2bc: {  	[tilespmem:s3], [sflag:$0x2] =	stream.indirect_vreg.gather [hbm4b:s16+s5], $0x80, v2, vm1, $0xb8;
	[tilespmem:$0x12E00] =	vst v63  }
0x2bd: {  	p0 =	por $0x0, $0x0;
	s6 =	simm.s32 $0xBE00;
	s0 =	simm.s32 $0x1  }
0x2be: {  	[tilespmem:s6], [sflag:$0x2] =	stream.indirect_vreg.gather [hbm4b:s17+s5], $0x80, v2, vm1, $0xb8;
	[tilespmem:$0x12E00] =	vst v63  }
0x2bf: {  	s7 =	simm.s32 $0xC600;
	s0 =	simm.s32 @!p0 $0x0;
	s3 =	simm.s32 $0x1  }
0x2c0: {  	[tilespmem:s7], [sflag:$0x2] =	stream.indirect_vreg.gather [hbm4b:s18+s5], $0x80, v2, vm0, $0xb8;
	[tilespmem:$0x12E00] =	vst v63  }
0x2c1: {  	s0 =	sshll.u32 s0, $0x6;
	_ =	swait.ge [sflag:s3], $0x6400  }
0x2c2: {  	s19 =	sand.u32 $0x40, s5;
	s2 =	sand.u32 $0x7C00, s5;
	[sflag:s3] =	ssyncset.done $0x0  }
0x2c3: {  	s0 =	sadd.s32 $0x0, s0;
	s19 =	sor.u32 s19, s2;
	[sflag:s3] =	ssyncadd.s32 $0xFFFF9C00  }
0x2c4: {  	s20 =	sor.u32 $0x200, s0;
	v2 =	vld [tilespmem:s19+$0x380]  }
0x2c5: {  	s21 =	sor.u32 $0x300, s0;
	v3 =	vld [tilespmem:s20+$0x200]  }
0x2c6: {  	v4 =	vld [tilespmem:s21+$0x200]  }
0x2c7: {  	v5 =	vld [tilespmem:s19+$0x300]  }
0x2c8: {  	v6 =	vld [tilespmem:s19+$0x280]  }
0x2c9: {  	s22 =	sor.u32 $0x380, s0;
	v7 =	vld [tilespmem:s19+$0x200]  }
0x2ca: {  	s25 =	sor.u32 $0x280, s0;
	v8 =	vld [tilespmem:s22+$0x200]  }
0x2cb: {  	v62 =	vld [tilespmem:s25+$0x200];
	_ =	sdelay $0x3  }
0x2cc: {  	v6 =	vadd.f32 v6, v7;
	v2 =	vadd.f32 v2, v5  }
0x2cd: {  	v3 =	vadd.f32 v62, v3;
	v4 =	vadd.f32 v8, v4;
	_ =	sdelay $0x1  }
0x2ce: {  	v2 =	vadd.f32 v2, v6;
	v3 =	vadd.f32 v4, v3;
	_ =	sdelay $0x1  }
0x2cf: {  	v2 =	vadd.f32 v3, v2  }
0x2d0: {  	s26 =	sadd.s32 $0x10, s0  }
0x2d1: {  	s6 =	sor.u32 $0x380, s26;
	[tilespmem:s20+$0xCA00] =	vst v2  }
0x2d2: {  	v2 =	vld [tilespmem:s6+$0x200]  }
0x2d3: {  	v3 =	vld [tilespmem:s19+$0x290]  }
0x2d4: {  	v4 =	vld [tilespmem:s19+$0x310]  }
0x2d5: {  	s7 =	sor.u32 $0x200, s26;
	v5 =	vld [tilespmem:s19+$0x390]  }
0x2d6: {  	s20 =	sor.u32 $0x280, s26;
	v6 =	vld [tilespmem:s7+$0x200]  }
0x2d7: {  	s2 =	sor.u32 $0x300, s26;
	v7 =	vld [tilespmem:s20+$0x200]  }
0x2d8: {  	v8 =	vld [tilespmem:s2+$0x200]  }
0x2d9: {  	v63 =	vld [tilespmem:s19+$0x210];
	_ =	sdelay $0x3  }
0x2da: {  	v4 =	vadd.f32 v5, v4;
	v5 =	vadd.f32 v7, v6  }
0x2db: {  	v2 =	vadd.f32 v2, v8;
	v3 =	vadd.f32 v3, v63;
	_ =	sdelay $0x1  }
0x2dc: {  	v3 =	vadd.f32 v4, v3;
	v2 =	vadd.f32 v2, v5;
	_ =	sdelay $0x1  }
0x2dd: {  	v2 =	vadd.f32 v2, v3;
	_ =	sdelay $0x1  }
0x2de: {  	[tilespmem:s7+$0xCA00] =	vst v2  }
0x2df: {  	v5 =	vld [tilespmem:s19+$0x220]  }
0x2e0: {  	v6 =	vld [tilespmem:s19+$0x2A0]  }
0x2e1: {  	v3 =	vld [tilespmem:s19+$0x320]  }
0x2e2: {  	v4 =	vld [tilespmem:s19+$0x3A0]  }
0x2e3: {  	s21 =	sadd.s32 $0x20, s0  }
0x2e4: {  	s22 =	sor.u32 $0x380, s21  }
0x2e5: {  	s28 =	sor.u32 $0x200, s21;
	s25 =	sor.u32 $0x300, s21;
	s26 =	sadd.s32 $0x30, s0;
	v2 =	vld [tilespmem:s22+$0x200]  }
0x2e6: {  	s0 =	sor.u32 $0x280, s21;
	s20 =	simm.s32 $0x0;
	v5 =	vadd.f32 v6, v5;
	v6 =	vld [tilespmem:s25+$0x200];
	s25 =	simm.s32 $0x40  }
.LBB2_11:
0x2e7: {  	s20 =	sadd.s32 $0x4, s20;
	v3 =	vadd.f32 v4, v3;
	v4 =	vld [tilespmem:s0+$0x200];
	s5 =	sadd.s32 $0x200, s5;
	p0 =	por !p0, !p0  }
0x2e8: {  	p1 =	slt.u32 s20, $0xC4;
	v7 =	vld [tilespmem:s28+$0x200]  }
0x2e9: {  	v3 =	vadd.f32 v3, v5;
	_ =	sdelay $0x3  }
0x2ea: {  	v2 =	vadd.f32 v2, v6;
	v4 =	vadd.f32 v4, v7;
	_ =	sdelay $0x1  }
0x2eb: {  	v2 =	vadd.f32 v2, v4;
	_ =	sdelay $0x1  }
0x2ec: {  	v2 =	vadd.f32 v2, v3;
	_ =	sdelay $0x1  }
0x2ed: {  	[tilespmem:s28+$0xCA00] =	vst v2  }
0x2ee: {  	v2 =	vld [tilespmem:s19+$0x230]  }
0x2ef: {  	v3 =	vld [tilespmem:s19+$0x2B0]  }
0x2f0: {  	v4 =	vld [tilespmem:s19+$0x330]  }
0x2f1: {  	s0 =	sor.u32 $0x200, s26;
	v5 =	vld [tilespmem:s19+$0x3B0]  }
0x2f2: {  	s1 =	sor.u32 $0x280, s26;
	v6 =	vld [tilespmem:s0+$0x200]  }
0x2f3: {  	v7 =	vld [tilespmem:s1+$0x200];
	s1 =	sor.u32 $0x300, s26  }
0x2f4: {  	v2 =	vadd.f32 v3, v2;
	v3 =	vld [tilespmem:s1+$0x200];
	s1 =	sor.u32 $0x380, s26  }
0x2f5: {  	v8 =	vld [tilespmem:s1+$0x200]  }
0x2f6: {  	v4 =	vadd.f32 v5, v4;
	_ =	sdelay $0x1  }
0x2f7: {  	v5 =	vadd.f32 v7, v6;
	v2 =	vadd.f32 v4, v2;
	_ =	sdelay $0x1  }
0x2f8: {  	v3 =	vadd.f32 v8, v3;
	_ =	sdelay $0x1  }
0x2f9: {  	s1 =	simm.s32 $0x1;
	v3 =	vadd.f32 v3, v5  }
0x2fa: {  	s1 =	simm.s32 @!p0 $0x0  }
0x2fb: {  	s1 =	sshll.u32 s1, $0x6;
	v2 =	vadd.f32 v3, v2  }
0x2fc: {  	s2 =	sand.u32 $0x40, s25;
	s3 =	sand.u32 $0x7C00, s5;
	s1 =	sadd.s32 s1, s5  }
0x2fd: {  	s19 =	sor.u32 s2, s3;
	s2 =	sor.u32 $0x200, s1;
	s3 =	sor.u32 $0x280, s1;
	[tilespmem:s0+$0xCA00] =	vst v2  }
0x2fe: {  	s6 =	sadd.s32 $0x10, s1;
	s21 =	sadd.s32 $0x20, s1;
	s0 =	sor.u32 $0x380, s1;
	v2 =	vld [tilespmem:s19+$0x380]  }
0x2ff: {  	s7 =	sor.u32 $0x300, s1;
	s22 =	sor.u32 $0x280, s6;
	s28 =	sor.u32 $0x200, s21;
	v3 =	vld [tilespmem:s2+$0x200]  }
0x300: {  	s26 =	sadd.s32 $0x30, s1;
	v4 =	vld [tilespmem:s7+$0x200]  }
0x301: {  	v5 =	vld [tilespmem:s19+$0x300]  }
0x302: {  	v6 =	vld [tilespmem:s19+$0x280]  }
0x303: {  	v7 =	vld [tilespmem:s19+$0x200]  }
0x304: {  	v8 =	vld [tilespmem:s0+$0x200]  }
0x305: {  	v9 =	vld [tilespmem:s3+$0x200];
	_ =	sdelay $0x3  }
0x306: {  	v2 =	vadd.f32 v2, v5;
	v6 =	vadd.f32 v6, v7  }
0x307: {  	v4 =	vadd.f32 v8, v4;
	v3 =	vadd.f32 v9, v3;
	_ =	sdelay $0x1  }
0x308: {  	s0 =	sor.u32 $0x380, s6;
	v2 =	vadd.f32 v2, v6;
	v3 =	vadd.f32 v4, v3;
	_ =	sdelay $0x1  }
0x309: {  	s1 =	sor.u32 $0x200, s6;
	v2 =	vadd.f32 v3, v2;
	_ =	sdelay $0x1  }
0x30a: {  	[tilespmem:s2+$0xCA00] =	vst v2  }
0x30b: {  	v2 =	vld [tilespmem:s0+$0x200]  }
0x30c: {  	v3 =	vld [tilespmem:s19+$0x290]  }
0x30d: {  	v4 =	vld [tilespmem:s19+$0x310]  }
0x30e: {  	v5 =	vld [tilespmem:s19+$0x390]  }
0x30f: {  	v6 =	vld [tilespmem:s1+$0x200]  }
0x310: {  	v7 =	vld [tilespmem:s22+$0x200]  }
0x311: {  	s0 =	sor.u32 $0x300, s6  }
0x312: {  	v8 =	vld [tilespmem:s0+$0x200]  }
0x313: {  	v9 =	vld [tilespmem:s19+$0x210];
	v4 =	vadd.f32 v5, v4;
	_ =	sdelay $0x1  }
0x314: {  	v5 =	vadd.f32 v7, v6;
	_ =	sdelay $0x1  }
0x315: {  	v2 =	vadd.f32 v2, v8  }
0x316: {  	v3 =	vadd.f32 v3, v9;
	_ =	sdelay $0x1  }
0x317: {  	v2 =	vadd.f32 v2, v5;
	v3 =	vadd.f32 v4, v3;
	_ =	sdelay $0x1  }
0x318: {  	v2 =	vadd.f32 v2, v3;
	_ =	sdelay $0x1  }
0x319: {  	[tilespmem:s1+$0xCA00] =	vst v2  }
0x31a: {  	v2 =	vld [tilespmem:s19+$0x220]  }
0x31b: {  	v5 =	vld [tilespmem:s19+$0x2A0]  }
0x31c: {  	v3 =	vld [tilespmem:s19+$0x320]  }
.Ltmp4:
0x31d: {  	v4 =	vld [tilespmem:s19+$0x3A0];
	(pc) =	sbr.rel @p1 .LBB2_11-.Ltmp4, $4  }
0x31e: {  	_ = 	snop  }
0x31f: {  	s0 =	sor.u32 $0x380, s21  }
0x320: {  	s1 =	sor.u32 $0x300, s21;
	v5 =	vadd.f32 v5, v2;
	v2 =	vld [tilespmem:s0+$0x200]  }
0x321: {  	s25 =	sadd.s32 $0x40, s25;
	s0 =	sor.u32 $0x280, s21;
	v6 =	vld [tilespmem:s1+$0x200]  }
0x322: {  	v7 =	vld [tilespmem:s0+$0x200]  }
0x323: {  	v8 =	vld [tilespmem:s28+$0x200];
	_ =	sdelay $0x3  }
0x324: {  	v3 =	vadd.f32 v4, v3  }
0x325: {  	v2 =	vadd.f32 v2, v6;
	v4 =	vadd.f32 v7, v8;
	_ =	sdelay $0x1  }
0x326: {  	v3 =	vadd.f32 v3, v5;
	v2 =	vadd.f32 v2, v4;
	_ =	sdelay $0x1  }
0x327: {  	v2 =	vadd.f32 v2, v3;
	_ =	sdelay $0x1  }
0x328: {  	[tilespmem:s28+$0xCA00] =	vst v2  }
0x329: {  	v2 =	vld [tilespmem:s19+$0x230]  }
0x32a: {  	v3 =	vld [tilespmem:s19+$0x2B0]  }
0x32b: {  	v4 =	vld [tilespmem:s19+$0x330]  }
0x32c: {  	s20 =	sor.u32 $0x200, s26;
	v5 =	vld [tilespmem:s19+$0x3B0]  }
0x32d: {  	s1 =	sor.u32 $0x280, s26;
	v6 =	vld [tilespmem:s20+$0x200]  }
0x32e: {  	s21 =	sor.u32 $0x300, s26;
	v7 =	vld [tilespmem:s1+$0x200]  }
0x32f: {  	s22 =	sor.u32 $0x380, s26;
	v8 =	vld [tilespmem:s21+$0x200]  }
0x330: {  	v9 =	vld [tilespmem:s22+$0x200];
	_ =	sdelay $0x3  }
0x331: {  	v2 =	vadd.f32 v3, v2;
	v3 =	vadd.f32 v5, v4  }
0x332: {  	v4 =	vadd.f32 v7, v6;
	v5 =	vadd.f32 v9, v8;
	_ =	sdelay $0x1  }
0x333: {  	v2 =	vadd.f32 v3, v2;
	v3 =	vadd.f32 v5, v4;
	_ =	sdelay $0x1  }
0x334: {  	v2 =	vadd.f32 v3, v2;
	_ =	sdelay $0x1  }
0x335: {  	[tilespmem:s20+$0xCA00] =	vst v2  }
0x336: {  	v2 =	vld.msk [tilespmem:s24+$0x30], $0xff;
	_ =	sdelay $0x4  }
0x337: {  	v3 =	vshrl.u32 v2, $0x3  }
0x338: {  	v3 =	vmul.u32 $0xC8, v3  }
0x339: {  	v2 =	vand.u32 $0x7, v2  }
0x33a: {  	v2 =	vor.u32 v2, v3  }
0x33b: {  	v2 =	vperm.xlane v2, v0;
	_ =	sdelay $0x1  }
0x33c: {  	v2 =	vadd.s32 v1, v2;
	_ =	sdelay $0x3  }
0x33d: {  	s5 =	simm.s32 $0x0;
	s25 =	simm.s32 $0x200  }
0x33e: {  	[tilespmem:s25], [sflag:$0x1] =	stream.indirect_vreg.gather [hbm4b:s23+s5], $0x80, v2, vm1, $0xb8;
	[tilespmem:$0x12E00] =	vst v63  }
0x33f: {  	s26 =	simm.s32 $0xA00  }
0x340: {  	[tilespmem:s26], [sflag:$0x1] =	stream.indirect_vreg.gather [hbm4b:s31+s5], $0x80, v2, vm1, $0xb8;
	[tilespmem:$0x12E00] =	vst v63  }
0x341: {  	s28 =	simm.s32 $0x1200  }
0x342: {  	[tilespmem:s28], [sflag:$0x1] =	stream.indirect_vreg.gather [hbm4b:s8+s5], $0x80, v2, vm1, $0xb8;
	[tilespmem:$0x12E00] =	vst v63  }
0x343: {  	s1 =	simm.s32 $0x1A00  }
0x344: {  	[tilespmem:s1], [sflag:$0x1] =	stream.indirect_vreg.gather [hbm4b:s9+s5], $0x80, v2, vm1, $0xb8;
	[tilespmem:$0x12E00] =	vst v63  }
0x345: {  	s2 =	simm.s32 $0x2200  }
0x346: {  	[tilespmem:s2], [sflag:$0x1] =	stream.indirect_vreg.gather [hbm4b:s10+s5], $0x80, v2, vm1, $0xb8;
	[tilespmem:$0x12E00] =	vst v63  }
0x347: {  	s3 =	simm.s32 $0x2A00  }
0x348: {  	[tilespmem:s3], [sflag:$0x1] =	stream.indirect_vreg.gather [hbm4b:s11+s5], $0x80, v2, vm1, $0xb8;
	[tilespmem:$0x12E00] =	vst v63  }
0x349: {  	s6 =	simm.s32 $0x3200  }
0x34a: {  	[tilespmem:s6], [sflag:$0x1] =	stream.indirect_vreg.gather [hbm4b:s12+s5], $0x80, v2, vm1, $0xb8;
	[tilespmem:$0x12E00] =	vst v63  }
0x34b: {  	s7 =	simm.s32 $0x3A00  }
0x34c: {  	[tilespmem:s7], [sflag:$0x1] =	stream.indirect_vreg.gather [hbm4b:s13+s5], $0x80, v2, vm1, $0xb8;
	[tilespmem:$0x12E00] =	vst v63  }
0x34d: {  	s19 =	simm.s32 $0x4200  }
0x34e: {  	[tilespmem:s19], [sflag:$0x1] =	stream.indirect_vreg.gather [hbm4b:s14+s5], $0x80, v2, vm1, $0xb8;
	[tilespmem:$0x12E00] =	vst v63  }
0x34f: {  	s20 =	simm.s32 $0x4A00  }
0x350: {  	[tilespmem:s20], [sflag:$0x1] =	stream.indirect_vreg.gather [hbm4b:s15+s5], $0x80, v2, vm1, $0xb8;
	[tilespmem:$0x12E00] =	vst v63  }
0x351: {  	s21 =	simm.s32 $0x5200  }
0x352: {  	[tilespmem:s21], [sflag:$0x1] =	stream.indirect_vreg.gather [hbm4b:s16+s5], $0x80, v2, vm1, $0xb8;
	[tilespmem:$0x12E00] =	vst v63  }
0x353: {  	p0 =	por $0x0, $0x0;
	s0 =	simm.s32 $0x1;
	s22 =	simm.s32 $0x5A00  }
0x354: {  	[tilespmem:s22], [sflag:$0x1] =	stream.indirect_vreg.gather [hbm4b:s17+s5], $0x80, v2, vm1, $0xb8;
	[tilespmem:$0x12E00] =	vst v63  }
0x355: {  	s0 =	simm.s32 @!p0 $0x0;
	s25 =	simm.s32 $0x6200;
	s3 =	simm.s32 $0x2  }
0x356: {  	[tilespmem:s25], [sflag:$0x1] =	stream.indirect_vreg.gather [hbm4b:s18+s5], $0x80, v2, vm0, $0xb8;
	[tilespmem:$0x12E00] =	vst v63  }
0x357: {  	s0 =	sshll.u32 s0, $0x6;
	_ =	swait.ge [sflag:s3], $0x6400  }
0x358: {  	s26 =	sand.u32 $0x40, s5;
	s2 =	sand.u32 $0x7C00, s5;
	[sflag:s3] =	ssyncset.done $0x0  }
0x359: {  	s0 =	sadd.s32 $0x0, s0;
	s19 =	sor.u32 s26, s2;
	[sflag:s3] =	ssyncadd.s32 $0xFFFF9C00  }
0x35a: {  	s28 =	sor.u32 $0x200, s0;
	v2 =	vld [tilespmem:s19+$0x6780]  }
0x35b: {  	s2 =	sor.u32 $0x300, s0;
	v3 =	vld [tilespmem:s28+$0x6600]  }
0x35c: {  	v4 =	vld [tilespmem:s2+$0x6600]  }
0x35d: {  	v5 =	vld [tilespmem:s19+$0x6700]  }
0x35e: {  	v6 =	vld [tilespmem:s19+$0x6680]  }
0x35f: {  	s3 =	sor.u32 $0x380, s0;
	v7 =	vld [tilespmem:s19+$0x6600]  }
0x360: {  	s6 =	sor.u32 $0x280, s0;
	v8 =	vld [tilespmem:s3+$0x6600]  }
0x361: {  	v62 =	vld [tilespmem:s6+$0x6600];
	_ =	sdelay $0x3  }
0x362: {  	v6 =	vadd.f32 v6, v7;
	v2 =	vadd.f32 v2, v5  }
0x363: {  	v3 =	vadd.f32 v62, v3;
	v4 =	vadd.f32 v8, v4;
	_ =	sdelay $0x1  }
0x364: {  	v2 =	vadd.f32 v2, v6;
	v3 =	vadd.f32 v4, v3;
	_ =	sdelay $0x1  }
0x365: {  	v2 =	vadd.f32 v3, v2  }
0x366: {  	s7 =	sadd.s32 $0x10, s0  }
0x367: {  	s20 =	sor.u32 $0x380, s7;
	[tilespmem:s6+$0xCA00] =	vst v2  }
0x368: {  	v2 =	vld [tilespmem:s20+$0x6600]  }
0x369: {  	v3 =	vld [tilespmem:s19+$0x6690]  }
0x36a: {  	v4 =	vld [tilespmem:s19+$0x6710]  }
0x36b: {  	s21 =	sor.u32 $0x200, s7;
	v5 =	vld [tilespmem:s19+$0x6790]  }
0x36c: {  	s22 =	sor.u32 $0x280, s7;
	v6 =	vld [tilespmem:s21+$0x6600]  }
0x36d: {  	s1 =	sor.u32 $0x300, s7;
	v7 =	vld [tilespmem:s22+$0x6600]  }
0x36e: {  	v8 =	vld [tilespmem:s1+$0x6600]  }
0x36f: {  	v63 =	vld [tilespmem:s19+$0x6610];
	_ =	sdelay $0x3  }
0x370: {  	v4 =	vadd.f32 v5, v4;
	v5 =	vadd.f32 v7, v6  }
0x371: {  	v2 =	vadd.f32 v2, v8;
	v3 =	vadd.f32 v3, v63;
	_ =	sdelay $0x1  }
0x372: {  	v3 =	vadd.f32 v4, v3;
	v2 =	vadd.f32 v2, v5;
	_ =	sdelay $0x1  }
0x373: {  	v2 =	vadd.f32 v2, v3;
	_ =	sdelay $0x1  }
0x374: {  	[tilespmem:s22+$0xCA00] =	vst v2  }
0x375: {  	v5 =	vld [tilespmem:s19+$0x6620]  }
0x376: {  	v6 =	vld [tilespmem:s19+$0x66A0]  }
0x377: {  	v3 =	vld [tilespmem:s19+$0x6720]  }
0x378: {  	v4 =	vld [tilespmem:s19+$0x67A0]  }
0x379: {  	s25 =	sadd.s32 $0x20, s0  }
0x37a: {  	s26 =	sor.u32 $0x380, s25  }
0x37b: {  	s28 =	sor.u32 $0x300, s25;
	s20 =	simm.s32 $0x0;
	s21 =	sor.u32 $0x200, s25;
	v2 =	vld [tilespmem:s26+$0x6600]  }
0x37c: {  	s26 =	sadd.s32 $0x30, s0;
	s0 =	sor.u32 $0x280, s25;
	s25 =	simm.s32 $0x40;
	v5 =	vadd.f32 v6, v5;
	v6 =	vld [tilespmem:s28+$0x6600]  }
.LBB2_13:
0x37d: {  	s20 =	sadd.s32 $0x4, s20;
	v3 =	vadd.f32 v4, v3;
	v4 =	vld [tilespmem:s0+$0x6600];
	s5 =	sadd.s32 $0x200, s5;
	p0 =	por !p0, !p0  }
0x37e: {  	p1 =	slt.u32 s20, $0xC4;
	v7 =	vld [tilespmem:s21+$0x6600]  }
0x37f: {  	v3 =	vadd.f32 v3, v5;
	_ =	sdelay $0x3  }
0x380: {  	v2 =	vadd.f32 v2, v6;
	v4 =	vadd.f32 v4, v7;
	_ =	sdelay $0x1  }
0x381: {  	v2 =	vadd.f32 v2, v4;
	_ =	sdelay $0x1  }
0x382: {  	v2 =	vadd.f32 v2, v3;
	_ =	sdelay $0x1  }
0x383: {  	[tilespmem:s0+$0xCA00] =	vst v2  }
0x384: {  	v2 =	vld [tilespmem:s19+$0x6630]  }
0x385: {  	v3 =	vld [tilespmem:s19+$0x66B0]  }
0x386: {  	v4 =	vld [tilespmem:s19+$0x6730]  }
0x387: {  	s0 =	sor.u32 $0x200, s26;
	v5 =	vld [tilespmem:s19+$0x67B0]  }
0x388: {  	v6 =	vld [tilespmem:s0+$0x6600];
	s0 =	sor.u32 $0x280, s26  }
0x389: {  	s1 =	sor.u32 $0x300, s26;
	v7 =	vld [tilespmem:s0+$0x6600]  }
0x38a: {  	v2 =	vadd.f32 v3, v2;
	v3 =	vld [tilespmem:s1+$0x6600];
	s1 =	sor.u32 $0x380, s26  }
0x38b: {  	v8 =	vld [tilespmem:s1+$0x6600]  }
0x38c: {  	v4 =	vadd.f32 v5, v4;
	_ =	sdelay $0x1  }
0x38d: {  	v5 =	vadd.f32 v7, v6;
	v2 =	vadd.f32 v4, v2;
	_ =	sdelay $0x1  }
0x38e: {  	v3 =	vadd.f32 v8, v3;
	_ =	sdelay $0x1  }
0x38f: {  	s1 =	simm.s32 $0x1;
	v3 =	vadd.f32 v3, v5  }
0x390: {  	s1 =	simm.s32 @!p0 $0x0  }
0x391: {  	s1 =	sshll.u32 s1, $0x6;
	v2 =	vadd.f32 v3, v2  }
0x392: {  	s2 =	sand.u32 $0x40, s25;
	s3 =	sand.u32 $0x7C00, s5;
	s1 =	sadd.s32 s1, s5  }
0x393: {  	s19 =	sor.u32 s2, s3;
	s2 =	sor.u32 $0x200, s1;
	s3 =	sor.u32 $0x280, s1;
	[tilespmem:s0+$0xCA00] =	vst v2  }
0x394: {  	s6 =	sadd.s32 $0x10, s1;
	s28 =	sadd.s32 $0x20, s1;
	s0 =	sor.u32 $0x380, s1;
	v2 =	vld [tilespmem:s19+$0x6780]  }
0x395: {  	s7 =	sor.u32 $0x200, s6;
	s21 =	sor.u32 $0x200, s28;
	v3 =	vld [tilespmem:s2+$0x6600];
	s2 =	sor.u32 $0x300, s1  }
0x396: {  	s26 =	sadd.s32 $0x30, s1;
	v4 =	vld [tilespmem:s2+$0x6600]  }
0x397: {  	v5 =	vld [tilespmem:s19+$0x6700]  }
0x398: {  	v6 =	vld [tilespmem:s19+$0x6680]  }
0x399: {  	v7 =	vld [tilespmem:s19+$0x6600]  }
0x39a: {  	v8 =	vld [tilespmem:s0+$0x6600]  }
0x39b: {  	v9 =	vld [tilespmem:s3+$0x6600];
	_ =	sdelay $0x3  }
0x39c: {  	v2 =	vadd.f32 v2, v5;
	v6 =	vadd.f32 v6, v7  }
0x39d: {  	v4 =	vadd.f32 v8, v4;
	v3 =	vadd.f32 v9, v3;
	_ =	sdelay $0x1  }
0x39e: {  	s0 =	sor.u32 $0x380, s6;
	v2 =	vadd.f32 v2, v6;
	v3 =	vadd.f32 v4, v3;
	_ =	sdelay $0x1  }
0x39f: {  	v2 =	vadd.f32 v3, v2  }
0x3a0: {  	s1 =	sor.u32 $0x280, s6  }
0x3a1: {  	[tilespmem:s3+$0xCA00] =	vst v2  }
0x3a2: {  	v2 =	vld [tilespmem:s0+$0x6600]  }
0x3a3: {  	v3 =	vld [tilespmem:s19+$0x6690]  }
0x3a4: {  	v4 =	vld [tilespmem:s19+$0x6710]  }
0x3a5: {  	v5 =	vld [tilespmem:s19+$0x6790]  }
0x3a6: {  	v6 =	vld [tilespmem:s7+$0x6600]  }
0x3a7: {  	v7 =	vld [tilespmem:s1+$0x6600]  }
0x3a8: {  	s0 =	sor.u32 $0x300, s6  }
0x3a9: {  	v8 =	vld [tilespmem:s0+$0x6600]  }
0x3aa: {  	v9 =	vld [tilespmem:s19+$0x6610];
	v4 =	vadd.f32 v5, v4;
	_ =	sdelay $0x1  }
0x3ab: {  	v5 =	vadd.f32 v7, v6;
	_ =	sdelay $0x1  }
0x3ac: {  	v2 =	vadd.f32 v2, v8  }
0x3ad: {  	v3 =	vadd.f32 v3, v9;
	_ =	sdelay $0x1  }
0x3ae: {  	v2 =	vadd.f32 v2, v5;
	v3 =	vadd.f32 v4, v3;
	_ =	sdelay $0x1  }
0x3af: {  	v2 =	vadd.f32 v2, v3;
	_ =	sdelay $0x1  }
0x3b0: {  	[tilespmem:s1+$0xCA00] =	vst v2  }
0x3b1: {  	v2 =	vld [tilespmem:s19+$0x6620]  }
0x3b2: {  	v5 =	vld [tilespmem:s19+$0x66A0]  }
0x3b3: {  	v3 =	vld [tilespmem:s19+$0x6720]  }
.Ltmp5:
0x3b4: {  	v4 =	vld [tilespmem:s19+$0x67A0];
	(pc) =	sbr.rel @p1 .LBB2_13-.Ltmp5, $4  }
0x3b5: {  	_ = 	snop  }
0x3b6: {  	s0 =	sor.u32 $0x380, s28  }
0x3b7: {  	s1 =	sor.u32 $0x300, s28;
	v5 =	vadd.f32 v5, v2;
	v2 =	vld [tilespmem:s0+$0x6600]  }
0x3b8: {  	s25 =	sadd.s32 $0x40, s25;
	s0 =	sor.u32 $0x280, s28;
	v6 =	vld [tilespmem:s1+$0x6600]  }
0x3b9: {  	v7 =	vld [tilespmem:s0+$0x6600]  }
0x3ba: {  	v8 =	vld [tilespmem:s21+$0x6600];
	_ =	sdelay $0x3  }
0x3bb: {  	v3 =	vadd.f32 v4, v3  }
0x3bc: {  	v2 =	vadd.f32 v2, v6;
	v4 =	vadd.f32 v7, v8;
	_ =	sdelay $0x1  }
0x3bd: {  	v3 =	vadd.f32 v3, v5;
	v2 =	vadd.f32 v2, v4;
	_ =	sdelay $0x1  }
0x3be: {  	v2 =	vadd.f32 v2, v3;
	_ =	sdelay $0x1  }
0x3bf: {  	[tilespmem:s0+$0xCA00] =	vst v2  }
0x3c0: {  	v2 =	vld [tilespmem:s19+$0x6630]  }
0x3c1: {  	v3 =	vld [tilespmem:s19+$0x66B0]  }
0x3c2: {  	v4 =	vld [tilespmem:s19+$0x6730]  }
0x3c3: {  	s22 =	sor.u32 $0x200, s26;
	v5 =	vld [tilespmem:s19+$0x67B0]  }
0x3c4: {  	s25 =	sor.u32 $0x280, s26;
	v6 =	vld [tilespmem:s22+$0x6600]  }
0x3c5: {  	s1 =	sor.u32 $0x300, s26;
	v7 =	vld [tilespmem:s25+$0x6600]  }
0x3c6: {  	s28 =	sor.u32 $0x380, s26;
	v8 =	vld [tilespmem:s1+$0x6600]  }
0x3c7: {  	v9 =	vld [tilespmem:s28+$0x6600];
	_ =	sdelay $0x3  }
0x3c8: {  	v2 =	vadd.f32 v3, v2;
	v3 =	vadd.f32 v5, v4  }
0x3c9: {  	v4 =	vadd.f32 v7, v6;
	v5 =	vadd.f32 v9, v8;
	_ =	sdelay $0x1  }
0x3ca: {  	v2 =	vadd.f32 v3, v2;
	v3 =	vadd.f32 v5, v4;
	_ =	sdelay $0x1  }
0x3cb: {  	v2 =	vadd.f32 v3, v2;
	_ =	sdelay $0x1  }
0x3cc: {  	[tilespmem:s25+$0xCA00] =	vst v2  }
0x3cd: {  	v2 =	vld.msk [tilespmem:s24+$0x38], $0xff;
	_ =	sdelay $0x4  }
0x3ce: {  	v3 =	vshrl.u32 v2, $0x3  }
0x3cf: {  	v3 =	vmul.u32 $0xC8, v3  }
0x3d0: {  	v2 =	vand.u32 $0x7, v2  }
0x3d1: {  	v2 =	vor.u32 v2, v3  }
0x3d2: {  	v2 =	vperm.xlane v2, v0;
	_ =	sdelay $0x1  }
0x3d3: {  	v2 =	vadd.s32 v1, v2;
	_ =	sdelay $0x3  }
0x3d4: {  	s5 =	simm.s32 $0x0  }
0x3d5: {  	[tilespmem:s29], [sflag:$0x2] =	stream.indirect_vreg.gather [hbm4b:s23+s5], $0x80, v2, vm1, $0xb8;
	[tilespmem:$0x12E00] =	vst v63  }
0x3d6: {  	_ = 	snop  }
0x3d7: {  	[tilespmem:s30], [sflag:$0x2] =	stream.indirect_vreg.gather [hbm4b:s31+s5], $0x80, v2, vm1, $0xb8;
	[tilespmem:$0x12E00] =	vst v63  }
0x3d8: {  	s1 =	simm.s32 $0x7600  }
0x3d9: {  	[tilespmem:s1], [sflag:$0x2] =	stream.indirect_vreg.gather [hbm4b:s8+s5], $0x80, v2, vm1, $0xb8;
	[tilespmem:$0x12E00] =	vst v63  }
0x3da: {  	s2 =	simm.s32 $0x7E00  }
0x3db: {  	[tilespmem:s2], [sflag:$0x2] =	stream.indirect_vreg.gather [hbm4b:s9+s5], $0x80, v2, vm1, $0xb8;
	[tilespmem:$0x12E00] =	vst v63  }
0x3dc: {  	s3 =	simm.s32 $0x8600  }
0x3dd: {  	[tilespmem:s3], [sflag:$0x2] =	stream.indirect_vreg.gather [hbm4b:s10+s5], $0x80, v2, vm1, $0xb8;
	[tilespmem:$0x12E00] =	vst v63  }
0x3de: {  	s6 =	simm.s32 $0x8E00  }
0x3df: {  	[tilespmem:s6], [sflag:$0x2] =	stream.indirect_vreg.gather [hbm4b:s11+s5], $0x80, v2, vm1, $0xb8;
	[tilespmem:$0x12E00] =	vst v63  }
0x3e0: {  	s7 =	simm.s32 $0x9600  }
0x3e1: {  	[tilespmem:s7], [sflag:$0x2] =	stream.indirect_vreg.gather [hbm4b:s12+s5], $0x80, v2, vm1, $0xb8;
	[tilespmem:$0x12E00] =	vst v63  }
0x3e2: {  	s19 =	simm.s32 $0x9E00  }
0x3e3: {  	[tilespmem:s19], [sflag:$0x2] =	stream.indirect_vreg.gather [hbm4b:s13+s5], $0x80, v2, vm1, $0xb8;
	[tilespmem:$0x12E00] =	vst v63  }
0x3e4: {  	s20 =	simm.s32 $0xA600  }
0x3e5: {  	[tilespmem:s20], [sflag:$0x2] =	stream.indirect_vreg.gather [hbm4b:s14+s5], $0x80, v2, vm1, $0xb8;
	[tilespmem:$0x12E00] =	vst v63  }
0x3e6: {  	s21 =	simm.s32 $0xAE00  }
0x3e7: {  	[tilespmem:s21], [sflag:$0x2] =	stream.indirect_vreg.gather [hbm4b:s15+s5], $0x80, v2, vm1, $0xb8;
	[tilespmem:$0x12E00] =	vst v63  }
0x3e8: {  	s22 =	simm.s32 $0xB600  }
0x3e9: {  	[tilespmem:s22], [sflag:$0x2] =	stream.indirect_vreg.gather [hbm4b:s16+s5], $0x80, v2, vm1, $0xb8;
	[tilespmem:$0x12E00] =	vst v63  }
0x3ea: {  	s24 =	simm.s32 $0xBE00  }
0x3eb: {  	[tilespmem:s24], [sflag:$0x2] =	stream.indirect_vreg.gather [hbm4b:s17+s5], $0x80, v2, vm1, $0xb8;
	[tilespmem:$0x12E00] =	vst v63  }
0x3ec: {  	s25 =	simm.s32 $0xC600;
	s3 =	simm.s32 $0x1  }
0x3ed: {  	[tilespmem:s25], [sflag:$0x2] =	stream.indirect_vreg.gather [hbm4b:s18+s5], $0x80, v2, vm0, $0xb8;
	[tilespmem:$0x12E00] =	vst v63  }
0x3ee: {  	p0 =	por $0x0, $0x0;
	_ =	swait.ge [sflag:s3], $0x6400  }
0x3ef: {  	s26 =	sand.u32 $0x40, s5;
	s2 =	sand.u32 $0x7C00, s5;
	[sflag:s3] =	ssyncset.done $0x0  }
0x3f0: {  	s0 =	simm.s32 $0x1;
	s19 =	sor.u32 s26, s2;
	[sflag:s3] =	ssyncadd.s32 $0xFFFF9C00  }
0x3f1: {  	s0 =	simm.s32 @!p0 $0x0;
	v2 =	vld [tilespmem:s19+$0x380]  }
0x3f2: {  	s0 =	sshll.u32 s0, $0x6;
	v5 =	vld [tilespmem:s19+$0x300]  }
0x3f3: {  	s3 =	sadd.s32 $0x0, s0;
	v6 =	vld [tilespmem:s19+$0x280]  }
0x3f4: {  	s0 =	sor.u32 $0x200, s3;
	v7 =	vld [tilespmem:s19+$0x200]  }
0x3f5: {  	s28 =	sor.u32 $0x300, s3;
	v3 =	vld [tilespmem:s0+$0x200]  }
0x3f6: {  	s6 =	sor.u32 $0x380, s3;
	v4 =	vld [tilespmem:s28+$0x200]  }
0x3f7: {  	s7 =	sor.u32 $0x280, s3;
	v8 =	vld [tilespmem:s6+$0x200]  }
0x3f8: {  	v62 =	vld [tilespmem:s7+$0x200];
	_ =	sdelay $0x3  }
0x3f9: {  	v6 =	vadd.f32 v6, v7;
	v2 =	vadd.f32 v2, v5  }
0x3fa: {  	v3 =	vadd.f32 v62, v3;
	v4 =	vadd.f32 v8, v4;
	_ =	sdelay $0x1  }
0x3fb: {  	v2 =	vadd.f32 v2, v6;
	v3 =	vadd.f32 v4, v3;
	_ =	sdelay $0x1  }
0x3fc: {  	v2 =	vadd.f32 v3, v2  }
0x3fd: {  	s20 =	sadd.s32 $0x10, s3  }
0x3fe: {  	s21 =	sor.u32 $0x380, s20;
	[tilespmem:s28+$0xCA00] =	vst v2  }
0x3ff: {  	v2 =	vld [tilespmem:s21+$0x200]  }
0x400: {  	v3 =	vld [tilespmem:s19+$0x290]  }
0x401: {  	v4 =	vld [tilespmem:s19+$0x310]  }
0x402: {  	s22 =	sor.u32 $0x200, s20;
	v5 =	vld [tilespmem:s19+$0x390]  }
0x403: {  	s24 =	sor.u32 $0x280, s20;
	v6 =	vld [tilespmem:s22+$0x200]  }
0x404: {  	s25 =	sor.u32 $0x300, s20;
	v7 =	vld [tilespmem:s24+$0x200]  }
0x405: {  	v8 =	vld [tilespmem:s25+$0x200]  }
0x406: {  	v63 =	vld [tilespmem:s19+$0x210];
	_ =	sdelay $0x3  }
0x407: {  	v4 =	vadd.f32 v5, v4;
	v5 =	vadd.f32 v7, v6  }
0x408: {  	v2 =	vadd.f32 v2, v8;
	v3 =	vadd.f32 v3, v63;
	_ =	sdelay $0x1  }
0x409: {  	v3 =	vadd.f32 v4, v3;
	v2 =	vadd.f32 v2, v5;
	_ =	sdelay $0x1  }
0x40a: {  	v2 =	vadd.f32 v2, v3;
	_ =	sdelay $0x1  }
0x40b: {  	[tilespmem:s25+$0xCA00] =	vst v2  }
0x40c: {  	v5 =	vld [tilespmem:s19+$0x220]  }
0x40d: {  	v6 =	vld [tilespmem:s19+$0x2A0]  }
0x40e: {  	v3 =	vld [tilespmem:s19+$0x320]  }
0x40f: {  	v4 =	vld [tilespmem:s19+$0x3A0]  }
0x410: {  	s26 =	sadd.s32 $0x20, s3  }
0x411: {  	s0 =	sor.u32 $0x300, s26  }
0x412: {  	s20 =	simm.s32 $0x0;
	s28 =	sor.u32 $0x380, s26;
	s21 =	sor.u32 $0x200, s26;
	v2 =	vld [tilespmem:s0+$0x200]  }
0x413: {  	s26 =	sor.u32 $0x280, s26;
	s24 =	simm.s32 $0x40;
	s25 =	sadd.s32 $0x30, s3;
	v5 =	vadd.f32 v6, v5;
	v6 =	vld [tilespmem:s28+$0x200]  }
.LBB2_15:
0x414: {  	s20 =	sadd.s32 $0x4, s20;
	v3 =	vadd.f32 v4, v3;
	v4 =	vld [tilespmem:s26+$0x200];
	s5 =	sadd.s32 $0x200, s5;
	p0 =	por !p0, !p0  }
0x415: {  	p1 =	slt.u32 s20, $0xC4;
	v7 =	vld [tilespmem:s21+$0x200]  }
0x416: {  	v3 =	vadd.f32 v3, v5;
	_ =	sdelay $0x3  }
0x417: {  	v2 =	vadd.f32 v6, v2;
	v4 =	vadd.f32 v4, v7;
	_ =	sdelay $0x1  }
0x418: {  	v2 =	vadd.f32 v2, v4;
	_ =	sdelay $0x1  }
0x419: {  	v2 =	vadd.f32 v2, v3;
	_ =	sdelay $0x1  }
0x41a: {  	[tilespmem:s0+$0xCA00] =	vst v2  }
0x41b: {  	v2 =	vld [tilespmem:s19+$0x230]  }
0x41c: {  	v3 =	vld [tilespmem:s19+$0x2B0]  }
0x41d: {  	v4 =	vld [tilespmem:s19+$0x330]  }
0x41e: {  	s0 =	sor.u32 $0x200, s25;
	v5 =	vld [tilespmem:s19+$0x3B0]  }
0x41f: {  	v6 =	vld [tilespmem:s0+$0x200];
	s0 =	sor.u32 $0x280, s25  }
0x420: {  	v7 =	vld [tilespmem:s0+$0x200];
	s0 =	sor.u32 $0x300, s25  }
0x421: {  	s1 =	sor.u32 $0x380, s25;
	v2 =	vadd.f32 v3, v2;
	v3 =	vld [tilespmem:s0+$0x200]  }
0x422: {  	v8 =	vld [tilespmem:s1+$0x200]  }
0x423: {  	v4 =	vadd.f32 v5, v4;
	_ =	sdelay $0x1  }
0x424: {  	v5 =	vadd.f32 v7, v6;
	v2 =	vadd.f32 v4, v2;
	_ =	sdelay $0x1  }
0x425: {  	v3 =	vadd.f32 v8, v3;
	_ =	sdelay $0x1  }
0x426: {  	s1 =	simm.s32 $0x1;
	v3 =	vadd.f32 v3, v5  }
0x427: {  	s1 =	simm.s32 @!p0 $0x0  }
0x428: {  	s1 =	sshll.u32 s1, $0x6;
	v2 =	vadd.f32 v3, v2  }
0x429: {  	s2 =	sand.u32 $0x40, s24;
	s3 =	sand.u32 $0x7C00, s5;
	s1 =	sadd.s32 s1, s5  }
0x42a: {  	s19 =	sor.u32 s2, s3;
	s2 =	sor.u32 $0x200, s1;
	s3 =	sor.u32 $0x280, s1;
	[tilespmem:s0+$0xCA00] =	vst v2  }
0x42b: {  	s6 =	sadd.s32 $0x10, s1;
	s26 =	sadd.s32 $0x20, s1;
	s0 =	sor.u32 $0x380, s1;
	v2 =	vld [tilespmem:s19+$0x380]  }
0x42c: {  	s7 =	sor.u32 $0x200, s6;
	s22 =	sor.u32 $0x280, s6;
	v3 =	vld [tilespmem:s2+$0x200];
	s2 =	sor.u32 $0x300, s1  }
0x42d: {  	s25 =	sadd.s32 $0x30, s1;
	s21 =	sor.u32 $0x200, s26;
	v4 =	vld [tilespmem:s2+$0x200]  }
0x42e: {  	v5 =	vld [tilespmem:s19+$0x300]  }
0x42f: {  	v6 =	vld [tilespmem:s19+$0x280]  }
0x430: {  	v7 =	vld [tilespmem:s19+$0x200]  }
0x431: {  	v8 =	vld [tilespmem:s0+$0x200]  }
0x432: {  	v9 =	vld [tilespmem:s3+$0x200];
	_ =	sdelay $0x3  }
0x433: {  	v2 =	vadd.f32 v2, v5;
	v6 =	vadd.f32 v6, v7  }
0x434: {  	v4 =	vadd.f32 v8, v4;
	v3 =	vadd.f32 v9, v3;
	_ =	sdelay $0x1  }
0x435: {  	s0 =	sor.u32 $0x380, s6;
	v2 =	vadd.f32 v2, v6;
	v3 =	vadd.f32 v4, v3;
	_ =	sdelay $0x1  }
0x436: {  	v2 =	vadd.f32 v3, v2;
	_ =	sdelay $0x1  }
0x437: {  	[tilespmem:s2+$0xCA00] =	vst v2  }
0x438: {  	v2 =	vld [tilespmem:s0+$0x200]  }
0x439: {  	v3 =	vld [tilespmem:s19+$0x290]  }
0x43a: {  	v4 =	vld [tilespmem:s19+$0x310]  }
0x43b: {  	v5 =	vld [tilespmem:s19+$0x390]  }
0x43c: {  	v6 =	vld [tilespmem:s7+$0x200]  }
0x43d: {  	s0 =	sor.u32 $0x300, s6;
	v7 =	vld [tilespmem:s22+$0x200]  }
0x43e: {  	v8 =	vld [tilespmem:s0+$0x200];
	_ =	sdelay $0x1  }
0x43f: {  	v9 =	vld [tilespmem:s19+$0x210];
	v4 =	vadd.f32 v5, v4;
	_ =	sdelay $0x1  }
0x440: {  	v5 =	vadd.f32 v7, v6  }
0x441: {  	v2 =	vadd.f32 v2, v8;
	_ =	sdelay $0x1  }
0x442: {  	v3 =	vadd.f32 v3, v9;
	_ =	sdelay $0x1  }
0x443: {  	v2 =	vadd.f32 v2, v5;
	v3 =	vadd.f32 v4, v3;
	_ =	sdelay $0x1  }
0x444: {  	v2 =	vadd.f32 v2, v3;
	_ =	sdelay $0x1  }
0x445: {  	[tilespmem:s0+$0xCA00] =	vst v2  }
0x446: {  	v5 =	vld [tilespmem:s19+$0x220]  }
0x447: {  	v6 =	vld [tilespmem:s19+$0x2A0]  }
0x448: {  	v3 =	vld [tilespmem:s19+$0x320]  }
.Ltmp6:
0x449: {  	s0 =	sor.u32 $0x300, s26;
	v4 =	vld [tilespmem:s19+$0x3A0];
	(pc) =	sbr.rel @p1 .LBB2_15-.Ltmp6, $3  }
0x44a: {  	v2 =	vld [tilespmem:s0+$0x200];
	_ =	sdelay $0x1  }
0x44b: {  	s1 =	sor.u32 $0x380, s26;
	v5 =	vadd.f32 v6, v5  }
0x44c: {  	s24 =	sadd.s32 $0x40, s24;
	s26 =	sor.u32 $0x280, s26;
	v6 =	vld [tilespmem:s1+$0x200]  }
0x44d: {  	v7 =	vld [tilespmem:s26+$0x200]  }
0x44e: {  	v8 =	vld [tilespmem:s21+$0x200];
	_ =	sdelay $0x3  }
0x44f: {  	v3 =	vadd.f32 v4, v3  }
0x450: {  	v2 =	vadd.f32 v6, v2;
	v4 =	vadd.f32 v7, v8;
	_ =	sdelay $0x1  }
0x451: {  	v3 =	vadd.f32 v3, v5;
	v2 =	vadd.f32 v2, v4;
	_ =	sdelay $0x1  }
0x452: {  	v2 =	vadd.f32 v2, v3;
	_ =	sdelay $0x1  }
0x453: {  	[tilespmem:s0+$0xCA00] =	vst v2  }
0x454: {  	v2 =	vld [tilespmem:s19+$0x230]  }
0x455: {  	v3 =	vld [tilespmem:s19+$0x2B0]  }
0x456: {  	v4 =	vld [tilespmem:s19+$0x330]  }
0x457: {  	s1 =	sor.u32 $0x200, s25;
	v5 =	vld [tilespmem:s19+$0x3B0]  }
0x458: {  	s2 =	sor.u32 $0x280, s25;
	v6 =	vld [tilespmem:s1+$0x200]  }
0x459: {  	s3 =	sor.u32 $0x300, s25;
	v7 =	vld [tilespmem:s2+$0x200]  }
0x45a: {  	v8 =	vld [tilespmem:s3+$0x200];
	s1 =	sor.u32 $0x380, s25  }
0x45b: {  	v9 =	vld [tilespmem:s1+$0x200];
	_ =	sdelay $0x3  }
0x45c: {  	v2 =	vadd.f32 v3, v2;
	v3 =	vadd.f32 v5, v4  }
0x45d: {  	v4 =	vadd.f32 v7, v6;
	v5 =	vadd.f32 v9, v8;
	_ =	sdelay $0x1  }
0x45e: {  	v2 =	vadd.f32 v3, v2;
	v3 =	vadd.f32 v5, v4  }
0x45f: {  	s5 =	rddreg [dreg:$0x9]  }
0x460: {  	s1 =	sadd.s32 $0x100, s5;
	v2 =	vadd.f32 v3, v2  }
0x461: {  	s1 =	sand.u32 $0x700, s1  }
0x462: {  	s6 =	sshrl.u32 s1, $0x2;
	[tilespmem:s3+$0xCA00] =	vst v2  }
0x463: {  	v2 =	vld.msk [tilespmem:s6+$0x0], $0xff;
	_ =	sdelay $0x4  }
0x464: {  	v3 =	vshrl.u32 v2, $0x3  }
0x465: {  	v3 =	vmul.u32 $0xC8, v3  }
0x466: {  	v2 =	vand.u32 $0x7, v2  }
0x467: {  	v2 =	vor.u32 v2, v3  }
0x468: {  	v2 =	vperm.xlane v2, v0;
	_ =	sdelay $0x1  }
0x469: {  	v2 =	vadd.s32 v1, v2;
	_ =	sdelay $0x3  }
0x46a: {  	s7 =	simm.s32 $0x200;
	s5 =	simm.s32 $0x0  }
0x46b: {  	[tilespmem:s7], [sflag:$0x1] =	stream.indirect_vreg.gather [hbm4b:s23+s5], $0x80, v2, vm1, $0xb8;
	[tilespmem:$0x12E00] =	vst v63  }
0x46c: {  	s19 =	simm.s32 $0xA00  }
0x46d: {  	[tilespmem:s19], [sflag:$0x1] =	stream.indirect_vreg.gather [hbm4b:s31+s5], $0x80, v2, vm1, $0xb8;
	[tilespmem:$0x12E00] =	vst v63  }
0x46e: {  	s20 =	simm.s32 $0x1200  }
0x46f: {  	[tilespmem:s20], [sflag:$0x1] =	stream.indirect_vreg.gather [hbm4b:s8+s5], $0x80, v2, vm1, $0xb8;
	[tilespmem:$0x12E00] =	vst v63  }
0x470: {  	s21 =	simm.s32 $0x1A00  }
0x471: {  	[tilespmem:s21], [sflag:$0x1] =	stream.indirect_vreg.gather [hbm4b:s9+s5], $0x80, v2, vm1, $0xb8;
	[tilespmem:$0x12E00] =	vst v63  }
0x472: {  	s22 =	simm.s32 $0x2200  }
0x473: {  	[tilespmem:s22], [sflag:$0x1] =	stream.indirect_vreg.gather [hbm4b:s10+s5], $0x80, v2, vm1, $0xb8;
	[tilespmem:$0x12E00] =	vst v63  }
0x474: {  	s23 =	simm.s32 $0x2A00  }
0x475: {  	[tilespmem:s23], [sflag:$0x1] =	stream.indirect_vreg.gather [hbm4b:s11+s5], $0x80, v2, vm1, $0xb8;
	[tilespmem:$0x12E00] =	vst v63  }
0x476: {  	s24 =	simm.s32 $0x3200  }
0x477: {  	[tilespmem:s24], [sflag:$0x1] =	stream.indirect_vreg.gather [hbm4b:s12+s5], $0x80, v2, vm1, $0xb8;
	[tilespmem:$0x12E00] =	vst v63  }
0x478: {  	s25 =	simm.s32 $0x3A00  }
0x479: {  	[tilespmem:s25], [sflag:$0x1] =	stream.indirect_vreg.gather [hbm4b:s13+s5], $0x80, v2, vm1, $0xb8;
	[tilespmem:$0x12E00] =	vst v63  }
0x47a: {  	s26 =	simm.s32 $0x4200  }
0x47b: {  	[tilespmem:s26], [sflag:$0x1] =	stream.indirect_vreg.gather [hbm4b:s14+s5], $0x80, v2, vm1, $0xb8;
	[tilespmem:$0x12E00] =	vst v63  }
0x47c: {  	s28 =	simm.s32 $0x4A00  }
0x47d: {  	[tilespmem:s28], [sflag:$0x1] =	stream.indirect_vreg.gather [hbm4b:s15+s5], $0x80, v2, vm1, $0xb8;
	[tilespmem:$0x12E00] =	vst v63  }
0x47e: {  	s1 =	simm.s32 $0x5200  }
0x47f: {  	[tilespmem:s1], [sflag:$0x1] =	stream.indirect_vreg.gather [hbm4b:s16+s5], $0x80, v2, vm1, $0xb8;
	[tilespmem:$0x12E00] =	vst v63  }
0x480: {  	s2 =	simm.s32 $0x5A00  }
0x481: {  	[tilespmem:s2], [sflag:$0x1] =	stream.indirect_vreg.gather [hbm4b:s17+s5], $0x80, v2, vm1, $0xb8;
	[tilespmem:$0x12E00] =	vst v63  }
0x482: {  	p0 =	por $0x0, $0x0;
	s0 =	simm.s32 $0x1;
	s3 =	simm.s32 $0x6200  }
0x483: {  	[tilespmem:s3], [sflag:$0x1] =	stream.indirect_vreg.gather [hbm4b:s18+s5], $0x80, v2, vm0, $0xb8;
	[tilespmem:$0x12E00] =	vst v63  }
0x484: {  	s0 =	simm.s32 @!p0 $0x0;
	s3 =	simm.s32 $0x2  }
0x485: {  	s0 =	sshll.u32 s0, $0x6;
	_ =	swait.ge [sflag:s3], $0x6400  }
0x486: {  	s6 =	sand.u32 $0x40, s5;
	s2 =	sand.u32 $0x7C00, s5;
	[sflag:s3] =	ssyncset.done $0x0  }
0x487: {  	s7 =	sadd.s32 $0x0, s0;
	s19 =	sor.u32 s6, s2;
	[sflag:s3] =	ssyncadd.s32 $0xFFFF9C00  }
0x488: {  	s0 =	sor.u32 $0x200, s7;
	v2 =	vld [tilespmem:s19+$0x6780]  }
0x489: {  	s8 =	sor.u32 $0x300, s7;
	v3 =	vld [tilespmem:s0+$0x6600]  }
0x48a: {  	v4 =	vld [tilespmem:s8+$0x6600]  }
0x48b: {  	v5 =	vld [tilespmem:s19+$0x6700]  }
0x48c: {  	v6 =	vld [tilespmem:s19+$0x6680]  }
0x48d: {  	s20 =	sor.u32 $0x380, s7;
	v7 =	vld [tilespmem:s19+$0x6600]  }
0x48e: {  	s21 =	sor.u32 $0x280, s7;
	v8 =	vld [tilespmem:s20+$0x6600]  }
0x48f: {  	v62 =	vld [tilespmem:s21+$0x6600];
	_ =	sdelay $0x3  }
0x490: {  	v6 =	vadd.f32 v6, v7;
	v2 =	vadd.f32 v2, v5  }
0x491: {  	v3 =	vadd.f32 v62, v3;
	v4 =	vadd.f32 v8, v4;
	_ =	sdelay $0x1  }
0x492: {  	v2 =	vadd.f32 v2, v6;
	v3 =	vadd.f32 v4, v3;
	_ =	sdelay $0x1  }
0x493: {  	v2 =	vadd.f32 v3, v2  }
0x494: {  	s22 =	sadd.s32 $0x10, s7  }
0x495: {  	s23 =	sor.u32 $0x380, s22;
	[tilespmem:s20+$0xCA00] =	vst v2  }
0x496: {  	v2 =	vld [tilespmem:s23+$0x6600]  }
0x497: {  	v3 =	vld [tilespmem:s19+$0x6690]  }
0x498: {  	v4 =	vld [tilespmem:s19+$0x6710]  }
0x499: {  	s24 =	sor.u32 $0x200, s22;
	v5 =	vld [tilespmem:s19+$0x6790]  }
0x49a: {  	s6 =	sor.u32 $0x280, s22;
	v6 =	vld [tilespmem:s24+$0x6600]  }
0x49b: {  	s25 =	sor.u32 $0x300, s22;
	v7 =	vld [tilespmem:s6+$0x6600]  }
0x49c: {  	v8 =	vld [tilespmem:s25+$0x6600]  }
0x49d: {  	v63 =	vld [tilespmem:s19+$0x6610];
	_ =	sdelay $0x3  }
0x49e: {  	v4 =	vadd.f32 v5, v4;
	v5 =	vadd.f32 v7, v6  }
0x49f: {  	v2 =	vadd.f32 v2, v8;
	v3 =	vadd.f32 v3, v63;
	_ =	sdelay $0x1  }
0x4a0: {  	v3 =	vadd.f32 v4, v3;
	v2 =	vadd.f32 v2, v5;
	_ =	sdelay $0x1  }
0x4a1: {  	v2 =	vadd.f32 v2, v3;
	_ =	sdelay $0x1  }
0x4a2: {  	[tilespmem:s23+$0xCA00] =	vst v2  }
0x4a3: {  	v5 =	vld [tilespmem:s19+$0x6620]  }
0x4a4: {  	v6 =	vld [tilespmem:s19+$0x66A0]  }
0x4a5: {  	v3 =	vld [tilespmem:s19+$0x6720]  }
0x4a6: {  	v4 =	vld [tilespmem:s19+$0x67A0]  }
0x4a7: {  	s26 =	sadd.s32 $0x20, s7  }
0x4a8: {  	s0 =	sor.u32 $0x380, s26  }
0x4a9: {  	s28 =	sor.u32 $0x300, s26;
	s21 =	sor.u32 $0x200, s26;
	s20 =	simm.s32 $0x0;
	v2 =	vld [tilespmem:s0+$0x6600]  }
0x4aa: {  	s24 =	sadd.s32 $0x30, s7;
	s25 =	sor.u32 $0x280, s26;
	s23 =	simm.s32 $0x40;
	v5 =	vadd.f32 v6, v5;
	v6 =	vld [tilespmem:s28+$0x6600]  }
.LBB2_17:
0x4ab: {  	s20 =	sadd.s32 $0x4, s20;
	v3 =	vadd.f32 v4, v3;
	v4 =	vld [tilespmem:s25+$0x6600];
	s5 =	sadd.s32 $0x200, s5;
	p0 =	por !p0, !p0  }
0x4ac: {  	p1 =	slt.u32 s20, $0xC4;
	v7 =	vld [tilespmem:s21+$0x6600]  }
0x4ad: {  	v3 =	vadd.f32 v3, v5;
	_ =	sdelay $0x3  }
0x4ae: {  	v2 =	vadd.f32 v2, v6;
	v4 =	vadd.f32 v4, v7;
	_ =	sdelay $0x1  }
0x4af: {  	v2 =	vadd.f32 v2, v4;
	_ =	sdelay $0x1  }
0x4b0: {  	v2 =	vadd.f32 v2, v3;
	_ =	sdelay $0x1  }
0x4b1: {  	[tilespmem:s0+$0xCA00] =	vst v2  }
0x4b2: {  	v2 =	vld [tilespmem:s19+$0x6630]  }
0x4b3: {  	v3 =	vld [tilespmem:s19+$0x66B0]  }
0x4b4: {  	v4 =	vld [tilespmem:s19+$0x6730]  }
0x4b5: {  	s0 =	sor.u32 $0x200, s24;
	v5 =	vld [tilespmem:s19+$0x67B0]  }
0x4b6: {  	v6 =	vld [tilespmem:s0+$0x6600];
	s0 =	sor.u32 $0x280, s24  }
0x4b7: {  	v7 =	vld [tilespmem:s0+$0x6600];
	s0 =	sor.u32 $0x300, s24  }
0x4b8: {  	v2 =	vadd.f32 v3, v2;
	v3 =	vld [tilespmem:s0+$0x6600];
	s0 =	sor.u32 $0x380, s24  }
0x4b9: {  	v8 =	vld [tilespmem:s0+$0x6600]  }
0x4ba: {  	v4 =	vadd.f32 v5, v4;
	_ =	sdelay $0x1  }
0x4bb: {  	v5 =	vadd.f32 v7, v6;
	v2 =	vadd.f32 v4, v2;
	_ =	sdelay $0x1  }
0x4bc: {  	v3 =	vadd.f32 v8, v3;
	_ =	sdelay $0x1  }
0x4bd: {  	s1 =	simm.s32 $0x1;
	v3 =	vadd.f32 v3, v5  }
0x4be: {  	s1 =	simm.s32 @!p0 $0x0  }
0x4bf: {  	s1 =	sshll.u32 s1, $0x6;
	v2 =	vadd.f32 v3, v2  }
0x4c0: {  	s2 =	sand.u32 $0x40, s23;
	s3 =	sand.u32 $0x7C00, s5;
	s1 =	sadd.s32 s1, s5  }
0x4c1: {  	s19 =	sor.u32 s2, s3;
	s2 =	sor.u32 $0x200, s1;
	s3 =	sor.u32 $0x280, s1;
	[tilespmem:s0+$0xCA00] =	vst v2  }
0x4c2: {  	s6 =	sadd.s32 $0x10, s1;
	s25 =	sadd.s32 $0x20, s1;
	s0 =	sor.u32 $0x380, s1;
	v2 =	vld [tilespmem:s19+$0x6780]  }
0x4c3: {  	s7 =	sor.u32 $0x200, s6;
	s22 =	sor.u32 $0x280, s6;
	v3 =	vld [tilespmem:s2+$0x6600];
	s2 =	sor.u32 $0x300, s1  }
0x4c4: {  	s21 =	sor.u32 $0x200, s25;
	s24 =	sadd.s32 $0x30, s1;
	v4 =	vld [tilespmem:s2+$0x6600]  }
0x4c5: {  	v5 =	vld [tilespmem:s19+$0x6700]  }
0x4c6: {  	v6 =	vld [tilespmem:s19+$0x6680]  }
0x4c7: {  	v7 =	vld [tilespmem:s19+$0x6600]  }
0x4c8: {  	v8 =	vld [tilespmem:s0+$0x6600]  }
0x4c9: {  	v9 =	vld [tilespmem:s3+$0x6600];
	_ =	sdelay $0x3  }
0x4ca: {  	v2 =	vadd.f32 v2, v5;
	v6 =	vadd.f32 v6, v7  }
0x4cb: {  	v4 =	vadd.f32 v8, v4;
	v3 =	vadd.f32 v9, v3;
	_ =	sdelay $0x1  }
0x4cc: {  	s1 =	sor.u32 $0x380, s6;
	v2 =	vadd.f32 v2, v6;
	v3 =	vadd.f32 v4, v3;
	_ =	sdelay $0x1  }
0x4cd: {  	v2 =	vadd.f32 v3, v2;
	_ =	sdelay $0x1  }
0x4ce: {  	[tilespmem:s0+$0xCA00] =	vst v2  }
0x4cf: {  	v2 =	vld [tilespmem:s1+$0x6600]  }
0x4d0: {  	v3 =	vld [tilespmem:s19+$0x6690]  }
0x4d1: {  	v4 =	vld [tilespmem:s19+$0x6710]  }
0x4d2: {  	v5 =	vld [tilespmem:s19+$0x6790]  }
0x4d3: {  	v6 =	vld [tilespmem:s7+$0x6600]  }
0x4d4: {  	v7 =	vld [tilespmem:s22+$0x6600]  }
0x4d5: {  	s0 =	sor.u32 $0x300, s6  }
0x4d6: {  	v8 =	vld [tilespmem:s0+$0x6600]  }
0x4d7: {  	v9 =	vld [tilespmem:s19+$0x6610];
	v4 =	vadd.f32 v5, v4;
	_ =	sdelay $0x1  }
0x4d8: {  	v5 =	vadd.f32 v7, v6;
	_ =	sdelay $0x1  }
0x4d9: {  	v2 =	vadd.f32 v2, v8  }
0x4da: {  	v3 =	vadd.f32 v3, v9;
	_ =	sdelay $0x1  }
0x4db: {  	v2 =	vadd.f32 v2, v5;
	v3 =	vadd.f32 v4, v3;
	_ =	sdelay $0x1  }
0x4dc: {  	v2 =	vadd.f32 v2, v3;
	_ =	sdelay $0x1  }
0x4dd: {  	[tilespmem:s1+$0xCA00] =	vst v2  }
0x4de: {  	v2 =	vld [tilespmem:s19+$0x6620]  }
0x4df: {  	v5 =	vld [tilespmem:s19+$0x66A0]  }
0x4e0: {  	v3 =	vld [tilespmem:s19+$0x6720]  }
.Ltmp7:
0x4e1: {  	v4 =	vld [tilespmem:s19+$0x67A0];
	(pc) =	sbr.rel @p1 .LBB2_17-.Ltmp7, $4  }
0x4e2: {  	_ = 	snop  }
0x4e3: {  	s0 =	sor.u32 $0x380, s25  }
0x4e4: {  	s1 =	sor.u32 $0x300, s25;
	v5 =	vadd.f32 v5, v2;
	v2 =	vld [tilespmem:s0+$0x6600]  }
0x4e5: {  	s23 =	sadd.s32 $0x40, s23;
	s25 =	sor.u32 $0x280, s25;
	v6 =	vld [tilespmem:s1+$0x6600]  }
0x4e6: {  	v7 =	vld [tilespmem:s25+$0x6600]  }
0x4e7: {  	v8 =	vld [tilespmem:s21+$0x6600];
	_ =	sdelay $0x3  }
0x4e8: {  	v3 =	vadd.f32 v4, v3  }
0x4e9: {  	v2 =	vadd.f32 v2, v6;
	v56 =	vadd.f32 v7, v8;
	_ =	sdelay $0x1  }
0x4ea: {  	v3 =	vadd.f32 v3, v5;
	v2 =	vadd.f32 v2, v56;
	_ =	sdelay $0x1  }
0x4eb: {  	v2 =	vadd.f32 v2, v3;
	_ =	sdelay $0x1  }
0x4ec: {  	[tilespmem:s0+$0xCA00] =	vst v2  }
0x4ed: {  	v2 =	vld [tilespmem:s19+$0x6630]  }
0x4ee: {  	v3 =	vld [tilespmem:s19+$0x66B0]  }
0x4ef: {  	v57 =	vld [tilespmem:s19+$0x6730]  }
0x4f0: {  	s21 =	sor.u32 $0x200, s24;
	v58 =	vld [tilespmem:s19+$0x67B0]  }
0x4f1: {  	s22 =	sor.u32 $0x280, s24;
	v59 =	vld [tilespmem:s21+$0x6600]  }
0x4f2: {  	s23 =	sor.u32 $0x300, s24;
	v60 =	vld [tilespmem:s22+$0x6600]  }
0x4f3: {  	s24 =	sor.u32 $0x380, s24;
	v61 =	vld [tilespmem:s23+$0x6600]  }
0x4f4: {  	v9 =	vld [tilespmem:s24+$0x6600];
	_ =	sdelay $0x3  }
0x4f5: {  	v2 =	vadd.f32 v3, v2;
	v3 =	vadd.f32 v58, v57  }
0x4f6: {  	v62 =	vadd.f32 v60, v59;
	v63 =	vadd.f32 v9, v61;
	_ =	sdelay $0x1  }
0x4f7: {  	s1 =	rddreg [dreg:$0x4];
	v2 =	vadd.f32 v3, v2;
	v3 =	vadd.f32 v63, v62  }
0x4f8: {  	s1 =	sadd.s32 s1, s4  }
0x4f9: {  	s1 =	smul.u32 $0xC80, s1;
	v2 =	vadd.f32 v3, v2  }
0x4fa: {  	s25 =	rddreg [dreg:$0x3];
	s26 =	simm.s32 $0x0;
	s4 =	sadd.s32 $0x1, s4  }
0x4fb: {  	s2 =	simm.s32 $0xCA00;
	p0 =	sne.s32 s4, $0x8;
	s0 =	sadd.s32 s25, s1;
	[tilespmem:s24+$0xCA00] =	vst v2  }
0x4fc: {  	[hbm4b:s0+s26] =	stream.linear.scatter [tilespmem:s2], [sflag:$0x3], $0x6400, $0x38;
	[tilespmem:$0x12E00] =	vst v63  }
.Ltmp8:
0x4fd: {  	s28 =	simm.s32 $0x3;
	(pc) =	sbr.rel @p0 .LBB2_2-.Ltmp8, $4  }
0x4fe: {  	_ =	swait.ge [sflag:s28], $0x6400  }
0x4ff: {  	[sflag:s28] =	ssyncset.done $0x0  }
0x500: {  	[sflag:s28] =	ssyncadd.s32 $0xFFFF9C00  }
0x501: {  	s6 =	rddreg [dreg:$0x0]  }
0x502: {  	s1 =	simm.s32 $0x1  }
0x503: {  	_ =	swait.ge [sflag:s1], $0x6400  }
0x504: {  	s3 =	rddreg [dreg:$0x8]  }
0x505: {  	s0 =	rddreg [dreg:$0x7];
	s3 =	sadd.s32 $0x1, s3  }
0x506: {  	p0 =	sne.s32 s3, s0  }
.Ltmp9:
0x507: {  	_ = 	snop;
	(pc) =	sbr.rel @p0 .LBB2_1-.Ltmp9, $3  }
0x508: {  	_ =	sdelay $0x1  }
0x509: {  	[sflag:s1] =	ssyncset.done $0x0  }
0x50a: {  	s2 =	rddreg [dreg:$0x6];
	[sflag:s1] =	ssyncadd.s32 $0xFFFF9C00  }
0x50b: {  	_ =	sfence.sel $0x180000  }
0x50c: {  	[bflag:$0x0] =	sbarrier.arrive $0xFFFF  }
0x50d: {  	_ =	strace $0x90000047  }
0x50e: {  	s0 =	stileid.u32;
	[bflag:$0x2] =	sbarrier.arrive $0xFFFF  }
0x50f: {  	p0 =	sne.s32 s0, $0x0;
	s0 =	rddreg [dreg:$0x2]  }
0x510: {  	s0 =	sadd.s32 @!p0 $0x100000, s0  }
0x511: {  	[sflag:s0] =	ssyncadd.tile.s32 @!p0 $0x1;
	_ =	shalt  }
.Lfunc_end2:
_tile_overlayer_lowered:
.L_overlay_start_2:
0x512: {  	(tag) =	ssettag $0x2  }
0x513: {  	s0 =	rddreg [dreg:$0x0];
	s2 =	stileid.u32  }
0x514: {  	s1 =	rddreg [dreg:$0x1];
	p0 =	sne.s32 s2, $0x0  }
0x515: {  	s3 =	rddreg [dreg:$0x2];
	[bflag:$0x3] =	sbarrier.arrive $0xFFFF;
	s2 =	simm.s32 @!p0 $0x1C04  }
0x516: {  	[timem:s3], [sflag:s2] =	dma.local @!p0 [hbm:s0], s1  }
0x517: {  	s0 =	simm.s32 @!p0 $0x4  }
0x518: {  	_ =	swait.ge @!p0 [sflag:s0], s1  }
0x519: {  	s1 =	ssub.s32 @!p0 $0x0, s1;
	[sflag:s0] =	ssyncset.done @!p0 $0x0  }
0x51a: {  	[sflag:s0] =	ssyncadd.s32 @!p0 s1  }
0x51b: {  	[bflag:$0x3] =	sbarrier.arrive $0xFFFF  }
0x51c: {  	_ =	shalt  }

// kernel: sparse-core-data-format-call.cloned.1.call-start
scs
called_computation_lowered:
.L_overlay_start_0:
0x0: {  	s2 =	sld [smem:$0x3FD9]  }
0x1: {  	s3 =	sld [smem:$0x3FFE];
	_ =	sdelay $0x1  }
0x2: {  	s1 =	srdreg.scid  }
0x3: {  	s0 =	sand.u32 $0x1, s1  }
0x4: {  	s18 =	sshll.u32 s0, $0xA;
	s2 =	sadd.s32 s3, s2  }
0x5: {  	s2 =	sadd.s32 s2, s18  }
0x6: {  	[smem:$0x3FC5] =	sst s2  }
0x7: {  	_ = 	snop  }
0x8: {  	s2 =	sld [smem:$0x3FD0];
	(tm) =	ssettm $0x1  }
0x9: {  	s19 =	sld [smem:$0x3FFB];
	_ =	sdelay $0x3  }
0xa: {  	_ =	strace s19  }
0xb: {  	s3 =	sld [smem:$0x3FFC];
	_ =	sdelay $0x3  }
0xc: {  	_ =	strace s3  }
0xd: {  	s3 =	sld [smem:$0x3FFD];
	_ =	sdelay $0x3  }
0xe: {  	_ =	strace s3  }
0xf: {  	_ =	strace $0x8FFFFFFF  }
0x10: {  	s20 =	sld [smem:$0x3FDB];
	_ =	sdelay $0x1  }
0x11: {  	s4 =	simm.s32 $_scs_section_size  }
0x12: {  	s5 =	simm.s32 $_size__tile_overlayer_lowered;
	s6 =	simm.s32 $_tile_overlayer_lowered  }
0x13: {  	s23 =	simm.s32 $0x1BFF;
	s22 =	sshll.u32 s6, $0x1;
	s3 =	sadd.s32 s4, s20  }
0x14: {  	s7 =	simm.s32 $0x0;
	s21 =	sshll.u32 s5, $0x1;
	s5 =	sadd.s32 s22, s3  }
0x15: {  	[timem:s7], [sflag:s23] =	dma.local [hbm:s5], s21  }
0x16: {  	_ =	swait.ge [sflag:s23], s21  }
0x17: {  	s4 =	ssub.s32 $0x0, s21;
	[sflag:s23] =	ssyncset.done $0x0  }
0x18: {  	[sflag:s23] =	ssyncadd.s32 s4;
	_ =	sdelay $0x1  }
0x19: {  	s24 =	simm.s32 $0x1B8B  }
0x1a: {  	_ =	swait.ge [sflag:s24], $0x1  }
0x1b: {  	[sflag:s24] =	ssyncset.done $0x0  }
0x1c: {  	s26 =	simm.s32 $0x1B8E;
	s25 =	sld [smem:$0x3FFE];
	[sflag:s24] =	ssyncadd.s32 $0xFFFFFFFF  }
0x1d: {  	s27 =	simm.s32 $execute0_lowered;
	[smem:$0x3FD2] =	sst s26  }
0x1e: {  	s5 =	sshll.u32 s27, $0x1;
	_ =	strace $0x80000049;
	[dreg:$0x1] =	wrdreg $0xFFFFFFFF  }
0x1f: {  	s28 =	simm.s32 $_size_execute0_lowered;
	s3 =	sadd.s32 s3, s5;
	[dreg:$0x0] =	wrdreg $0x0  }
0x20: {  	s5 =	sshll.u32 s28, $0x1;
	[dreg:$0x2] =	wrdreg s3  }
0x21: {  	[dreg:$0x3] =	wrdreg s5  }
0x22: {  	[dreg:$0x4] =	wrdreg $0xC0  }
0x23: {  	_ =	task [dreg:s7], $0x5FFFF  }
0x24: {  	[dreg:$0x1] =	wrdreg $0xFFFFFFFF  }
0x25: {  	[dreg:$0x0] =	wrdreg $0x60  }
0x26: {  	[dreg:$0x2] =	wrdreg s25  }
0x27: {  	[dreg:$0x3] =	wrdreg s2  }
0x28: {  	[dreg:$0x4] =	wrdreg $0x9  }
0x29: {  	_ =	task.clear_ibuf [dreg:s7], $0x5FFFF;
	_ =	strace $0x90000049  }
0x2a: {  	s29 =	simm.s32 $0x9;
	_ =	strace $0x8000004B  }
0x2b: {  	_ =	swait.ge [sflag:s29], $0x1  }
0x2c: {  	[sflag:s29] =	ssyncadd.s32 $0xFFFFFFFF  }
0x2d: {  	_ =	strace $0x9000004B  }
0x2e: {  	_ =	sfence  }
0x2f: {  	s30 =	sld [smem:$0x0];
	_ =	sdelay $0x2  }
0x30: {  	s31 =	sshll.u32 s1, $0xD;
	s1 =	sshrl.u32 s1, $0x2  }
0x31: {  	s3 =	sand.u32 $0x4000, s31;
	s1 =	sadd.s32 s1, s30  }
0x32: {  	s0 =	sor.u32 s3, s0;
	s1 =	sshll.u32 s1, $0x11  }
0x33: {  	s0 =	sor.u32 s1, s0  }
0x34: {  	s0 =	sadd.s32 $0x8F2B, s0  }
0x35: {  	[sflag:s0] =	ssyncadd.remote.s32 $0x1  }
0x36: {  	_ =	sfence.sel $0xFFFF  }
0x37: {  	[dreg:$0x0] =	wrdreg $0xFFFFFFFF;
	(pc) =	sbr.abs _section_cstart, $3  }
0x38: {  	[dreg:$0x1] =	wrdreg $0xFFFFFFFF  }
0x39: {  	_ =	task.clear_ibuf [dreg:s7], $0x2FFFF;
	_ =	strace $0x9FFFFFFF  }
0x3a: {  	(tm) =	ssettm $0x7FFFFFFF  }
0x3b: {  	_ =	shalt  }
tec
execute0_lowered:
.L_overlay_start_1:
0x0: {  	(tag) =	ssettag $0x1  }
0x1: {  	s0 =	stileid.u32;
	s1 =	srdreg.scid  }
0x2: {  	s2 =	sshll.u32 s0, $0x2;
	s1 =	sshll.u32 s1, $0x6  }
0x3: {  	s1 =	sor.u32 s2, s1  }
0x4: {  	s7 =	rddreg [dreg:$0x0];
	s31 =	simm.s32 $0x2;
	s1 =	sand.u32 $0x78, s1  }
0x5: {  	s16 =	simm.s32 $0x0;
	s2 =	sand.u32 $0x1, s0;
	s3 =	ssub.s32 $0xE0, s1  }
0x6: {  	s9 =	simm.s32 $0x800;
	s4 =	ssub.s32 $0x2, s2;
	s5 =	sand.u32 $0x78, s3  }
0x7: {  	s6 =	sshrl.u32 s4, $0x1;
	p0 =	sne.s32 s5, $0x0;
	s5 =	simm.s32 $0x1  }
0x8: {  	s8 =	sand.u32 $0x1, s4;
	s3 =	sshrl.u32 s3, $0x7;
	s5 =	simm.s32 @!p0 $0x0  }
0x9: {  	s10 =	simm.s32 $0xE000;
	s6 =	sadd.s32 s8, s6;
	s3 =	sadd.s32 s5, s3  }
0xa: {  	s11 =	simm.s32 $0x0;
	s17 =	simm.s32 $0x0;
	s3 =	smul.u32 s3, s6  }
.Ltmp0:
0xb: {  	s18 =	simm.s32 $0x0;
	s12 =	simm.s32 $0x0;
	(pc) =	sbr.rel .LBB1_1-.Ltmp0, $4  }
0xc: {  	s15 =	simm.s32 $0x0;
	s24 =	simm.s32 $0x0;
	s4 =	rddreg [dreg:$0x1]  }
0xd: {  	_ =	strace $0x8000004A;
	s5 =	simm.s32 $0x1;
	s6 =	smul.u32 $0xC, s3  }
0xe: {  	s7 =	sadd.s32 $0xA00, s7;
	s14 =	smov.u32 s2;
	[sflag:s5] =	ssyncpa.u1 $0x0  }
0xf: {  	s13 =	smov.u32 s1;
	[sflag:s31] =	ssyncpa.u1 $0x0;
	s8 =	sor.u32 $0x1, s6  }
.LBB1_7:
0x10: {  	s3 =	sadd.s32 $0x8, s12  }
0x11: {  	s16 =	sadd.s32 $0x80, s13;
	s19 =	smov.u32 s13;
	p1 =	sgt.s32 s3, $0x5F  }
0x12: {  	s19 =	smov.u32 @p1 s16  }
0x13: {  	s21 =	smov.u32 s14;
	s16 =	sadd.s32 $0x2, s14;
	p2 =	sgt.s32 s19, $0xDF  }
0x14: {  	s21 =	smov.u32 @p2 s16  }
0x15: {  	s3 =	simm.s32 @p1 $0x0;
	p1 =	sgt.s32 s21, $0x1  }
0x16: {  	p0 =	slt.u32 s15, $0x2;
	s21 =	smov.u32 @p1 s2;
	p1 =	sne.s32 s15, s8  }
.Ltmp1:
0x17: {  	s20 =	simm.s32 @!p0 $0x2;
	(pc) =	sbr.rel @!p1 .LBB1_8-.Ltmp1, $4  }
0x18: {  	s17 =	smov.u32 s13;
	s18 =	smov.u32 s14;
	_ =	swait.ge @!p0 [sflag:s20], $0x4000  }
0x19: {  	s11 =	sadd.s32 $0x4000, s11;
	[sflag:s20] =	ssyncset.done @!p0 $0x0;
	s19 =	smov.u32 @p2 s1  }
0x1a: {  	s16 =	smov.u32 s12;
	[sflag:s20] =	ssyncadd.s32 @!p0 $0xFFFFC000;
	s12 =	smov.u32 s3  }
0x1b: {  	s13 =	smov.u32 s19;
	s15 =	sadd.s32 $0x1, s15;
	s14 =	smov.u32 s21  }
.LBB1_1:
0x1c: {  	p0 =	sge.u32 s15, s6  }
0x1d: {  	s3 =	sshll.u32 @!p0 s12, $0x8;
	s19 =	sshll.u32 @!p0 s12, $0x7  }
0x1e: {  	s3 =	sand.u32 @!p0 $0xFFFFF800, s3;
	s19 =	sand.u32 @!p0 $0x300, s19  }
0x1f: {  	s3 =	sor.u32 @!p0 s19, s3  }
0x20: {  	s3 =	sshrl.u32 @!p0 s3, $0x8  }
0x21: {  	s19 =	smulhi.u32 @!p0 $0x2AAAAAB, s3  }
0x22: {  	s20 =	smul.u32 @!p0 $0xA8000, s14  }
0x23: {  	s19 =	smul.u32 @!p0 $0x60, s19  }
0x24: {  	s31 =	sadd.s32 $0xFFFFFFFF, s15;
	s21 =	sxor.u32 @!p0 $0xFFFFFFFF, s15;
	s22 =	smul.u32 @!p0 $0xC00, s13  }
0x25: {  	s20 =	sadd.s32 @!p0 s7, s20;
	s3 =	ssub.s32 @!p0 s3, s19;
	s19 =	sshll.u32 @!p0 s12, $0x4  }
0x26: {  	s21 =	sshll.u32 @!p0 s21, $0xE;
	s20 =	sadd.s32 @!p0 s22, s20;
	s19 =	sand.u32 @!p0 $0x10, s19  }
0x27: {  	s21 =	sand.u32 @!p0 $0x4000, s21;
	s3 =	sshll.u32 @!p0 s3, $0x5;
	s19 =	sadd.s32 @!p0 s19, s20  }
0x28: {  	s20 =	simm.s32 @!p0 $0x6000;
	s3 =	sadd.s32 @!p0 s3, s19;
	s19 =	simm.s32 @!p0 $0x800  }
0x29: {  	[tilespmem:s21], [sflag:$0x1] =	stream.strided.gather @!p0 [hbm4b:s3+s19], $0x4000, s20, s19, $0x38;
	[tilespmem:$0x10000] =	vst v63  }
0x2a: {  	p0 =	sge.u32 s31, s6  }
.Ltmp2:
0x2b: {  	_ = 	snop;
	(pc) =	sbr.rel @p0 .LBB1_7-.Ltmp2, $1  }
0x2c: {  	_ =	sdelay $0x3  }
0x2d: {  	s3 =	sshll.u32 s11, $0x2;
	_ =	swait.ge [sflag:s5], $0x4000;
	s19 =	sshll.u32 s15, $0xE  }
0x2e: {  	p0 =	por $0x0, $0x0;
	s25 =	simm.s32 $0x0;
	s26 =	simm.s32 $0x0  }
0x2f: {  	s3 =	sand.u32 $0x10000, s3;
	[sflag:s5] =	ssyncset.done $0x0;
	s22 =	sand.u32 $0x4000, s19  }
0x30: {  	s3 =	sshrl.u32 s3, $0x2;
	[sflag:s5] =	ssyncadd.s32 $0xFFFFC000;
	s19 =	sor.u32 $0x8000, s22  }
0x31: {  	s20 =	sor.u32 $0x40, s3;
	s21 =	sor.u32 $0x8410, s3;
	s23 =	sadd.s32 $0x8400, s3  }
.LBB1_3:
0x32: {  	v1 =	vld [tilespmem:s20+$0xFFFFFFD0]  }
0x33: {  	v2 =	vld [tilespmem:s20+$0x430]  }
0x34: {  	s3 =	sshll.u32 s26, $0xB;
	v4 =	vld [tilespmem:s20+$0xFFFFFFE0]  }
0x35: {  	v7 =	vld [tilespmem:s20+$0xFFFFFFF0];
	v0 =	vmov s3  }
0x36: {  	v8 =	vld [tilespmem:s20+$0x0]  }
0x37: {  	v9 =	vld [tilespmem:s20+$0x10];
	s3 =	sand.u32 $0x300, s24  }
0x38: {  	s27 =	sand.u32 $0x80, s24;
	v10 =	vld [tilespmem:s20+$0x20];
	s3 =	sadd.s32 s3, s22  }
0x39: {  	v11 =	vld [tilespmem:s20+$0x30];
	s3 =	sadd.s32 s27, s3;
	s27 =	simm.s32 $0x1;
	[tilespmem:s21+$0x60] =	vst v2  }
0x3a: {  	s27 =	simm.s32 @!p0 $0x0;
	[tilespmem:s21+$0xFFFFFC00] =	vst v1;
	v3 =	vld.idx.msk [tilespmem:v0+s3+$0x400 ss:$0x1], $0xffff;
	s3 =	sshll.u32 s25, $0x2  }
0x3b: {  	v6 =	vld [tilespmem:s20+$0x3D0];
	s27 =	sshll.u32 s27, $0x9;
	[tilespmem:s21+$0xFFFFFC10] =	vst v4;
	s3 =	sand.u32 $0xFFFFFC00, s3  }
0x3c: {  	v5 =	vld [tilespmem:s20+$0x3E0];
	[tilespmem:s21+$0xFFFFFC20] =	vst v7;
	s3 =	sor.u32 s27, s3  }
0x3d: {  	[tilespmem:s21+$0xFFFFFC30] =	vst v8;
	v4 =	vld [tilespmem:s20+$0x400];
	s3 =	sshrl.u32 s3, $0x2  }
0x3e: {  	[tilespmem:s21+$0xFFFFFC40] =	vst v9;
	v1 =	vld [tilespmem:s20+$0x410];
	s27 =	sadd.s32 s3, s23  }
0x3f: {  	[tilespmem:s27+$0x0] =	vst v3;
	v3 =	vld [tilespmem:s20+$0x3F0]  }
0x40: {  	s31 =	simm.s32 $0x80;
	s30 =	simm.s32 $0x100;
	[tilespmem:s21+$0xFFFFFC50] =	vst v10;
	v2 =	vld [tilespmem:s20+$0x420]  }
0x41: {  	s28 =	sadd.s32 $0x80, s20;
	s29 =	smov.u32 s21;
	v7 =	vld [tilespmem:s20+$0xFFFFFFC0];
	[tilespmem:s21+$0xFFFFFC60] =	vst v11;
	s3 =	sand.u32 $0x300, s31  }
.LBB1_4:
0x42: {  	p1 =	sne.s32 s30, $0x380;
	v8 =	vld [tilespmem:s28+$0xFFFFFFD0];
	s31 =	sand.u32 $0x80, s31;
	s3 =	sadd.s32 s3, s22;
	[tilespmem:s29+$0x0] =	vst v6  }
0x43: {  	s3 =	sadd.s32 s31, s3;
	v6 =	vld [tilespmem:s28+$0x430];
	[tilespmem:s29+$0x10] =	vst v5;
	s31 =	smov.u32 s30  }
0x44: {  	v5 =	vld.idx.msk [tilespmem:v0+s3+$0x400 ss:$0x1], $0xffff;
	[tilespmem:s29+$0x20] =	vst v3  }
0x45: {  	v3 =	vld [tilespmem:s28+$0xFFFFFFE0];
	[tilespmem:s29+$0x30] =	vst v4  }
0x46: {  	v4 =	vld [tilespmem:s28+$0xFFFFFFF0];
	[tilespmem:s29+$0xFFFFFBF0] =	vst v7  }
0x47: {  	v7 =	vld [tilespmem:s28+$0x0];
	[tilespmem:s29+$0x40] =	vst v1  }
0x48: {  	v1 =	vld [tilespmem:s28+$0x10];
	[tilespmem:s29+$0x50] =	vst v2;
	s29 =	sadd.s32 $0x800, s29  }
0x49: {  	s27 =	sadd.s32 $0x800, s27;
	v2 =	vld [tilespmem:s28+$0x20];
	[tilespmem:s29+$0x60] =	vst v6  }
0x4a: {  	v9 =	vld [tilespmem:s28+$0x30];
	[tilespmem:s27+$0x0] =	vst v5  }
0x4b: {  	[tilespmem:s29+$0xFFFFFC00] =	vst v8;
	v6 =	vld [tilespmem:s28+$0x3D0]  }
0x4c: {  	[tilespmem:s29+$0xFFFFFC10] =	vst v3;
	v5 =	vld [tilespmem:s28+$0x3E0]  }
.Ltmp3:
0x4d: {  	[tilespmem:s29+$0xFFFFFC20] =	vst v4;
	v3 =	vld [tilespmem:s28+$0x3F0];
	(pc) =	sbr.rel @p1 .LBB1_4-.Ltmp3, $4  }
0x4e: {  	[tilespmem:s29+$0xFFFFFC30] =	vst v7;
	v4 =	vld [tilespmem:s28+$0x400]  }
0x4f: {  	[tilespmem:s29+$0xFFFFFC40] =	vst v1;
	v1 =	vld [tilespmem:s28+$0x410]  }
0x50: {  	[tilespmem:s29+$0xFFFFFC50] =	vst v2;
	v2 =	vld [tilespmem:s28+$0x420]  }
0x51: {  	s30 =	sadd.s32 $0x80, s30;
	s3 =	sand.u32 $0x300, s31;
	v7 =	vld [tilespmem:s28+$0xFFFFFFC0];
	[tilespmem:s29+$0xFFFFFC60] =	vst v9;
	s28 =	sadd.s32 $0x80, s28  }
0x52: {  	[tilespmem:s29+$0x0] =	vst v6  }
0x53: {  	[tilespmem:s29+$0x10] =	vst v5  }
0x54: {  	v49 =	vld [tilespmem:s28+$0x430];
	[tilespmem:s29+$0x20] =	vst v3  }
0x55: {  	v50 =	vld [tilespmem:s28+$0xFFFFFFD0];
	[tilespmem:s29+$0x30] =	vst v4  }
0x56: {  	v51 =	vld [tilespmem:s28+$0xFFFFFFE0];
	[tilespmem:s29+$0x40] =	vst v1  }
0x57: {  	v52 =	vld [tilespmem:s28+$0xFFFFFFF0];
	[tilespmem:s29+$0x50] =	vst v2  }
0x58: {  	s30 =	sand.u32 $0x80, s31;
	s31 =	sadd.s32 $0x800, s29;
	v53 =	vld [tilespmem:s28+$0x0];
	[tilespmem:s29+$0xFFFFFBF0] =	vst v7  }
0x59: {  	v54 =	vld [tilespmem:s28+$0x10];
	[tilespmem:s31+$0x60] =	vst v49  }
0x5a: {  	v55 =	vld [tilespmem:s28+$0x20];
	[tilespmem:s31+$0xFFFFFC00] =	vst v50  }
0x5b: {  	v56 =	vld [tilespmem:s28+$0x30];
	[tilespmem:s31+$0xFFFFFC10] =	vst v51  }
0x5c: {  	v57 =	vld [tilespmem:s28+$0x3D0];
	[tilespmem:s31+$0xFFFFFC20] =	vst v52  }
0x5d: {  	v58 =	vld [tilespmem:s28+$0x3E0];
	[tilespmem:s31+$0xFFFFFC30] =	vst v53  }
0x5e: {  	v59 =	vld [tilespmem:s28+$0x3F0];
	[tilespmem:s31+$0xFFFFFC40] =	vst v54  }
0x5f: {  	v60 =	vld [tilespmem:s28+$0x400];
	[tilespmem:s31+$0xFFFFFC50] =	vst v55  }
0x60: {  	v61 =	vld [tilespmem:s28+$0xFFFFFFC0];
	[tilespmem:s31+$0xFFFFFC60] =	vst v56  }
0x61: {  	s3 =	sadd.s32 s3, s22;
	v62 =	vld [tilespmem:s28+$0x410];
	[tilespmem:s31+$0x0] =	vst v57  }
0x62: {  	v63 =	vld [tilespmem:s28+$0x420];
	s26 =	sadd.s32 $0x1, s26;
	s3 =	sadd.s32 s30, s3;
	[tilespmem:s31+$0x10] =	vst v58  }
0x63: {  	p1 =	sne.s32 s26, $0x8;
	v0 =	vld.idx.msk [tilespmem:v0+s3+$0x400 ss:$0x1], $0xffff;
	[tilespmem:s31+$0x20] =	vst v59  }
.Ltmp4:
0x64: {  	[tilespmem:s31+$0x30] =	vst v60;
	(pc) =	sbr.rel @p1 .LBB1_3-.Ltmp4, $4  }
0x65: {  	[tilespmem:s31+$0xFFFFFBF0] =	vst v61  }
0x66: {  	[tilespmem:s31+$0x40] =	vst v62  }
0x67: {  	s27 =	sadd.s32 $0x800, s27;
	s20 =	sadd.s32 $0x800, s20;
	[tilespmem:s31+$0x50] =	vst v63  }
0x68: {  	s25 =	sadd.s32 $0x80, s25;
	p0 =	por !p0, !p0;
	s21 =	sadd.s32 $0x80, s21;
	[tilespmem:s27+$0x0] =	vst v0  }
0x69: {  	s3 =	sshll.u32 s17, $0x8;
	s20 =	sshll.u32 s17, $0x7  }
0x6a: {  	s3 =	sand.u32 $0xFFFFF800, s3;
	s20 =	sand.u32 $0x300, s20  }
0x6b: {  	s3 =	sor.u32 s20, s3  }
0x6c: {  	s18 =	smul.u32 $0xA8000, s18;
	s3 =	sshrl.u32 s3, $0x8  }
0x6d: {  	s30 =	smulhi.u32 $0x124924A, s3  }
0x6e: {  	s16 =	smul.u32 $0x1C00, s16  }
0x6f: {  	s20 =	smul.u32 $0xE0, s30  }
.Ltmp5:
0x70: {  	s31 =	sshll.u32 s17, $0x4;
	s18 =	sadd.s32 s4, s18;
	(pc) =	sbr.rel .LBB1_7-.Ltmp5, $4  }
0x71: {  	s17 =	sand.u32 $0x10, s31;
	s16 =	sadd.s32 s16, s18;
	s3 =	ssub.s32 s3, s20  }
0x72: {  	s16 =	sadd.s32 s17, s16;
	s3 =	sshll.u32 s3, $0x5  }
0x73: {  	s3 =	sadd.s32 s3, s16  }
0x74: {  	[hbm4b:s3+s9] =	stream.strided.scatter [tilespmem:s19], [sflag:$0x2], $0x4000, s10, s9, $0x38;
	[tilespmem:$0x10000] =	vst v63  }
.LBB1_8:
0x75: {  	_ =	sfence.sel $0x180000  }
0x76: {  	s1 =	simm.s32 $0x1;
	[bflag:$0x0] =	sbarrier.arrive $0xFFFF  }
0x77: {  	s31 =	simm.s32 $0x2;
	[sflag:s1] =	ssyncpa.u1 $0x1  }
0x78: {  	[sflag:s31] =	ssyncpa.u1 $0x1  }
0x79: {  	_ =	strace $0x9000004A  }
0x7a: {  	[bflag:$0x2] =	sbarrier.arrive $0xFFFF  }
0x7b: {  	p0 =	sne.s32 s0, $0x0;
	s0 =	rddreg [dreg:$0x2]  }
0x7c: {  	s0 =	sadd.s32 @!p0 $0x100000, s0  }
0x7d: {  	[sflag:s0] =	ssyncadd.tile.s32 @!p0 $0x1;
	_ =	shalt  }
.Lfunc_end1:
_tile_overlayer_lowered:
.L_overlay_start_2:
0x7e: {  	(tag) =	ssettag $0x2  }
0x7f: {  	s0 =	rddreg [dreg:$0x0];
	s2 =	stileid.u32  }
0x80: {  	s1 =	rddreg [dreg:$0x1];
	p0 =	sne.s32 s2, $0x0  }
0x81: {  	s3 =	rddreg [dreg:$0x2];
	[bflag:$0x3] =	sbarrier.arrive $0xFFFF;
	s2 =	simm.s32 @!p0 $0x1C01  }
0x82: {  	[timem:s3], [sflag:s2] =	dma.local @!p0 [hbm:s0], s1  }
0x83: {  	s0 =	simm.s32 @!p0 $0x1  }
0x84: {  	_ =	swait.ge @!p0 [sflag:s0], s1  }
0x85: {  	s1 =	ssub.s32 @!p0 $0x0, s1;
	[sflag:s0] =	ssyncset.done @!p0 $0x0  }
0x86: {  	[sflag:s0] =	ssyncadd.s32 @!p0 s1  }
0x87: {  	[bflag:$0x3] =	sbarrier.arrive $0xFFFF  }
0x88: {  	_ =	shalt  }

</sc_bundles>
